<compile_context>
chip_gen: v7x
topology: tpu7x:2x2x1
jax: 0.10.2.dev20260603
libtpu: 0.0.44.dev20260713+nightly
codegen_flags: <defaults>
</compile_context>

<pallas_src>
import functools

import jax
import jax.numpy as jnp
from jax import lax
from jax.experimental import pallas as pl
from jax.experimental.pallas import tpu as pltpu
from jax.experimental.pallas import tpu_sc as plsc

_B = 16384
_NC = 2
_NS = 16
_NW = _NC * _NS
_BPW = _B // _NW
_NG = _BPW // 16
_L = 16


def _rsqrt(x):
    i = plsc.bitcast(x, jnp.int32)
    i = jnp.int32(0x5F3759DF) - lax.shift_right_logical(i, 1)
    y = plsc.bitcast(i, jnp.float32)
    for _ in range(3):
        y = y * (1.5 - 0.5 * x * y * y)
    return y


def _sc_pose(tilt_index, t6, t2):
    mesh = plsc.VectorSubcoreMesh(core_axis_name="c", subcore_axis_name="s")

    @functools.partial(
        pl.kernel,
        mesh=mesh,
        out_type=[
            jax.ShapeDtypeStruct((9, _B), jnp.float32),
            jax.ShapeDtypeStruct((2, _B), jnp.float32),
        ],
        scratch_types=[
            pltpu.VMEM((_BPW,), jnp.int32),
            pltpu.VMEM((_BPW,), jnp.int32),
            pltpu.VMEM((6, _BPW * 8), jnp.float32),
            pltpu.VMEM((2, _BPW * 8), jnp.float32),
            pltpu.VMEM((9, _BPW), jnp.float32),
            pltpu.VMEM((2, _BPW), jnp.float32),
            pltpu.SemaphoreType.DMA,
            pltpu.SemaphoreType.DMA,
        ],
        compiler_params=pltpu.CompilerParams(needs_layout_passes=False),
    )
    def k(idx_hbm, t6_hbm, t2_hbm, o9_hbm, o2_hbm,
          idx_v, pos_v, blk6, blk2, b9, bt, sem_i, sem):
        wid = lax.axis_index("s") * _NC + lax.axis_index("c")
        base = wid * _BPW
        pltpu.async_copy(idx_hbm.at[pl.ds(base, _BPW)], idx_v, sem_i).wait()

        lane = jnp.arange(_L, dtype=jnp.int32)

        @pl.loop(0, _NG)
        def _prep(g):
            v = idx_v[pl.ds(g * _L, _L)]
            pos_v[pl.ds(g * _L, _L)] = (v & 7) + g * 128 + lane * 8

        def _issue(ci):
            v = idx_v[pl.ds(ci * _L, _L)]
            for u in range(_L):
                a = pl.multiple_of(v[u] & jnp.int32(-8), 8)
                dst = pl.multiple_of((ci * _L + u) * 8, 8)
                pltpu.async_copy(
                    t6_hbm.at[:, pl.ds(a, 8)], blk6.at[:, pl.ds(dst, 8)], sem)
                pltpu.async_copy(
                    t2_hbm.at[:, pl.ds(a, 8)], blk2.at[:, pl.ds(dst, 8)], sem)

        def _drain(ci):
            for u in range(_L):
                dst = pl.multiple_of((ci * _L + u) * 8, 8)
                pltpu.make_async_copy(
                    t6_hbm.at[:, pl.ds(0, 8)],
                    blk6.at[:, pl.ds(dst, 8)], sem).wait()
                pltpu.make_async_copy(
                    t2_hbm.at[:, pl.ds(0, 8)],
                    blk2.at[:, pl.ds(dst, 8)], sem).wait()

        def _math(g):
            p = pos_v[pl.ds(g * _L, _L)]

            def gat(tbl, j):
                return plsc.load_gather(
                    tbl, [jnp.full((_L,), j, jnp.int32), p])

            x0, x1, x2 = gat(blk6, 0), gat(blk6, 1), gat(blk6, 2)
            y0, y1, y2 = gat(blk6, 3), gat(blk6, 4), gat(blk6, 5)
            r1 = _rsqrt(x0 * x0 + x1 * x1 + x2 * x2)
            e10, e11, e12 = x0 * r1, x1 * r1, x2 * r1
            dot = e10 * y0 + e11 * y1 + e12 * y2
            u0, u1, u2 = y0 - dot * e10, y1 - dot * e11, y2 - dot * e12
            r2 = _rsqrt(u0 * u0 + u1 * u1 + u2 * u2)
            e20, e21, e22 = u0 * r2, u1 * r2, u2 * r2
            e30 = e11 * e22 - e12 * e21
            e31 = e12 * e20 - e10 * e22
            e32 = e10 * e21 - e11 * e20
            sl = pl.ds(g * _L, _L)
            b9[0, sl] = e10
            b9[1, sl] = e11
            b9[2, sl] = e12
            b9[3, sl] = e20
            b9[4, sl] = e21
            b9[5, sl] = e22
            b9[6, sl] = e30
            b9[7, sl] = e31
            b9[8, sl] = e32
            bt[0, sl] = gat(blk2, 0)
            bt[1, sl] = gat(blk2, 1)

        _issue(0)

        @pl.loop(1, _NG)
        def _dma(ci):
            _issue(ci)

            @pl.when(ci > 1)
            def _():
                _drain(ci - 2)
                _math(ci - 2)

        _drain(_NG - 2)
        _math(_NG - 2)
        _drain(_NG - 1)
        _math(_NG - 1)

        pltpu.sync_copy(b9, o9_hbm.at[:, pl.ds(base, _BPW)])
        pltpu.sync_copy(bt, o2_hbm.at[:, pl.ds(base, _BPW)])

    return k(tilt_index, t6, t2)


def kernel(tilt_index, y, table_s2s2, table_trans):
    del y
    out9, out2 = _sc_pose(tilt_index, table_s2s2.T, table_trans.T)
    return (out9.T.reshape(_B, 3, 3), out2.T)

# --- scband reference (transcript-rebuilt; emitter-appended) ---
"""Pipeline reference for scband-pose-table-29257317220853 (READ-ONLY COPY).

The authoritative reference and input builder live on the scoring server;
editing this copy changes nothing except your own understanding.
"""

import jax, jax.numpy as jnp
import numpy as np


def s2s2_to_rotmat(v):
    # Gram-Schmidt orthonormalization of two 3-vectors (6D rotation rep)
    v1 = v[..., 0:3]
    v2 = v[..., 3:6]
    e1 = v1 / jnp.linalg.norm(v1, axis=-1, keepdims=True)
    u2 = v2 - jnp.sum(e1 * v2, axis=-1, keepdims=True) * e1
    e2 = u2 / jnp.linalg.norm(u2, axis=-1, keepdims=True)
    e3 = jnp.cross(e1, e2)
    return jnp.stack([e1, e2, e3], axis=-2)


def setup_inputs(seed: int = 0):
    key = jax.random.key(seed)
    k1, k2, k3, k4 = jax.random.split(key, 4)
    n_imgs = 1000000
    batch = 16384
    res = 128
    tilt_index = jax.random.randint(k1, (batch,), 0, n_imgs, dtype=jnp.int64 if jax.config.jax_enable_x64 else jnp.int32).astype(jnp.int32)
    y = jax.random.normal(k2, (batch, res, res), dtype=jnp.float32)
    # learned pose table params (per-image SO(3) in s2s2 rep + 2D translation)
    base = jnp.tile(jnp.array([1.0, 0.0, 0.0, 0.0, 1.0, 0.0], dtype=jnp.float32), (n_imgs, 1))
    table_s2s2 = base + 0.01 * jax.random.normal(k3, (n_imgs, 6), dtype=jnp.float32)
    table_trans = 0.01 * jax.random.normal(k4, (n_imgs, 2), dtype=jnp.float32)
    return {"tilt_index": tilt_index, "y": y, "table_s2s2": table_s2s2, "table_trans": table_trans}


def reference(tilt_index, y, table_s2s2, table_trans):
    # no_trans=False, use_gt_trans=False branch
    rots_s2s2 = jnp.take(table_s2s2, tilt_index, axis=0)
    R = s2s2_to_rotmat(rots_s2s2)
    t = jnp.take(table_trans, tilt_index, axis=0)
    if y.ndim == 4:
        R = R.reshape(*y.shape[:-2], 3, 3)
        t = t.reshape(*y.shape[:-2], 2)
    return (R, t)

if __name__ == "__main__":
    import jax
    _d = setup_inputs()
    print(jax.jit(kernel)(*tuple(_d.values())))

</pallas_src>

<mosaic_0001>
#map = affine_map<(d0, d1) -> (0)>
#map1 = affine_map<(d0, d1) -> (0, 0)>
module attributes {stable_mosaic.version = 14 : i64} {
  func.func @k(%arg0: i32, %arg1: i32, %arg2: memref<16384xi32, #tpu.memory_space<hbm>>, %arg3: memref<6x1000000xf32, #tpu.memory_space<hbm>>, %arg4: memref<2x1000000xf32, #tpu.memory_space<hbm>>, %arg5: memref<9x16384xf32, #tpu.memory_space<hbm>>, %arg6: memref<2x16384xf32, #tpu.memory_space<hbm>>, %arg7: memref<512xi32, #tpu.memory_space<vmem>>, %arg8: memref<512xi32, #tpu.memory_space<vmem>>, %arg9: memref<6x4096xf32, #tpu.memory_space<vmem>>, %arg10: memref<2x4096xf32, #tpu.memory_space<vmem>>, %arg11: memref<9x512xf32, #tpu.memory_space<vmem>>, %arg12: memref<2x512xf32, #tpu.memory_space<vmem>>, %arg13: memref<!tpu.dma_semaphore, #tpu.memory_space<semaphore_mem>>, %arg14: memref<!tpu.dma_semaphore, #tpu.memory_space<semaphore_mem>>) attributes {dimension_semantics = [#tpu.dimension_semantics<core_parallel>, #tpu.dimension_semantics<subcore_parallel>], iteration_bounds = array<i64: 2, 16>, scalar_prefetch = 0 : i64, scratch_operands = 8 : i64, tpu.core_type = #tpu.core_type<sc_vector_subcore>, window_params = [{transform_indices = #map}, {transform_indices = #map1}, {transform_indices = #map1}, {transform_indices = #map1}, {transform_indices = #map1}]} {
    %mul3A = arith.constant 2 : i32
    %mul3A_0 = arith.muli %arg1, %mul3A : i32
    %add3A = arith.addi %mul3A_0, %arg0 : i32
    %mul3A_1 = arith.constant 512 : i32
    %mul3A_2 = arith.muli %add3A, %mul3A_1 : i32
    %dma_start3A = tpu.memref_slice %arg2[%mul3A_2] : memref<16384xi32, #tpu.memory_space<hbm>> -> memref<512xi32, #tpu.memory_space<hbm>>
    %dma_start3A_3 = tpu.memref_slice %arg2[%mul3A_2] : memref<16384xi32, #tpu.memory_space<hbm>> -> memref<512xi32, #tpu.memory_space<hbm>>
    tpu.enqueue_dma source(%dma_start3A_3 : memref<512xi32, #tpu.memory_space<hbm>>) target(%arg7 : memref<512xi32, #tpu.memory_space<vmem>>) target_semaphore(%arg13 : memref<!tpu.dma_semaphore, #tpu.memory_space<semaphore_mem>>)
    %dma_wait3A = tpu.memref_slice %arg2[%mul3A_2] : memref<16384xi32, #tpu.memory_space<hbm>> -> memref<512xi32, #tpu.memory_space<hbm>>
    %dma_wait3A_4 = tpu.memref_slice %arg2[%mul3A_2] : memref<16384xi32, #tpu.memory_space<hbm>> -> memref<512xi32, #tpu.memory_space<hbm>>
    tpu.wait_dma2 semaphore(%arg13 : memref<!tpu.dma_semaphore, #tpu.memory_space<semaphore_mem>>) src(%dma_wait3A_4 : memref<512xi32, #tpu.memory_space<hbm>>) dst(%arg7 : memref<512xi32, #tpu.memory_space<vmem>>)
    %iota3A = tpu.iota {dimensions = array<i32: 0>} : vector<16xi32>
    %scan3A = arith.constant 0 : i32
    %scan3A_5 = arith.constant 32 : i32
    %scan3A_6 = arith.addi %scan3A, %scan3A_5 : i32
    %scan3A_7 = arith.constant 1 : i32
    scf.for %scan3A_1429 = %scan3A to %scan3A_6 step %scan3A_7  : i32 {
      %mul3A_1430 = arith.constant 1 : i32
      %mul3A_1431 = arith.muli %scan3A_1429, %mul3A_1430 : i32
      %add3A_1432 = arith.constant 0 : i32
      %add3A_1433 = arith.addi %add3A_1432, %mul3A_1431 : i32
      %mul3A_1434 = arith.constant 16 : i32
      %mul3A_1435 = arith.muli %add3A_1433, %mul3A_1434 : i32
      %get3A_1436 = arith.index_cast %mul3A_1435 : i32 to index
      %get3A_1437 = tpu.vector_load %arg7[%get3A_1436] {strides = array<i32>} : memref<512xi32, #tpu.memory_space<vmem>>, vector<16xi32>,
      %and3A_1438 = arith.constant 7 : i32
      %and3A_1439 = vector.broadcast %and3A_1438 : i32 to vector<16xi32>
      %and3A_1440 = arith.andi %get3A_1437, %and3A_1439 : vector<16xi32>
      %mul3A_1441 = arith.constant 128 : i32
      %mul3A_1442 = arith.muli %add3A_1433, %mul3A_1441 : i32
      %add3A_1443 = vector.broadcast %mul3A_1442 : i32 to vector<16xi32>
      %add3A_1444 = arith.addi %and3A_1440, %add3A_1443 : vector<16xi32>
      %mul3A_1445 = arith.constant 8 : i32
      %mul3A_1446 = vector.broadcast %mul3A_1445 : i32 to vector<16xi32>
      %mul3A_1447 = arith.muli %iota3A, %mul3A_1446 : vector<16xi32>
      %add3A_1448 = arith.addi %add3A_1444, %mul3A_1447 : vector<16xi32>
      %mul3A_1449 = arith.constant 16 : i32
      %mul3A_1450 = arith.muli %add3A_1433, %mul3A_1449 : i32
      %swap3A_1451 = arith.index_cast %mul3A_1450 : i32 to index
      %swap3A_1452 = tpu.vector_load %arg8[%swap3A_1451] {strides = array<i32>} : memref<512xi32, #tpu.memory_space<vmem>>, vector<16xi32>,
      tpu.vector_store %arg8[%swap3A_1451], %add3A_1448 {strides = array<i32>} : memref<512xi32, #tpu.memory_space<vmem>>, vector<16xi32>,
    }
    %scan3A_8 = arith.constant 32 : i32
    %get3A = arith.constant 0 : index
    %get3A_9 = tpu.vector_load %arg7[%get3A] {strides = array<i32>} : memref<512xi32, #tpu.memory_space<vmem>>, vector<16xi32>,
    %slice3A = vector.extract_strided_slice %get3A_9 {offsets = [0], sizes = [1], strides = [1]} : vector<16xi32> to vector<1xi32>
    %squeeze3A = vector.extract %slice3A[0] : i32 from vector<1xi32>
    %and3A = arith.constant -8 : i32
    %and3A_10 = arith.andi %squeeze3A, %and3A : i32
    %multiple_of3A = tpu.assume_multiple %and3A_10, 8 : i32
    %multiple_of3A_11 = arith.constant 0 : i32
    %multiple_of3A_12 = tpu.assume_multiple %multiple_of3A_11, 8 : i32
    %dma_start3A_13 = arith.constant 0 : i32
    %dma_start3A_14 = tpu.memref_slice %arg9[%dma_start3A_13, %multiple_of3A_12] : memref<6x4096xf32, #tpu.memory_space<vmem>> -> memref<6x8xf32, #tpu.memory_space<vmem>>
    %dma_start3A_15 = arith.constant 0 : i32
    %dma_start3A_16 = tpu.memref_slice %arg3[%dma_start3A_15, %multiple_of3A] : memref<6x1000000xf32, #tpu.memory_space<hbm>> -> memref<6x8xf32, #tpu.memory_space<hbm>>
    %dma_start3A_17 = arith.constant 0 : i32
    %dma_start3A_18 = tpu.memref_slice %arg9[%dma_start3A_17, %multiple_of3A_12] : memref<6x4096xf32, #tpu.memory_space<vmem>> -> memref<6x8xf32, #tpu.memory_space<vmem>>
    %dma_start3A_19 = arith.constant 0 : i32
    %dma_start3A_20 = tpu.memref_slice %arg3[%dma_start3A_19, %multiple_of3A] : memref<6x1000000xf32, #tpu.memory_space<hbm>> -> memref<6x8xf32, #tpu.memory_space<hbm>>
    tpu.enqueue_dma source(%dma_start3A_20 : memref<6x8xf32, #tpu.memory_space<hbm>>) target(%dma_start3A_18 : memref<6x8xf32, #tpu.memory_space<vmem>>) target_semaphore(%arg14 : memref<!tpu.dma_semaphore, #tpu.memory_space<semaphore_mem>>)
    %dma_start3A_21 = arith.constant 0 : i32
    %dma_start3A_22 = tpu.memref_slice %arg10[%dma_start3A_21, %multiple_of3A_12] : memref<2x4096xf32, #tpu.memory_space<vmem>> -> memref<2x8xf32, #tpu.memory_space<vmem>>
    %dma_start3A_23 = arith.constant 0 : i32
    %dma_start3A_24 = tpu.memref_slice %arg4[%dma_start3A_23, %multiple_of3A] : memref<2x1000000xf32, #tpu.memory_space<hbm>> -> memref<2x8xf32, #tpu.memory_space<hbm>>
    %dma_start3A_25 = arith.constant 0 : i32
    %dma_start3A_26 = tpu.memref_slice %arg10[%dma_start3A_25, %multiple_of3A_12] : memref<2x4096xf32, #tpu.memory_space<vmem>> -> memref<2x8xf32, #tpu.memory_space<vmem>>
    %dma_start3A_27 = arith.constant 0 : i32
    %dma_start3A_28 = tpu.memref_slice %arg4[%dma_start3A_27, %multiple_of3A] : memref<2x1000000xf32, #tpu.memory_space<hbm>> -> memref<2x8xf32, #tpu.memory_space<hbm>>
    tpu.enqueue_dma source(%dma_start3A_28 : memref<2x8xf32, #tpu.memory_space<hbm>>) target(%dma_start3A_26 : memref<2x8xf32, #tpu.memory_space<vmem>>) target_semaphore(%arg14 : memref<!tpu.dma_semaphore, #tpu.memory_space<semaphore_mem>>)
    %slice3A_29 = vector.extract_strided_slice %get3A_9 {offsets = [1], sizes = [1], strides = [1]} : vector<16xi32> to vector<1xi32>
    %squeeze3A_30 = vector.extract %slice3A_29[0] : i32 from vector<1xi32>
    %and3A_31 = arith.constant -8 : i32
    %and3A_32 = arith.andi %squeeze3A_30, %and3A_31 : i32
    %multiple_of3A_33 = tpu.assume_multiple %and3A_32, 8 : i32
    %multiple_of3A_34 = arith.constant 8 : i32
    %multiple_of3A_35 = tpu.assume_multiple %multiple_of3A_34, 8 : i32
    %dma_start3A_36 = arith.constant 0 : i32
    %dma_start3A_37 = tpu.memref_slice %arg9[%dma_start3A_36, %multiple_of3A_35] : memref<6x4096xf32, #tpu.memory_space<vmem>> -> memref<6x8xf32, #tpu.memory_space<vmem>>
    %dma_start3A_38 = arith.constant 0 : i32
    %dma_start3A_39 = tpu.memref_slice %arg3[%dma_start3A_38, %multiple_of3A_33] : memref<6x1000000xf32, #tpu.memory_space<hbm>> -> memref<6x8xf32, #tpu.memory_space<hbm>>
    %dma_start3A_40 = arith.constant 0 : i32
    %dma_start3A_41 = tpu.memref_slice %arg9[%dma_start3A_40, %multiple_of3A_35] : memref<6x4096xf32, #tpu.memory_space<vmem>> -> memref<6x8xf32, #tpu.memory_space<vmem>>
    %dma_start3A_42 = arith.constant 0 : i32
    %dma_start3A_43 = tpu.memref_slice %arg3[%dma_start3A_42, %multiple_of3A_33] : memref<6x1000000xf32, #tpu.memory_space<hbm>> -> memref<6x8xf32, #tpu.memory_space<hbm>>
    tpu.enqueue_dma source(%dma_start3A_43 : memref<6x8xf32, #tpu.memory_space<hbm>>) target(%dma_start3A_41 : memref<6x8xf32, #tpu.memory_space<vmem>>) target_semaphore(%arg14 : memref<!tpu.dma_semaphore, #tpu.memory_space<semaphore_mem>>)
    %dma_start3A_44 = arith.constant 0 : i32
    %dma_start3A_45 = tpu.memref_slice %arg10[%dma_start3A_44, %multiple_of3A_35] : memref<2x4096xf32, #tpu.memory_space<vmem>> -> memref<2x8xf32, #tpu.memory_space<vmem>>
    %dma_start3A_46 = arith.constant 0 : i32
    %dma_start3A_47 = tpu.memref_slice %arg4[%dma_start3A_46, %multiple_of3A_33] : memref<2x1000000xf32, #tpu.memory_space<hbm>> -> memref<2x8xf32, #tpu.memory_space<hbm>>
    %dma_start3A_48 = arith.constant 0 : i32
    %dma_start3A_49 = tpu.memref_slice %arg10[%dma_start3A_48, %multiple_of3A_35] : memref<2x4096xf32, #tpu.memory_space<vmem>> -> memref<2x8xf32, #tpu.memory_space<vmem>>
    %dma_start3A_50 = arith.constant 0 : i32
    %dma_start3A_51 = tpu.memref_slice %arg4[%dma_start3A_50, %multiple_of3A_33] : memref<2x1000000xf32, #tpu.memory_space<hbm>> -> memref<2x8xf32, #tpu.memory_space<hbm>>
    tpu.enqueue_dma source(%dma_start3A_51 : memref<2x8xf32, #tpu.memory_space<hbm>>) target(%dma_start3A_49 : memref<2x8xf32, #tpu.memory_space<vmem>>) target_semaphore(%arg14 : memref<!tpu.dma_semaphore, #tpu.memory_space<semaphore_mem>>)
    %slice3A_52 = vector.extract_strided_slice %get3A_9 {offsets = [2], sizes = [1], strides = [1]} : vector<16xi32> to vector<1xi32>
    %squeeze3A_53 = vector.extract %slice3A_52[0] : i32 from vector<1xi32>
    %and3A_54 = arith.constant -8 : i32
    %and3A_55 = arith.andi %squeeze3A_53, %and3A_54 : i32
    %multiple_of3A_56 = tpu.assume_multiple %and3A_55, 8 : i32
    %multiple_of3A_57 = arith.constant 16 : i32
    %multiple_of3A_58 = tpu.assume_multiple %multiple_of3A_57, 8 : i32
    %dma_start3A_59 = arith.constant 0 : i32
    %dma_start3A_60 = tpu.memref_slice %arg9[%dma_start3A_59, %multiple_of3A_58] : memref<6x4096xf32, #tpu.memory_space<vmem>> -> memref<6x8xf32, #tpu.memory_space<vmem>>
    %dma_start3A_61 = arith.constant 0 : i32
    %dma_start3A_62 = tpu.memref_slice %arg3[%dma_start3A_61, %multiple_of3A_56] : memref<6x1000000xf32, #tpu.memory_space<hbm>> -> memref<6x8xf32, #tpu.memory_space<hbm>>
    %dma_start3A_63 = arith.constant 0 : i32
    %dma_start3A_64 = tpu.memref_slice %arg9[%dma_start3A_63, %multiple_of3A_58] : memref<6x4096xf32, #tpu.memory_space<vmem>> -> memref<6x8xf32, #tpu.memory_space<vmem>>
    %dma_start3A_65 = arith.constant 0 : i32
    %dma_start3A_66 = tpu.memref_slice %arg3[%dma_start3A_65, %multiple_of3A_56] : memref<6x1000000xf32, #tpu.memory_space<hbm>> -> memref<6x8xf32, #tpu.memory_space<hbm>>
    tpu.enqueue_dma source(%dma_start3A_66 : memref<6x8xf32, #tpu.memory_space<hbm>>) target(%dma_start3A_64 : memref<6x8xf32, #tpu.memory_space<vmem>>) target_semaphore(%arg14 : memref<!tpu.dma_semaphore, #tpu.memory_space<semaphore_mem>>)
    %dma_start3A_67 = arith.constant 0 : i32
    %dma_start3A_68 = tpu.memref_slice %arg10[%dma_start3A_67, %multiple_of3A_58] : memref<2x4096xf32, #tpu.memory_space<vmem>> -> memref<2x8xf32, #tpu.memory_space<vmem>>
    %dma_start3A_69 = arith.constant 0 : i32
    %dma_start3A_70 = tpu.memref_slice %arg4[%dma_start3A_69, %multiple_of3A_56] : memref<2x1000000xf32, #tpu.memory_space<hbm>> -> memref<2x8xf32, #tpu.memory_space<hbm>>
    %dma_start3A_71 = arith.constant 0 : i32
    %dma_start3A_72 = tpu.memref_slice %arg10[%dma_start3A_71, %multiple_of3A_58] : memref<2x4096xf32, #tpu.memory_space<vmem>> -> memref<2x8xf32, #tpu.memory_space<vmem>>
    %dma_start3A_73 = arith.constant 0 : i32
    %dma_start3A_74 = tpu.memref_slice %arg4[%dma_start3A_73, %multiple_of3A_56] : memref<2x1000000xf32, #tpu.memory_space<hbm>> -> memref<2x8xf32, #tpu.memory_space<hbm>>
    tpu.enqueue_dma source(%dma_start3A_74 : memref<2x8xf32, #tpu.memory_space<hbm>>) target(%dma_start3A_72 : memref<2x8xf32, #tpu.memory_space<vmem>>) target_semaphore(%arg14 : memref<!tpu.dma_semaphore, #tpu.memory_space<semaphore_mem>>)
    %slice3A_75 = vector.extract_strided_slice %get3A_9 {offsets = [3], sizes = [1], strides = [1]} : vector<16xi32> to vector<1xi32>
    %squeeze3A_76 = vector.extract %slice3A_75[0] : i32 from vector<1xi32>
    %and3A_77 = arith.constant -8 : i32
    %and3A_78 = arith.andi %squeeze3A_76, %and3A_77 : i32
    %multiple_of3A_79 = tpu.assume_multiple %and3A_78, 8 : i32
    %multiple_of3A_80 = arith.constant 24 : i32
    %multiple_of3A_81 = tpu.assume_multiple %multiple_of3A_80, 8 : i32
    %dma_start3A_82 = arith.constant 0 : i32
    %dma_start3A_83 = tpu.memref_slice %arg9[%dma_start3A_82, %multiple_of3A_81] : memref<6x4096xf32, #tpu.memory_space<vmem>> -> memref<6x8xf32, #tpu.memory_space<vmem>>
    %dma_start3A_84 = arith.constant 0 : i32
    %dma_start3A_85 = tpu.memref_slice %arg3[%dma_start3A_84, %multiple_of3A_79] : memref<6x1000000xf32, #tpu.memory_space<hbm>> -> memref<6x8xf32, #tpu.memory_space<hbm>>
    %dma_start3A_86 = arith.constant 0 : i32
    %dma_start3A_87 = tpu.memref_slice %arg9[%dma_start3A_86, %multiple_of3A_81] : memref<6x4096xf32, #tpu.memory_space<vmem>> -> memref<6x8xf32, #tpu.memory_space<vmem>>
    %dma_start3A_88 = arith.constant 0 : i32
    %dma_start3A_89 = tpu.memref_slice %arg3[%dma_start3A_88, %multiple_of3A_79] : memref<6x1000000xf32, #tpu.memory_space<hbm>> -> memref<6x8xf32, #tpu.memory_space<hbm>>
    tpu.enqueue_dma source(%dma_start3A_89 : memref<6x8xf32, #tpu.memory_space<hbm>>) target(%dma_start3A_87 : memref<6x8xf32, #tpu.memory_space<vmem>>) target_semaphore(%arg14 : memref<!tpu.dma_semaphore, #tpu.memory_space<semaphore_mem>>)
    %dma_start3A_90 = arith.constant 0 : i32
    %dma_start3A_91 = tpu.memref_slice %arg10[%dma_start3A_90, %multiple_of3A_81] : memref<2x4096xf32, #tpu.memory_space<vmem>> -> memref<2x8xf32, #tpu.memory_space<vmem>>
    %dma_start3A_92 = arith.constant 0 : i32
    %dma_start3A_93 = tpu.memref_slice %arg4[%dma_start3A_92, %multiple_of3A_79] : memref<2x1000000xf32, #tpu.memory_space<hbm>> -> memref<2x8xf32, #tpu.memory_space<hbm>>
    %dma_start3A_94 = arith.constant 0 : i32
    %dma_start3A_95 = tpu.memref_slice %arg10[%dma_start3A_94, %multiple_of3A_81] : memref<2x4096xf32, #tpu.memory_space<vmem>> -> memref<2x8xf32, #tpu.memory_space<vmem>>
    %dma_start3A_96 = arith.constant 0 : i32
    %dma_start3A_97 = tpu.memref_slice %arg4[%dma_start3A_96, %multiple_of3A_79] : memref<2x1000000xf32, #tpu.memory_space<hbm>> -> memref<2x8xf32, #tpu.memory_space<hbm>>
    tpu.enqueue_dma source(%dma_start3A_97 : memref<2x8xf32, #tpu.memory_space<hbm>>) target(%dma_start3A_95 : memref<2x8xf32, #tpu.memory_space<vmem>>) target_semaphore(%arg14 : memref<!tpu.dma_semaphore, #tpu.memory_space<semaphore_mem>>)
    %slice3A_98 = vector.extract_strided_slice %get3A_9 {offsets = [4], sizes = [1], strides = [1]} : vector<16xi32> to vector<1xi32>
    %squeeze3A_99 = vector.extract %slice3A_98[0] : i32 from vector<1xi32>
    %and3A_100 = arith.constant -8 : i32
    %and3A_101 = arith.andi %squeeze3A_99, %and3A_100 : i32
    %multiple_of3A_102 = tpu.assume_multiple %and3A_101, 8 : i32
    %multiple_of3A_103 = arith.constant 32 : i32
    %multiple_of3A_104 = tpu.assume_multiple %multiple_of3A_103, 8 : i32
    %dma_start3A_105 = arith.constant 0 : i32
    %dma_start3A_106 = tpu.memref_slice %arg9[%dma_start3A_105, %multiple_of3A_104] : memref<6x4096xf32, #tpu.memory_space<vmem>> -> memref<6x8xf32, #tpu.memory_space<vmem>>
    %dma_start3A_107 = arith.constant 0 : i32
    %dma_start3A_108 = tpu.memref_slice %arg3[%dma_start3A_107, %multiple_of3A_102] : memref<6x1000000xf32, #tpu.memory_space<hbm>> -> memref<6x8xf32, #tpu.memory_space<hbm>>
    %dma_start3A_109 = arith.constant 0 : i32
    %dma_start3A_110 = tpu.memref_slice %arg9[%dma_start3A_109, %multiple_of3A_104] : memref<6x4096xf32, #tpu.memory_space<vmem>> -> memref<6x8xf32, #tpu.memory_space<vmem>>
    %dma_start3A_111 = arith.constant 0 : i32
    %dma_start3A_112 = tpu.memref_slice %arg3[%dma_start3A_111, %multiple_of3A_102] : memref<6x1000000xf32, #tpu.memory_space<hbm>> -> memref<6x8xf32, #tpu.memory_space<hbm>>
    tpu.enqueue_dma source(%dma_start3A_112 : memref<6x8xf32, #tpu.memory_space<hbm>>) target(%dma_start3A_110 : memref<6x8xf32, #tpu.memory_space<vmem>>) target_semaphore(%arg14 : memref<!tpu.dma_semaphore, #tpu.memory_space<semaphore_mem>>)
    %dma_start3A_113 = arith.constant 0 : i32
    %dma_start3A_114 = tpu.memref_slice %arg10[%dma_start3A_113, %multiple_of3A_104] : memref<2x4096xf32, #tpu.memory_space<vmem>> -> memref<2x8xf32, #tpu.memory_space<vmem>>
    %dma_start3A_115 = arith.constant 0 : i32
    %dma_start3A_116 = tpu.memref_slice %arg4[%dma_start3A_115, %multiple_of3A_102] : memref<2x1000000xf32, #tpu.memory_space<hbm>> -> memref<2x8xf32, #tpu.memory_space<hbm>>
    %dma_start3A_117 = arith.constant 0 : i32
    %dma_start3A_118 = tpu.memref_slice %arg10[%dma_start3A_117, %multiple_of3A_104] : memref<2x4096xf32, #tpu.memory_space<vmem>> -> memref<2x8xf32, #tpu.memory_space<vmem>>
    %dma_start3A_119 = arith.constant 0 : i32
    %dma_start3A_120 = tpu.memref_slice %arg4[%dma_start3A_119, %multiple_of3A_102] : memref<2x1000000xf32, #tpu.memory_space<hbm>> -> memref<2x8xf32, #tpu.memory_space<hbm>>
    tpu.enqueue_dma source(%dma_start3A_120 : memref<2x8xf32, #tpu.memory_space<hbm>>) target(%dma_start3A_118 : memref<2x8xf32, #tpu.memory_space<vmem>>) target_semaphore(%arg14 : memref<!tpu.dma_semaphore, #tpu.memory_space<semaphore_mem>>)
    %slice3A_121 = vector.extract_strided_slice %get3A_9 {offsets = [5], sizes = [1], strides = [1]} : vector<16xi32> to vector<1xi32>
    %squeeze3A_122 = vector.extract %slice3A_121[0] : i32 from vector<1xi32>
    %and3A_123 = arith.constant -8 : i32
    %and3A_124 = arith.andi %squeeze3A_122, %and3A_123 : i32
    %multiple_of3A_125 = tpu.assume_multiple %and3A_124, 8 : i32
    %multiple_of3A_126 = arith.constant 40 : i32
    %multiple_of3A_127 = tpu.assume_multiple %multiple_of3A_126, 8 : i32
    %dma_start3A_128 = arith.constant 0 : i32
    %dma_start3A_129 = tpu.memref_slice %arg9[%dma_start3A_128, %multiple_of3A_127] : memref<6x4096xf32, #tpu.memory_space<vmem>> -> memref<6x8xf32, #tpu.memory_space<vmem>>
    %dma_start3A_130 = arith.constant 0 : i32
    %dma_start3A_131 = tpu.memref_slice %arg3[%dma_start3A_130, %multiple_of3A_125] : memref<6x1000000xf32, #tpu.memory_space<hbm>> -> memref<6x8xf32, #tpu.memory_space<hbm>>
    %dma_start3A_132 = arith.constant 0 : i32
    %dma_start3A_133 = tpu.memref_slice %arg9[%dma_start3A_132, %multiple_of3A_127] : memref<6x4096xf32, #tpu.memory_space<vmem>> -> memref<6x8xf32, #tpu.memory_space<vmem>>
    %dma_start3A_134 = arith.constant 0 : i32
    %dma_start3A_135 = tpu.memref_slice %arg3[%dma_start3A_134, %multiple_of3A_125] : memref<6x1000000xf32, #tpu.memory_space<hbm>> -> memref<6x8xf32, #tpu.memory_space<hbm>>
    tpu.enqueue_dma source(%dma_start3A_135 : memref<6x8xf32, #tpu.memory_space<hbm>>) target(%dma_start3A_133 : memref<6x8xf32, #tpu.memory_space<vmem>>) target_semaphore(%arg14 : memref<!tpu.dma_semaphore, #tpu.memory_space<semaphore_mem>>)
    %dma_start3A_136 = arith.constant 0 : i32
    %dma_start3A_137 = tpu.memref_slice %arg10[%dma_start3A_136, %multiple_of3A_127] : memref<2x4096xf32, #tpu.memory_space<vmem>> -> memref<2x8xf32, #tpu.memory_space<vmem>>
    %dma_start3A_138 = arith.constant 0 : i32
    %dma_start3A_139 = tpu.memref_slice %arg4[%dma_start3A_138, %multiple_of3A_125] : memref<2x1000000xf32, #tpu.memory_space<hbm>> -> memref<2x8xf32, #tpu.memory_space<hbm>>
    %dma_start3A_140 = arith.constant 0 : i32
    %dma_start3A_141 = tpu.memref_slice %arg10[%dma_start3A_140, %multiple_of3A_127] : memref<2x4096xf32, #tpu.memory_space<vmem>> -> memref<2x8xf32, #tpu.memory_space<vmem>>
    %dma_start3A_142 = arith.constant 0 : i32
    %dma_start3A_143 = tpu.memref_slice %arg4[%dma_start3A_142, %multiple_of3A_125] : memref<2x1000000xf32, #tpu.memory_space<hbm>> -> memref<2x8xf32, #tpu.memory_space<hbm>>
    tpu.enqueue_dma source(%dma_start3A_143 : memref<2x8xf32, #tpu.memory_space<hbm>>) target(%dma_start3A_141 : memref<2x8xf32, #tpu.memory_space<vmem>>) target_semaphore(%arg14 : memref<!tpu.dma_semaphore, #tpu.memory_space<semaphore_mem>>)
    %slice3A_144 = vector.extract_strided_slice %get3A_9 {offsets = [6], sizes = [1], strides = [1]} : vector<16xi32> to vector<1xi32>
    %squeeze3A_145 = vector.extract %slice3A_144[0] : i32 from vector<1xi32>
    %and3A_146 = arith.constant -8 : i32
    %and3A_147 = arith.andi %squeeze3A_145, %and3A_146 : i32
    %multiple_of3A_148 = tpu.assume_multiple %and3A_147, 8 : i32
    %multiple_of3A_149 = arith.constant 48 : i32
    %multiple_of3A_150 = tpu.assume_multiple %multiple_of3A_149, 8 : i32
    %dma_start3A_151 = arith.constant 0 : i32
    %dma_start3A_152 = tpu.memref_slice %arg9[%dma_start3A_151, %multiple_of3A_150] : memref<6x4096xf32, #tpu.memory_space<vmem>> -> memref<6x8xf32, #tpu.memory_space<vmem>>
    %dma_start3A_153 = arith.constant 0 : i32
    %dma_start3A_154 = tpu.memref_slice %arg3[%dma_start3A_153, %multiple_of3A_148] : memref<6x1000000xf32, #tpu.memory_space<hbm>> -> memref<6x8xf32, #tpu.memory_space<hbm>>
    %dma_start3A_155 = arith.constant 0 : i32
    %dma_start3A_156 = tpu.memref_slice %arg9[%dma_start3A_155, %multiple_of3A_150] : memref<6x4096xf32, #tpu.memory_space<vmem>> -> memref<6x8xf32, #tpu.memory_space<vmem>>
    %dma_start3A_157 = arith.constant 0 : i32
    %dma_start3A_158 = tpu.memref_slice %arg3[%dma_start3A_157, %multiple_of3A_148] : memref<6x1000000xf32, #tpu.memory_space<hbm>> -> memref<6x8xf32, #tpu.memory_space<hbm>>
    tpu.enqueue_dma source(%dma_start3A_158 : memref<6x8xf32, #tpu.memory_space<hbm>>) target(%dma_start3A_156 : memref<6x8xf32, #tpu.memory_space<vmem>>) target_semaphore(%arg14 : memref<!tpu.dma_semaphore, #tpu.memory_space<semaphore_mem>>)
    %dma_start3A_159 = arith.constant 0 : i32
    %dma_start3A_160 = tpu.memref_slice %arg10[%dma_start3A_159, %multiple_of3A_150] : memref<2x4096xf32, #tpu.memory_space<vmem>> -> memref<2x8xf32, #tpu.memory_space<vmem>>
    %dma_start3A_161 = arith.constant 0 : i32
    %dma_start3A_162 = tpu.memref_slice %arg4[%dma_start3A_161, %multiple_of3A_148] : memref<2x1000000xf32, #tpu.memory_space<hbm>> -> memref<2x8xf32, #tpu.memory_space<hbm>>
    %dma_start3A_163 = arith.constant 0 : i32
    %dma_start3A_164 = tpu.memref_slice %arg10[%dma_start3A_163, %multiple_of3A_150] : memref<2x4096xf32, #tpu.memory_space<vmem>> -> memref<2x8xf32, #tpu.memory_space<vmem>>
    %dma_start3A_165 = arith.constant 0 : i32
    %dma_start3A_166 = tpu.memref_slice %arg4[%dma_start3A_165, %multiple_of3A_148] : memref<2x1000000xf32, #tpu.memory_space<hbm>> -> memref<2x8xf32, #tpu.memory_space<hbm>>
    tpu.enqueue_dma source(%dma_start3A_166 : memref<2x8xf32, #tpu.memory_space<hbm>>) target(%dma_start3A_164 : memref<2x8xf32, #tpu.memory_space<vmem>>) target_semaphore(%arg14 : memref<!tpu.dma_semaphore, #tpu.memory_space<semaphore_mem>>)
    %slice3A_167 = vector.extract_strided_slice %get3A_9 {offsets = [7], sizes = [1], strides = [1]} : vector<16xi32> to vector<1xi32>
    %squeeze3A_168 = vector.extract %slice3A_167[0] : i32 from vector<1xi32>
    %and3A_169 = arith.constant -8 : i32
    %and3A_170 = arith.andi %squeeze3A_168, %and3A_169 : i32
    %multiple_of3A_171 = tpu.assume_multiple %and3A_170, 8 : i32
    %multiple_of3A_172 = arith.constant 56 : i32
    %multiple_of3A_173 = tpu.assume_multiple %multiple_of3A_172, 8 : i32
    %dma_start3A_174 = arith.constant 0 : i32
    %dma_start3A_175 = tpu.memref_slice %arg9[%dma_start3A_174, %multiple_of3A_173] : memref<6x4096xf32, #tpu.memory_space<vmem>> -> memref<6x8xf32, #tpu.memory_space<vmem>>
    %dma_start3A_176 = arith.constant 0 : i32
    %dma_start3A_177 = tpu.memref_slice %arg3[%dma_start3A_176, %multiple_of3A_171] : memref<6x1000000xf32, #tpu.memory_space<hbm>> -> memref<6x8xf32, #tpu.memory_space<hbm>>
    %dma_start3A_178 = arith.constant 0 : i32
    %dma_start3A_179 = tpu.memref_slice %arg9[%dma_start3A_178, %multiple_of3A_173] : memref<6x4096xf32, #tpu.memory_space<vmem>> -> memref<6x8xf32, #tpu.memory_space<vmem>>
    %dma_start3A_180 = arith.constant 0 : i32
    %dma_start3A_181 = tpu.memref_slice %arg3[%dma_start3A_180, %multiple_of3A_171] : memref<6x1000000xf32, #tpu.memory_space<hbm>> -> memref<6x8xf32, #tpu.memory_space<hbm>>
    tpu.enqueue_dma source(%dma_start3A_181 : memref<6x8xf32, #tpu.memory_space<hbm>>) target(%dma_start3A_179 : memref<6x8xf32, #tpu.memory_space<vmem>>) target_semaphore(%arg14 : memref<!tpu.dma_semaphore, #tpu.memory_space<semaphore_mem>>)
    %dma_start3A_182 = arith.constant 0 : i32
    %dma_start3A_183 = tpu.memref_slice %arg10[%dma_start3A_182, %multiple_of3A_173] : memref<2x4096xf32, #tpu.memory_space<vmem>> -> memref<2x8xf32, #tpu.memory_space<vmem>>
    %dma_start3A_184 = arith.constant 0 : i32
    %dma_start3A_185 = tpu.memref_slice %arg4[%dma_start3A_184, %multiple_of3A_171] : memref<2x1000000xf32, #tpu.memory_space<hbm>> -> memref<2x8xf32, #tpu.memory_space<hbm>>
    %dma_start3A_186 = arith.constant 0 : i32
    %dma_start3A_187 = tpu.memref_slice %arg10[%dma_start3A_186, %multiple_of3A_173] : memref<2x4096xf32, #tpu.memory_space<vmem>> -> memref<2x8xf32, #tpu.memory_space<vmem>>
    %dma_start3A_188 = arith.constant 0 : i32
    %dma_start3A_189 = tpu.memref_slice %arg4[%dma_start3A_188, %multiple_of3A_171] : memref<2x1000000xf32, #tpu.memory_space<hbm>> -> memref<2x8xf32, #tpu.memory_space<hbm>>
    tpu.enqueue_dma source(%dma_start3A_189 : memref<2x8xf32, #tpu.memory_space<hbm>>) target(%dma_start3A_187 : memref<2x8xf32, #tpu.memory_space<vmem>>) target_semaphore(%arg14 : memref<!tpu.dma_semaphore, #tpu.memory_space<semaphore_mem>>)
    %slice3A_190 = vector.extract_strided_slice %get3A_9 {offsets = [8], sizes = [1], strides = [1]} : vector<16xi32> to vector<1xi32>
    %squeeze3A_191 = vector.extract %slice3A_190[0] : i32 from vector<1xi32>
    %and3A_192 = arith.constant -8 : i32
    %and3A_193 = arith.andi %squeeze3A_191, %and3A_192 : i32
    %multiple_of3A_194 = tpu.assume_multiple %and3A_193, 8 : i32
    %multiple_of3A_195 = arith.constant 64 : i32
    %multiple_of3A_196 = tpu.assume_multiple %multiple_of3A_195, 8 : i32
    %dma_start3A_197 = arith.constant 0 : i32
    %dma_start3A_198 = tpu.memref_slice %arg9[%dma_start3A_197, %multiple_of3A_196] : memref<6x4096xf32, #tpu.memory_space<vmem>> -> memref<6x8xf32, #tpu.memory_space<vmem>>
    %dma_start3A_199 = arith.constant 0 : i32
    %dma_start3A_200 = tpu.memref_slice %arg3[%dma_start3A_199, %multiple_of3A_194] : memref<6x1000000xf32, #tpu.memory_space<hbm>> -> memref<6x8xf32, #tpu.memory_space<hbm>>
    %dma_start3A_201 = arith.constant 0 : i32
    %dma_start3A_202 = tpu.memref_slice %arg9[%dma_start3A_201, %multiple_of3A_196] : memref<6x4096xf32, #tpu.memory_space<vmem>> -> memref<6x8xf32, #tpu.memory_space<vmem>>
    %dma_start3A_203 = arith.constant 0 : i32
    %dma_start3A_204 = tpu.memref_slice %arg3[%dma_start3A_203, %multiple_of3A_194] : memref<6x1000000xf32, #tpu.memory_space<hbm>> -> memref<6x8xf32, #tpu.memory_space<hbm>>
    tpu.enqueue_dma source(%dma_start3A_204 : memref<6x8xf32, #tpu.memory_space<hbm>>) target(%dma_start3A_202 : memref<6x8xf32, #tpu.memory_space<vmem>>) target_semaphore(%arg14 : memref<!tpu.dma_semaphore, #tpu.memory_space<semaphore_mem>>)
    %dma_start3A_205 = arith.constant 0 : i32
    %dma_start3A_206 = tpu.memref_slice %arg10[%dma_start3A_205, %multiple_of3A_196] : memref<2x4096xf32, #tpu.memory_space<vmem>> -> memref<2x8xf32, #tpu.memory_space<vmem>>
    %dma_start3A_207 = arith.constant 0 : i32
    %dma_start3A_208 = tpu.memref_slice %arg4[%dma_start3A_207, %multiple_of3A_194] : memref<2x1000000xf32, #tpu.memory_space<hbm>> -> memref<2x8xf32, #tpu.memory_space<hbm>>
    %dma_start3A_209 = arith.constant 0 : i32
    %dma_start3A_210 = tpu.memref_slice %arg10[%dma_start3A_209, %multiple_of3A_196] : memref<2x4096xf32, #tpu.memory_space<vmem>> -> memref<2x8xf32, #tpu.memory_space<vmem>>
    %dma_start3A_211 = arith.constant 0 : i32
    %dma_start3A_212 = tpu.memref_slice %arg4[%dma_start3A_211, %multiple_of3A_194] : memref<2x1000000xf32, #tpu.memory_space<hbm>> -> memref<2x8xf32, #tpu.memory_space<hbm>>
    tpu.enqueue_dma source(%dma_start3A_212 : memref<2x8xf32, #tpu.memory_space<hbm>>) target(%dma_start3A_210 : memref<2x8xf32, #tpu.memory_space<vmem>>) target_semaphore(%arg14 : memref<!tpu.dma_semaphore, #tpu.memory_space<semaphore_mem>>)
    %slice3A_213 = vector.extract_strided_slice %get3A_9 {offsets = [9], sizes = [1], strides = [1]} : vector<16xi32> to vector<1xi32>
    %squeeze3A_214 = vector.extract %slice3A_213[0] : i32 from vector<1xi32>
    %and3A_215 = arith.constant -8 : i32
    %and3A_216 = arith.andi %squeeze3A_214, %and3A_215 : i32
    %multiple_of3A_217 = tpu.assume_multiple %and3A_216, 8 : i32
    %multiple_of3A_218 = arith.constant 72 : i32
    %multiple_of3A_219 = tpu.assume_multiple %multiple_of3A_218, 8 : i32
    %dma_start3A_220 = arith.constant 0 : i32
    %dma_start3A_221 = tpu.memref_slice %arg9[%dma_start3A_220, %multiple_of3A_219] : memref<6x4096xf32, #tpu.memory_space<vmem>> -> memref<6x8xf32, #tpu.memory_space<vmem>>
    %dma_start3A_222 = arith.constant 0 : i32
    %dma_start3A_223 = tpu.memref_slice %arg3[%dma_start3A_222, %multiple_of3A_217] : memref<6x1000000xf32, #tpu.memory_space<hbm>> -> memref<6x8xf32, #tpu.memory_space<hbm>>
    %dma_start3A_224 = arith.constant 0 : i32
    %dma_start3A_225 = tpu.memref_slice %arg9[%dma_start3A_224, %multiple_of3A_219] : memref<6x4096xf32, #tpu.memory_space<vmem>> -> memref<6x8xf32, #tpu.memory_space<vmem>>
    %dma_start3A_226 = arith.constant 0 : i32
    %dma_start3A_227 = tpu.memref_slice %arg3[%dma_start3A_226, %multiple_of3A_217] : memref<6x1000000xf32, #tpu.memory_space<hbm>> -> memref<6x8xf32, #tpu.memory_space<hbm>>
    tpu.enqueue_dma source(%dma_start3A_227 : memref<6x8xf32, #tpu.memory_space<hbm>>) target(%dma_start3A_225 : memref<6x8xf32, #tpu.memory_space<vmem>>) target_semaphore(%arg14 : memref<!tpu.dma_semaphore, #tpu.memory_space<semaphore_mem>>)
    %dma_start3A_228 = arith.constant 0 : i32
    %dma_start3A_229 = tpu.memref_slice %arg10[%dma_start3A_228, %multiple_of3A_219] : memref<2x4096xf32, #tpu.memory_space<vmem>> -> memref<2x8xf32, #tpu.memory_space<vmem>>
    %dma_start3A_230 = arith.constant 0 : i32
    %dma_start3A_231 = tpu.memref_slice %arg4[%dma_start3A_230, %multiple_of3A_217] : memref<2x1000000xf32, #tpu.memory_space<hbm>> -> memref<2x8xf32, #tpu.memory_space<hbm>>
    %dma_start3A_232 = arith.constant 0 : i32
    %dma_start3A_233 = tpu.memref_slice %arg10[%dma_start3A_232, %multiple_of3A_219] : memref<2x4096xf32, #tpu.memory_space<vmem>> -> memref<2x8xf32, #tpu.memory_space<vmem>>
    %dma_start3A_234 = arith.constant 0 : i32
    %dma_start3A_235 = tpu.memref_slice %arg4[%dma_start3A_234, %multiple_of3A_217] : memref<2x1000000xf32, #tpu.memory_space<hbm>> -> memref<2x8xf32, #tpu.memory_space<hbm>>
    tpu.enqueue_dma source(%dma_start3A_235 : memref<2x8xf32, #tpu.memory_space<hbm>>) target(%dma_start3A_233 : memref<2x8xf32, #tpu.memory_space<vmem>>) target_semaphore(%arg14 : memref<!tpu.dma_semaphore, #tpu.memory_space<semaphore_mem>>)
    %slice3A_236 = vector.extract_strided_slice %get3A_9 {offsets = [10], sizes = [1], strides = [1]} : vector<16xi32> to vector<1xi32>
    %squeeze3A_237 = vector.extract %slice3A_236[0] : i32 from vector<1xi32>
    %and3A_238 = arith.constant -8 : i32
    %and3A_239 = arith.andi %squeeze3A_237, %and3A_238 : i32
    %multiple_of3A_240 = tpu.assume_multiple %and3A_239, 8 : i32
    %multiple_of3A_241 = arith.constant 80 : i32
    %multiple_of3A_242 = tpu.assume_multiple %multiple_of3A_241, 8 : i32
    %dma_start3A_243 = arith.constant 0 : i32
    %dma_start3A_244 = tpu.memref_slice %arg9[%dma_start3A_243, %multiple_of3A_242] : memref<6x4096xf32, #tpu.memory_space<vmem>> -> memref<6x8xf32, #tpu.memory_space<vmem>>
    %dma_start3A_245 = arith.constant 0 : i32
    %dma_start3A_246 = tpu.memref_slice %arg3[%dma_start3A_245, %multiple_of3A_240] : memref<6x1000000xf32, #tpu.memory_space<hbm>> -> memref<6x8xf32, #tpu.memory_space<hbm>>
    %dma_start3A_247 = arith.constant 0 : i32
    %dma_start3A_248 = tpu.memref_slice %arg9[%dma_start3A_247, %multiple_of3A_242] : memref<6x4096xf32, #tpu.memory_space<vmem>> -> memref<6x8xf32, #tpu.memory_space<vmem>>
    %dma_start3A_249 = arith.constant 0 : i32
    %dma_start3A_250 = tpu.memref_slice %arg3[%dma_start3A_249, %multiple_of3A_240] : memref<6x1000000xf32, #tpu.memory_space<hbm>> -> memref<6x8xf32, #tpu.memory_space<hbm>>
    tpu.enqueue_dma source(%dma_start3A_250 : memref<6x8xf32, #tpu.memory_space<hbm>>) target(%dma_start3A_248 : memref<6x8xf32, #tpu.memory_space<vmem>>) target_semaphore(%arg14 : memref<!tpu.dma_semaphore, #tpu.memory_space<semaphore_mem>>)
    %dma_start3A_251 = arith.constant 0 : i32
    %dma_start3A_252 = tpu.memref_slice %arg10[%dma_start3A_251, %multiple_of3A_242] : memref<2x4096xf32, #tpu.memory_space<vmem>> -> memref<2x8xf32, #tpu.memory_space<vmem>>
    %dma_start3A_253 = arith.constant 0 : i32
    %dma_start3A_254 = tpu.memref_slice %arg4[%dma_start3A_253, %multiple_of3A_240] : memref<2x1000000xf32, #tpu.memory_space<hbm>> -> memref<2x8xf32, #tpu.memory_space<hbm>>
    %dma_start3A_255 = arith.constant 0 : i32
    %dma_start3A_256 = tpu.memref_slice %arg10[%dma_start3A_255, %multiple_of3A_242] : memref<2x4096xf32, #tpu.memory_space<vmem>> -> memref<2x8xf32, #tpu.memory_space<vmem>>
    %dma_start3A_257 = arith.constant 0 : i32
    %dma_start3A_258 = tpu.memref_slice %arg4[%dma_start3A_257, %multiple_of3A_240] : memref<2x1000000xf32, #tpu.memory_space<hbm>> -> memref<2x8xf32, #tpu.memory_space<hbm>>
    tpu.enqueue_dma source(%dma_start3A_258 : memref<2x8xf32, #tpu.memory_space<hbm>>) target(%dma_start3A_256 : memref<2x8xf32, #tpu.memory_space<vmem>>) target_semaphore(%arg14 : memref<!tpu.dma_semaphore, #tpu.memory_space<semaphore_mem>>)
    %slice3A_259 = vector.extract_strided_slice %get3A_9 {offsets = [11], sizes = [1], strides = [1]} : vector<16xi32> to vector<1xi32>
    %squeeze3A_260 = vector.extract %slice3A_259[0] : i32 from vector<1xi32>
    %and3A_261 = arith.constant -8 : i32
    %and3A_262 = arith.andi %squeeze3A_260, %and3A_261 : i32
    %multiple_of3A_263 = tpu.assume_multiple %and3A_262, 8 : i32
    %multiple_of3A_264 = arith.constant 88 : i32
    %multiple_of3A_265 = tpu.assume_multiple %multiple_of3A_264, 8 : i32
    %dma_start3A_266 = arith.constant 0 : i32
    %dma_start3A_267 = tpu.memref_slice %arg9[%dma_start3A_266, %multiple_of3A_265] : memref<6x4096xf32, #tpu.memory_space<vmem>> -> memref<6x8xf32, #tpu.memory_space<vmem>>
    %dma_start3A_268 = arith.constant 0 : i32
    %dma_start3A_269 = tpu.memref_slice %arg3[%dma_start3A_268, %multiple_of3A_263] : memref<6x1000000xf32, #tpu.memory_space<hbm>> -> memref<6x8xf32, #tpu.memory_space<hbm>>
    %dma_start3A_270 = arith.constant 0 : i32
    %dma_start3A_271 = tpu.memref_slice %arg9[%dma_start3A_270, %multiple_of3A_265] : memref<6x4096xf32, #tpu.memory_space<vmem>> -> memref<6x8xf32, #tpu.memory_space<vmem>>
    %dma_start3A_272 = arith.constant 0 : i32
    %dma_start3A_273 = tpu.memref_slice %arg3[%dma_start3A_272, %multiple_of3A_263] : memref<6x1000000xf32, #tpu.memory_space<hbm>> -> memref<6x8xf32, #tpu.memory_space<hbm>>
    tpu.enqueue_dma source(%dma_start3A_273 : memref<6x8xf32, #tpu.memory_space<hbm>>) target(%dma_start3A_271 : memref<6x8xf32, #tpu.memory_space<vmem>>) target_semaphore(%arg14 : memref<!tpu.dma_semaphore, #tpu.memory_space<semaphore_mem>>)
    %dma_start3A_274 = arith.constant 0 : i32
    %dma_start3A_275 = tpu.memref_slice %arg10[%dma_start3A_274, %multiple_of3A_265] : memref<2x4096xf32, #tpu.memory_space<vmem>> -> memref<2x8xf32, #tpu.memory_space<vmem>>
    %dma_start3A_276 = arith.constant 0 : i32
    %dma_start3A_277 = tpu.memref_slice %arg4[%dma_start3A_276, %multiple_of3A_263] : memref<2x1000000xf32, #tpu.memory_space<hbm>> -> memref<2x8xf32, #tpu.memory_space<hbm>>
    %dma_start3A_278 = arith.constant 0 : i32
    %dma_start3A_279 = tpu.memref_slice %arg10[%dma_start3A_278, %multiple_of3A_265] : memref<2x4096xf32, #tpu.memory_space<vmem>> -> memref<2x8xf32, #tpu.memory_space<vmem>>
    %dma_start3A_280 = arith.constant 0 : i32
    %dma_start3A_281 = tpu.memref_slice %arg4[%dma_start3A_280, %multiple_of3A_263] : memref<2x1000000xf32, #tpu.memory_space<hbm>> -> memref<2x8xf32, #tpu.memory_space<hbm>>
    tpu.enqueue_dma source(%dma_start3A_281 : memref<2x8xf32, #tpu.memory_space<hbm>>) target(%dma_start3A_279 : memref<2x8xf32, #tpu.memory_space<vmem>>) target_semaphore(%arg14 : memref<!tpu.dma_semaphore, #tpu.memory_space<semaphore_mem>>)
    %slice3A_282 = vector.extract_strided_slice %get3A_9 {offsets = [12], sizes = [1], strides = [1]} : vector<16xi32> to vector<1xi32>
    %squeeze3A_283 = vector.extract %slice3A_282[0] : i32 from vector<1xi32>
    %and3A_284 = arith.constant -8 : i32
    %and3A_285 = arith.andi %squeeze3A_283, %and3A_284 : i32
    %multiple_of3A_286 = tpu.assume_multiple %and3A_285, 8 : i32
    %multiple_of3A_287 = arith.constant 96 : i32
    %multiple_of3A_288 = tpu.assume_multiple %multiple_of3A_287, 8 : i32
    %dma_start3A_289 = arith.constant 0 : i32
    %dma_start3A_290 = tpu.memref_slice %arg9[%dma_start3A_289, %multiple_of3A_288] : memref<6x4096xf32, #tpu.memory_space<vmem>> -> memref<6x8xf32, #tpu.memory_space<vmem>>
    %dma_start3A_291 = arith.constant 0 : i32
    %dma_start3A_292 = tpu.memref_slice %arg3[%dma_start3A_291, %multiple_of3A_286] : memref<6x1000000xf32, #tpu.memory_space<hbm>> -> memref<6x8xf32, #tpu.memory_space<hbm>>
    %dma_start3A_293 = arith.constant 0 : i32
    %dma_start3A_294 = tpu.memref_slice %arg9[%dma_start3A_293, %multiple_of3A_288] : memref<6x4096xf32, #tpu.memory_space<vmem>> -> memref<6x8xf32, #tpu.memory_space<vmem>>
    %dma_start3A_295 = arith.constant 0 : i32
    %dma_start3A_296 = tpu.memref_slice %arg3[%dma_start3A_295, %multiple_of3A_286] : memref<6x1000000xf32, #tpu.memory_space<hbm>> -> memref<6x8xf32, #tpu.memory_space<hbm>>
    tpu.enqueue_dma source(%dma_start3A_296 : memref<6x8xf32, #tpu.memory_space<hbm>>) target(%dma_start3A_294 : memref<6x8xf32, #tpu.memory_space<vmem>>) target_semaphore(%arg14 : memref<!tpu.dma_semaphore, #tpu.memory_space<semaphore_mem>>)
    %dma_start3A_297 = arith.constant 0 : i32
    %dma_start3A_298 = tpu.memref_slice %arg10[%dma_start3A_297, %multiple_of3A_288] : memref<2x4096xf32, #tpu.memory_space<vmem>> -> memref<2x8xf32, #tpu.memory_space<vmem>>
    %dma_start3A_299 = arith.constant 0 : i32
    %dma_start3A_300 = tpu.memref_slice %arg4[%dma_start3A_299, %multiple_of3A_286] : memref<2x1000000xf32, #tpu.memory_space<hbm>> -> memref<2x8xf32, #tpu.memory_space<hbm>>
    %dma_start3A_301 = arith.constant 0 : i32
    %dma_start3A_302 = tpu.memref_slice %arg10[%dma_start3A_301, %multiple_of3A_288] : memref<2x4096xf32, #tpu.memory_space<vmem>> -> memref<2x8xf32, #tpu.memory_space<vmem>>
    %dma_start3A_303 = arith.constant 0 : i32
    %dma_start3A_304 = tpu.memref_slice %arg4[%dma_start3A_303, %multiple_of3A_286] : memref<2x1000000xf32, #tpu.memory_space<hbm>> -> memref<2x8xf32, #tpu.memory_space<hbm>>
    tpu.enqueue_dma source(%dma_start3A_304 : memref<2x8xf32, #tpu.memory_space<hbm>>) target(%dma_start3A_302 : memref<2x8xf32, #tpu.memory_space<vmem>>) target_semaphore(%arg14 : memref<!tpu.dma_semaphore, #tpu.memory_space<semaphore_mem>>)
    %slice3A_305 = vector.extract_strided_slice %get3A_9 {offsets = [13], sizes = [1], strides = [1]} : vector<16xi32> to vector<1xi32>
    %squeeze3A_306 = vector.extract %slice3A_305[0] : i32 from vector<1xi32>
    %and3A_307 = arith.constant -8 : i32
    %and3A_308 = arith.andi %squeeze3A_306, %and3A_307 : i32
    %multiple_of3A_309 = tpu.assume_multiple %and3A_308, 8 : i32
    %multiple_of3A_310 = arith.constant 104 : i32
    %multiple_of3A_311 = tpu.assume_multiple %multiple_of3A_310, 8 : i32
    %dma_start3A_312 = arith.constant 0 : i32
    %dma_start3A_313 = tpu.memref_slice %arg9[%dma_start3A_312, %multiple_of3A_311] : memref<6x4096xf32, #tpu.memory_space<vmem>> -> memref<6x8xf32, #tpu.memory_space<vmem>>
    %dma_start3A_314 = arith.constant 0 : i32
    %dma_start3A_315 = tpu.memref_slice %arg3[%dma_start3A_314, %multiple_of3A_309] : memref<6x1000000xf32, #tpu.memory_space<hbm>> -> memref<6x8xf32, #tpu.memory_space<hbm>>
    %dma_start3A_316 = arith.constant 0 : i32
    %dma_start3A_317 = tpu.memref_slice %arg9[%dma_start3A_316, %multiple_of3A_311] : memref<6x4096xf32, #tpu.memory_space<vmem>> -> memref<6x8xf32, #tpu.memory_space<vmem>>
    %dma_start3A_318 = arith.constant 0 : i32
    %dma_start3A_319 = tpu.memref_slice %arg3[%dma_start3A_318, %multiple_of3A_309] : memref<6x1000000xf32, #tpu.memory_space<hbm>> -> memref<6x8xf32, #tpu.memory_space<hbm>>
    tpu.enqueue_dma source(%dma_start3A_319 : memref<6x8xf32, #tpu.memory_space<hbm>>) target(%dma_start3A_317 : memref<6x8xf32, #tpu.memory_space<vmem>>) target_semaphore(%arg14 : memref<!tpu.dma_semaphore, #tpu.memory_space<semaphore_mem>>)
    %dma_start3A_320 = arith.constant 0 : i32
    %dma_start3A_321 = tpu.memref_slice %arg10[%dma_start3A_320, %multiple_of3A_311] : memref<2x4096xf32, #tpu.memory_space<vmem>> -> memref<2x8xf32, #tpu.memory_space<vmem>>
    %dma_start3A_322 = arith.constant 0 : i32
    %dma_start3A_323 = tpu.memref_slice %arg4[%dma_start3A_322, %multiple_of3A_309] : memref<2x1000000xf32, #tpu.memory_space<hbm>> -> memref<2x8xf32, #tpu.memory_space<hbm>>
    %dma_start3A_324 = arith.constant 0 : i32
    %dma_start3A_325 = tpu.memref_slice %arg10[%dma_start3A_324, %multiple_of3A_311] : memref<2x4096xf32, #tpu.memory_space<vmem>> -> memref<2x8xf32, #tpu.memory_space<vmem>>
    %dma_start3A_326 = arith.constant 0 : i32
    %dma_start3A_327 = tpu.memref_slice %arg4[%dma_start3A_326, %multiple_of3A_309] : memref<2x1000000xf32, #tpu.memory_space<hbm>> -> memref<2x8xf32, #tpu.memory_space<hbm>>
    tpu.enqueue_dma source(%dma_start3A_327 : memref<2x8xf32, #tpu.memory_space<hbm>>) target(%dma_start3A_325 : memref<2x8xf32, #tpu.memory_space<vmem>>) target_semaphore(%arg14 : memref<!tpu.dma_semaphore, #tpu.memory_space<semaphore_mem>>)
    %slice3A_328 = vector.extract_strided_slice %get3A_9 {offsets = [14], sizes = [1], strides = [1]} : vector<16xi32> to vector<1xi32>
    %squeeze3A_329 = vector.extract %slice3A_328[0] : i32 from vector<1xi32>
    %and3A_330 = arith.constant -8 : i32
    %and3A_331 = arith.andi %squeeze3A_329, %and3A_330 : i32
    %multiple_of3A_332 = tpu.assume_multiple %and3A_331, 8 : i32
    %multiple_of3A_333 = arith.constant 112 : i32
    %multiple_of3A_334 = tpu.assume_multiple %multiple_of3A_333, 8 : i32
    %dma_start3A_335 = arith.constant 0 : i32
    %dma_start3A_336 = tpu.memref_slice %arg9[%dma_start3A_335, %multiple_of3A_334] : memref<6x4096xf32, #tpu.memory_space<vmem>> -> memref<6x8xf32, #tpu.memory_space<vmem>>
    %dma_start3A_337 = arith.constant 0 : i32
    %dma_start3A_338 = tpu.memref_slice %arg3[%dma_start3A_337, %multiple_of3A_332] : memref<6x1000000xf32, #tpu.memory_space<hbm>> -> memref<6x8xf32, #tpu.memory_space<hbm>>
    %dma_start3A_339 = arith.constant 0 : i32
    %dma_start3A_340 = tpu.memref_slice %arg9[%dma_start3A_339, %multiple_of3A_334] : memref<6x4096xf32, #tpu.memory_space<vmem>> -> memref<6x8xf32, #tpu.memory_space<vmem>>
    %dma_start3A_341 = arith.constant 0 : i32
    %dma_start3A_342 = tpu.memref_slice %arg3[%dma_start3A_341, %multiple_of3A_332] : memref<6x1000000xf32, #tpu.memory_space<hbm>> -> memref<6x8xf32, #tpu.memory_space<hbm>>
    tpu.enqueue_dma source(%dma_start3A_342 : memref<6x8xf32, #tpu.memory_space<hbm>>) target(%dma_start3A_340 : memref<6x8xf32, #tpu.memory_space<vmem>>) target_semaphore(%arg14 : memref<!tpu.dma_semaphore, #tpu.memory_space<semaphore_mem>>)
    %dma_start3A_343 = arith.constant 0 : i32
    %dma_start3A_344 = tpu.memref_slice %arg10[%dma_start3A_343, %multiple_of3A_334] : memref<2x4096xf32, #tpu.memory_space<vmem>> -> memref<2x8xf32, #tpu.memory_space<vmem>>
    %dma_start3A_345 = arith.constant 0 : i32
    %dma_start3A_346 = tpu.memref_slice %arg4[%dma_start3A_345, %multiple_of3A_332] : memref<2x1000000xf32, #tpu.memory_space<hbm>> -> memref<2x8xf32, #tpu.memory_space<hbm>>
    %dma_start3A_347 = arith.constant 0 : i32
    %dma_start3A_348 = tpu.memref_slice %arg10[%dma_start3A_347, %multiple_of3A_334] : memref<2x4096xf32, #tpu.memory_space<vmem>> -> memref<2x8xf32, #tpu.memory_space<vmem>>
    %dma_start3A_349 = arith.constant 0 : i32
    %dma_start3A_350 = tpu.memref_slice %arg4[%dma_start3A_349, %multiple_of3A_332] : memref<2x1000000xf32, #tpu.memory_space<hbm>> -> memref<2x8xf32, #tpu.memory_space<hbm>>
    tpu.enqueue_dma source(%dma_start3A_350 : memref<2x8xf32, #tpu.memory_space<hbm>>) target(%dma_start3A_348 : memref<2x8xf32, #tpu.memory_space<vmem>>) target_semaphore(%arg14 : memref<!tpu.dma_semaphore, #tpu.memory_space<semaphore_mem>>)
    %slice3A_351 = vector.extract_strided_slice %get3A_9 {offsets = [15], sizes = [1], strides = [1]} : vector<16xi32> to vector<1xi32>
    %squeeze3A_352 = vector.extract %slice3A_351[0] : i32 from vector<1xi32>
    %and3A_353 = arith.constant -8 : i32
    %and3A_354 = arith.andi %squeeze3A_352, %and3A_353 : i32
    %multiple_of3A_355 = tpu.assume_multiple %and3A_354, 8 : i32
    %multiple_of3A_356 = arith.constant 120 : i32
    %multiple_of3A_357 = tpu.assume_multiple %multiple_of3A_356, 8 : i32
    %dma_start3A_358 = arith.constant 0 : i32
    %dma_start3A_359 = tpu.memref_slice %arg9[%dma_start3A_358, %multiple_of3A_357] : memref<6x4096xf32, #tpu.memory_space<vmem>> -> memref<6x8xf32, #tpu.memory_space<vmem>>
    %dma_start3A_360 = arith.constant 0 : i32
    %dma_start3A_361 = tpu.memref_slice %arg3[%dma_start3A_360, %multiple_of3A_355] : memref<6x1000000xf32, #tpu.memory_space<hbm>> -> memref<6x8xf32, #tpu.memory_space<hbm>>
    %dma_start3A_362 = arith.constant 0 : i32
    %dma_start3A_363 = tpu.memref_slice %arg9[%dma_start3A_362, %multiple_of3A_357] : memref<6x4096xf32, #tpu.memory_space<vmem>> -> memref<6x8xf32, #tpu.memory_space<vmem>>
    %dma_start3A_364 = arith.constant 0 : i32
    %dma_start3A_365 = tpu.memref_slice %arg3[%dma_start3A_364, %multiple_of3A_355] : memref<6x1000000xf32, #tpu.memory_space<hbm>> -> memref<6x8xf32, #tpu.memory_space<hbm>>
    tpu.enqueue_dma source(%dma_start3A_365 : memref<6x8xf32, #tpu.memory_space<hbm>>) target(%dma_start3A_363 : memref<6x8xf32, #tpu.memory_space<vmem>>) target_semaphore(%arg14 : memref<!tpu.dma_semaphore, #tpu.memory_space<semaphore_mem>>)
    %dma_start3A_366 = arith.constant 0 : i32
    %dma_start3A_367 = tpu.memref_slice %arg10[%dma_start3A_366, %multiple_of3A_357] : memref<2x4096xf32, #tpu.memory_space<vmem>> -> memref<2x8xf32, #tpu.memory_space<vmem>>
    %dma_start3A_368 = arith.constant 0 : i32
    %dma_start3A_369 = tpu.memref_slice %arg4[%dma_start3A_368, %multiple_of3A_355] : memref<2x1000000xf32, #tpu.memory_space<hbm>> -> memref<2x8xf32, #tpu.memory_space<hbm>>
    %dma_start3A_370 = arith.constant 0 : i32
    %dma_start3A_371 = tpu.memref_slice %arg10[%dma_start3A_370, %multiple_of3A_357] : memref<2x4096xf32, #tpu.memory_space<vmem>> -> memref<2x8xf32, #tpu.memory_space<vmem>>
    %dma_start3A_372 = arith.constant 0 : i32
    %dma_start3A_373 = tpu.memref_slice %arg4[%dma_start3A_372, %multiple_of3A_355] : memref<2x1000000xf32, #tpu.memory_space<hbm>> -> memref<2x8xf32, #tpu.memory_space<hbm>>
    tpu.enqueue_dma source(%dma_start3A_373 : memref<2x8xf32, #tpu.memory_space<hbm>>) target(%dma_start3A_371 : memref<2x8xf32, #tpu.memory_space<vmem>>) target_semaphore(%arg14 : memref<!tpu.dma_semaphore, #tpu.memory_space<semaphore_mem>>)
    %scan3A_374 = arith.constant 0 : i32
    %scan3A_375 = arith.constant 31 : i32
    %scan3A_376 = arith.addi %scan3A_374, %scan3A_375 : i32
    %scan3A_377 = arith.constant 1 : i32
    scf.for %scan3A_1429 = %scan3A_374 to %scan3A_376 step %scan3A_377  : i32 {
      %mul3A_1430 = arith.constant 1 : i32
      %mul3A_1431 = arith.muli %scan3A_1429, %mul3A_1430 : i32
      %add3A_1432 = arith.constant 1 : i32
      %add3A_1433 = arith.addi %add3A_1432, %mul3A_1431 : i32
      %mul3A_1434 = arith.constant 16 : i32
      %mul3A_1435 = arith.muli %add3A_1433, %mul3A_1434 : i32
      %get3A_1436 = arith.index_cast %mul3A_1435 : i32 to index
      %get3A_1437 = tpu.vector_load %arg7[%get3A_1436] {strides = array<i32>} : memref<512xi32, #tpu.memory_space<vmem>>, vector<16xi32>,
      %slice3A_1438 = vector.extract_strided_slice %get3A_1437 {offsets = [0], sizes = [1], strides = [1]} : vector<16xi32> to vector<1xi32>
      %squeeze3A_1439 = vector.extract %slice3A_1438[0] : i32 from vector<1xi32>
      %and3A_1440 = arith.constant -8 : i32
      %and3A_1441 = arith.andi %squeeze3A_1439, %and3A_1440 : i32
      %multiple_of3A_1442 = tpu.assume_multiple %and3A_1441, 8 : i32
      %mul3A_1443 = arith.constant 16 : i32
      %mul3A_1444 = arith.muli %add3A_1433, %mul3A_1443 : i32
      %add3A_1445 = arith.constant 0 : i32
      %add3A_1446 = arith.addi %mul3A_1444, %add3A_1445 : i32
      %mul3A_1447 = arith.constant 8 : i32
      %mul3A_1448 = arith.muli %add3A_1446, %mul3A_1447 : i32
      %multiple_of3A_1449 = tpu.assume_multiple %mul3A_1448, 8 : i32
      %dma_start3A_1450 = arith.constant 0 : i32
      %dma_start3A_1451 = tpu.memref_slice %arg9[%dma_start3A_1450, %multiple_of3A_1449] : memref<6x4096xf32, #tpu.memory_space<vmem>> -> memref<6x8xf32, #tpu.memory_space<vmem>>
      %dma_start3A_1452 = arith.constant 0 : i32
      %dma_start3A_1453 = tpu.memref_slice %arg3[%dma_start3A_1452, %multiple_of3A_1442] : memref<6x1000000xf32, #tpu.memory_space<hbm>> -> memref<6x8xf32, #tpu.memory_space<hbm>>
      %dma_start3A_1454 = arith.constant 0 : i32
      %dma_start3A_1455 = tpu.memref_slice %arg9[%dma_start3A_1454, %multiple_of3A_1449] : memref<6x4096xf32, #tpu.memory_space<vmem>> -> memref<6x8xf32, #tpu.memory_space<vmem>>
      %dma_start3A_1456 = arith.constant 0 : i32
      %dma_start3A_1457 = tpu.memref_slice %arg3[%dma_start3A_1456, %multiple_of3A_1442] : memref<6x1000000xf32, #tpu.memory_space<hbm>> -> memref<6x8xf32, #tpu.memory_space<hbm>>
      tpu.enqueue_dma source(%dma_start3A_1457 : memref<6x8xf32, #tpu.memory_space<hbm>>) target(%dma_start3A_1455 : memref<6x8xf32, #tpu.memory_space<vmem>>) target_semaphore(%arg14 : memref<!tpu.dma_semaphore, #tpu.memory_space<semaphore_mem>>)
      %dma_start3A_1458 = arith.constant 0 : i32
      %dma_start3A_1459 = tpu.memref_slice %arg10[%dma_start3A_1458, %multiple_of3A_1449] : memref<2x4096xf32, #tpu.memory_space<vmem>> -> memref<2x8xf32, #tpu.memory_space<vmem>>
      %dma_start3A_1460 = arith.constant 0 : i32
      %dma_start3A_1461 = tpu.memref_slice %arg4[%dma_start3A_1460, %multiple_of3A_1442] : memref<2x1000000xf32, #tpu.memory_space<hbm>> -> memref<2x8xf32, #tpu.memory_space<hbm>>
      %dma_start3A_1462 = arith.constant 0 : i32
      %dma_start3A_1463 = tpu.memref_slice %arg10[%dma_start3A_1462, %multiple_of3A_1449] : memref<2x4096xf32, #tpu.memory_space<vmem>> -> memref<2x8xf32, #tpu.memory_space<vmem>>
      %dma_start3A_1464 = arith.constant 0 : i32
      %dma_start3A_1465 = tpu.memref_slice %arg4[%dma_start3A_1464, %multiple_of3A_1442] : memref<2x1000000xf32, #tpu.memory_space<hbm>> -> memref<2x8xf32, #tpu.memory_space<hbm>>
      tpu.enqueue_dma source(%dma_start3A_1465 : memref<2x8xf32, #tpu.memory_space<hbm>>) target(%dma_start3A_1463 : memref<2x8xf32, #tpu.memory_space<vmem>>) target_semaphore(%arg14 : memref<!tpu.dma_semaphore, #tpu.memory_space<semaphore_mem>>)
      %slice3A_1466 = vector.extract_strided_slice %get3A_1437 {offsets = [1], sizes = [1], strides = [1]} : vector<16xi32> to vector<1xi32>
      %squeeze3A_1467 = vector.extract %slice3A_1466[0] : i32 from vector<1xi32>
      %and3A_1468 = arith.constant -8 : i32
      %and3A_1469 = arith.andi %squeeze3A_1467, %and3A_1468 : i32
      %multiple_of3A_1470 = tpu.assume_multiple %and3A_1469, 8 : i32
      %mul3A_1471 = arith.constant 16 : i32
      %mul3A_1472 = arith.muli %add3A_1433, %mul3A_1471 : i32
      %add3A_1473 = arith.constant 1 : i32
      %add3A_1474 = arith.addi %mul3A_1472, %add3A_1473 : i32
      %mul3A_1475 = arith.constant 8 : i32
      %mul3A_1476 = arith.muli %add3A_1474, %mul3A_1475 : i32
      %multiple_of3A_1477 = tpu.assume_multiple %mul3A_1476, 8 : i32
      %dma_start3A_1478 = arith.constant 0 : i32
      %dma_start3A_1479 = tpu.memref_slice %arg9[%dma_start3A_1478, %multiple_of3A_1477] : memref<6x4096xf32, #tpu.memory_space<vmem>> -> memref<6x8xf32, #tpu.memory_space<vmem>>
      %dma_start3A_1480 = arith.constant 0 : i32
      %dma_start3A_1481 = tpu.memref_slice %arg3[%dma_start3A_1480, %multiple_of3A_1470] : memref<6x1000000xf32, #tpu.memory_space<hbm>> -> memref<6x8xf32, #tpu.memory_space<hbm>>
      %dma_start3A_1482 = arith.constant 0 : i32
      %dma_start3A_1483 = tpu.memref_slice %arg9[%dma_start3A_1482, %multiple_of3A_1477] : memref<6x4096xf32, #tpu.memory_space<vmem>> -> memref<6x8xf32, #tpu.memory_space<vmem>>
      %dma_start3A_1484 = arith.constant 0 : i32
      %dma_start3A_1485 = tpu.memref_slice %arg3[%dma_start3A_1484, %multiple_of3A_1470] : memref<6x1000000xf32, #tpu.memory_space<hbm>> -> memref<6x8xf32, #tpu.memory_space<hbm>>
      tpu.enqueue_dma source(%dma_start3A_1485 : memref<6x8xf32, #tpu.memory_space<hbm>>) target(%dma_start3A_1483 : memref<6x8xf32, #tpu.memory_space<vmem>>) target_semaphore(%arg14 : memref<!tpu.dma_semaphore, #tpu.memory_space<semaphore_mem>>)
      %dma_start3A_1486 = arith.constant 0 : i32
      %dma_start3A_1487 = tpu.memref_slice %arg10[%dma_start3A_1486, %multiple_of3A_1477] : memref<2x4096xf32, #tpu.memory_space<vmem>> -> memref<2x8xf32, #tpu.memory_space<vmem>>
      %dma_start3A_1488 = arith.constant 0 : i32
      %dma_start3A_1489 = tpu.memref_slice %arg4[%dma_start3A_1488, %multiple_of3A_1470] : memref<2x1000000xf32, #tpu.memory_space<hbm>> -> memref<2x8xf32, #tpu.memory_space<hbm>>
      %dma_start3A_1490 = arith.constant 0 : i32
      %dma_start3A_1491 = tpu.memref_slice %arg10[%dma_start3A_1490, %multiple_of3A_1477] : memref<2x4096xf32, #tpu.memory_space<vmem>> -> memref<2x8xf32, #tpu.memory_space<vmem>>
      %dma_start3A_1492 = arith.constant 0 : i32
      %dma_start3A_1493 = tpu.memref_slice %arg4[%dma_start3A_1492, %multiple_of3A_1470] : memref<2x1000000xf32, #tpu.memory_space<hbm>> -> memref<2x8xf32, #tpu.memory_space<hbm>>
      tpu.enqueue_dma source(%dma_start3A_1493 : memref<2x8xf32, #tpu.memory_space<hbm>>) target(%dma_start3A_1491 : memref<2x8xf32, #tpu.memory_space<vmem>>) target_semaphore(%arg14 : memref<!tpu.dma_semaphore, #tpu.memory_space<semaphore_mem>>)
      %slice3A_1494 = vector.extract_strided_slice %get3A_1437 {offsets = [2], sizes = [1], strides = [1]} : vector<16xi32> to vector<1xi32>
      %squeeze3A_1495 = vector.extract %slice3A_1494[0] : i32 from vector<1xi32>
      %and3A_1496 = arith.constant -8 : i32
      %and3A_1497 = arith.andi %squeeze3A_1495, %and3A_1496 : i32
      %multiple_of3A_1498 = tpu.assume_multiple %and3A_1497, 8 : i32
      %mul3A_1499 = arith.constant 16 : i32
      %mul3A_1500 = arith.muli %add3A_1433, %mul3A_1499 : i32
      %add3A_1501 = arith.constant 2 : i32
      %add3A_1502 = arith.addi %mul3A_1500, %add3A_1501 : i32
      %mul3A_1503 = arith.constant 8 : i32
      %mul3A_1504 = arith.muli %add3A_1502, %mul3A_1503 : i32
      %multiple_of3A_1505 = tpu.assume_multiple %mul3A_1504, 8 : i32
      %dma_start3A_1506 = arith.constant 0 : i32
      %dma_start3A_1507 = tpu.memref_slice %arg9[%dma_start3A_1506, %multiple_of3A_1505] : memref<6x4096xf32, #tpu.memory_space<vmem>> -> memref<6x8xf32, #tpu.memory_space<vmem>>
      %dma_start3A_1508 = arith.constant 0 : i32
      %dma_start3A_1509 = tpu.memref_slice %arg3[%dma_start3A_1508, %multiple_of3A_1498] : memref<6x1000000xf32, #tpu.memory_space<hbm>> -> memref<6x8xf32, #tpu.memory_space<hbm>>
      %dma_start3A_1510 = arith.constant 0 : i32
      %dma_start3A_1511 = tpu.memref_slice %arg9[%dma_start3A_1510, %multiple_of3A_1505] : memref<6x4096xf32, #tpu.memory_space<vmem>> -> memref<6x8xf32, #tpu.memory_space<vmem>>
      %dma_start3A_1512 = arith.constant 0 : i32
      %dma_start3A_1513 = tpu.memref_slice %arg3[%dma_start3A_1512, %multiple_of3A_1498] : memref<6x1000000xf32, #tpu.memory_space<hbm>> -> memref<6x8xf32, #tpu.memory_space<hbm>>
      tpu.enqueue_dma source(%dma_start3A_1513 : memref<6x8xf32, #tpu.memory_space<hbm>>) target(%dma_start3A_1511 : memref<6x8xf32, #tpu.memory_space<vmem>>) target_semaphore(%arg14 : memref<!tpu.dma_semaphore, #tpu.memory_space<semaphore_mem>>)
      %dma_start3A_1514 = arith.constant 0 : i32
      %dma_start3A_1515 = tpu.memref_slice %arg10[%dma_start3A_1514, %multiple_of3A_1505] : memref<2x4096xf32, #tpu.memory_space<vmem>> -> memref<2x8xf32, #tpu.memory_space<vmem>>
      %dma_start3A_1516 = arith.constant 0 : i32
      %dma_start3A_1517 = tpu.memref_slice %arg4[%dma_start3A_1516, %multiple_of3A_1498] : memref<2x1000000xf32, #tpu.memory_space<hbm>> -> memref<2x8xf32, #tpu.memory_space<hbm>>
      %dma_start3A_1518 = arith.constant 0 : i32
      %dma_start3A_1519 = tpu.memref_slice %arg10[%dma_start3A_1518, %multiple_of3A_1505] : memref<2x4096xf32, #tpu.memory_space<vmem>> -> memref<2x8xf32, #tpu.memory_space<vmem>>
      %dma_start3A_1520 = arith.constant 0 : i32
      %dma_start3A_1521 = tpu.memref_slice %arg4[%dma_start3A_1520, %multiple_of3A_1498] : memref<2x1000000xf32, #tpu.memory_space<hbm>> -> memref<2x8xf32, #tpu.memory_space<hbm>>
      tpu.enqueue_dma source(%dma_start3A_1521 : memref<2x8xf32, #tpu.memory_space<hbm>>) target(%dma_start3A_1519 : memref<2x8xf32, #tpu.memory_space<vmem>>) target_semaphore(%arg14 : memref<!tpu.dma_semaphore, #tpu.memory_space<semaphore_mem>>)
      %slice3A_1522 = vector.extract_strided_slice %get3A_1437 {offsets = [3], sizes = [1], strides = [1]} : vector<16xi32> to vector<1xi32>
      %squeeze3A_1523 = vector.extract %slice3A_1522[0] : i32 from vector<1xi32>
      %and3A_1524 = arith.constant -8 : i32
      %and3A_1525 = arith.andi %squeeze3A_1523, %and3A_1524 : i32
      %multiple_of3A_1526 = tpu.assume_multiple %and3A_1525, 8 : i32
      %mul3A_1527 = arith.constant 16 : i32
      %mul3A_1528 = arith.muli %add3A_1433, %mul3A_1527 : i32
      %add3A_1529 = arith.constant 3 : i32
      %add3A_1530 = arith.addi %mul3A_1528, %add3A_1529 : i32
      %mul3A_1531 = arith.constant 8 : i32
      %mul3A_1532 = arith.muli %add3A_1530, %mul3A_1531 : i32
      %multiple_of3A_1533 = tpu.assume_multiple %mul3A_1532, 8 : i32
      %dma_start3A_1534 = arith.constant 0 : i32
      %dma_start3A_1535 = tpu.memref_slice %arg9[%dma_start3A_1534, %multiple_of3A_1533] : memref<6x4096xf32, #tpu.memory_space<vmem>> -> memref<6x8xf32, #tpu.memory_space<vmem>>
      %dma_start3A_1536 = arith.constant 0 : i32
      %dma_start3A_1537 = tpu.memref_slice %arg3[%dma_start3A_1536, %multiple_of3A_1526] : memref<6x1000000xf32, #tpu.memory_space<hbm>> -> memref<6x8xf32, #tpu.memory_space<hbm>>
      %dma_start3A_1538 = arith.constant 0 : i32
      %dma_start3A_1539 = tpu.memref_slice %arg9[%dma_start3A_1538, %multiple_of3A_1533] : memref<6x4096xf32, #tpu.memory_space<vmem>> -> memref<6x8xf32, #tpu.memory_space<vmem>>
      %dma_start3A_1540 = arith.constant 0 : i32
      %dma_start3A_1541 = tpu.memref_slice %arg3[%dma_start3A_1540, %multiple_of3A_1526] : memref<6x1000000xf32, #tpu.memory_space<hbm>> -> memref<6x8xf32, #tpu.memory_space<hbm>>
      tpu.enqueue_dma source(%dma_start3A_1541 : memref<6x8xf32, #tpu.memory_space<hbm>>) target(%dma_start3A_1539 : memref<6x8xf32, #tpu.memory_space<vmem>>) target_semaphore(%arg14 : memref<!tpu.dma_semaphore, #tpu.memory_space<semaphore_mem>>)
      %dma_start3A_1542 = arith.constant 0 : i32
      %dma_start3A_1543 = tpu.memref_slice %arg10[%dma_start3A_1542, %multiple_of3A_1533] : memref<2x4096xf32, #tpu.memory_space<vmem>> -> memref<2x8xf32, #tpu.memory_space<vmem>>
      %dma_start3A_1544 = arith.constant 0 : i32
      %dma_start3A_1545 = tpu.memref_slice %arg4[%dma_start3A_1544, %multiple_of3A_1526] : memref<2x1000000xf32, #tpu.memory_space<hbm>> -> memref<2x8xf32, #tpu.memory_space<hbm>>
      %dma_start3A_1546 = arith.constant 0 : i32
      %dma_start3A_1547 = tpu.memref_slice %arg10[%dma_start3A_1546, %multiple_of3A_1533] : memref<2x4096xf32, #tpu.memory_space<vmem>> -> memref<2x8xf32, #tpu.memory_space<vmem>>
      %dma_start3A_1548 = arith.constant 0 : i32
      %dma_start3A_1549 = tpu.memref_slice %arg4[%dma_start3A_1548, %multiple_of3A_1526] : memref<2x1000000xf32, #tpu.memory_space<hbm>> -> memref<2x8xf32, #tpu.memory_space<hbm>>
      tpu.enqueue_dma source(%dma_start3A_1549 : memref<2x8xf32, #tpu.memory_space<hbm>>) target(%dma_start3A_1547 : memref<2x8xf32, #tpu.memory_space<vmem>>) target_semaphore(%arg14 : memref<!tpu.dma_semaphore, #tpu.memory_space<semaphore_mem>>)
      %slice3A_1550 = vector.extract_strided_slice %get3A_1437 {offsets = [4], sizes = [1], strides = [1]} : vector<16xi32> to vector<1xi32>
      %squeeze3A_1551 = vector.extract %slice3A_1550[0] : i32 from vector<1xi32>
      %and3A_1552 = arith.constant -8 : i32
      %and3A_1553 = arith.andi %squeeze3A_1551, %and3A_1552 : i32
      %multiple_of3A_1554 = tpu.assume_multiple %and3A_1553, 8 : i32
      %mul3A_1555 = arith.constant 16 : i32
      %mul3A_1556 = arith.muli %add3A_1433, %mul3A_1555 : i32
      %add3A_1557 = arith.constant 4 : i32
      %add3A_1558 = arith.addi %mul3A_1556, %add3A_1557 : i32
      %mul3A_1559 = arith.constant 8 : i32
      %mul3A_1560 = arith.muli %add3A_1558, %mul3A_1559 : i32
      %multiple_of3A_1561 = tpu.assume_multiple %mul3A_1560, 8 : i32
      %dma_start3A_1562 = arith.constant 0 : i32
      %dma_start3A_1563 = tpu.memref_slice %arg9[%dma_start3A_1562, %multiple_of3A_1561] : memref<6x4096xf32, #tpu.memory_space<vmem>> -> memref<6x8xf32, #tpu.memory_space<vmem>>
      %dma_start3A_1564 = arith.constant 0 : i32
      %dma_start3A_1565 = tpu.memref_slice %arg3[%dma_start3A_1564, %multiple_of3A_1554] : memref<6x1000000xf32, #tpu.memory_space<hbm>> -> memref<6x8xf32, #tpu.memory_space<hbm>>
      %dma_start3A_1566 = arith.constant 0 : i32
      %dma_start3A_1567 = tpu.memref_slice %arg9[%dma_start3A_1566, %multiple_of3A_1561] : memref<6x4096xf32, #tpu.memory_space<vmem>> -> memref<6x8xf32, #tpu.memory_space<vmem>>
      %dma_start3A_1568 = arith.constant 0 : i32
      %dma_start3A_1569 = tpu.memref_slice %arg3[%dma_start3A_1568, %multiple_of3A_1554] : memref<6x1000000xf32, #tpu.memory_space<hbm>> -> memref<6x8xf32, #tpu.memory_space<hbm>>
      tpu.enqueue_dma source(%dma_start3A_1569 : memref<6x8xf32, #tpu.memory_space<hbm>>) target(%dma_start3A_1567 : memref<6x8xf32, #tpu.memory_space<vmem>>) target_semaphore(%arg14 : memref<!tpu.dma_semaphore, #tpu.memory_space<semaphore_mem>>)
      %dma_start3A_1570 = arith.constant 0 : i32
      %dma_start3A_1571 = tpu.memref_slice %arg10[%dma_start3A_1570, %multiple_of3A_1561] : memref<2x4096xf32, #tpu.memory_space<vmem>> -> memref<2x8xf32, #tpu.memory_space<vmem>>
      %dma_start3A_1572 = arith.constant 0 : i32
      %dma_start3A_1573 = tpu.memref_slice %arg4[%dma_start3A_1572, %multiple_of3A_1554] : memref<2x1000000xf32, #tpu.memory_space<hbm>> -> memref<2x8xf32, #tpu.memory_space<hbm>>
      %dma_start3A_1574 = arith.constant 0 : i32
      %dma_start3A_1575 = tpu.memref_slice %arg10[%dma_start3A_1574, %multiple_of3A_1561] : memref<2x4096xf32, #tpu.memory_space<vmem>> -> memref<2x8xf32, #tpu.memory_space<vmem>>
      %dma_start3A_1576 = arith.constant 0 : i32
      %dma_start3A_1577 = tpu.memref_slice %arg4[%dma_start3A_1576, %multiple_of3A_1554] : memref<2x1000000xf32, #tpu.memory_space<hbm>> -> memref<2x8xf32, #tpu.memory_space<hbm>>
      tpu.enqueue_dma source(%dma_start3A_1577 : memref<2x8xf32, #tpu.memory_space<hbm>>) target(%dma_start3A_1575 : memref<2x8xf32, #tpu.memory_space<vmem>>) target_semaphore(%arg14 : memref<!tpu.dma_semaphore, #tpu.memory_space<semaphore_mem>>)
      %slice3A_1578 = vector.extract_strided_slice %get3A_1437 {offsets = [5], sizes = [1], strides = [1]} : vector<16xi32> to vector<1xi32>
      %squeeze3A_1579 = vector.extract %slice3A_1578[0] : i32 from vector<1xi32>
      %and3A_1580 = arith.constant -8 : i32
      %and3A_1581 = arith.andi %squeeze3A_1579, %and3A_1580 : i32
      %multiple_of3A_1582 = tpu.assume_multiple %and3A_1581, 8 : i32
      %mul3A_1583 = arith.constant 16 : i32
      %mul3A_1584 = arith.muli %add3A_1433, %mul3A_1583 : i32
      %add3A_1585 = arith.constant 5 : i32
      %add3A_1586 = arith.addi %mul3A_1584, %add3A_1585 : i32
      %mul3A_1587 = arith.constant 8 : i32
      %mul3A_1588 = arith.muli %add3A_1586, %mul3A_1587 : i32
      %multiple_of3A_1589 = tpu.assume_multiple %mul3A_1588, 8 : i32
      %dma_start3A_1590 = arith.constant 0 : i32
      %dma_start3A_1591 = tpu.memref_slice %arg9[%dma_start3A_1590, %multiple_of3A_1589] : memref<6x4096xf32, #tpu.memory_space<vmem>> -> memref<6x8xf32, #tpu.memory_space<vmem>>
      %dma_start3A_1592 = arith.constant 0 : i32
      %dma_start3A_1593 = tpu.memref_slice %arg3[%dma_start3A_1592, %multiple_of3A_1582] : memref<6x1000000xf32, #tpu.memory_space<hbm>> -> memref<6x8xf32, #tpu.memory_space<hbm>>
      %dma_start3A_1594 = arith.constant 0 : i32
      %dma_start3A_1595 = tpu.memref_slice %arg9[%dma_start3A_1594, %multiple_of3A_1589] : memref<6x4096xf32, #tpu.memory_space<vmem>> -> memref<6x8xf32, #tpu.memory_space<vmem>>
      %dma_start3A_1596 = arith.constant 0 : i32
      %dma_start3A_1597 = tpu.memref_slice %arg3[%dma_start3A_1596, %multiple_of3A_1582] : memref<6x1000000xf32, #tpu.memory_space<hbm>> -> memref<6x8xf32, #tpu.memory_space<hbm>>
      tpu.enqueue_dma source(%dma_start3A_1597 : memref<6x8xf32, #tpu.memory_space<hbm>>) target(%dma_start3A_1595 : memref<6x8xf32, #tpu.memory_space<vmem>>) target_semaphore(%arg14 : memref<!tpu.dma_semaphore, #tpu.memory_space<semaphore_mem>>)
      %dma_start3A_1598 = arith.constant 0 : i32
      %dma_start3A_1599 = tpu.memref_slice %arg10[%dma_start3A_1598, %multiple_of3A_1589] : memref<2x4096xf32, #tpu.memory_space<vmem>> -> memref<2x8xf32, #tpu.memory_space<vmem>>
      %dma_start3A_1600 = arith.constant 0 : i32
      %dma_start3A_1601 = tpu.memref_slice %arg4[%dma_start3A_1600, %multiple_of3A_1582] : memref<2x1000000xf32, #tpu.memory_space<hbm>> -> memref<2x8xf32, #tpu.memory_space<hbm>>
      %dma_start3A_1602 = arith.constant 0 : i32
      %dma_start3A_1603 = tpu.memref_slice %arg10[%dma_start3A_1602, %multiple_of3A_1589] : memref<2x4096xf32, #tpu.memory_space<vmem>> -> memref<2x8xf32, #tpu.memory_space<vmem>>
      %dma_start3A_1604 = arith.constant 0 : i32
      %dma_start3A_1605 = tpu.memref_slice %arg4[%dma_start3A_1604, %multiple_of3A_1582] : memref<2x1000000xf32, #tpu.memory_space<hbm>> -> memref<2x8xf32, #tpu.memory_space<hbm>>
      tpu.enqueue_dma source(%dma_start3A_1605 : memref<2x8xf32, #tpu.memory_space<hbm>>) target(%dma_start3A_1603 : memref<2x8xf32, #tpu.memory_space<vmem>>) target_semaphore(%arg14 : memref<!tpu.dma_semaphore, #tpu.memory_space<semaphore_mem>>)
      %slice3A_1606 = vector.extract_strided_slice %get3A_1437 {offsets = [6], sizes = [1], strides = [1]} : vector<16xi32> to vector<1xi32>
      %squeeze3A_1607 = vector.extract %slice3A_1606[0] : i32 from vector<1xi32>
      %and3A_1608 = arith.constant -8 : i32
      %and3A_1609 = arith.andi %squeeze3A_1607, %and3A_1608 : i32
      %multiple_of3A_1610 = tpu.assume_multiple %and3A_1609, 8 : i32
      %mul3A_1611 = arith.constant 16 : i32
      %mul3A_1612 = arith.muli %add3A_1433, %mul3A_1611 : i32
      %add3A_1613 = arith.constant 6 : i32
      %add3A_1614 = arith.addi %mul3A_1612, %add3A_1613 : i32
      %mul3A_1615 = arith.constant 8 : i32
      %mul3A_1616 = arith.muli %add3A_1614, %mul3A_1615 : i32
      %multiple_of3A_1617 = tpu.assume_multiple %mul3A_1616, 8 : i32
      %dma_start3A_1618 = arith.constant 0 : i32
      %dma_start3A_1619 = tpu.memref_slice %arg9[%dma_start3A_1618, %multiple_of3A_1617] : memref<6x4096xf32, #tpu.memory_space<vmem>> -> memref<6x8xf32, #tpu.memory_space<vmem>>
      %dma_start3A_1620 = arith.constant 0 : i32
      %dma_start3A_1621 = tpu.memref_slice %arg3[%dma_start3A_1620, %multiple_of3A_1610] : memref<6x1000000xf32, #tpu.memory_space<hbm>> -> memref<6x8xf32, #tpu.memory_space<hbm>>
      %dma_start3A_1622 = arith.constant 0 : i32
      %dma_start3A_1623 = tpu.memref_slice %arg9[%dma_start3A_1622, %multiple_of3A_1617] : memref<6x4096xf32, #tpu.memory_space<vmem>> -> memref<6x8xf32, #tpu.memory_space<vmem>>
      %dma_start3A_1624 = arith.constant 0 : i32
      %dma_start3A_1625 = tpu.memref_slice %arg3[%dma_start3A_1624, %multiple_of3A_1610] : memref<6x1000000xf32, #tpu.memory_space<hbm>> -> memref<6x8xf32, #tpu.memory_space<hbm>>
      tpu.enqueue_dma source(%dma_start3A_1625 : memref<6x8xf32, #tpu.memory_space<hbm>>) target(%dma_start3A_1623 : memref<6x8xf32, #tpu.memory_space<vmem>>) target_semaphore(%arg14 : memref<!tpu.dma_semaphore, #tpu.memory_space<semaphore_mem>>)
      %dma_start3A_1626 = arith.constant 0 : i32
      %dma_start3A_1627 = tpu.memref_slice %arg10[%dma_start3A_1626, %multiple_of3A_1617] : memref<2x4096xf32, #tpu.memory_space<vmem>> -> memref<2x8xf32, #tpu.memory_space<vmem>>
      %dma_start3A_1628 = arith.constant 0 : i32
      %dma_start3A_1629 = tpu.memref_slice %arg4[%dma_start3A_1628, %multiple_of3A_1610] : memref<2x1000000xf32, #tpu.memory_space<hbm>> -> memref<2x8xf32, #tpu.memory_space<hbm>>
      %dma_start3A_1630 = arith.constant 0 : i32
      %dma_start3A_1631 = tpu.memref_slice %arg10[%dma_start3A_1630, %multiple_of3A_1617] : memref<2x4096xf32, #tpu.memory_space<vmem>> -> memref<2x8xf32, #tpu.memory_space<vmem>>
      %dma_start3A_1632 = arith.constant 0 : i32
      %dma_start3A_1633 = tpu.memref_slice %arg4[%dma_start3A_1632, %multiple_of3A_1610] : memref<2x1000000xf32, #tpu.memory_space<hbm>> -> memref<2x8xf32, #tpu.memory_space<hbm>>
      tpu.enqueue_dma source(%dma_start3A_1633 : memref<2x8xf32, #tpu.memory_space<hbm>>) target(%dma_start3A_1631 : memref<2x8xf32, #tpu.memory_space<vmem>>) target_semaphore(%arg14 : memref<!tpu.dma_semaphore, #tpu.memory_space<semaphore_mem>>)
      %slice3A_1634 = vector.extract_strided_slice %get3A_1437 {offsets = [7], sizes = [1], strides = [1]} : vector<16xi32> to vector<1xi32>
      %squeeze3A_1635 = vector.extract %slice3A_1634[0] : i32 from vector<1xi32>
      %and3A_1636 = arith.constant -8 : i32
      %and3A_1637 = arith.andi %squeeze3A_1635, %and3A_1636 : i32
      %multiple_of3A_1638 = tpu.assume_multiple %and3A_1637, 8 : i32
      %mul3A_1639 = arith.constant 16 : i32
      %mul3A_1640 = arith.muli %add3A_1433, %mul3A_1639 : i32
      %add3A_1641 = arith.constant 7 : i32
      %add3A_1642 = arith.addi %mul3A_1640, %add3A_1641 : i32
      %mul3A_1643 = arith.constant 8 : i32
      %mul3A_1644 = arith.muli %add3A_1642, %mul3A_1643 : i32
      %multiple_of3A_1645 = tpu.assume_multiple %mul3A_1644, 8 : i32
      %dma_start3A_1646 = arith.constant 0 : i32
      %dma_start3A_1647 = tpu.memref_slice %arg9[%dma_start3A_1646, %multiple_of3A_1645] : memref<6x4096xf32, #tpu.memory_space<vmem>> -> memref<6x8xf32, #tpu.memory_space<vmem>>
      %dma_start3A_1648 = arith.constant 0 : i32
      %dma_start3A_1649 = tpu.memref_slice %arg3[%dma_start3A_1648, %multiple_of3A_1638] : memref<6x1000000xf32, #tpu.memory_space<hbm>> -> memref<6x8xf32, #tpu.memory_space<hbm>>
      %dma_start3A_1650 = arith.constant 0 : i32
      %dma_start3A_1651 = tpu.memref_slice %arg9[%dma_start3A_1650, %multiple_of3A_1645] : memref<6x4096xf32, #tpu.memory_space<vmem>> -> memref<6x8xf32, #tpu.memory_space<vmem>>
      %dma_start3A_1652 = arith.constant 0 : i32
      %dma_start3A_1653 = tpu.memref_slice %arg3[%dma_start3A_1652, %multiple_of3A_1638] : memref<6x1000000xf32, #tpu.memory_space<hbm>> -> memref<6x8xf32, #tpu.memory_space<hbm>>
      tpu.enqueue_dma source(%dma_start3A_1653 : memref<6x8xf32, #tpu.memory_space<hbm>>) target(%dma_start3A_1651 : memref<6x8xf32, #tpu.memory_space<vmem>>) target_semaphore(%arg14 : memref<!tpu.dma_semaphore, #tpu.memory_space<semaphore_mem>>)
      %dma_start3A_1654 = arith.constant 0 : i32
      %dma_start3A_1655 = tpu.memref_slice %arg10[%dma_start3A_1654, %multiple_of3A_1645] : memref<2x4096xf32, #tpu.memory_space<vmem>> -> memref<2x8xf32, #tpu.memory_space<vmem>>
      %dma_start3A_1656 = arith.constant 0 : i32
      %dma_start3A_1657 = tpu.memref_slice %arg4[%dma_start3A_1656, %multiple_of3A_1638] : memref<2x1000000xf32, #tpu.memory_space<hbm>> -> memref<2x8xf32, #tpu.memory_space<hbm>>
      %dma_start3A_1658 = arith.constant 0 : i32
      %dma_start3A_1659 = tpu.memref_slice %arg10[%dma_start3A_1658, %multiple_of3A_1645] : memref<2x4096xf32, #tpu.memory_space<vmem>> -> memref<2x8xf32, #tpu.memory_space<vmem>>
      %dma_start3A_1660 = arith.constant 0 : i32
      %dma_start3A_1661 = tpu.memref_slice %arg4[%dma_start3A_1660, %multiple_of3A_1638] : memref<2x1000000xf32, #tpu.memory_space<hbm>> -> memref<2x8xf32, #tpu.memory_space<hbm>>
      tpu.enqueue_dma source(%dma_start3A_1661 : memref<2x8xf32, #tpu.memory_space<hbm>>) target(%dma_start3A_1659 : memref<2x8xf32, #tpu.memory_space<vmem>>) target_semaphore(%arg14 : memref<!tpu.dma_semaphore, #tpu.memory_space<semaphore_mem>>)
      %slice3A_1662 = vector.extract_strided_slice %get3A_1437 {offsets = [8], sizes = [1], strides = [1]} : vector<16xi32> to vector<1xi32>
      %squeeze3A_1663 = vector.extract %slice3A_1662[0] : i32 from vector<1xi32>
      %and3A_1664 = arith.constant -8 : i32
      %and3A_1665 = arith.andi %squeeze3A_1663, %and3A_1664 : i32
      %multiple_of3A_1666 = tpu.assume_multiple %and3A_1665, 8 : i32
      %mul3A_1667 = arith.constant 16 : i32
      %mul3A_1668 = arith.muli %add3A_1433, %mul3A_1667 : i32
      %add3A_1669 = arith.constant 8 : i32
      %add3A_1670 = arith.addi %mul3A_1668, %add3A_1669 : i32
      %mul3A_1671 = arith.constant 8 : i32
      %mul3A_1672 = arith.muli %add3A_1670, %mul3A_1671 : i32
      %multiple_of3A_1673 = tpu.assume_multiple %mul3A_1672, 8 : i32
      %dma_start3A_1674 = arith.constant 0 : i32
      %dma_start3A_1675 = tpu.memref_slice %arg9[%dma_start3A_1674, %multiple_of3A_1673] : memref<6x4096xf32, #tpu.memory_space<vmem>> -> memref<6x8xf32, #tpu.memory_space<vmem>>
      %dma_start3A_1676 = arith.constant 0 : i32
      %dma_start3A_1677 = tpu.memref_slice %arg3[%dma_start3A_1676, %multiple_of3A_1666] : memref<6x1000000xf32, #tpu.memory_space<hbm>> -> memref<6x8xf32, #tpu.memory_space<hbm>>
      %dma_start3A_1678 = arith.constant 0 : i32
      %dma_start3A_1679 = tpu.memref_slice %arg9[%dma_start3A_1678, %multiple_of3A_1673] : memref<6x4096xf32, #tpu.memory_space<vmem>> -> memref<6x8xf32, #tpu.memory_space<vmem>>
      %dma_start3A_1680 = arith.constant 0 : i32
      %dma_start3A_1681 = tpu.memref_slice %arg3[%dma_start3A_1680, %multiple_of3A_1666] : memref<6x1000000xf32, #tpu.memory_space<hbm>> -> memref<6x8xf32, #tpu.memory_space<hbm>>
      tpu.enqueue_dma source(%dma_start3A_1681 : memref<6x8xf32, #tpu.memory_space<hbm>>) target(%dma_start3A_1679 : memref<6x8xf32, #tpu.memory_space<vmem>>) target_semaphore(%arg14 : memref<!tpu.dma_semaphore, #tpu.memory_space<semaphore_mem>>)
      %dma_start3A_1682 = arith.constant 0 : i32
      %dma_start3A_1683 = tpu.memref_slice %arg10[%dma_start3A_1682, %multiple_of3A_1673] : memref<2x4096xf32, #tpu.memory_space<vmem>> -> memref<2x8xf32, #tpu.memory_space<vmem>>
      %dma_start3A_1684 = arith.constant 0 : i32
      %dma_start3A_1685 = tpu.memref_slice %arg4[%dma_start3A_1684, %multiple_of3A_1666] : memref<2x1000000xf32, #tpu.memory_space<hbm>> -> memref<2x8xf32, #tpu.memory_space<hbm>>
      %dma_start3A_1686 = arith.constant 0 : i32
      %dma_start3A_1687 = tpu.memref_slice %arg10[%dma_start3A_1686, %multiple_of3A_1673] : memref<2x4096xf32, #tpu.memory_space<vmem>> -> memref<2x8xf32, #tpu.memory_space<vmem>>
      %dma_start3A_1688 = arith.constant 0 : i32
      %dma_start3A_1689 = tpu.memref_slice %arg4[%dma_start3A_1688, %multiple_of3A_1666] : memref<2x1000000xf32, #tpu.memory_space<hbm>> -> memref<2x8xf32, #tpu.memory_space<hbm>>
      tpu.enqueue_dma source(%dma_start3A_1689 : memref<2x8xf32, #tpu.memory_space<hbm>>) target(%dma_start3A_1687 : memref<2x8xf32, #tpu.memory_space<vmem>>) target_semaphore(%arg14 : memref<!tpu.dma_semaphore, #tpu.memory_space<semaphore_mem>>)
      %slice3A_1690 = vector.extract_strided_slice %get3A_1437 {offsets = [9], sizes = [1], strides = [1]} : vector<16xi32> to vector<1xi32>
      %squeeze3A_1691 = vector.extract %slice3A_1690[0] : i32 from vector<1xi32>
      %and3A_1692 = arith.constant -8 : i32
      %and3A_1693 = arith.andi %squeeze3A_1691, %and3A_1692 : i32
      %multiple_of3A_1694 = tpu.assume_multiple %and3A_1693, 8 : i32
      %mul3A_1695 = arith.constant 16 : i32
      %mul3A_1696 = arith.muli %add3A_1433, %mul3A_1695 : i32
      %add3A_1697 = arith.constant 9 : i32
      %add3A_1698 = arith.addi %mul3A_1696, %add3A_1697 : i32
      %mul3A_1699 = arith.constant 8 : i32
      %mul3A_1700 = arith.muli %add3A_1698, %mul3A_1699 : i32
      %multiple_of3A_1701 = tpu.assume_multiple %mul3A_1700, 8 : i32
      %dma_start3A_1702 = arith.constant 0 : i32
      %dma_start3A_1703 = tpu.memref_slice %arg9[%dma_start3A_1702, %multiple_of3A_1701] : memref<6x4096xf32, #tpu.memory_space<vmem>> -> memref<6x8xf32, #tpu.memory_space<vmem>>
      %dma_start3A_1704 = arith.constant 0 : i32
      %dma_start3A_1705 = tpu.memref_slice %arg3[%dma_start3A_1704, %multiple_of3A_1694] : memref<6x1000000xf32, #tpu.memory_space<hbm>> -> memref<6x8xf32, #tpu.memory_space<hbm>>
      %dma_start3A_1706 = arith.constant 0 : i32
      %dma_start3A_1707 = tpu.memref_slice %arg9[%dma_start3A_1706, %multiple_of3A_1701] : memref<6x4096xf32, #tpu.memory_space<vmem>> -> memref<6x8xf32, #tpu.memory_space<vmem>>
      %dma_start3A_1708 = arith.constant 0 : i32
      %dma_start3A_1709 = tpu.memref_slice %arg3[%dma_start3A_1708, %multiple_of3A_1694] : memref<6x1000000xf32, #tpu.memory_space<hbm>> -> memref<6x8xf32, #tpu.memory_space<hbm>>
      tpu.enqueue_dma source(%dma_start3A_1709 : memref<6x8xf32, #tpu.memory_space<hbm>>) target(%dma_start3A_1707 : memref<6x8xf32, #tpu.memory_space<vmem>>) target_semaphore(%arg14 : memref<!tpu.dma_semaphore, #tpu.memory_space<semaphore_mem>>)
      %dma_start3A_1710 = arith.constant 0 : i32
      %dma_start3A_1711 = tpu.memref_slice %arg10[%dma_start3A_1710, %multiple_of3A_1701] : memref<2x4096xf32, #tpu.memory_space<vmem>> -> memref<2x8xf32, #tpu.memory_space<vmem>>
      %dma_start3A_1712 = arith.constant 0 : i32
      %dma_start3A_1713 = tpu.memref_slice %arg4[%dma_start3A_1712, %multiple_of3A_1694] : memref<2x1000000xf32, #tpu.memory_space<hbm>> -> memref<2x8xf32, #tpu.memory_space<hbm>>
      %dma_start3A_1714 = arith.constant 0 : i32
      %dma_start3A_1715 = tpu.memref_slice %arg10[%dma_start3A_1714, %multiple_of3A_1701] : memref<2x4096xf32, #tpu.memory_space<vmem>> -> memref<2x8xf32, #tpu.memory_space<vmem>>
      %dma_start3A_1716 = arith.constant 0 : i32
      %dma_start3A_1717 = tpu.memref_slice %arg4[%dma_start3A_1716, %multiple_of3A_1694] : memref<2x1000000xf32, #tpu.memory_space<hbm>> -> memref<2x8xf32, #tpu.memory_space<hbm>>
      tpu.enqueue_dma source(%dma_start3A_1717 : memref<2x8xf32, #tpu.memory_space<hbm>>) target(%dma_start3A_1715 : memref<2x8xf32, #tpu.memory_space<vmem>>) target_semaphore(%arg14 : memref<!tpu.dma_semaphore, #tpu.memory_space<semaphore_mem>>)
      %slice3A_1718 = vector.extract_strided_slice %get3A_1437 {offsets = [10], sizes = [1], strides = [1]} : vector<16xi32> to vector<1xi32>
      %squeeze3A_1719 = vector.extract %slice3A_1718[0] : i32 from vector<1xi32>
      %and3A_1720 = arith.constant -8 : i32
      %and3A_1721 = arith.andi %squeeze3A_1719, %and3A_1720 : i32
      %multiple_of3A_1722 = tpu.assume_multiple %and3A_1721, 8 : i32
      %mul3A_1723 = arith.constant 16 : i32
      %mul3A_1724 = arith.muli %add3A_1433, %mul3A_1723 : i32
      %add3A_1725 = arith.constant 10 : i32
      %add3A_1726 = arith.addi %mul3A_1724, %add3A_1725 : i32
      %mul3A_1727 = arith.constant 8 : i32
      %mul3A_1728 = arith.muli %add3A_1726, %mul3A_1727 : i32
      %multiple_of3A_1729 = tpu.assume_multiple %mul3A_1728, 8 : i32
      %dma_start3A_1730 = arith.constant 0 : i32
      %dma_start3A_1731 = tpu.memref_slice %arg9[%dma_start3A_1730, %multiple_of3A_1729] : memref<6x4096xf32, #tpu.memory_space<vmem>> -> memref<6x8xf32, #tpu.memory_space<vmem>>
      %dma_start3A_1732 = arith.constant 0 : i32
      %dma_start3A_1733 = tpu.memref_slice %arg3[%dma_start3A_1732, %multiple_of3A_1722] : memref<6x1000000xf32, #tpu.memory_space<hbm>> -> memref<6x8xf32, #tpu.memory_space<hbm>>
      %dma_start3A_1734 = arith.constant 0 : i32
      %dma_start3A_1735 = tpu.memref_slice %arg9[%dma_start3A_1734, %multiple_of3A_1729] : memref<6x4096xf32, #tpu.memory_space<vmem>> -> memref<6x8xf32, #tpu.memory_space<vmem>>
      %dma_start3A_1736 = arith.constant 0 : i32
      %dma_start3A_1737 = tpu.memref_slice %arg3[%dma_start3A_1736, %multiple_of3A_1722] : memref<6x1000000xf32, #tpu.memory_space<hbm>> -> memref<6x8xf32, #tpu.memory_space<hbm>>
      tpu.enqueue_dma source(%dma_start3A_1737 : memref<6x8xf32, #tpu.memory_space<hbm>>) target(%dma_start3A_1735 : memref<6x8xf32, #tpu.memory_space<vmem>>) target_semaphore(%arg14 : memref<!tpu.dma_semaphore, #tpu.memory_space<semaphore_mem>>)
      %dma_start3A_1738 = arith.constant 0 : i32
      %dma_start3A_1739 = tpu.memref_slice %arg10[%dma_start3A_1738, %multiple_of3A_1729] : memref<2x4096xf32, #tpu.memory_space<vmem>> -> memref<2x8xf32, #tpu.memory_space<vmem>>
      %dma_start3A_1740 = arith.constant 0 : i32
      %dma_start3A_1741 = tpu.memref_slice %arg4[%dma_start3A_1740, %multiple_of3A_1722] : memref<2x1000000xf32, #tpu.memory_space<hbm>> -> memref<2x8xf32, #tpu.memory_space<hbm>>
      %dma_start3A_1742 = arith.constant 0 : i32
      %dma_start3A_1743 = tpu.memref_slice %arg10[%dma_start3A_1742, %multiple_of3A_1729] : memref<2x4096xf32, #tpu.memory_space<vmem>> -> memref<2x8xf32, #tpu.memory_space<vmem>>
      %dma_start3A_1744 = arith.constant 0 : i32
      %dma_start3A_1745 = tpu.memref_slice %arg4[%dma_start3A_1744, %multiple_of3A_1722] : memref<2x1000000xf32, #tpu.memory_space<hbm>> -> memref<2x8xf32, #tpu.memory_space<hbm>>
      tpu.enqueue_dma source(%dma_start3A_1745 : memref<2x8xf32, #tpu.memory_space<hbm>>) target(%dma_start3A_1743 : memref<2x8xf32, #tpu.memory_space<vmem>>) target_semaphore(%arg14 : memref<!tpu.dma_semaphore, #tpu.memory_space<semaphore_mem>>)
      %slice3A_1746 = vector.extract_strided_slice %get3A_1437 {offsets = [11], sizes = [1], strides = [1]} : vector<16xi32> to vector<1xi32>
      %squeeze3A_1747 = vector.extract %slice3A_1746[0] : i32 from vector<1xi32>
      %and3A_1748 = arith.constant -8 : i32
      %and3A_1749 = arith.andi %squeeze3A_1747, %and3A_1748 : i32
      %multiple_of3A_1750 = tpu.assume_multiple %and3A_1749, 8 : i32
      %mul3A_1751 = arith.constant 16 : i32
      %mul3A_1752 = arith.muli %add3A_1433, %mul3A_1751 : i32
      %add3A_1753 = arith.constant 11 : i32
      %add3A_1754 = arith.addi %mul3A_1752, %add3A_1753 : i32
      %mul3A_1755 = arith.constant 8 : i32
      %mul3A_1756 = arith.muli %add3A_1754, %mul3A_1755 : i32
      %multiple_of3A_1757 = tpu.assume_multiple %mul3A_1756, 8 : i32
      %dma_start3A_1758 = arith.constant 0 : i32
      %dma_start3A_1759 = tpu.memref_slice %arg9[%dma_start3A_1758, %multiple_of3A_1757] : memref<6x4096xf32, #tpu.memory_space<vmem>> -> memref<6x8xf32, #tpu.memory_space<vmem>>
      %dma_start3A_1760 = arith.constant 0 : i32
      %dma_start3A_1761 = tpu.memref_slice %arg3[%dma_start3A_1760, %multiple_of3A_1750] : memref<6x1000000xf32, #tpu.memory_space<hbm>> -> memref<6x8xf32, #tpu.memory_space<hbm>>
      %dma_start3A_1762 = arith.constant 0 : i32
      %dma_start3A_1763 = tpu.memref_slice %arg9[%dma_start3A_1762, %multiple_of3A_1757] : memref<6x4096xf32, #tpu.memory_space<vmem>> -> memref<6x8xf32, #tpu.memory_space<vmem>>
      %dma_start3A_1764 = arith.constant 0 : i32
      %dma_start3A_1765 = tpu.memref_slice %arg3[%dma_start3A_1764, %multiple_of3A_1750] : memref<6x1000000xf32, #tpu.memory_space<hbm>> -> memref<6x8xf32, #tpu.memory_space<hbm>>
      tpu.enqueue_dma source(%dma_start3A_1765 : memref<6x8xf32, #tpu.memory_space<hbm>>) target(%dma_start3A_1763 : memref<6x8xf32, #tpu.memory_space<vmem>>) target_semaphore(%arg14 : memref<!tpu.dma_semaphore, #tpu.memory_space<semaphore_mem>>)
      %dma_start3A_1766 = arith.constant 0 : i32
      %dma_start3A_1767 = tpu.memref_slice %arg10[%dma_start3A_1766, %multiple_of3A_1757] : memref<2x4096xf32, #tpu.memory_space<vmem>> -> memref<2x8xf32, #tpu.memory_space<vmem>>
      %dma_start3A_1768 = arith.constant 0 : i32
      %dma_start3A_1769 = tpu.memref_slice %arg4[%dma_start3A_1768, %multiple_of3A_1750] : memref<2x1000000xf32, #tpu.memory_space<hbm>> -> memref<2x8xf32, #tpu.memory_space<hbm>>
      %dma_start3A_1770 = arith.constant 0 : i32
      %dma_start3A_1771 = tpu.memref_slice %arg10[%dma_start3A_1770, %multiple_of3A_1757] : memref<2x4096xf32, #tpu.memory_space<vmem>> -> memref<2x8xf32, #tpu.memory_space<vmem>>
      %dma_start3A_1772 = arith.constant 0 : i32
      %dma_start3A_1773 = tpu.memref_slice %arg4[%dma_start3A_1772, %multiple_of3A_1750] : memref<2x1000000xf32, #tpu.memory_space<hbm>> -> memref<2x8xf32, #tpu.memory_space<hbm>>
      tpu.enqueue_dma source(%dma_start3A_1773 : memref<2x8xf32, #tpu.memory_space<hbm>>) target(%dma_start3A_1771 : memref<2x8xf32, #tpu.memory_space<vmem>>) target_semaphore(%arg14 : memref<!tpu.dma_semaphore, #tpu.memory_space<semaphore_mem>>)
      %slice3A_1774 = vector.extract_strided_slice %get3A_1437 {offsets = [12], sizes = [1], strides = [1]} : vector<16xi32> to vector<1xi32>
      %squeeze3A_1775 = vector.extract %slice3A_1774[0] : i32 from vector<1xi32>
      %and3A_1776 = arith.constant -8 : i32
      %and3A_1777 = arith.andi %squeeze3A_1775, %and3A_1776 : i32
      %multiple_of3A_1778 = tpu.assume_multiple %and3A_1777, 8 : i32
      %mul3A_1779 = arith.constant 16 : i32
      %mul3A_1780 = arith.muli %add3A_1433, %mul3A_1779 : i32
      %add3A_1781 = arith.constant 12 : i32
      %add3A_1782 = arith.addi %mul3A_1780, %add3A_1781 : i32
      %mul3A_1783 = arith.constant 8 : i32
      %mul3A_1784 = arith.muli %add3A_1782, %mul3A_1783 : i32
      %multiple_of3A_1785 = tpu.assume_multiple %mul3A_1784, 8 : i32
      %dma_start3A_1786 = arith.constant 0 : i32
      %dma_start3A_1787 = tpu.memref_slice %arg9[%dma_start3A_1786, %multiple_of3A_1785] : memref<6x4096xf32, #tpu.memory_space<vmem>> -> memref<6x8xf32, #tpu.memory_space<vmem>>
      %dma_start3A_1788 = arith.constant 0 : i32
      %dma_start3A_1789 = tpu.memref_slice %arg3[%dma_start3A_1788, %multiple_of3A_1778] : memref<6x1000000xf32, #tpu.memory_space<hbm>> -> memref<6x8xf32, #tpu.memory_space<hbm>>
      %dma_start3A_1790 = arith.constant 0 : i32
      %dma_start3A_1791 = tpu.memref_slice %arg9[%dma_start3A_1790, %multiple_of3A_1785] : memref<6x4096xf32, #tpu.memory_space<vmem>> -> memref<6x8xf32, #tpu.memory_space<vmem>>
      %dma_start3A_1792 = arith.constant 0 : i32
      %dma_start3A_1793 = tpu.memref_slice %arg3[%dma_start3A_1792, %multiple_of3A_1778] : memref<6x1000000xf32, #tpu.memory_space<hbm>> -> memref<6x8xf32, #tpu.memory_space<hbm>>
      tpu.enqueue_dma source(%dma_start3A_1793 : memref<6x8xf32, #tpu.memory_space<hbm>>) target(%dma_start3A_1791 : memref<6x8xf32, #tpu.memory_space<vmem>>) target_semaphore(%arg14 : memref<!tpu.dma_semaphore, #tpu.memory_space<semaphore_mem>>)
      %dma_start3A_1794 = arith.constant 0 : i32
      %dma_start3A_1795 = tpu.memref_slice %arg10[%dma_start3A_1794, %multiple_of3A_1785] : memref<2x4096xf32, #tpu.memory_space<vmem>> -> memref<2x8xf32, #tpu.memory_space<vmem>>
      %dma_start3A_1796 = arith.constant 0 : i32
      %dma_start3A_1797 = tpu.memref_slice %arg4[%dma_start3A_1796, %multiple_of3A_1778] : memref<2x1000000xf32, #tpu.memory_space<hbm>> -> memref<2x8xf32, #tpu.memory_space<hbm>>
      %dma_start3A_1798 = arith.constant 0 : i32
      %dma_start3A_1799 = tpu.memref_slice %arg10[%dma_start3A_1798, %multiple_of3A_1785] : memref<2x4096xf32, #tpu.memory_space<vmem>> -> memref<2x8xf32, #tpu.memory_space<vmem>>
      %dma_start3A_1800 = arith.constant 0 : i32
      %dma_start3A_1801 = tpu.memref_slice %arg4[%dma_start3A_1800, %multiple_of3A_1778] : memref<2x1000000xf32, #tpu.memory_space<hbm>> -> memref<2x8xf32, #tpu.memory_space<hbm>>
      tpu.enqueue_dma source(%dma_start3A_1801 : memref<2x8xf32, #tpu.memory_space<hbm>>) target(%dma_start3A_1799 : memref<2x8xf32, #tpu.memory_space<vmem>>) target_semaphore(%arg14 : memref<!tpu.dma_semaphore, #tpu.memory_space<semaphore_mem>>)
      %slice3A_1802 = vector.extract_strided_slice %get3A_1437 {offsets = [13], sizes = [1], strides = [1]} : vector<16xi32> to vector<1xi32>
      %squeeze3A_1803 = vector.extract %slice3A_1802[0] : i32 from vector<1xi32>
      %and3A_1804 = arith.constant -8 : i32
      %and3A_1805 = arith.andi %squeeze3A_1803, %and3A_1804 : i32
      %multiple_of3A_1806 = tpu.assume_multiple %and3A_1805, 8 : i32
      %mul3A_1807 = arith.constant 16 : i32
      %mul3A_1808 = arith.muli %add3A_1433, %mul3A_1807 : i32
      %add3A_1809 = arith.constant 13 : i32
      %add3A_1810 = arith.addi %mul3A_1808, %add3A_1809 : i32
      %mul3A_1811 = arith.constant 8 : i32
      %mul3A_1812 = arith.muli %add3A_1810, %mul3A_1811 : i32
      %multiple_of3A_1813 = tpu.assume_multiple %mul3A_1812, 8 : i32
      %dma_start3A_1814 = arith.constant 0 : i32
      %dma_start3A_1815 = tpu.memref_slice %arg9[%dma_start3A_1814, %multiple_of3A_1813] : memref<6x4096xf32, #tpu.memory_space<vmem>> -> memref<6x8xf32, #tpu.memory_space<vmem>>
      %dma_start3A_1816 = arith.constant 0 : i32
      %dma_start3A_1817 = tpu.memref_slice %arg3[%dma_start3A_1816, %multiple_of3A_1806] : memref<6x1000000xf32, #tpu.memory_space<hbm>> -> memref<6x8xf32, #tpu.memory_space<hbm>>
      %dma_start3A_1818 = arith.constant 0 : i32
      %dma_start3A_1819 = tpu.memref_slice %arg9[%dma_start3A_1818, %multiple_of3A_1813] : memref<6x4096xf32, #tpu.memory_space<vmem>> -> memref<6x8xf32, #tpu.memory_space<vmem>>
      %dma_start3A_1820 = arith.constant 0 : i32
      %dma_start3A_1821 = tpu.memref_slice %arg3[%dma_start3A_1820, %multiple_of3A_1806] : memref<6x1000000xf32, #tpu.memory_space<hbm>> -> memref<6x8xf32, #tpu.memory_space<hbm>>
      tpu.enqueue_dma source(%dma_start3A_1821 : memref<6x8xf32, #tpu.memory_space<hbm>>) target(%dma_start3A_1819 : memref<6x8xf32, #tpu.memory_space<vmem>>) target_semaphore(%arg14 : memref<!tpu.dma_semaphore, #tpu.memory_space<semaphore_mem>>)
      %dma_start3A_1822 = arith.constant 0 : i32
      %dma_start3A_1823 = tpu.memref_slice %arg10[%dma_start3A_1822, %multiple_of3A_1813] : memref<2x4096xf32, #tpu.memory_space<vmem>> -> memref<2x8xf32, #tpu.memory_space<vmem>>
      %dma_start3A_1824 = arith.constant 0 : i32
      %dma_start3A_1825 = tpu.memref_slice %arg4[%dma_start3A_1824, %multiple_of3A_1806] : memref<2x1000000xf32, #tpu.memory_space<hbm>> -> memref<2x8xf32, #tpu.memory_space<hbm>>
      %dma_start3A_1826 = arith.constant 0 : i32
      %dma_start3A_1827 = tpu.memref_slice %arg10[%dma_start3A_1826, %multiple_of3A_1813] : memref<2x4096xf32, #tpu.memory_space<vmem>> -> memref<2x8xf32, #tpu.memory_space<vmem>>
      %dma_start3A_1828 = arith.constant 0 : i32
      %dma_start3A_1829 = tpu.memref_slice %arg4[%dma_start3A_1828, %multiple_of3A_1806] : memref<2x1000000xf32, #tpu.memory_space<hbm>> -> memref<2x8xf32, #tpu.memory_space<hbm>>
      tpu.enqueue_dma source(%dma_start3A_1829 : memref<2x8xf32, #tpu.memory_space<hbm>>) target(%dma_start3A_1827 : memref<2x8xf32, #tpu.memory_space<vmem>>) target_semaphore(%arg14 : memref<!tpu.dma_semaphore, #tpu.memory_space<semaphore_mem>>)
      %slice3A_1830 = vector.extract_strided_slice %get3A_1437 {offsets = [14], sizes = [1], strides = [1]} : vector<16xi32> to vector<1xi32>
      %squeeze3A_1831 = vector.extract %slice3A_1830[0] : i32 from vector<1xi32>
      %and3A_1832 = arith.constant -8 : i32
      %and3A_1833 = arith.andi %squeeze3A_1831, %and3A_1832 : i32
      %multiple_of3A_1834 = tpu.assume_multiple %and3A_1833, 8 : i32
      %mul3A_1835 = arith.constant 16 : i32
      %mul3A_1836 = arith.muli %add3A_1433, %mul3A_1835 : i32
      %add3A_1837 = arith.constant 14 : i32
      %add3A_1838 = arith.addi %mul3A_1836, %add3A_1837 : i32
      %mul3A_1839 = arith.constant 8 : i32
      %mul3A_1840 = arith.muli %add3A_1838, %mul3A_1839 : i32
      %multiple_of3A_1841 = tpu.assume_multiple %mul3A_1840, 8 : i32
      %dma_start3A_1842 = arith.constant 0 : i32
      %dma_start3A_1843 = tpu.memref_slice %arg9[%dma_start3A_1842, %multiple_of3A_1841] : memref<6x4096xf32, #tpu.memory_space<vmem>> -> memref<6x8xf32, #tpu.memory_space<vmem>>
      %dma_start3A_1844 = arith.constant 0 : i32
      %dma_start3A_1845 = tpu.memref_slice %arg3[%dma_start3A_1844, %multiple_of3A_1834] : memref<6x1000000xf32, #tpu.memory_space<hbm>> -> memref<6x8xf32, #tpu.memory_space<hbm>>
      %dma_start3A_1846 = arith.constant 0 : i32
      %dma_start3A_1847 = tpu.memref_slice %arg9[%dma_start3A_1846, %multiple_of3A_1841] : memref<6x4096xf32, #tpu.memory_space<vmem>> -> memref<6x8xf32, #tpu.memory_space<vmem>>
      %dma_start3A_1848 = arith.constant 0 : i32
      %dma_start3A_1849 = tpu.memref_slice %arg3[%dma_start3A_1848, %multiple_of3A_1834] : memref<6x1000000xf32, #tpu.memory_space<hbm>> -> memref<6x8xf32, #tpu.memory_space<hbm>>
      tpu.enqueue_dma source(%dma_start3A_1849 : memref<6x8xf32, #tpu.memory_space<hbm>>) target(%dma_start3A_1847 : memref<6x8xf32, #tpu.memory_space<vmem>>) target_semaphore(%arg14 : memref<!tpu.dma_semaphore, #tpu.memory_space<semaphore_mem>>)
      %dma_start3A_1850 = arith.constant 0 : i32
      %dma_start3A_1851 = tpu.memref_slice %arg10[%dma_start3A_1850, %multiple_of3A_1841] : memref<2x4096xf32, #tpu.memory_space<vmem>> -> memref<2x8xf32, #tpu.memory_space<vmem>>
      %dma_start3A_1852 = arith.constant 0 : i32
      %dma_start3A_1853 = tpu.memref_slice %arg4[%dma_start3A_1852, %multiple_of3A_1834] : memref<2x1000000xf32, #tpu.memory_space<hbm>> -> memref<2x8xf32, #tpu.memory_space<hbm>>
      %dma_start3A_1854 = arith.constant 0 : i32
      %dma_start3A_1855 = tpu.memref_slice %arg10[%dma_start3A_1854, %multiple_of3A_1841] : memref<2x4096xf32, #tpu.memory_space<vmem>> -> memref<2x8xf32, #tpu.memory_space<vmem>>
      %dma_start3A_1856 = arith.constant 0 : i32
      %dma_start3A_1857 = tpu.memref_slice %arg4[%dma_start3A_1856, %multiple_of3A_1834] : memref<2x1000000xf32, #tpu.memory_space<hbm>> -> memref<2x8xf32, #tpu.memory_space<hbm>>
      tpu.enqueue_dma source(%dma_start3A_1857 : memref<2x8xf32, #tpu.memory_space<hbm>>) target(%dma_start3A_1855 : memref<2x8xf32, #tpu.memory_space<vmem>>) target_semaphore(%arg14 : memref<!tpu.dma_semaphore, #tpu.memory_space<semaphore_mem>>)
      %slice3A_1858 = vector.extract_strided_slice %get3A_1437 {offsets = [15], sizes = [1], strides = [1]} : vector<16xi32> to vector<1xi32>
      %squeeze3A_1859 = vector.extract %slice3A_1858[0] : i32 from vector<1xi32>
      %and3A_1860 = arith.constant -8 : i32
      %and3A_1861 = arith.andi %squeeze3A_1859, %and3A_1860 : i32
      %multiple_of3A_1862 = tpu.assume_multiple %and3A_1861, 8 : i32
      %mul3A_1863 = arith.constant 16 : i32
      %mul3A_1864 = arith.muli %add3A_1433, %mul3A_1863 : i32
      %add3A_1865 = arith.constant 15 : i32
      %add3A_1866 = arith.addi %mul3A_1864, %add3A_1865 : i32
      %mul3A_1867 = arith.constant 8 : i32
      %mul3A_1868 = arith.muli %add3A_1866, %mul3A_1867 : i32
      %multiple_of3A_1869 = tpu.assume_multiple %mul3A_1868, 8 : i32
      %dma_start3A_1870 = arith.constant 0 : i32
      %dma_start3A_1871 = tpu.memref_slice %arg9[%dma_start3A_1870, %multiple_of3A_1869] : memref<6x4096xf32, #tpu.memory_space<vmem>> -> memref<6x8xf32, #tpu.memory_space<vmem>>
      %dma_start3A_1872 = arith.constant 0 : i32
      %dma_start3A_1873 = tpu.memref_slice %arg3[%dma_start3A_1872, %multiple_of3A_1862] : memref<6x1000000xf32, #tpu.memory_space<hbm>> -> memref<6x8xf32, #tpu.memory_space<hbm>>
      %dma_start3A_1874 = arith.constant 0 : i32
      %dma_start3A_1875 = tpu.memref_slice %arg9[%dma_start3A_1874, %multiple_of3A_1869] : memref<6x4096xf32, #tpu.memory_space<vmem>> -> memref<6x8xf32, #tpu.memory_space<vmem>>
      %dma_start3A_1876 = arith.constant 0 : i32
      %dma_start3A_1877 = tpu.memref_slice %arg3[%dma_start3A_1876, %multiple_of3A_1862] : memref<6x1000000xf32, #tpu.memory_space<hbm>> -> memref<6x8xf32, #tpu.memory_space<hbm>>
      tpu.enqueue_dma source(%dma_start3A_1877 : memref<6x8xf32, #tpu.memory_space<hbm>>) target(%dma_start3A_1875 : memref<6x8xf32, #tpu.memory_space<vmem>>) target_semaphore(%arg14 : memref<!tpu.dma_semaphore, #tpu.memory_space<semaphore_mem>>)
      %dma_start3A_1878 = arith.constant 0 : i32
      %dma_start3A_1879 = tpu.memref_slice %arg10[%dma_start3A_1878, %multiple_of3A_1869] : memref<2x4096xf32, #tpu.memory_space<vmem>> -> memref<2x8xf32, #tpu.memory_space<vmem>>
      %dma_start3A_1880 = arith.constant 0 : i32
      %dma_start3A_1881 = tpu.memref_slice %arg4[%dma_start3A_1880, %multiple_of3A_1862] : memref<2x1000000xf32, #tpu.memory_space<hbm>> -> memref<2x8xf32, #tpu.memory_space<hbm>>
      %dma_start3A_1882 = arith.constant 0 : i32
      %dma_start3A_1883 = tpu.memref_slice %arg10[%dma_start3A_1882, %multiple_of3A_1869] : memref<2x4096xf32, #tpu.memory_space<vmem>> -> memref<2x8xf32, #tpu.memory_space<vmem>>
      %dma_start3A_1884 = arith.constant 0 : i32
      %dma_start3A_1885 = tpu.memref_slice %arg4[%dma_start3A_1884, %multiple_of3A_1862] : memref<2x1000000xf32, #tpu.memory_space<hbm>> -> memref<2x8xf32, #tpu.memory_space<hbm>>
      tpu.enqueue_dma source(%dma_start3A_1885 : memref<2x8xf32, #tpu.memory_space<hbm>>) target(%dma_start3A_1883 : memref<2x8xf32, #tpu.memory_space<vmem>>) target_semaphore(%arg14 : memref<!tpu.dma_semaphore, #tpu.memory_space<semaphore_mem>>)
      %gt3A = arith.constant 1 : i32
      %gt3A_1886 = arith.cmpi sgt, %add3A_1433, %gt3A : i32
      %convert_element_type3A = arith.extui %gt3A_1886 : i1 to i32
      %cond3A = arith.constant 0 : i32
      %cond3A_1887 = arith.cmpi ne, %convert_element_type3A, %cond3A : i32
      scf.if %cond3A_1887 {
        %sub3A_1888 = arith.constant 2 : i32
        %sub3A_1889 = arith.subi %add3A_1433, %sub3A_1888 : i32
        %mul3A_1890 = arith.constant 16 : i32
        %mul3A_1891 = arith.muli %sub3A_1889, %mul3A_1890 : i32
        %add3A_1892 = arith.constant 0 : i32
        %add3A_1893 = arith.addi %mul3A_1891, %add3A_1892 : i32
        %mul3A_1894 = arith.constant 8 : i32
        %mul3A_1895 = arith.muli %add3A_1893, %mul3A_1894 : i32
        %multiple_of3A_1896 = tpu.assume_multiple %mul3A_1895, 8 : i32
        %dma_wait3A_1897 = arith.constant 0 : i32
        %dma_wait3A_1898 = tpu.memref_slice %arg9[%dma_wait3A_1897, %multiple_of3A_1896] : memref<6x4096xf32, #tpu.memory_space<vmem>> -> memref<6x8xf32, #tpu.memory_space<vmem>>
        %dma_wait3A_1899 = arith.constant 0 : i32
        %dma_wait3A_1900 = arith.constant 0 : i32
        %dma_wait3A_1901 = tpu.memref_slice %arg3[%dma_wait3A_1899, %dma_wait3A_1900] : memref<6x1000000xf32, #tpu.memory_space<hbm>> -> memref<6x8xf32, #tpu.memory_space<hbm>>
        %dma_wait3A_1902 = arith.constant 0 : i32
        %dma_wait3A_1903 = tpu.memref_slice %arg9[%dma_wait3A_1902, %multiple_of3A_1896] : memref<6x4096xf32, #tpu.memory_space<vmem>> -> memref<6x8xf32, #tpu.memory_space<vmem>>
        %dma_wait3A_1904 = arith.constant 0 : i32
        %dma_wait3A_1905 = arith.constant 0 : i32
        %dma_wait3A_1906 = tpu.memref_slice %arg3[%dma_wait3A_1904, %dma_wait3A_1905] : memref<6x1000000xf32, #tpu.memory_space<hbm>> -> memref<6x8xf32, #tpu.memory_space<hbm>>
        tpu.wait_dma2 semaphore(%arg14 : memref<!tpu.dma_semaphore, #tpu.memory_space<semaphore_mem>>) src(%dma_wait3A_1906 : memref<6x8xf32, #tpu.memory_space<hbm>>) dst(%dma_wait3A_1903 : memref<6x8xf32, #tpu.memory_space<vmem>>)
        %dma_wait3A_1907 = arith.constant 0 : i32
        %dma_wait3A_1908 = tpu.memref_slice %arg10[%dma_wait3A_1907, %multiple_of3A_1896] : memref<2x4096xf32, #tpu.memory_space<vmem>> -> memref<2x8xf32, #tpu.memory_space<vmem>>
        %dma_wait3A_1909 = arith.constant 0 : i32
        %dma_wait3A_1910 = arith.constant 0 : i32
        %dma_wait3A_1911 = tpu.memref_slice %arg4[%dma_wait3A_1909, %dma_wait3A_1910] : memref<2x1000000xf32, #tpu.memory_space<hbm>> -> memref<2x8xf32, #tpu.memory_space<hbm>>
        %dma_wait3A_1912 = arith.constant 0 : i32
        %dma_wait3A_1913 = tpu.memref_slice %arg10[%dma_wait3A_1912, %multiple_of3A_1896] : memref<2x4096xf32, #tpu.memory_space<vmem>> -> memref<2x8xf32, #tpu.memory_space<vmem>>
        %dma_wait3A_1914 = arith.constant 0 : i32
        %dma_wait3A_1915 = arith.constant 0 : i32
        %dma_wait3A_1916 = tpu.memref_slice %arg4[%dma_wait3A_1914, %dma_wait3A_1915] : memref<2x1000000xf32, #tpu.memory_space<hbm>> -> memref<2x8xf32, #tpu.memory_space<hbm>>
        tpu.wait_dma2 semaphore(%arg14 : memref<!tpu.dma_semaphore, #tpu.memory_space<semaphore_mem>>) src(%dma_wait3A_1916 : memref<2x8xf32, #tpu.memory_space<hbm>>) dst(%dma_wait3A_1913 : memref<2x8xf32, #tpu.memory_space<vmem>>)
        %mul3A_1917 = arith.constant 16 : i32
        %mul3A_1918 = arith.muli %sub3A_1889, %mul3A_1917 : i32
        %add3A_1919 = arith.constant 1 : i32
        %add3A_1920 = arith.addi %mul3A_1918, %add3A_1919 : i32
        %mul3A_1921 = arith.constant 8 : i32
        %mul3A_1922 = arith.muli %add3A_1920, %mul3A_1921 : i32
        %multiple_of3A_1923 = tpu.assume_multiple %mul3A_1922, 8 : i32
        %dma_wait3A_1924 = arith.constant 0 : i32
        %dma_wait3A_1925 = tpu.memref_slice %arg9[%dma_wait3A_1924, %multiple_of3A_1923] : memref<6x4096xf32, #tpu.memory_space<vmem>> -> memref<6x8xf32, #tpu.memory_space<vmem>>
        %dma_wait3A_1926 = arith.constant 0 : i32
        %dma_wait3A_1927 = arith.constant 0 : i32
        %dma_wait3A_1928 = tpu.memref_slice %arg3[%dma_wait3A_1926, %dma_wait3A_1927] : memref<6x1000000xf32, #tpu.memory_space<hbm>> -> memref<6x8xf32, #tpu.memory_space<hbm>>
        %dma_wait3A_1929 = arith.constant 0 : i32
        %dma_wait3A_1930 = tpu.memref_slice %arg9[%dma_wait3A_1929, %multiple_of3A_1923] : memref<6x4096xf32, #tpu.memory_space<vmem>> -> memref<6x8xf32, #tpu.memory_space<vmem>>
        %dma_wait3A_1931 = arith.constant 0 : i32
        %dma_wait3A_1932 = arith.constant 0 : i32
        %dma_wait3A_1933 = tpu.memref_slice %arg3[%dma_wait3A_1931, %dma_wait3A_1932] : memref<6x1000000xf32, #tpu.memory_space<hbm>> -> memref<6x8xf32, #tpu.memory_space<hbm>>
        tpu.wait_dma2 semaphore(%arg14 : memref<!tpu.dma_semaphore, #tpu.memory_space<semaphore_mem>>) src(%dma_wait3A_1933 : memref<6x8xf32, #tpu.memory_space<hbm>>) dst(%dma_wait3A_1930 : memref<6x8xf32, #tpu.memory_space<vmem>>)
        %dma_wait3A_1934 = arith.constant 0 : i32
        %dma_wait3A_1935 = tpu.memref_slice %arg10[%dma_wait3A_1934, %multiple_of3A_1923] : memref<2x4096xf32, #tpu.memory_space<vmem>> -> memref<2x8xf32, #tpu.memory_space<vmem>>
        %dma_wait3A_1936 = arith.constant 0 : i32
        %dma_wait3A_1937 = arith.constant 0 : i32
        %dma_wait3A_1938 = tpu.memref_slice %arg4[%dma_wait3A_1936, %dma_wait3A_1937] : memref<2x1000000xf32, #tpu.memory_space<hbm>> -> memref<2x8xf32, #tpu.memory_space<hbm>>
        %dma_wait3A_1939 = arith.constant 0 : i32
        %dma_wait3A_1940 = tpu.memref_slice %arg10[%dma_wait3A_1939, %multiple_of3A_1923] : memref<2x4096xf32, #tpu.memory_space<vmem>> -> memref<2x8xf32, #tpu.memory_space<vmem>>
        %dma_wait3A_1941 = arith.constant 0 : i32
        %dma_wait3A_1942 = arith.constant 0 : i32
        %dma_wait3A_1943 = tpu.memref_slice %arg4[%dma_wait3A_1941, %dma_wait3A_1942] : memref<2x1000000xf32, #tpu.memory_space<hbm>> -> memref<2x8xf32, #tpu.memory_space<hbm>>
        tpu.wait_dma2 semaphore(%arg14 : memref<!tpu.dma_semaphore, #tpu.memory_space<semaphore_mem>>) src(%dma_wait3A_1943 : memref<2x8xf32, #tpu.memory_space<hbm>>) dst(%dma_wait3A_1940 : memref<2x8xf32, #tpu.memory_space<vmem>>)
        %mul3A_1944 = arith.constant 16 : i32
        %mul3A_1945 = arith.muli %sub3A_1889, %mul3A_1944 : i32
        %add3A_1946 = arith.constant 2 : i32
        %add3A_1947 = arith.addi %mul3A_1945, %add3A_1946 : i32
        %mul3A_1948 = arith.constant 8 : i32
        %mul3A_1949 = arith.muli %add3A_1947, %mul3A_1948 : i32
        %multiple_of3A_1950 = tpu.assume_multiple %mul3A_1949, 8 : i32
        %dma_wait3A_1951 = arith.constant 0 : i32
        %dma_wait3A_1952 = tpu.memref_slice %arg9[%dma_wait3A_1951, %multiple_of3A_1950] : memref<6x4096xf32, #tpu.memory_space<vmem>> -> memref<6x8xf32, #tpu.memory_space<vmem>>
        %dma_wait3A_1953 = arith.constant 0 : i32
        %dma_wait3A_1954 = arith.constant 0 : i32
        %dma_wait3A_1955 = tpu.memref_slice %arg3[%dma_wait3A_1953, %dma_wait3A_1954] : memref<6x1000000xf32, #tpu.memory_space<hbm>> -> memref<6x8xf32, #tpu.memory_space<hbm>>
        %dma_wait3A_1956 = arith.constant 0 : i32
        %dma_wait3A_1957 = tpu.memref_slice %arg9[%dma_wait3A_1956, %multiple_of3A_1950] : memref<6x4096xf32, #tpu.memory_space<vmem>> -> memref<6x8xf32, #tpu.memory_space<vmem>>
        %dma_wait3A_1958 = arith.constant 0 : i32
        %dma_wait3A_1959 = arith.constant 0 : i32
        %dma_wait3A_1960 = tpu.memref_slice %arg3[%dma_wait3A_1958, %dma_wait3A_1959] : memref<6x1000000xf32, #tpu.memory_space<hbm>> -> memref<6x8xf32, #tpu.memory_space<hbm>>
        tpu.wait_dma2 semaphore(%arg14 : memref<!tpu.dma_semaphore, #tpu.memory_space<semaphore_mem>>) src(%dma_wait3A_1960 : memref<6x8xf32, #tpu.memory_space<hbm>>) dst(%dma_wait3A_1957 : memref<6x8xf32, #tpu.memory_space<vmem>>)
        %dma_wait3A_1961 = arith.constant 0 : i32
        %dma_wait3A_1962 = tpu.memref_slice %arg10[%dma_wait3A_1961, %multiple_of3A_1950] : memref<2x4096xf32, #tpu.memory_space<vmem>> -> memref<2x8xf32, #tpu.memory_space<vmem>>
        %dma_wait3A_1963 = arith.constant 0 : i32
        %dma_wait3A_1964 = arith.constant 0 : i32
        %dma_wait3A_1965 = tpu.memref_slice %arg4[%dma_wait3A_1963, %dma_wait3A_1964] : memref<2x1000000xf32, #tpu.memory_space<hbm>> -> memref<2x8xf32, #tpu.memory_space<hbm>>
        %dma_wait3A_1966 = arith.constant 0 : i32
        %dma_wait3A_1967 = tpu.memref_slice %arg10[%dma_wait3A_1966, %multiple_of3A_1950] : memref<2x4096xf32, #tpu.memory_space<vmem>> -> memref<2x8xf32, #tpu.memory_space<vmem>>
        %dma_wait3A_1968 = arith.constant 0 : i32
        %dma_wait3A_1969 = arith.constant 0 : i32
        %dma_wait3A_1970 = tpu.memref_slice %arg4[%dma_wait3A_1968, %dma_wait3A_1969] : memref<2x1000000xf32, #tpu.memory_space<hbm>> -> memref<2x8xf32, #tpu.memory_space<hbm>>
        tpu.wait_dma2 semaphore(%arg14 : memref<!tpu.dma_semaphore, #tpu.memory_space<semaphore_mem>>) src(%dma_wait3A_1970 : memref<2x8xf32, #tpu.memory_space<hbm>>) dst(%dma_wait3A_1967 : memref<2x8xf32, #tpu.memory_space<vmem>>)
        %mul3A_1971 = arith.constant 16 : i32
        %mul3A_1972 = arith.muli %sub3A_1889, %mul3A_1971 : i32
        %add3A_1973 = arith.constant 3 : i32
        %add3A_1974 = arith.addi %mul3A_1972, %add3A_1973 : i32
        %mul3A_1975 = arith.constant 8 : i32
        %mul3A_1976 = arith.muli %add3A_1974, %mul3A_1975 : i32
        %multiple_of3A_1977 = tpu.assume_multiple %mul3A_1976, 8 : i32
        %dma_wait3A_1978 = arith.constant 0 : i32
        %dma_wait3A_1979 = tpu.memref_slice %arg9[%dma_wait3A_1978, %multiple_of3A_1977] : memref<6x4096xf32, #tpu.memory_space<vmem>> -> memref<6x8xf32, #tpu.memory_space<vmem>>
        %dma_wait3A_1980 = arith.constant 0 : i32
        %dma_wait3A_1981 = arith.constant 0 : i32
        %dma_wait3A_1982 = tpu.memref_slice %arg3[%dma_wait3A_1980, %dma_wait3A_1981] : memref<6x1000000xf32, #tpu.memory_space<hbm>> -> memref<6x8xf32, #tpu.memory_space<hbm>>
        %dma_wait3A_1983 = arith.constant 0 : i32
        %dma_wait3A_1984 = tpu.memref_slice %arg9[%dma_wait3A_1983, %multiple_of3A_1977] : memref<6x4096xf32, #tpu.memory_space<vmem>> -> memref<6x8xf32, #tpu.memory_space<vmem>>
        %dma_wait3A_1985 = arith.constant 0 : i32
        %dma_wait3A_1986 = arith.constant 0 : i32
        %dma_wait3A_1987 = tpu.memref_slice %arg3[%dma_wait3A_1985, %dma_wait3A_1986] : memref<6x1000000xf32, #tpu.memory_space<hbm>> -> memref<6x8xf32, #tpu.memory_space<hbm>>
        tpu.wait_dma2 semaphore(%arg14 : memref<!tpu.dma_semaphore, #tpu.memory_space<semaphore_mem>>) src(%dma_wait3A_1987 : memref<6x8xf32, #tpu.memory_space<hbm>>) dst(%dma_wait3A_1984 : memref<6x8xf32, #tpu.memory_space<vmem>>)
        %dma_wait3A_1988 = arith.constant 0 : i32
        %dma_wait3A_1989 = tpu.memref_slice %arg10[%dma_wait3A_1988, %multiple_of3A_1977] : memref<2x4096xf32, #tpu.memory_space<vmem>> -> memref<2x8xf32, #tpu.memory_space<vmem>>
        %dma_wait3A_1990 = arith.constant 0 : i32
        %dma_wait3A_1991 = arith.constant 0 : i32
        %dma_wait3A_1992 = tpu.memref_slice %arg4[%dma_wait3A_1990, %dma_wait3A_1991] : memref<2x1000000xf32, #tpu.memory_space<hbm>> -> memref<2x8xf32, #tpu.memory_space<hbm>>
        %dma_wait3A_1993 = arith.constant 0 : i32
        %dma_wait3A_1994 = tpu.memref_slice %arg10[%dma_wait3A_1993, %multiple_of3A_1977] : memref<2x4096xf32, #tpu.memory_space<vmem>> -> memref<2x8xf32, #tpu.memory_space<vmem>>
        %dma_wait3A_1995 = arith.constant 0 : i32
        %dma_wait3A_1996 = arith.constant 0 : i32
        %dma_wait3A_1997 = tpu.memref_slice %arg4[%dma_wait3A_1995, %dma_wait3A_1996] : memref<2x1000000xf32, #tpu.memory_space<hbm>> -> memref<2x8xf32, #tpu.memory_space<hbm>>
        tpu.wait_dma2 semaphore(%arg14 : memref<!tpu.dma_semaphore, #tpu.memory_space<semaphore_mem>>) src(%dma_wait3A_1997 : memref<2x8xf32, #tpu.memory_space<hbm>>) dst(%dma_wait3A_1994 : memref<2x8xf32, #tpu.memory_space<vmem>>)
        %mul3A_1998 = arith.constant 16 : i32
        %mul3A_1999 = arith.muli %sub3A_1889, %mul3A_1998 : i32
        %add3A_2000 = arith.constant 4 : i32
        %add3A_2001 = arith.addi %mul3A_1999, %add3A_2000 : i32
        %mul3A_2002 = arith.constant 8 : i32
        %mul3A_2003 = arith.muli %add3A_2001, %mul3A_2002 : i32
        %multiple_of3A_2004 = tpu.assume_multiple %mul3A_2003, 8 : i32
        %dma_wait3A_2005 = arith.constant 0 : i32
        %dma_wait3A_2006 = tpu.memref_slice %arg9[%dma_wait3A_2005, %multiple_of3A_2004] : memref<6x4096xf32, #tpu.memory_space<vmem>> -> memref<6x8xf32, #tpu.memory_space<vmem>>
        %dma_wait3A_2007 = arith.constant 0 : i32
        %dma_wait3A_2008 = arith.constant 0 : i32
        %dma_wait3A_2009 = tpu.memref_slice %arg3[%dma_wait3A_2007, %dma_wait3A_2008] : memref<6x1000000xf32, #tpu.memory_space<hbm>> -> memref<6x8xf32, #tpu.memory_space<hbm>>
        %dma_wait3A_2010 = arith.constant 0 : i32
        %dma_wait3A_2011 = tpu.memref_slice %arg9[%dma_wait3A_2010, %multiple_of3A_2004] : memref<6x4096xf32, #tpu.memory_space<vmem>> -> memref<6x8xf32, #tpu.memory_space<vmem>>
        %dma_wait3A_2012 = arith.constant 0 : i32
        %dma_wait3A_2013 = arith.constant 0 : i32
        %dma_wait3A_2014 = tpu.memref_slice %arg3[%dma_wait3A_2012, %dma_wait3A_2013] : memref<6x1000000xf32, #tpu.memory_space<hbm>> -> memref<6x8xf32, #tpu.memory_space<hbm>>
        tpu.wait_dma2 semaphore(%arg14 : memref<!tpu.dma_semaphore, #tpu.memory_space<semaphore_mem>>) src(%dma_wait3A_2014 : memref<6x8xf32, #tpu.memory_space<hbm>>) dst(%dma_wait3A_2011 : memref<6x8xf32, #tpu.memory_space<vmem>>)
        %dma_wait3A_2015 = arith.constant 0 : i32
        %dma_wait3A_2016 = tpu.memref_slice %arg10[%dma_wait3A_2015, %multiple_of3A_2004] : memref<2x4096xf32, #tpu.memory_space<vmem>> -> memref<2x8xf32, #tpu.memory_space<vmem>>
        %dma_wait3A_2017 = arith.constant 0 : i32
        %dma_wait3A_2018 = arith.constant 0 : i32
        %dma_wait3A_2019 = tpu.memref_slice %arg4[%dma_wait3A_2017, %dma_wait3A_2018] : memref<2x1000000xf32, #tpu.memory_space<hbm>> -> memref<2x8xf32, #tpu.memory_space<hbm>>
        %dma_wait3A_2020 = arith.constant 0 : i32
        %dma_wait3A_2021 = tpu.memref_slice %arg10[%dma_wait3A_2020, %multiple_of3A_2004] : memref<2x4096xf32, #tpu.memory_space<vmem>> -> memref<2x8xf32, #tpu.memory_space<vmem>>
        %dma_wait3A_2022 = arith.constant 0 : i32
        %dma_wait3A_2023 = arith.constant 0 : i32
        %dma_wait3A_2024 = tpu.memref_slice %arg4[%dma_wait3A_2022, %dma_wait3A_2023] : memref<2x1000000xf32, #tpu.memory_space<hbm>> -> memref<2x8xf32, #tpu.memory_space<hbm>>
        tpu.wait_dma2 semaphore(%arg14 : memref<!tpu.dma_semaphore, #tpu.memory_space<semaphore_mem>>) src(%dma_wait3A_2024 : memref<2x8xf32, #tpu.memory_space<hbm>>) dst(%dma_wait3A_2021 : memref<2x8xf32, #tpu.memory_space<vmem>>)
        %mul3A_2025 = arith.constant 16 : i32
        %mul3A_2026 = arith.muli %sub3A_1889, %mul3A_2025 : i32
        %add3A_2027 = arith.constant 5 : i32
        %add3A_2028 = arith.addi %mul3A_2026, %add3A_2027 : i32
        %mul3A_2029 = arith.constant 8 : i32
        %mul3A_2030 = arith.muli %add3A_2028, %mul3A_2029 : i32
        %multiple_of3A_2031 = tpu.assume_multiple %mul3A_2030, 8 : i32
        %dma_wait3A_2032 = arith.constant 0 : i32
        %dma_wait3A_2033 = tpu.memref_slice %arg9[%dma_wait3A_2032, %multiple_of3A_2031] : memref<6x4096xf32, #tpu.memory_space<vmem>> -> memref<6x8xf32, #tpu.memory_space<vmem>>
        %dma_wait3A_2034 = arith.constant 0 : i32
        %dma_wait3A_2035 = arith.constant 0 : i32
        %dma_wait3A_2036 = tpu.memref_slice %arg3[%dma_wait3A_2034, %dma_wait3A_2035] : memref<6x1000000xf32, #tpu.memory_space<hbm>> -> memref<6x8xf32, #tpu.memory_space<hbm>>
        %dma_wait3A_2037 = arith.constant 0 : i32
        %dma_wait3A_2038 = tpu.memref_slice %arg9[%dma_wait3A_2037, %multiple_of3A_2031] : memref<6x4096xf32, #tpu.memory_space<vmem>> -> memref<6x8xf32, #tpu.memory_space<vmem>>
        %dma_wait3A_2039 = arith.constant 0 : i32
        %dma_wait3A_2040 = arith.constant 0 : i32
        %dma_wait3A_2041 = tpu.memref_slice %arg3[%dma_wait3A_2039, %dma_wait3A_2040] : memref<6x1000000xf32, #tpu.memory_space<hbm>> -> memref<6x8xf32, #tpu.memory_space<hbm>>
        tpu.wait_dma2 semaphore(%arg14 : memref<!tpu.dma_semaphore, #tpu.memory_space<semaphore_mem>>) src(%dma_wait3A_2041 : memref<6x8xf32, #tpu.memory_space<hbm>>) dst(%dma_wait3A_2038 : memref<6x8xf32, #tpu.memory_space<vmem>>)
        %dma_wait3A_2042 = arith.constant 0 : i32
        %dma_wait3A_2043 = tpu.memref_slice %arg10[%dma_wait3A_2042, %multiple_of3A_2031] : memref<2x4096xf32, #tpu.memory_space<vmem>> -> memref<2x8xf32, #tpu.memory_space<vmem>>
        %dma_wait3A_2044 = arith.constant 0 : i32
        %dma_wait3A_2045 = arith.constant 0 : i32
        %dma_wait3A_2046 = tpu.memref_slice %arg4[%dma_wait3A_2044, %dma_wait3A_2045] : memref<2x1000000xf32, #tpu.memory_space<hbm>> -> memref<2x8xf32, #tpu.memory_space<hbm>>
        %dma_wait3A_2047 = arith.constant 0 : i32
        %dma_wait3A_2048 = tpu.memref_slice %arg10[%dma_wait3A_2047, %multiple_of3A_2031] : memref<2x4096xf32, #tpu.memory_space<vmem>> -> memref<2x8xf32, #tpu.memory_space<vmem>>
        %dma_wait3A_2049 = arith.constant 0 : i32
        %dma_wait3A_2050 = arith.constant 0 : i32
        %dma_wait3A_2051 = tpu.memref_slice %arg4[%dma_wait3A_2049, %dma_wait3A_2050] : memref<2x1000000xf32, #tpu.memory_space<hbm>> -> memref<2x8xf32, #tpu.memory_space<hbm>>
        tpu.wait_dma2 semaphore(%arg14 : memref<!tpu.dma_semaphore, #tpu.memory_space<semaphore_mem>>) src(%dma_wait3A_2051 : memref<2x8xf32, #tpu.memory_space<hbm>>) dst(%dma_wait3A_2048 : memref<2x8xf32, #tpu.memory_space<vmem>>)
        %mul3A_2052 = arith.constant 16 : i32
        %mul3A_2053 = arith.muli %sub3A_1889, %mul3A_2052 : i32
        %add3A_2054 = arith.constant 6 : i32
        %add3A_2055 = arith.addi %mul3A_2053, %add3A_2054 : i32
        %mul3A_2056 = arith.constant 8 : i32
        %mul3A_2057 = arith.muli %add3A_2055, %mul3A_2056 : i32
        %multiple_of3A_2058 = tpu.assume_multiple %mul3A_2057, 8 : i32
        %dma_wait3A_2059 = arith.constant 0 : i32
        %dma_wait3A_2060 = tpu.memref_slice %arg9[%dma_wait3A_2059, %multiple_of3A_2058] : memref<6x4096xf32, #tpu.memory_space<vmem>> -> memref<6x8xf32, #tpu.memory_space<vmem>>
        %dma_wait3A_2061 = arith.constant 0 : i32
        %dma_wait3A_2062 = arith.constant 0 : i32
        %dma_wait3A_2063 = tpu.memref_slice %arg3[%dma_wait3A_2061, %dma_wait3A_2062] : memref<6x1000000xf32, #tpu.memory_space<hbm>> -> memref<6x8xf32, #tpu.memory_space<hbm>>
        %dma_wait3A_2064 = arith.constant 0 : i32
        %dma_wait3A_2065 = tpu.memref_slice %arg9[%dma_wait3A_2064, %multiple_of3A_2058] : memref<6x4096xf32, #tpu.memory_space<vmem>> -> memref<6x8xf32, #tpu.memory_space<vmem>>
        %dma_wait3A_2066 = arith.constant 0 : i32
        %dma_wait3A_2067 = arith.constant 0 : i32
        %dma_wait3A_2068 = tpu.memref_slice %arg3[%dma_wait3A_2066, %dma_wait3A_2067] : memref<6x1000000xf32, #tpu.memory_space<hbm>> -> memref<6x8xf32, #tpu.memory_space<hbm>>
        tpu.wait_dma2 semaphore(%arg14 : memref<!tpu.dma_semaphore, #tpu.memory_space<semaphore_mem>>) src(%dma_wait3A_2068 : memref<6x8xf32, #tpu.memory_space<hbm>>) dst(%dma_wait3A_2065 : memref<6x8xf32, #tpu.memory_space<vmem>>)
        %dma_wait3A_2069 = arith.constant 0 : i32
        %dma_wait3A_2070 = tpu.memref_slice %arg10[%dma_wait3A_2069, %multiple_of3A_2058] : memref<2x4096xf32, #tpu.memory_space<vmem>> -> memref<2x8xf32, #tpu.memory_space<vmem>>
        %dma_wait3A_2071 = arith.constant 0 : i32
        %dma_wait3A_2072 = arith.constant 0 : i32
        %dma_wait3A_2073 = tpu.memref_slice %arg4[%dma_wait3A_2071, %dma_wait3A_2072] : memref<2x1000000xf32, #tpu.memory_space<hbm>> -> memref<2x8xf32, #tpu.memory_space<hbm>>
        %dma_wait3A_2074 = arith.constant 0 : i32
        %dma_wait3A_2075 = tpu.memref_slice %arg10[%dma_wait3A_2074, %multiple_of3A_2058] : memref<2x4096xf32, #tpu.memory_space<vmem>> -> memref<2x8xf32, #tpu.memory_space<vmem>>
        %dma_wait3A_2076 = arith.constant 0 : i32
        %dma_wait3A_2077 = arith.constant 0 : i32
        %dma_wait3A_2078 = tpu.memref_slice %arg4[%dma_wait3A_2076, %dma_wait3A_2077] : memref<2x1000000xf32, #tpu.memory_space<hbm>> -> memref<2x8xf32, #tpu.memory_space<hbm>>
        tpu.wait_dma2 semaphore(%arg14 : memref<!tpu.dma_semaphore, #tpu.memory_space<semaphore_mem>>) src(%dma_wait3A_2078 : memref<2x8xf32, #tpu.memory_space<hbm>>) dst(%dma_wait3A_2075 : memref<2x8xf32, #tpu.memory_space<vmem>>)
        %mul3A_2079 = arith.constant 16 : i32
        %mul3A_2080 = arith.muli %sub3A_1889, %mul3A_2079 : i32
        %add3A_2081 = arith.constant 7 : i32
        %add3A_2082 = arith.addi %mul3A_2080, %add3A_2081 : i32
        %mul3A_2083 = arith.constant 8 : i32
        %mul3A_2084 = arith.muli %add3A_2082, %mul3A_2083 : i32
        %multiple_of3A_2085 = tpu.assume_multiple %mul3A_2084, 8 : i32
        %dma_wait3A_2086 = arith.constant 0 : i32
        %dma_wait3A_2087 = tpu.memref_slice %arg9[%dma_wait3A_2086, %multiple_of3A_2085] : memref<6x4096xf32, #tpu.memory_space<vmem>> -> memref<6x8xf32, #tpu.memory_space<vmem>>
        %dma_wait3A_2088 = arith.constant 0 : i32
        %dma_wait3A_2089 = arith.constant 0 : i32
        %dma_wait3A_2090 = tpu.memref_slice %arg3[%dma_wait3A_2088, %dma_wait3A_2089] : memref<6x1000000xf32, #tpu.memory_space<hbm>> -> memref<6x8xf32, #tpu.memory_space<hbm>>
        %dma_wait3A_2091 = arith.constant 0 : i32
        %dma_wait3A_2092 = tpu.memref_slice %arg9[%dma_wait3A_2091, %multiple_of3A_2085] : memref<6x4096xf32, #tpu.memory_space<vmem>> -> memref<6x8xf32, #tpu.memory_space<vmem>>
        %dma_wait3A_2093 = arith.constant 0 : i32
        %dma_wait3A_2094 = arith.constant 0 : i32
        %dma_wait3A_2095 = tpu.memref_slice %arg3[%dma_wait3A_2093, %dma_wait3A_2094] : memref<6x1000000xf32, #tpu.memory_space<hbm>> -> memref<6x8xf32, #tpu.memory_space<hbm>>
        tpu.wait_dma2 semaphore(%arg14 : memref<!tpu.dma_semaphore, #tpu.memory_space<semaphore_mem>>) src(%dma_wait3A_2095 : memref<6x8xf32, #tpu.memory_space<hbm>>) dst(%dma_wait3A_2092 : memref<6x8xf32, #tpu.memory_space<vmem>>)
        %dma_wait3A_2096 = arith.constant 0 : i32
        %dma_wait3A_2097 = tpu.memref_slice %arg10[%dma_wait3A_2096, %multiple_of3A_2085] : memref<2x4096xf32, #tpu.memory_space<vmem>> -> memref<2x8xf32, #tpu.memory_space<vmem>>
        %dma_wait3A_2098 = arith.constant 0 : i32
        %dma_wait3A_2099 = arith.constant 0 : i32
        %dma_wait3A_2100 = tpu.memref_slice %arg4[%dma_wait3A_2098, %dma_wait3A_2099] : memref<2x1000000xf32, #tpu.memory_space<hbm>> -> memref<2x8xf32, #tpu.memory_space<hbm>>
        %dma_wait3A_2101 = arith.constant 0 : i32
        %dma_wait3A_2102 = tpu.memref_slice %arg10[%dma_wait3A_2101, %multiple_of3A_2085] : memref<2x4096xf32, #tpu.memory_space<vmem>> -> memref<2x8xf32, #tpu.memory_space<vmem>>
        %dma_wait3A_2103 = arith.constant 0 : i32
        %dma_wait3A_2104 = arith.constant 0 : i32
        %dma_wait3A_2105 = tpu.memref_slice %arg4[%dma_wait3A_2103, %dma_wait3A_2104] : memref<2x1000000xf32, #tpu.memory_space<hbm>> -> memref<2x8xf32, #tpu.memory_space<hbm>>
        tpu.wait_dma2 semaphore(%arg14 : memref<!tpu.dma_semaphore, #tpu.memory_space<semaphore_mem>>) src(%dma_wait3A_2105 : memref<2x8xf32, #tpu.memory_space<hbm>>) dst(%dma_wait3A_2102 : memref<2x8xf32, #tpu.memory_space<vmem>>)
        %mul3A_2106 = arith.constant 16 : i32
        %mul3A_2107 = arith.muli %sub3A_1889, %mul3A_2106 : i32
        %add3A_2108 = arith.constant 8 : i32
        %add3A_2109 = arith.addi %mul3A_2107, %add3A_2108 : i32
        %mul3A_2110 = arith.constant 8 : i32
        %mul3A_2111 = arith.muli %add3A_2109, %mul3A_2110 : i32
        %multiple_of3A_2112 = tpu.assume_multiple %mul3A_2111, 8 : i32
        %dma_wait3A_2113 = arith.constant 0 : i32
        %dma_wait3A_2114 = tpu.memref_slice %arg9[%dma_wait3A_2113, %multiple_of3A_2112] : memref<6x4096xf32, #tpu.memory_space<vmem>> -> memref<6x8xf32, #tpu.memory_space<vmem>>
        %dma_wait3A_2115 = arith.constant 0 : i32
        %dma_wait3A_2116 = arith.constant 0 : i32
        %dma_wait3A_2117 = tpu.memref_slice %arg3[%dma_wait3A_2115, %dma_wait3A_2116] : memref<6x1000000xf32, #tpu.memory_space<hbm>> -> memref<6x8xf32, #tpu.memory_space<hbm>>
        %dma_wait3A_2118 = arith.constant 0 : i32
        %dma_wait3A_2119 = tpu.memref_slice %arg9[%dma_wait3A_2118, %multiple_of3A_2112] : memref<6x4096xf32, #tpu.memory_space<vmem>> -> memref<6x8xf32, #tpu.memory_space<vmem>>
        %dma_wait3A_2120 = arith.constant 0 : i32
        %dma_wait3A_2121 = arith.constant 0 : i32
        %dma_wait3A_2122 = tpu.memref_slice %arg3[%dma_wait3A_2120, %dma_wait3A_2121] : memref<6x1000000xf32, #tpu.memory_space<hbm>> -> memref<6x8xf32, #tpu.memory_space<hbm>>
        tpu.wait_dma2 semaphore(%arg14 : memref<!tpu.dma_semaphore, #tpu.memory_space<semaphore_mem>>) src(%dma_wait3A_2122 : memref<6x8xf32, #tpu.memory_space<hbm>>) dst(%dma_wait3A_2119 : memref<6x8xf32, #tpu.memory_space<vmem>>)
        %dma_wait3A_2123 = arith.constant 0 : i32
        %dma_wait3A_2124 = tpu.memref_slice %arg10[%dma_wait3A_2123, %multiple_of3A_2112] : memref<2x4096xf32, #tpu.memory_space<vmem>> -> memref<2x8xf32, #tpu.memory_space<vmem>>
        %dma_wait3A_2125 = arith.constant 0 : i32
        %dma_wait3A_2126 = arith.constant 0 : i32
        %dma_wait3A_2127 = tpu.memref_slice %arg4[%dma_wait3A_2125, %dma_wait3A_2126] : memref<2x1000000xf32, #tpu.memory_space<hbm>> -> memref<2x8xf32, #tpu.memory_space<hbm>>
        %dma_wait3A_2128 = arith.constant 0 : i32
        %dma_wait3A_2129 = tpu.memref_slice %arg10[%dma_wait3A_2128, %multiple_of3A_2112] : memref<2x4096xf32, #tpu.memory_space<vmem>> -> memref<2x8xf32, #tpu.memory_space<vmem>>
        %dma_wait3A_2130 = arith.constant 0 : i32
        %dma_wait3A_2131 = arith.constant 0 : i32
        %dma_wait3A_2132 = tpu.memref_slice %arg4[%dma_wait3A_2130, %dma_wait3A_2131] : memref<2x1000000xf32, #tpu.memory_space<hbm>> -> memref<2x8xf32, #tpu.memory_space<hbm>>
        tpu.wait_dma2 semaphore(%arg14 : memref<!tpu.dma_semaphore, #tpu.memory_space<semaphore_mem>>) src(%dma_wait3A_2132 : memref<2x8xf32, #tpu.memory_space<hbm>>) dst(%dma_wait3A_2129 : memref<2x8xf32, #tpu.memory_space<vmem>>)
        %mul3A_2133 = arith.constant 16 : i32
        %mul3A_2134 = arith.muli %sub3A_1889, %mul3A_2133 : i32
        %add3A_2135 = arith.constant 9 : i32
        %add3A_2136 = arith.addi %mul3A_2134, %add3A_2135 : i32
        %mul3A_2137 = arith.constant 8 : i32
        %mul3A_2138 = arith.muli %add3A_2136, %mul3A_2137 : i32
        %multiple_of3A_2139 = tpu.assume_multiple %mul3A_2138, 8 : i32
        %dma_wait3A_2140 = arith.constant 0 : i32
        %dma_wait3A_2141 = tpu.memref_slice %arg9[%dma_wait3A_2140, %multiple_of3A_2139] : memref<6x4096xf32, #tpu.memory_space<vmem>> -> memref<6x8xf32, #tpu.memory_space<vmem>>
        %dma_wait3A_2142 = arith.constant 0 : i32
        %dma_wait3A_2143 = arith.constant 0 : i32
        %dma_wait3A_2144 = tpu.memref_slice %arg3[%dma_wait3A_2142, %dma_wait3A_2143] : memref<6x1000000xf32, #tpu.memory_space<hbm>> -> memref<6x8xf32, #tpu.memory_space<hbm>>
        %dma_wait3A_2145 = arith.constant 0 : i32
        %dma_wait3A_2146 = tpu.memref_slice %arg9[%dma_wait3A_2145, %multiple_of3A_2139] : memref<6x4096xf32, #tpu.memory_space<vmem>> -> memref<6x8xf32, #tpu.memory_space<vmem>>
        %dma_wait3A_2147 = arith.constant 0 : i32
        %dma_wait3A_2148 = arith.constant 0 : i32
        %dma_wait3A_2149 = tpu.memref_slice %arg3[%dma_wait3A_2147, %dma_wait3A_2148] : memref<6x1000000xf32, #tpu.memory_space<hbm>> -> memref<6x8xf32, #tpu.memory_space<hbm>>
        tpu.wait_dma2 semaphore(%arg14 : memref<!tpu.dma_semaphore, #tpu.memory_space<semaphore_mem>>) src(%dma_wait3A_2149 : memref<6x8xf32, #tpu.memory_space<hbm>>) dst(%dma_wait3A_2146 : memref<6x8xf32, #tpu.memory_space<vmem>>)
        %dma_wait3A_2150 = arith.constant 0 : i32
        %dma_wait3A_2151 = tpu.memref_slice %arg10[%dma_wait3A_2150, %multiple_of3A_2139] : memref<2x4096xf32, #tpu.memory_space<vmem>> -> memref<2x8xf32, #tpu.memory_space<vmem>>
        %dma_wait3A_2152 = arith.constant 0 : i32
        %dma_wait3A_2153 = arith.constant 0 : i32
        %dma_wait3A_2154 = tpu.memref_slice %arg4[%dma_wait3A_2152, %dma_wait3A_2153] : memref<2x1000000xf32, #tpu.memory_space<hbm>> -> memref<2x8xf32, #tpu.memory_space<hbm>>
        %dma_wait3A_2155 = arith.constant 0 : i32
        %dma_wait3A_2156 = tpu.memref_slice %arg10[%dma_wait3A_2155, %multiple_of3A_2139] : memref<2x4096xf32, #tpu.memory_space<vmem>> -> memref<2x8xf32, #tpu.memory_space<vmem>>
        %dma_wait3A_2157 = arith.constant 0 : i32
        %dma_wait3A_2158 = arith.constant 0 : i32
        %dma_wait3A_2159 = tpu.memref_slice %arg4[%dma_wait3A_2157, %dma_wait3A_2158] : memref<2x1000000xf32, #tpu.memory_space<hbm>> -> memref<2x8xf32, #tpu.memory_space<hbm>>
        tpu.wait_dma2 semaphore(%arg14 : memref<!tpu.dma_semaphore, #tpu.memory_space<semaphore_mem>>) src(%dma_wait3A_2159 : memref<2x8xf32, #tpu.memory_space<hbm>>) dst(%dma_wait3A_2156 : memref<2x8xf32, #tpu.memory_space<vmem>>)
        %mul3A_2160 = arith.constant 16 : i32
        %mul3A_2161 = arith.muli %sub3A_1889, %mul3A_2160 : i32
        %add3A_2162 = arith.constant 10 : i32
        %add3A_2163 = arith.addi %mul3A_2161, %add3A_2162 : i32
        %mul3A_2164 = arith.constant 8 : i32
        %mul3A_2165 = arith.muli %add3A_2163, %mul3A_2164 : i32
        %multiple_of3A_2166 = tpu.assume_multiple %mul3A_2165, 8 : i32
        %dma_wait3A_2167 = arith.constant 0 : i32
        %dma_wait3A_2168 = tpu.memref_slice %arg9[%dma_wait3A_2167, %multiple_of3A_2166] : memref<6x4096xf32, #tpu.memory_space<vmem>> -> memref<6x8xf32, #tpu.memory_space<vmem>>
        %dma_wait3A_2169 = arith.constant 0 : i32
        %dma_wait3A_2170 = arith.constant 0 : i32
        %dma_wait3A_2171 = tpu.memref_slice %arg3[%dma_wait3A_2169, %dma_wait3A_2170] : memref<6x1000000xf32, #tpu.memory_space<hbm>> -> memref<6x8xf32, #tpu.memory_space<hbm>>
        %dma_wait3A_2172 = arith.constant 0 : i32
        %dma_wait3A_2173 = tpu.memref_slice %arg9[%dma_wait3A_2172, %multiple_of3A_2166] : memref<6x4096xf32, #tpu.memory_space<vmem>> -> memref<6x8xf32, #tpu.memory_space<vmem>>
        %dma_wait3A_2174 = arith.constant 0 : i32
        %dma_wait3A_2175 = arith.constant 0 : i32
        %dma_wait3A_2176 = tpu.memref_slice %arg3[%dma_wait3A_2174, %dma_wait3A_2175] : memref<6x1000000xf32, #tpu.memory_space<hbm>> -> memref<6x8xf32, #tpu.memory_space<hbm>>
        tpu.wait_dma2 semaphore(%arg14 : memref<!tpu.dma_semaphore, #tpu.memory_space<semaphore_mem>>) src(%dma_wait3A_2176 : memref<6x8xf32, #tpu.memory_space<hbm>>) dst(%dma_wait3A_2173 : memref<6x8xf32, #tpu.memory_space<vmem>>)
        %dma_wait3A_2177 = arith.constant 0 : i32
        %dma_wait3A_2178 = tpu.memref_slice %arg10[%dma_wait3A_2177, %multiple_of3A_2166] : memref<2x4096xf32, #tpu.memory_space<vmem>> -> memref<2x8xf32, #tpu.memory_space<vmem>>
        %dma_wait3A_2179 = arith.constant 0 : i32
        %dma_wait3A_2180 = arith.constant 0 : i32
        %dma_wait3A_2181 = tpu.memref_slice %arg4[%dma_wait3A_2179, %dma_wait3A_2180] : memref<2x1000000xf32, #tpu.memory_space<hbm>> -> memref<2x8xf32, #tpu.memory_space<hbm>>
        %dma_wait3A_2182 = arith.constant 0 : i32
        %dma_wait3A_2183 = tpu.memref_slice %arg10[%dma_wait3A_2182, %multiple_of3A_2166] : memref<2x4096xf32, #tpu.memory_space<vmem>> -> memref<2x8xf32, #tpu.memory_space<vmem>>
        %dma_wait3A_2184 = arith.constant 0 : i32
        %dma_wait3A_2185 = arith.constant 0 : i32
        %dma_wait3A_2186 = tpu.memref_slice %arg4[%dma_wait3A_2184, %dma_wait3A_2185] : memref<2x1000000xf32, #tpu.memory_space<hbm>> -> memref<2x8xf32, #tpu.memory_space<hbm>>
        tpu.wait_dma2 semaphore(%arg14 : memref<!tpu.dma_semaphore, #tpu.memory_space<semaphore_mem>>) src(%dma_wait3A_2186 : memref<2x8xf32, #tpu.memory_space<hbm>>) dst(%dma_wait3A_2183 : memref<2x8xf32, #tpu.memory_space<vmem>>)
        %mul3A_2187 = arith.constant 16 : i32
        %mul3A_2188 = arith.muli %sub3A_1889, %mul3A_2187 : i32
        %add3A_2189 = arith.constant 11 : i32
        %add3A_2190 = arith.addi %mul3A_2188, %add3A_2189 : i32
        %mul3A_2191 = arith.constant 8 : i32
        %mul3A_2192 = arith.muli %add3A_2190, %mul3A_2191 : i32
        %multiple_of3A_2193 = tpu.assume_multiple %mul3A_2192, 8 : i32
        %dma_wait3A_2194 = arith.constant 0 : i32
        %dma_wait3A_2195 = tpu.memref_slice %arg9[%dma_wait3A_2194, %multiple_of3A_2193] : memref<6x4096xf32, #tpu.memory_space<vmem>> -> memref<6x8xf32, #tpu.memory_space<vmem>>
        %dma_wait3A_2196 = arith.constant 0 : i32
        %dma_wait3A_2197 = arith.constant 0 : i32
        %dma_wait3A_2198 = tpu.memref_slice %arg3[%dma_wait3A_2196, %dma_wait3A_2197] : memref<6x1000000xf32, #tpu.memory_space<hbm>> -> memref<6x8xf32, #tpu.memory_space<hbm>>
        %dma_wait3A_2199 = arith.constant 0 : i32
        %dma_wait3A_2200 = tpu.memref_slice %arg9[%dma_wait3A_2199, %multiple_of3A_2193] : memref<6x4096xf32, #tpu.memory_space<vmem>> -> memref<6x8xf32, #tpu.memory_space<vmem>>
        %dma_wait3A_2201 = arith.constant 0 : i32
        %dma_wait3A_2202 = arith.constant 0 : i32
        %dma_wait3A_2203 = tpu.memref_slice %arg3[%dma_wait3A_2201, %dma_wait3A_2202] : memref<6x1000000xf32, #tpu.memory_space<hbm>> -> memref<6x8xf32, #tpu.memory_space<hbm>>
        tpu.wait_dma2 semaphore(%arg14 : memref<!tpu.dma_semaphore, #tpu.memory_space<semaphore_mem>>) src(%dma_wait3A_2203 : memref<6x8xf32, #tpu.memory_space<hbm>>) dst(%dma_wait3A_2200 : memref<6x8xf32, #tpu.memory_space<vmem>>)
        %dma_wait3A_2204 = arith.constant 0 : i32
        %dma_wait3A_2205 = tpu.memref_slice %arg10[%dma_wait3A_2204, %multiple_of3A_2193] : memref<2x4096xf32, #tpu.memory_space<vmem>> -> memref<2x8xf32, #tpu.memory_space<vmem>>
        %dma_wait3A_2206 = arith.constant 0 : i32
        %dma_wait3A_2207 = arith.constant 0 : i32
        %dma_wait3A_2208 = tpu.memref_slice %arg4[%dma_wait3A_2206, %dma_wait3A_2207] : memref<2x1000000xf32, #tpu.memory_space<hbm>> -> memref<2x8xf32, #tpu.memory_space<hbm>>
        %dma_wait3A_2209 = arith.constant 0 : i32
        %dma_wait3A_2210 = tpu.memref_slice %arg10[%dma_wait3A_2209, %multiple_of3A_2193] : memref<2x4096xf32, #tpu.memory_space<vmem>> -> memref<2x8xf32, #tpu.memory_space<vmem>>
        %dma_wait3A_2211 = arith.constant 0 : i32
        %dma_wait3A_2212 = arith.constant 0 : i32
        %dma_wait3A_2213 = tpu.memref_slice %arg4[%dma_wait3A_2211, %dma_wait3A_2212] : memref<2x1000000xf32, #tpu.memory_space<hbm>> -> memref<2x8xf32, #tpu.memory_space<hbm>>
        tpu.wait_dma2 semaphore(%arg14 : memref<!tpu.dma_semaphore, #tpu.memory_space<semaphore_mem>>) src(%dma_wait3A_2213 : memref<2x8xf32, #tpu.memory_space<hbm>>) dst(%dma_wait3A_2210 : memref<2x8xf32, #tpu.memory_space<vmem>>)
        %mul3A_2214 = arith.constant 16 : i32
        %mul3A_2215 = arith.muli %sub3A_1889, %mul3A_2214 : i32
        %add3A_2216 = arith.constant 12 : i32
        %add3A_2217 = arith.addi %mul3A_2215, %add3A_2216 : i32
        %mul3A_2218 = arith.constant 8 : i32
        %mul3A_2219 = arith.muli %add3A_2217, %mul3A_2218 : i32
        %multiple_of3A_2220 = tpu.assume_multiple %mul3A_2219, 8 : i32
        %dma_wait3A_2221 = arith.constant 0 : i32
        %dma_wait3A_2222 = tpu.memref_slice %arg9[%dma_wait3A_2221, %multiple_of3A_2220] : memref<6x4096xf32, #tpu.memory_space<vmem>> -> memref<6x8xf32, #tpu.memory_space<vmem>>
        %dma_wait3A_2223 = arith.constant 0 : i32
        %dma_wait3A_2224 = arith.constant 0 : i32
        %dma_wait3A_2225 = tpu.memref_slice %arg3[%dma_wait3A_2223, %dma_wait3A_2224] : memref<6x1000000xf32, #tpu.memory_space<hbm>> -> memref<6x8xf32, #tpu.memory_space<hbm>>
        %dma_wait3A_2226 = arith.constant 0 : i32
        %dma_wait3A_2227 = tpu.memref_slice %arg9[%dma_wait3A_2226, %multiple_of3A_2220] : memref<6x4096xf32, #tpu.memory_space<vmem>> -> memref<6x8xf32, #tpu.memory_space<vmem>>
        %dma_wait3A_2228 = arith.constant 0 : i32
        %dma_wait3A_2229 = arith.constant 0 : i32
        %dma_wait3A_2230 = tpu.memref_slice %arg3[%dma_wait3A_2228, %dma_wait3A_2229] : memref<6x1000000xf32, #tpu.memory_space<hbm>> -> memref<6x8xf32, #tpu.memory_space<hbm>>
        tpu.wait_dma2 semaphore(%arg14 : memref<!tpu.dma_semaphore, #tpu.memory_space<semaphore_mem>>) src(%dma_wait3A_2230 : memref<6x8xf32, #tpu.memory_space<hbm>>) dst(%dma_wait3A_2227 : memref<6x8xf32, #tpu.memory_space<vmem>>)
        %dma_wait3A_2231 = arith.constant 0 : i32
        %dma_wait3A_2232 = tpu.memref_slice %arg10[%dma_wait3A_2231, %multiple_of3A_2220] : memref<2x4096xf32, #tpu.memory_space<vmem>> -> memref<2x8xf32, #tpu.memory_space<vmem>>
        %dma_wait3A_2233 = arith.constant 0 : i32
        %dma_wait3A_2234 = arith.constant 0 : i32
        %dma_wait3A_2235 = tpu.memref_slice %arg4[%dma_wait3A_2233, %dma_wait3A_2234] : memref<2x1000000xf32, #tpu.memory_space<hbm>> -> memref<2x8xf32, #tpu.memory_space<hbm>>
        %dma_wait3A_2236 = arith.constant 0 : i32
        %dma_wait3A_2237 = tpu.memref_slice %arg10[%dma_wait3A_2236, %multiple_of3A_2220] : memref<2x4096xf32, #tpu.memory_space<vmem>> -> memref<2x8xf32, #tpu.memory_space<vmem>>
        %dma_wait3A_2238 = arith.constant 0 : i32
        %dma_wait3A_2239 = arith.constant 0 : i32
        %dma_wait3A_2240 = tpu.memref_slice %arg4[%dma_wait3A_2238, %dma_wait3A_2239] : memref<2x1000000xf32, #tpu.memory_space<hbm>> -> memref<2x8xf32, #tpu.memory_space<hbm>>
        tpu.wait_dma2 semaphore(%arg14 : memref<!tpu.dma_semaphore, #tpu.memory_space<semaphore_mem>>) src(%dma_wait3A_2240 : memref<2x8xf32, #tpu.memory_space<hbm>>) dst(%dma_wait3A_2237 : memref<2x8xf32, #tpu.memory_space<vmem>>)
        %mul3A_2241 = arith.constant 16 : i32
        %mul3A_2242 = arith.muli %sub3A_1889, %mul3A_2241 : i32
        %add3A_2243 = arith.constant 13 : i32
        %add3A_2244 = arith.addi %mul3A_2242, %add3A_2243 : i32
        %mul3A_2245 = arith.constant 8 : i32
        %mul3A_2246 = arith.muli %add3A_2244, %mul3A_2245 : i32
        %multiple_of3A_2247 = tpu.assume_multiple %mul3A_2246, 8 : i32
        %dma_wait3A_2248 = arith.constant 0 : i32
        %dma_wait3A_2249 = tpu.memref_slice %arg9[%dma_wait3A_2248, %multiple_of3A_2247] : memref<6x4096xf32, #tpu.memory_space<vmem>> -> memref<6x8xf32, #tpu.memory_space<vmem>>
        %dma_wait3A_2250 = arith.constant 0 : i32
        %dma_wait3A_2251 = arith.constant 0 : i32
        %dma_wait3A_2252 = tpu.memref_slice %arg3[%dma_wait3A_2250, %dma_wait3A_2251] : memref<6x1000000xf32, #tpu.memory_space<hbm>> -> memref<6x8xf32, #tpu.memory_space<hbm>>
        %dma_wait3A_2253 = arith.constant 0 : i32
        %dma_wait3A_2254 = tpu.memref_slice %arg9[%dma_wait3A_2253, %multiple_of3A_2247] : memref<6x4096xf32, #tpu.memory_space<vmem>> -> memref<6x8xf32, #tpu.memory_space<vmem>>
        %dma_wait3A_2255 = arith.constant 0 : i32
        %dma_wait3A_2256 = arith.constant 0 : i32
        %dma_wait3A_2257 = tpu.memref_slice %arg3[%dma_wait3A_2255, %dma_wait3A_2256] : memref<6x1000000xf32, #tpu.memory_space<hbm>> -> memref<6x8xf32, #tpu.memory_space<hbm>>
        tpu.wait_dma2 semaphore(%arg14 : memref<!tpu.dma_semaphore, #tpu.memory_space<semaphore_mem>>) src(%dma_wait3A_2257 : memref<6x8xf32, #tpu.memory_space<hbm>>) dst(%dma_wait3A_2254 : memref<6x8xf32, #tpu.memory_space<vmem>>)
        %dma_wait3A_2258 = arith.constant 0 : i32
        %dma_wait3A_2259 = tpu.memref_slice %arg10[%dma_wait3A_2258, %multiple_of3A_2247] : memref<2x4096xf32, #tpu.memory_space<vmem>> -> memref<2x8xf32, #tpu.memory_space<vmem>>
        %dma_wait3A_2260 = arith.constant 0 : i32
        %dma_wait3A_2261 = arith.constant 0 : i32
        %dma_wait3A_2262 = tpu.memref_slice %arg4[%dma_wait3A_2260, %dma_wait3A_2261] : memref<2x1000000xf32, #tpu.memory_space<hbm>> -> memref<2x8xf32, #tpu.memory_space<hbm>>
        %dma_wait3A_2263 = arith.constant 0 : i32
        %dma_wait3A_2264 = tpu.memref_slice %arg10[%dma_wait3A_2263, %multiple_of3A_2247] : memref<2x4096xf32, #tpu.memory_space<vmem>> -> memref<2x8xf32, #tpu.memory_space<vmem>>
        %dma_wait3A_2265 = arith.constant 0 : i32
        %dma_wait3A_2266 = arith.constant 0 : i32
        %dma_wait3A_2267 = tpu.memref_slice %arg4[%dma_wait3A_2265, %dma_wait3A_2266] : memref<2x1000000xf32, #tpu.memory_space<hbm>> -> memref<2x8xf32, #tpu.memory_space<hbm>>
        tpu.wait_dma2 semaphore(%arg14 : memref<!tpu.dma_semaphore, #tpu.memory_space<semaphore_mem>>) src(%dma_wait3A_2267 : memref<2x8xf32, #tpu.memory_space<hbm>>) dst(%dma_wait3A_2264 : memref<2x8xf32, #tpu.memory_space<vmem>>)
        %mul3A_2268 = arith.constant 16 : i32
        %mul3A_2269 = arith.muli %sub3A_1889, %mul3A_2268 : i32
        %add3A_2270 = arith.constant 14 : i32
        %add3A_2271 = arith.addi %mul3A_2269, %add3A_2270 : i32
        %mul3A_2272 = arith.constant 8 : i32
        %mul3A_2273 = arith.muli %add3A_2271, %mul3A_2272 : i32
        %multiple_of3A_2274 = tpu.assume_multiple %mul3A_2273, 8 : i32
        %dma_wait3A_2275 = arith.constant 0 : i32
        %dma_wait3A_2276 = tpu.memref_slice %arg9[%dma_wait3A_2275, %multiple_of3A_2274] : memref<6x4096xf32, #tpu.memory_space<vmem>> -> memref<6x8xf32, #tpu.memory_space<vmem>>
        %dma_wait3A_2277 = arith.constant 0 : i32
        %dma_wait3A_2278 = arith.constant 0 : i32
        %dma_wait3A_2279 = tpu.memref_slice %arg3[%dma_wait3A_2277, %dma_wait3A_2278] : memref<6x1000000xf32, #tpu.memory_space<hbm>> -> memref<6x8xf32, #tpu.memory_space<hbm>>
        %dma_wait3A_2280 = arith.constant 0 : i32
        %dma_wait3A_2281 = tpu.memref_slice %arg9[%dma_wait3A_2280, %multiple_of3A_2274] : memref<6x4096xf32, #tpu.memory_space<vmem>> -> memref<6x8xf32, #tpu.memory_space<vmem>>
        %dma_wait3A_2282 = arith.constant 0 : i32
        %dma_wait3A_2283 = arith.constant 0 : i32
        %dma_wait3A_2284 = tpu.memref_slice %arg3[%dma_wait3A_2282, %dma_wait3A_2283] : memref<6x1000000xf32, #tpu.memory_space<hbm>> -> memref<6x8xf32, #tpu.memory_space<hbm>>
        tpu.wait_dma2 semaphore(%arg14 : memref<!tpu.dma_semaphore, #tpu.memory_space<semaphore_mem>>) src(%dma_wait3A_2284 : memref<6x8xf32, #tpu.memory_space<hbm>>) dst(%dma_wait3A_2281 : memref<6x8xf32, #tpu.memory_space<vmem>>)
        %dma_wait3A_2285 = arith.constant 0 : i32
        %dma_wait3A_2286 = tpu.memref_slice %arg10[%dma_wait3A_2285, %multiple_of3A_2274] : memref<2x4096xf32, #tpu.memory_space<vmem>> -> memref<2x8xf32, #tpu.memory_space<vmem>>
        %dma_wait3A_2287 = arith.constant 0 : i32
        %dma_wait3A_2288 = arith.constant 0 : i32
        %dma_wait3A_2289 = tpu.memref_slice %arg4[%dma_wait3A_2287, %dma_wait3A_2288] : memref<2x1000000xf32, #tpu.memory_space<hbm>> -> memref<2x8xf32, #tpu.memory_space<hbm>>
        %dma_wait3A_2290 = arith.constant 0 : i32
        %dma_wait3A_2291 = tpu.memref_slice %arg10[%dma_wait3A_2290, %multiple_of3A_2274] : memref<2x4096xf32, #tpu.memory_space<vmem>> -> memref<2x8xf32, #tpu.memory_space<vmem>>
        %dma_wait3A_2292 = arith.constant 0 : i32
        %dma_wait3A_2293 = arith.constant 0 : i32
        %dma_wait3A_2294 = tpu.memref_slice %arg4[%dma_wait3A_2292, %dma_wait3A_2293] : memref<2x1000000xf32, #tpu.memory_space<hbm>> -> memref<2x8xf32, #tpu.memory_space<hbm>>
        tpu.wait_dma2 semaphore(%arg14 : memref<!tpu.dma_semaphore, #tpu.memory_space<semaphore_mem>>) src(%dma_wait3A_2294 : memref<2x8xf32, #tpu.memory_space<hbm>>) dst(%dma_wait3A_2291 : memref<2x8xf32, #tpu.memory_space<vmem>>)
        %mul3A_2295 = arith.constant 16 : i32
        %mul3A_2296 = arith.muli %sub3A_1889, %mul3A_2295 : i32
        %add3A_2297 = arith.constant 15 : i32
        %add3A_2298 = arith.addi %mul3A_2296, %add3A_2297 : i32
        %mul3A_2299 = arith.constant 8 : i32
        %mul3A_2300 = arith.muli %add3A_2298, %mul3A_2299 : i32
        %multiple_of3A_2301 = tpu.assume_multiple %mul3A_2300, 8 : i32
        %dma_wait3A_2302 = arith.constant 0 : i32
        %dma_wait3A_2303 = tpu.memref_slice %arg9[%dma_wait3A_2302, %multiple_of3A_2301] : memref<6x4096xf32, #tpu.memory_space<vmem>> -> memref<6x8xf32, #tpu.memory_space<vmem>>
        %dma_wait3A_2304 = arith.constant 0 : i32
        %dma_wait3A_2305 = arith.constant 0 : i32
        %dma_wait3A_2306 = tpu.memref_slice %arg3[%dma_wait3A_2304, %dma_wait3A_2305] : memref<6x1000000xf32, #tpu.memory_space<hbm>> -> memref<6x8xf32, #tpu.memory_space<hbm>>
        %dma_wait3A_2307 = arith.constant 0 : i32
        %dma_wait3A_2308 = tpu.memref_slice %arg9[%dma_wait3A_2307, %multiple_of3A_2301] : memref<6x4096xf32, #tpu.memory_space<vmem>> -> memref<6x8xf32, #tpu.memory_space<vmem>>
        %dma_wait3A_2309 = arith.constant 0 : i32
        %dma_wait3A_2310 = arith.constant 0 : i32
        %dma_wait3A_2311 = tpu.memref_slice %arg3[%dma_wait3A_2309, %dma_wait3A_2310] : memref<6x1000000xf32, #tpu.memory_space<hbm>> -> memref<6x8xf32, #tpu.memory_space<hbm>>
        tpu.wait_dma2 semaphore(%arg14 : memref<!tpu.dma_semaphore, #tpu.memory_space<semaphore_mem>>) src(%dma_wait3A_2311 : memref<6x8xf32, #tpu.memory_space<hbm>>) dst(%dma_wait3A_2308 : memref<6x8xf32, #tpu.memory_space<vmem>>)
        %dma_wait3A_2312 = arith.constant 0 : i32
        %dma_wait3A_2313 = tpu.memref_slice %arg10[%dma_wait3A_2312, %multiple_of3A_2301] : memref<2x4096xf32, #tpu.memory_space<vmem>> -> memref<2x8xf32, #tpu.memory_space<vmem>>
        %dma_wait3A_2314 = arith.constant 0 : i32
        %dma_wait3A_2315 = arith.constant 0 : i32
        %dma_wait3A_2316 = tpu.memref_slice %arg4[%dma_wait3A_2314, %dma_wait3A_2315] : memref<2x1000000xf32, #tpu.memory_space<hbm>> -> memref<2x8xf32, #tpu.memory_space<hbm>>
        %dma_wait3A_2317 = arith.constant 0 : i32
        %dma_wait3A_2318 = tpu.memref_slice %arg10[%dma_wait3A_2317, %multiple_of3A_2301] : memref<2x4096xf32, #tpu.memory_space<vmem>> -> memref<2x8xf32, #tpu.memory_space<vmem>>
        %dma_wait3A_2319 = arith.constant 0 : i32
        %dma_wait3A_2320 = arith.constant 0 : i32
        %dma_wait3A_2321 = tpu.memref_slice %arg4[%dma_wait3A_2319, %dma_wait3A_2320] : memref<2x1000000xf32, #tpu.memory_space<hbm>> -> memref<2x8xf32, #tpu.memory_space<hbm>>
        tpu.wait_dma2 semaphore(%arg14 : memref<!tpu.dma_semaphore, #tpu.memory_space<semaphore_mem>>) src(%dma_wait3A_2321 : memref<2x8xf32, #tpu.memory_space<hbm>>) dst(%dma_wait3A_2318 : memref<2x8xf32, #tpu.memory_space<vmem>>)
        %sub3A_2322 = arith.constant 2 : i32
        %sub3A_2323 = arith.subi %add3A_1433, %sub3A_2322 : i32
        %mul3A_2324 = arith.constant 16 : i32
        %mul3A_2325 = arith.muli %sub3A_2323, %mul3A_2324 : i32
        %get3A_2326 = arith.index_cast %mul3A_2325 : i32 to index
        %get3A_2327 = tpu.vector_load %arg8[%get3A_2326] {strides = array<i32>} : memref<512xi32, #tpu.memory_space<vmem>>, vector<16xi32>,
        %broadcast_in_dim3A_2328 = arith.constant 0 : i32
        %broadcast_in_dim3A_2329 = vector.broadcast %broadcast_in_dim3A_2328 : i32 to vector<16xi32>
        %gather3A_2330 = tpu.vector_load_idx %arg9[%broadcast_in_dim3A_2329, %get3A_2327] : memref<6x4096xf32, #tpu.memory_space<vmem>>[vector<16xi32>, vector<16xi32>], vector<16xf32>,
        %broadcast_in_dim3A_2331 = arith.constant 1 : i32
        %broadcast_in_dim3A_2332 = vector.broadcast %broadcast_in_dim3A_2331 : i32 to vector<16xi32>
        %gather3A_2333 = tpu.vector_load_idx %arg9[%broadcast_in_dim3A_2332, %get3A_2327] : memref<6x4096xf32, #tpu.memory_space<vmem>>[vector<16xi32>, vector<16xi32>], vector<16xf32>,
        %broadcast_in_dim3A_2334 = arith.constant 2 : i32
        %broadcast_in_dim3A_2335 = vector.broadcast %broadcast_in_dim3A_2334 : i32 to vector<16xi32>
        %gather3A_2336 = tpu.vector_load_idx %arg9[%broadcast_in_dim3A_2335, %get3A_2327] : memref<6x4096xf32, #tpu.memory_space<vmem>>[vector<16xi32>, vector<16xi32>], vector<16xf32>,
        %broadcast_in_dim3A_2337 = arith.constant 3 : i32
        %broadcast_in_dim3A_2338 = vector.broadcast %broadcast_in_dim3A_2337 : i32 to vector<16xi32>
        %gather3A_2339 = tpu.vector_load_idx %arg9[%broadcast_in_dim3A_2338, %get3A_2327] : memref<6x4096xf32, #tpu.memory_space<vmem>>[vector<16xi32>, vector<16xi32>], vector<16xf32>,
        %broadcast_in_dim3A_2340 = arith.constant 4 : i32
        %broadcast_in_dim3A_2341 = vector.broadcast %broadcast_in_dim3A_2340 : i32 to vector<16xi32>
        %gather3A_2342 = tpu.vector_load_idx %arg9[%broadcast_in_dim3A_2341, %get3A_2327] : memref<6x4096xf32, #tpu.memory_space<vmem>>[vector<16xi32>, vector<16xi32>], vector<16xf32>,
        %broadcast_in_dim3A_2343 = arith.constant 5 : i32
        %broadcast_in_dim3A_2344 = vector.broadcast %broadcast_in_dim3A_2343 : i32 to vector<16xi32>
        %gather3A_2345 = tpu.vector_load_idx %arg9[%broadcast_in_dim3A_2344, %get3A_2327] : memref<6x4096xf32, #tpu.memory_space<vmem>>[vector<16xi32>, vector<16xi32>], vector<16xf32>,
        %mul3A_2346 = arith.mulf %gather3A_2330, %gather3A_2330 : vector<16xf32>
        %mul3A_2347 = arith.mulf %gather3A_2333, %gather3A_2333 : vector<16xf32>
        %add3A_2348 = arith.addf %mul3A_2346, %mul3A_2347 : vector<16xf32>
        %mul3A_2349 = arith.mulf %gather3A_2336, %gather3A_2336 : vector<16xf32>
        %add3A_2350 = arith.addf %add3A_2348, %mul3A_2349 : vector<16xf32>
        %bitcast3A_2351 = vector.bitcast %add3A_2350 : vector<16xf32> to vector<16xi32>
        %shift_right_logical3A_2352 = arith.constant 1 : i32
        %shift_right_logical3A_2353 = vector.broadcast %shift_right_logical3A_2352 : i32 to vector<16xi32>
        %shift_right_logical3A_2354 = arith.shrui %bitcast3A_2351, %shift_right_logical3A_2353 : vector<16xi32>
        %sub3A_2355 = arith.constant 1597463007 : i32
        %sub3A_2356 = vector.broadcast %sub3A_2355 : i32 to vector<16xi32>
        %sub3A_2357 = arith.subi %sub3A_2356, %shift_right_logical3A_2354 : vector<16xi32>
        %bitcast3A_2358 = vector.bitcast %sub3A_2357 : vector<16xi32> to vector<16xf32>
        %mul3A_2359 = arith.constant 5.000000e-01 : f32
        %mul3A_2360 = vector.broadcast %mul3A_2359 : f32 to vector<16xf32>
        %mul3A_2361 = arith.mulf %mul3A_2360, %add3A_2350 : vector<16xf32>
        %mul3A_2362 = arith.mulf %mul3A_2361, %bitcast3A_2358 : vector<16xf32>
        %mul3A_2363 = arith.mulf %mul3A_2362, %bitcast3A_2358 : vector<16xf32>
        %sub3A_2364 = arith.constant 1.500000e+00 : f32
        %sub3A_2365 = vector.broadcast %sub3A_2364 : f32 to vector<16xf32>
        %sub3A_2366 = arith.subf %sub3A_2365, %mul3A_2363 : vector<16xf32>
        %mul3A_2367 = arith.mulf %bitcast3A_2358, %sub3A_2366 : vector<16xf32>
        %mul3A_2368 = arith.constant 5.000000e-01 : f32
        %mul3A_2369 = vector.broadcast %mul3A_2368 : f32 to vector<16xf32>
        %mul3A_2370 = arith.mulf %mul3A_2369, %add3A_2350 : vector<16xf32>
        %mul3A_2371 = arith.mulf %mul3A_2370, %mul3A_2367 : vector<16xf32>
        %mul3A_2372 = arith.mulf %mul3A_2371, %mul3A_2367 : vector<16xf32>
        %sub3A_2373 = arith.constant 1.500000e+00 : f32
        %sub3A_2374 = vector.broadcast %sub3A_2373 : f32 to vector<16xf32>
        %sub3A_2375 = arith.subf %sub3A_2374, %mul3A_2372 : vector<16xf32>
        %mul3A_2376 = arith.mulf %mul3A_2367, %sub3A_2375 : vector<16xf32>
        %mul3A_2377 = arith.constant 5.000000e-01 : f32
        %mul3A_2378 = vector.broadcast %mul3A_2377 : f32 to vector<16xf32>
        %mul3A_2379 = arith.mulf %mul3A_2378, %add3A_2350 : vector<16xf32>
        %mul3A_2380 = arith.mulf %mul3A_2379, %mul3A_2376 : vector<16xf32>
        %mul3A_2381 = arith.mulf %mul3A_2380, %mul3A_2376 : vector<16xf32>
        %sub3A_2382 = arith.constant 1.500000e+00 : f32
        %sub3A_2383 = vector.broadcast %sub3A_2382 : f32 to vector<16xf32>
        %sub3A_2384 = arith.subf %sub3A_2383, %mul3A_2381 : vector<16xf32>
        %mul3A_2385 = arith.mulf %mul3A_2376, %sub3A_2384 : vector<16xf32>
        %mul3A_2386 = arith.mulf %gather3A_2330, %mul3A_2385 : vector<16xf32>
        %mul3A_2387 = arith.mulf %gather3A_2333, %mul3A_2385 : vector<16xf32>
        %mul3A_2388 = arith.mulf %gather3A_2336, %mul3A_2385 : vector<16xf32>
        %mul3A_2389 = arith.mulf %mul3A_2386, %gather3A_2339 : vector<16xf32>
        %mul3A_2390 = arith.mulf %mul3A_2387, %gather3A_2342 : vector<16xf32>
        %add3A_2391 = arith.addf %mul3A_2389, %mul3A_2390 : vector<16xf32>
        %mul3A_2392 = arith.mulf %mul3A_2388, %gather3A_2345 : vector<16xf32>
        %add3A_2393 = arith.addf %add3A_2391, %mul3A_2392 : vector<16xf32>
        %mul3A_2394 = arith.mulf %add3A_2393, %mul3A_2386 : vector<16xf32>
        %sub3A_2395 = arith.subf %gather3A_2339, %mul3A_2394 : vector<16xf32>
        %mul3A_2396 = arith.mulf %add3A_2393, %mul3A_2387 : vector<16xf32>
        %sub3A_2397 = arith.subf %gather3A_2342, %mul3A_2396 : vector<16xf32>
        %mul3A_2398 = arith.mulf %add3A_2393, %mul3A_2388 : vector<16xf32>
        %sub3A_2399 = arith.subf %gather3A_2345, %mul3A_2398 : vector<16xf32>
        %mul3A_2400 = arith.mulf %sub3A_2395, %sub3A_2395 : vector<16xf32>
        %mul3A_2401 = arith.mulf %sub3A_2397, %sub3A_2397 : vector<16xf32>
        %add3A_2402 = arith.addf %mul3A_2400, %mul3A_2401 : vector<16xf32>
        %mul3A_2403 = arith.mulf %sub3A_2399, %sub3A_2399 : vector<16xf32>
        %add3A_2404 = arith.addf %add3A_2402, %mul3A_2403 : vector<16xf32>
        %bitcast3A_2405 = vector.bitcast %add3A_2404 : vector<16xf32> to vector<16xi32>
        %shift_right_logical3A_2406 = arith.constant 1 : i32
        %shift_right_logical3A_2407 = vector.broadcast %shift_right_logical3A_2406 : i32 to vector<16xi32>
        %shift_right_logical3A_2408 = arith.shrui %bitcast3A_2405, %shift_right_logical3A_2407 : vector<16xi32>
        %sub3A_2409 = arith.constant 1597463007 : i32
        %sub3A_2410 = vector.broadcast %sub3A_2409 : i32 to vector<16xi32>
        %sub3A_2411 = arith.subi %sub3A_2410, %shift_right_logical3A_2408 : vector<16xi32>
        %bitcast3A_2412 = vector.bitcast %sub3A_2411 : vector<16xi32> to vector<16xf32>
        %mul3A_2413 = arith.constant 5.000000e-01 : f32
        %mul3A_2414 = vector.broadcast %mul3A_2413 : f32 to vector<16xf32>
        %mul3A_2415 = arith.mulf %mul3A_2414, %add3A_2404 : vector<16xf32>
        %mul3A_2416 = arith.mulf %mul3A_2415, %bitcast3A_2412 : vector<16xf32>
        %mul3A_2417 = arith.mulf %mul3A_2416, %bitcast3A_2412 : vector<16xf32>
        %sub3A_2418 = arith.constant 1.500000e+00 : f32
        %sub3A_2419 = vector.broadcast %sub3A_2418 : f32 to vector<16xf32>
        %sub3A_2420 = arith.subf %sub3A_2419, %mul3A_2417 : vector<16xf32>
        %mul3A_2421 = arith.mulf %bitcast3A_2412, %sub3A_2420 : vector<16xf32>
        %mul3A_2422 = arith.constant 5.000000e-01 : f32
        %mul3A_2423 = vector.broadcast %mul3A_2422 : f32 to vector<16xf32>
        %mul3A_2424 = arith.mulf %mul3A_2423, %add3A_2404 : vector<16xf32>
        %mul3A_2425 = arith.mulf %mul3A_2424, %mul3A_2421 : vector<16xf32>
        %mul3A_2426 = arith.mulf %mul3A_2425, %mul3A_2421 : vector<16xf32>
        %sub3A_2427 = arith.constant 1.500000e+00 : f32
        %sub3A_2428 = vector.broadcast %sub3A_2427 : f32 to vector<16xf32>
        %sub3A_2429 = arith.subf %sub3A_2428, %mul3A_2426 : vector<16xf32>
        %mul3A_2430 = arith.mulf %mul3A_2421, %sub3A_2429 : vector<16xf32>
        %mul3A_2431 = arith.constant 5.000000e-01 : f32
        %mul3A_2432 = vector.broadcast %mul3A_2431 : f32 to vector<16xf32>
        %mul3A_2433 = arith.mulf %mul3A_2432, %add3A_2404 : vector<16xf32>
        %mul3A_2434 = arith.mulf %mul3A_2433, %mul3A_2430 : vector<16xf32>
        %mul3A_2435 = arith.mulf %mul3A_2434, %mul3A_2430 : vector<16xf32>
        %sub3A_2436 = arith.constant 1.500000e+00 : f32
        %sub3A_2437 = vector.broadcast %sub3A_2436 : f32 to vector<16xf32>
        %sub3A_2438 = arith.subf %sub3A_2437, %mul3A_2435 : vector<16xf32>
        %mul3A_2439 = arith.mulf %mul3A_2430, %sub3A_2438 : vector<16xf32>
        %mul3A_2440 = arith.mulf %sub3A_2395, %mul3A_2439 : vector<16xf32>
        %mul3A_2441 = arith.mulf %sub3A_2397, %mul3A_2439 : vector<16xf32>
        %mul3A_2442 = arith.mulf %sub3A_2399, %mul3A_2439 : vector<16xf32>
        %mul3A_2443 = arith.mulf %mul3A_2387, %mul3A_2442 : vector<16xf32>
        %mul3A_2444 = arith.mulf %mul3A_2388, %mul3A_2441 : vector<16xf32>
        %sub3A_2445 = arith.subf %mul3A_2443, %mul3A_2444 : vector<16xf32>
        %mul3A_2446 = arith.mulf %mul3A_2388, %mul3A_2440 : vector<16xf32>
        %mul3A_2447 = arith.mulf %mul3A_2386, %mul3A_2442 : vector<16xf32>
        %sub3A_2448 = arith.subf %mul3A_2446, %mul3A_2447 : vector<16xf32>
        %mul3A_2449 = arith.mulf %mul3A_2386, %mul3A_2441 : vector<16xf32>
        %mul3A_2450 = arith.mulf %mul3A_2387, %mul3A_2440 : vector<16xf32>
        %sub3A_2451 = arith.subf %mul3A_2449, %mul3A_2450 : vector<16xf32>
        %mul3A_2452 = arith.constant 16 : i32
        %mul3A_2453 = arith.muli %sub3A_2323, %mul3A_2452 : i32
        %swap3A_2454 = arith.constant 0 : i32
        %swap3A_2455 = arith.index_cast %swap3A_2454 : i32 to index
        %swap3A_2456 = arith.index_cast %mul3A_2453 : i32 to index
        %swap3A_2457 = tpu.vector_load %arg11[%swap3A_2455, %swap3A_2456] {strides = array<i32>} : memref<9x512xf32, #tpu.memory_space<vmem>>, vector<16xf32>,
        tpu.vector_store %arg11[%swap3A_2455, %swap3A_2456], %mul3A_2386 {strides = array<i32>} : memref<9x512xf32, #tpu.memory_space<vmem>>, vector<16xf32>,
        %swap3A_2458 = arith.constant 1 : i32
        %swap3A_2459 = arith.index_cast %swap3A_2458 : i32 to index
        %swap3A_2460 = arith.index_cast %mul3A_2453 : i32 to index
        %swap3A_2461 = tpu.vector_load %arg11[%swap3A_2459, %swap3A_2460] {strides = array<i32>} : memref<9x512xf32, #tpu.memory_space<vmem>>, vector<16xf32>,
        tpu.vector_store %arg11[%swap3A_2459, %swap3A_2460], %mul3A_2387 {strides = array<i32>} : memref<9x512xf32, #tpu.memory_space<vmem>>, vector<16xf32>,
        %swap3A_2462 = arith.constant 2 : i32
        %swap3A_2463 = arith.index_cast %swap3A_2462 : i32 to index
        %swap3A_2464 = arith.index_cast %mul3A_2453 : i32 to index
        %swap3A_2465 = tpu.vector_load %arg11[%swap3A_2463, %swap3A_2464] {strides = array<i32>} : memref<9x512xf32, #tpu.memory_space<vmem>>, vector<16xf32>,
        tpu.vector_store %arg11[%swap3A_2463, %swap3A_2464], %mul3A_2388 {strides = array<i32>} : memref<9x512xf32, #tpu.memory_space<vmem>>, vector<16xf32>,
        %swap3A_2466 = arith.constant 3 : i32
        %swap3A_2467 = arith.index_cast %swap3A_2466 : i32 to index
        %swap3A_2468 = arith.index_cast %mul3A_2453 : i32 to index
        %swap3A_2469 = tpu.vector_load %arg11[%swap3A_2467, %swap3A_2468] {strides = array<i32>} : memref<9x512xf32, #tpu.memory_space<vmem>>, vector<16xf32>,
        tpu.vector_store %arg11[%swap3A_2467, %swap3A_2468], %mul3A_2440 {strides = array<i32>} : memref<9x512xf32, #tpu.memory_space<vmem>>, vector<16xf32>,
        %swap3A_2470 = arith.constant 4 : i32
        %swap3A_2471 = arith.index_cast %swap3A_2470 : i32 to index
        %swap3A_2472 = arith.index_cast %mul3A_2453 : i32 to index
        %swap3A_2473 = tpu.vector_load %arg11[%swap3A_2471, %swap3A_2472] {strides = array<i32>} : memref<9x512xf32, #tpu.memory_space<vmem>>, vector<16xf32>,
        tpu.vector_store %arg11[%swap3A_2471, %swap3A_2472], %mul3A_2441 {strides = array<i32>} : memref<9x512xf32, #tpu.memory_space<vmem>>, vector<16xf32>,
        %swap3A_2474 = arith.constant 5 : i32
        %swap3A_2475 = arith.index_cast %swap3A_2474 : i32 to index
        %swap3A_2476 = arith.index_cast %mul3A_2453 : i32 to index
        %swap3A_2477 = tpu.vector_load %arg11[%swap3A_2475, %swap3A_2476] {strides = array<i32>} : memref<9x512xf32, #tpu.memory_space<vmem>>, vector<16xf32>,
        tpu.vector_store %arg11[%swap3A_2475, %swap3A_2476], %mul3A_2442 {strides = array<i32>} : memref<9x512xf32, #tpu.memory_space<vmem>>, vector<16xf32>,
        %swap3A_2478 = arith.constant 6 : i32
        %swap3A_2479 = arith.index_cast %swap3A_2478 : i32 to index
        %swap3A_2480 = arith.index_cast %mul3A_2453 : i32 to index
        %swap3A_2481 = tpu.vector_load %arg11[%swap3A_2479, %swap3A_2480] {strides = array<i32>} : memref<9x512xf32, #tpu.memory_space<vmem>>, vector<16xf32>,
        tpu.vector_store %arg11[%swap3A_2479, %swap3A_2480], %sub3A_2445 {strides = array<i32>} : memref<9x512xf32, #tpu.memory_space<vmem>>, vector<16xf32>,
        %swap3A_2482 = arith.constant 7 : i32
        %swap3A_2483 = arith.index_cast %swap3A_2482 : i32 to index
        %swap3A_2484 = arith.index_cast %mul3A_2453 : i32 to index
        %swap3A_2485 = tpu.vector_load %arg11[%swap3A_2483, %swap3A_2484] {strides = array<i32>} : memref<9x512xf32, #tpu.memory_space<vmem>>, vector<16xf32>,
        tpu.vector_store %arg11[%swap3A_2483, %swap3A_2484], %sub3A_2448 {strides = array<i32>} : memref<9x512xf32, #tpu.memory_space<vmem>>, vector<16xf32>,
        %swap3A_2486 = arith.constant 8 : i32
        %swap3A_2487 = arith.index_cast %swap3A_2486 : i32 to index
        %swap3A_2488 = arith.index_cast %mul3A_2453 : i32 to index
        %swap3A_2489 = tpu.vector_load %arg11[%swap3A_2487, %swap3A_2488] {strides = array<i32>} : memref<9x512xf32, #tpu.memory_space<vmem>>, vector<16xf32>,
        tpu.vector_store %arg11[%swap3A_2487, %swap3A_2488], %sub3A_2451 {strides = array<i32>} : memref<9x512xf32, #tpu.memory_space<vmem>>, vector<16xf32>,
        %broadcast_in_dim3A_2490 = arith.constant 0 : i32
        %broadcast_in_dim3A_2491 = vector.broadcast %broadcast_in_dim3A_2490 : i32 to vector<16xi32>
        %gather3A_2492 = tpu.vector_load_idx %arg10[%broadcast_in_dim3A_2491, %get3A_2327] : memref<2x4096xf32, #tpu.memory_space<vmem>>[vector<16xi32>, vector<16xi32>], vector<16xf32>,
        %swap3A_2493 = arith.constant 0 : i32
        %swap3A_2494 = arith.index_cast %swap3A_2493 : i32 to index
        %swap3A_2495 = arith.index_cast %mul3A_2453 : i32 to index
        %swap3A_2496 = tpu.vector_load %arg12[%swap3A_2494, %swap3A_2495] {strides = array<i32>} : memref<2x512xf32, #tpu.memory_space<vmem>>, vector<16xf32>,
        tpu.vector_store %arg12[%swap3A_2494, %swap3A_2495], %gather3A_2492 {strides = array<i32>} : memref<2x512xf32, #tpu.memory_space<vmem>>, vector<16xf32>,
        %broadcast_in_dim3A_2497 = arith.constant 1 : i32
        %broadcast_in_dim3A_2498 = vector.broadcast %broadcast_in_dim3A_2497 : i32 to vector<16xi32>
        %gather3A_2499 = tpu.vector_load_idx %arg10[%broadcast_in_dim3A_2498, %get3A_2327] : memref<2x4096xf32, #tpu.memory_space<vmem>>[vector<16xi32>, vector<16xi32>], vector<16xf32>,
        %swap3A_2500 = arith.constant 1 : i32
        %swap3A_2501 = arith.index_cast %swap3A_2500 : i32 to index
        %swap3A_2502 = arith.index_cast %mul3A_2453 : i32 to index
        %swap3A_2503 = tpu.vector_load %arg12[%swap3A_2501, %swap3A_2502] {strides = array<i32>} : memref<2x512xf32, #tpu.memory_space<vmem>>, vector<16xf32>,
        tpu.vector_store %arg12[%swap3A_2501, %swap3A_2502], %gather3A_2499 {strides = array<i32>} : memref<2x512xf32, #tpu.memory_space<vmem>>, vector<16xf32>,
      } else {
      }
    }
    %scan3A_378 = arith.constant 31 : i32
    %multiple_of3A_379 = arith.constant 3840 : i32
    %multiple_of3A_380 = tpu.assume_multiple %multiple_of3A_379, 8 : i32
    %dma_wait3A_381 = arith.constant 0 : i32
    %dma_wait3A_382 = tpu.memref_slice %arg9[%dma_wait3A_381, %multiple_of3A_380] : memref<6x4096xf32, #tpu.memory_space<vmem>> -> memref<6x8xf32, #tpu.memory_space<vmem>>
    %dma_wait3A_383 = arith.constant 0 : i32
    %dma_wait3A_384 = arith.constant 0 : i32
    %dma_wait3A_385 = tpu.memref_slice %arg3[%dma_wait3A_383, %dma_wait3A_384] : memref<6x1000000xf32, #tpu.memory_space<hbm>> -> memref<6x8xf32, #tpu.memory_space<hbm>>
    %dma_wait3A_386 = arith.constant 0 : i32
    %dma_wait3A_387 = tpu.memref_slice %arg9[%dma_wait3A_386, %multiple_of3A_380] : memref<6x4096xf32, #tpu.memory_space<vmem>> -> memref<6x8xf32, #tpu.memory_space<vmem>>
    %dma_wait3A_388 = arith.constant 0 : i32
    %dma_wait3A_389 = arith.constant 0 : i32
    %dma_wait3A_390 = tpu.memref_slice %arg3[%dma_wait3A_388, %dma_wait3A_389] : memref<6x1000000xf32, #tpu.memory_space<hbm>> -> memref<6x8xf32, #tpu.memory_space<hbm>>
    tpu.wait_dma2 semaphore(%arg14 : memref<!tpu.dma_semaphore, #tpu.memory_space<semaphore_mem>>) src(%dma_wait3A_390 : memref<6x8xf32, #tpu.memory_space<hbm>>) dst(%dma_wait3A_387 : memref<6x8xf32, #tpu.memory_space<vmem>>)
    %dma_wait3A_391 = arith.constant 0 : i32
    %dma_wait3A_392 = tpu.memref_slice %arg10[%dma_wait3A_391, %multiple_of3A_380] : memref<2x4096xf32, #tpu.memory_space<vmem>> -> memref<2x8xf32, #tpu.memory_space<vmem>>
    %dma_wait3A_393 = arith.constant 0 : i32
    %dma_wait3A_394 = arith.constant 0 : i32
    %dma_wait3A_395 = tpu.memref_slice %arg4[%dma_wait3A_393, %dma_wait3A_394] : memref<2x1000000xf32, #tpu.memory_space<hbm>> -> memref<2x8xf32, #tpu.memory_space<hbm>>
    %dma_wait3A_396 = arith.constant 0 : i32
    %dma_wait3A_397 = tpu.memref_slice %arg10[%dma_wait3A_396, %multiple_of3A_380] : memref<2x4096xf32, #tpu.memory_space<vmem>> -> memref<2x8xf32, #tpu.memory_space<vmem>>
    %dma_wait3A_398 = arith.constant 0 : i32
    %dma_wait3A_399 = arith.constant 0 : i32
    %dma_wait3A_400 = tpu.memref_slice %arg4[%dma_wait3A_398, %dma_wait3A_399] : memref<2x1000000xf32, #tpu.memory_space<hbm>> -> memref<2x8xf32, #tpu.memory_space<hbm>>
    tpu.wait_dma2 semaphore(%arg14 : memref<!tpu.dma_semaphore, #tpu.memory_space<semaphore_mem>>) src(%dma_wait3A_400 : memref<2x8xf32, #tpu.memory_space<hbm>>) dst(%dma_wait3A_397 : memref<2x8xf32, #tpu.memory_space<vmem>>)
    %multiple_of3A_401 = arith.constant 3848 : i32
    %multiple_of3A_402 = tpu.assume_multiple %multiple_of3A_401, 8 : i32
    %dma_wait3A_403 = arith.constant 0 : i32
    %dma_wait3A_404 = tpu.memref_slice %arg9[%dma_wait3A_403, %multiple_of3A_402] : memref<6x4096xf32, #tpu.memory_space<vmem>> -> memref<6x8xf32, #tpu.memory_space<vmem>>
    %dma_wait3A_405 = arith.constant 0 : i32
    %dma_wait3A_406 = arith.constant 0 : i32
    %dma_wait3A_407 = tpu.memref_slice %arg3[%dma_wait3A_405, %dma_wait3A_406] : memref<6x1000000xf32, #tpu.memory_space<hbm>> -> memref<6x8xf32, #tpu.memory_space<hbm>>
    %dma_wait3A_408 = arith.constant 0 : i32
    %dma_wait3A_409 = tpu.memref_slice %arg9[%dma_wait3A_408, %multiple_of3A_402] : memref<6x4096xf32, #tpu.memory_space<vmem>> -> memref<6x8xf32, #tpu.memory_space<vmem>>
    %dma_wait3A_410 = arith.constant 0 : i32
    %dma_wait3A_411 = arith.constant 0 : i32
    %dma_wait3A_412 = tpu.memref_slice %arg3[%dma_wait3A_410, %dma_wait3A_411] : memref<6x1000000xf32, #tpu.memory_space<hbm>> -> memref<6x8xf32, #tpu.memory_space<hbm>>
    tpu.wait_dma2 semaphore(%arg14 : memref<!tpu.dma_semaphore, #tpu.memory_space<semaphore_mem>>) src(%dma_wait3A_412 : memref<6x8xf32, #tpu.memory_space<hbm>>) dst(%dma_wait3A_409 : memref<6x8xf32, #tpu.memory_space<vmem>>)
    %dma_wait3A_413 = arith.constant 0 : i32
    %dma_wait3A_414 = tpu.memref_slice %arg10[%dma_wait3A_413, %multiple_of3A_402] : memref<2x4096xf32, #tpu.memory_space<vmem>> -> memref<2x8xf32, #tpu.memory_space<vmem>>
    %dma_wait3A_415 = arith.constant 0 : i32
    %dma_wait3A_416 = arith.constant 0 : i32
    %dma_wait3A_417 = tpu.memref_slice %arg4[%dma_wait3A_415, %dma_wait3A_416] : memref<2x1000000xf32, #tpu.memory_space<hbm>> -> memref<2x8xf32, #tpu.memory_space<hbm>>
    %dma_wait3A_418 = arith.constant 0 : i32
    %dma_wait3A_419 = tpu.memref_slice %arg10[%dma_wait3A_418, %multiple_of3A_402] : memref<2x4096xf32, #tpu.memory_space<vmem>> -> memref<2x8xf32, #tpu.memory_space<vmem>>
    %dma_wait3A_420 = arith.constant 0 : i32
    %dma_wait3A_421 = arith.constant 0 : i32
    %dma_wait3A_422 = tpu.memref_slice %arg4[%dma_wait3A_420, %dma_wait3A_421] : memref<2x1000000xf32, #tpu.memory_space<hbm>> -> memref<2x8xf32, #tpu.memory_space<hbm>>
    tpu.wait_dma2 semaphore(%arg14 : memref<!tpu.dma_semaphore, #tpu.memory_space<semaphore_mem>>) src(%dma_wait3A_422 : memref<2x8xf32, #tpu.memory_space<hbm>>) dst(%dma_wait3A_419 : memref<2x8xf32, #tpu.memory_space<vmem>>)
    %multiple_of3A_423 = arith.constant 3856 : i32
    %multiple_of3A_424 = tpu.assume_multiple %multiple_of3A_423, 8 : i32
    %dma_wait3A_425 = arith.constant 0 : i32
    %dma_wait3A_426 = tpu.memref_slice %arg9[%dma_wait3A_425, %multiple_of3A_424] : memref<6x4096xf32, #tpu.memory_space<vmem>> -> memref<6x8xf32, #tpu.memory_space<vmem>>
    %dma_wait3A_427 = arith.constant 0 : i32
    %dma_wait3A_428 = arith.constant 0 : i32
    %dma_wait3A_429 = tpu.memref_slice %arg3[%dma_wait3A_427, %dma_wait3A_428] : memref<6x1000000xf32, #tpu.memory_space<hbm>> -> memref<6x8xf32, #tpu.memory_space<hbm>>
    %dma_wait3A_430 = arith.constant 0 : i32
    %dma_wait3A_431 = tpu.memref_slice %arg9[%dma_wait3A_430, %multiple_of3A_424] : memref<6x4096xf32, #tpu.memory_space<vmem>> -> memref<6x8xf32, #tpu.memory_space<vmem>>
    %dma_wait3A_432 = arith.constant 0 : i32
    %dma_wait3A_433 = arith.constant 0 : i32
    %dma_wait3A_434 = tpu.memref_slice %arg3[%dma_wait3A_432, %dma_wait3A_433] : memref<6x1000000xf32, #tpu.memory_space<hbm>> -> memref<6x8xf32, #tpu.memory_space<hbm>>
    tpu.wait_dma2 semaphore(%arg14 : memref<!tpu.dma_semaphore, #tpu.memory_space<semaphore_mem>>) src(%dma_wait3A_434 : memref<6x8xf32, #tpu.memory_space<hbm>>) dst(%dma_wait3A_431 : memref<6x8xf32, #tpu.memory_space<vmem>>)
    %dma_wait3A_435 = arith.constant 0 : i32
    %dma_wait3A_436 = tpu.memref_slice %arg10[%dma_wait3A_435, %multiple_of3A_424] : memref<2x4096xf32, #tpu.memory_space<vmem>> -> memref<2x8xf32, #tpu.memory_space<vmem>>
    %dma_wait3A_437 = arith.constant 0 : i32
    %dma_wait3A_438 = arith.constant 0 : i32
    %dma_wait3A_439 = tpu.memref_slice %arg4[%dma_wait3A_437, %dma_wait3A_438] : memref<2x1000000xf32, #tpu.memory_space<hbm>> -> memref<2x8xf32, #tpu.memory_space<hbm>>
    %dma_wait3A_440 = arith.constant 0 : i32
    %dma_wait3A_441 = tpu.memref_slice %arg10[%dma_wait3A_440, %multiple_of3A_424] : memref<2x4096xf32, #tpu.memory_space<vmem>> -> memref<2x8xf32, #tpu.memory_space<vmem>>
    %dma_wait3A_442 = arith.constant 0 : i32
    %dma_wait3A_443 = arith.constant 0 : i32
    %dma_wait3A_444 = tpu.memref_slice %arg4[%dma_wait3A_442, %dma_wait3A_443] : memref<2x1000000xf32, #tpu.memory_space<hbm>> -> memref<2x8xf32, #tpu.memory_space<hbm>>
    tpu.wait_dma2 semaphore(%arg14 : memref<!tpu.dma_semaphore, #tpu.memory_space<semaphore_mem>>) src(%dma_wait3A_444 : memref<2x8xf32, #tpu.memory_space<hbm>>) dst(%dma_wait3A_441 : memref<2x8xf32, #tpu.memory_space<vmem>>)
    %multiple_of3A_445 = arith.constant 3864 : i32
    %multiple_of3A_446 = tpu.assume_multiple %multiple_of3A_445, 8 : i32
    %dma_wait3A_447 = arith.constant 0 : i32
    %dma_wait3A_448 = tpu.memref_slice %arg9[%dma_wait3A_447, %multiple_of3A_446] : memref<6x4096xf32, #tpu.memory_space<vmem>> -> memref<6x8xf32, #tpu.memory_space<vmem>>
    %dma_wait3A_449 = arith.constant 0 : i32
    %dma_wait3A_450 = arith.constant 0 : i32
    %dma_wait3A_451 = tpu.memref_slice %arg3[%dma_wait3A_449, %dma_wait3A_450] : memref<6x1000000xf32, #tpu.memory_space<hbm>> -> memref<6x8xf32, #tpu.memory_space<hbm>>
    %dma_wait3A_452 = arith.constant 0 : i32
    %dma_wait3A_453 = tpu.memref_slice %arg9[%dma_wait3A_452, %multiple_of3A_446] : memref<6x4096xf32, #tpu.memory_space<vmem>> -> memref<6x8xf32, #tpu.memory_space<vmem>>
    %dma_wait3A_454 = arith.constant 0 : i32
    %dma_wait3A_455 = arith.constant 0 : i32
    %dma_wait3A_456 = tpu.memref_slice %arg3[%dma_wait3A_454, %dma_wait3A_455] : memref<6x1000000xf32, #tpu.memory_space<hbm>> -> memref<6x8xf32, #tpu.memory_space<hbm>>
    tpu.wait_dma2 semaphore(%arg14 : memref<!tpu.dma_semaphore, #tpu.memory_space<semaphore_mem>>) src(%dma_wait3A_456 : memref<6x8xf32, #tpu.memory_space<hbm>>) dst(%dma_wait3A_453 : memref<6x8xf32, #tpu.memory_space<vmem>>)
    %dma_wait3A_457 = arith.constant 0 : i32
    %dma_wait3A_458 = tpu.memref_slice %arg10[%dma_wait3A_457, %multiple_of3A_446] : memref<2x4096xf32, #tpu.memory_space<vmem>> -> memref<2x8xf32, #tpu.memory_space<vmem>>
    %dma_wait3A_459 = arith.constant 0 : i32
    %dma_wait3A_460 = arith.constant 0 : i32
    %dma_wait3A_461 = tpu.memref_slice %arg4[%dma_wait3A_459, %dma_wait3A_460] : memref<2x1000000xf32, #tpu.memory_space<hbm>> -> memref<2x8xf32, #tpu.memory_space<hbm>>
    %dma_wait3A_462 = arith.constant 0 : i32
    %dma_wait3A_463 = tpu.memref_slice %arg10[%dma_wait3A_462, %multiple_of3A_446] : memref<2x4096xf32, #tpu.memory_space<vmem>> -> memref<2x8xf32, #tpu.memory_space<vmem>>
    %dma_wait3A_464 = arith.constant 0 : i32
    %dma_wait3A_465 = arith.constant 0 : i32
    %dma_wait3A_466 = tpu.memref_slice %arg4[%dma_wait3A_464, %dma_wait3A_465] : memref<2x1000000xf32, #tpu.memory_space<hbm>> -> memref<2x8xf32, #tpu.memory_space<hbm>>
    tpu.wait_dma2 semaphore(%arg14 : memref<!tpu.dma_semaphore, #tpu.memory_space<semaphore_mem>>) src(%dma_wait3A_466 : memref<2x8xf32, #tpu.memory_space<hbm>>) dst(%dma_wait3A_463 : memref<2x8xf32, #tpu.memory_space<vmem>>)
    %multiple_of3A_467 = arith.constant 3872 : i32
    %multiple_of3A_468 = tpu.assume_multiple %multiple_of3A_467, 8 : i32
    %dma_wait3A_469 = arith.constant 0 : i32
    %dma_wait3A_470 = tpu.memref_slice %arg9[%dma_wait3A_469, %multiple_of3A_468] : memref<6x4096xf32, #tpu.memory_space<vmem>> -> memref<6x8xf32, #tpu.memory_space<vmem>>
    %dma_wait3A_471 = arith.constant 0 : i32
    %dma_wait3A_472 = arith.constant 0 : i32
    %dma_wait3A_473 = tpu.memref_slice %arg3[%dma_wait3A_471, %dma_wait3A_472] : memref<6x1000000xf32, #tpu.memory_space<hbm>> -> memref<6x8xf32, #tpu.memory_space<hbm>>
    %dma_wait3A_474 = arith.constant 0 : i32
    %dma_wait3A_475 = tpu.memref_slice %arg9[%dma_wait3A_474, %multiple_of3A_468] : memref<6x4096xf32, #tpu.memory_space<vmem>> -> memref<6x8xf32, #tpu.memory_space<vmem>>
    %dma_wait3A_476 = arith.constant 0 : i32
    %dma_wait3A_477 = arith.constant 0 : i32
    %dma_wait3A_478 = tpu.memref_slice %arg3[%dma_wait3A_476, %dma_wait3A_477] : memref<6x1000000xf32, #tpu.memory_space<hbm>> -> memref<6x8xf32, #tpu.memory_space<hbm>>
    tpu.wait_dma2 semaphore(%arg14 : memref<!tpu.dma_semaphore, #tpu.memory_space<semaphore_mem>>) src(%dma_wait3A_478 : memref<6x8xf32, #tpu.memory_space<hbm>>) dst(%dma_wait3A_475 : memref<6x8xf32, #tpu.memory_space<vmem>>)
    %dma_wait3A_479 = arith.constant 0 : i32
    %dma_wait3A_480 = tpu.memref_slice %arg10[%dma_wait3A_479, %multiple_of3A_468] : memref<2x4096xf32, #tpu.memory_space<vmem>> -> memref<2x8xf32, #tpu.memory_space<vmem>>
    %dma_wait3A_481 = arith.constant 0 : i32
    %dma_wait3A_482 = arith.constant 0 : i32
    %dma_wait3A_483 = tpu.memref_slice %arg4[%dma_wait3A_481, %dma_wait3A_482] : memref<2x1000000xf32, #tpu.memory_space<hbm>> -> memref<2x8xf32, #tpu.memory_space<hbm>>
    %dma_wait3A_484 = arith.constant 0 : i32
    %dma_wait3A_485 = tpu.memref_slice %arg10[%dma_wait3A_484, %multiple_of3A_468] : memref<2x4096xf32, #tpu.memory_space<vmem>> -> memref<2x8xf32, #tpu.memory_space<vmem>>
    %dma_wait3A_486 = arith.constant 0 : i32
    %dma_wait3A_487 = arith.constant 0 : i32
    %dma_wait3A_488 = tpu.memref_slice %arg4[%dma_wait3A_486, %dma_wait3A_487] : memref<2x1000000xf32, #tpu.memory_space<hbm>> -> memref<2x8xf32, #tpu.memory_space<hbm>>
    tpu.wait_dma2 semaphore(%arg14 : memref<!tpu.dma_semaphore, #tpu.memory_space<semaphore_mem>>) src(%dma_wait3A_488 : memref<2x8xf32, #tpu.memory_space<hbm>>) dst(%dma_wait3A_485 : memref<2x8xf32, #tpu.memory_space<vmem>>)
    %multiple_of3A_489 = arith.constant 3880 : i32
    %multiple_of3A_490 = tpu.assume_multiple %multiple_of3A_489, 8 : i32
    %dma_wait3A_491 = arith.constant 0 : i32
    %dma_wait3A_492 = tpu.memref_slice %arg9[%dma_wait3A_491, %multiple_of3A_490] : memref<6x4096xf32, #tpu.memory_space<vmem>> -> memref<6x8xf32, #tpu.memory_space<vmem>>
    %dma_wait3A_493 = arith.constant 0 : i32
    %dma_wait3A_494 = arith.constant 0 : i32
    %dma_wait3A_495 = tpu.memref_slice %arg3[%dma_wait3A_493, %dma_wait3A_494] : memref<6x1000000xf32, #tpu.memory_space<hbm>> -> memref<6x8xf32, #tpu.memory_space<hbm>>
    %dma_wait3A_496 = arith.constant 0 : i32
    %dma_wait3A_497 = tpu.memref_slice %arg9[%dma_wait3A_496, %multiple_of3A_490] : memref<6x4096xf32, #tpu.memory_space<vmem>> -> memref<6x8xf32, #tpu.memory_space<vmem>>
    %dma_wait3A_498 = arith.constant 0 : i32
    %dma_wait3A_499 = arith.constant 0 : i32
    %dma_wait3A_500 = tpu.memref_slice %arg3[%dma_wait3A_498, %dma_wait3A_499] : memref<6x1000000xf32, #tpu.memory_space<hbm>> -> memref<6x8xf32, #tpu.memory_space<hbm>>
    tpu.wait_dma2 semaphore(%arg14 : memref<!tpu.dma_semaphore, #tpu.memory_space<semaphore_mem>>) src(%dma_wait3A_500 : memref<6x8xf32, #tpu.memory_space<hbm>>) dst(%dma_wait3A_497 : memref<6x8xf32, #tpu.memory_space<vmem>>)
    %dma_wait3A_501 = arith.constant 0 : i32
    %dma_wait3A_502 = tpu.memref_slice %arg10[%dma_wait3A_501, %multiple_of3A_490] : memref<2x4096xf32, #tpu.memory_space<vmem>> -> memref<2x8xf32, #tpu.memory_space<vmem>>
    %dma_wait3A_503 = arith.constant 0 : i32
    %dma_wait3A_504 = arith.constant 0 : i32
    %dma_wait3A_505 = tpu.memref_slice %arg4[%dma_wait3A_503, %dma_wait3A_504] : memref<2x1000000xf32, #tpu.memory_space<hbm>> -> memref<2x8xf32, #tpu.memory_space<hbm>>
    %dma_wait3A_506 = arith.constant 0 : i32
    %dma_wait3A_507 = tpu.memref_slice %arg10[%dma_wait3A_506, %multiple_of3A_490] : memref<2x4096xf32, #tpu.memory_space<vmem>> -> memref<2x8xf32, #tpu.memory_space<vmem>>
    %dma_wait3A_508 = arith.constant 0 : i32
    %dma_wait3A_509 = arith.constant 0 : i32
    %dma_wait3A_510 = tpu.memref_slice %arg4[%dma_wait3A_508, %dma_wait3A_509] : memref<2x1000000xf32, #tpu.memory_space<hbm>> -> memref<2x8xf32, #tpu.memory_space<hbm>>
    tpu.wait_dma2 semaphore(%arg14 : memref<!tpu.dma_semaphore, #tpu.memory_space<semaphore_mem>>) src(%dma_wait3A_510 : memref<2x8xf32, #tpu.memory_space<hbm>>) dst(%dma_wait3A_507 : memref<2x8xf32, #tpu.memory_space<vmem>>)
    %multiple_of3A_511 = arith.constant 3888 : i32
    %multiple_of3A_512 = tpu.assume_multiple %multiple_of3A_511, 8 : i32
    %dma_wait3A_513 = arith.constant 0 : i32
    %dma_wait3A_514 = tpu.memref_slice %arg9[%dma_wait3A_513, %multiple_of3A_512] : memref<6x4096xf32, #tpu.memory_space<vmem>> -> memref<6x8xf32, #tpu.memory_space<vmem>>
    %dma_wait3A_515 = arith.constant 0 : i32
    %dma_wait3A_516 = arith.constant 0 : i32
    %dma_wait3A_517 = tpu.memref_slice %arg3[%dma_wait3A_515, %dma_wait3A_516] : memref<6x1000000xf32, #tpu.memory_space<hbm>> -> memref<6x8xf32, #tpu.memory_space<hbm>>
    %dma_wait3A_518 = arith.constant 0 : i32
    %dma_wait3A_519 = tpu.memref_slice %arg9[%dma_wait3A_518, %multiple_of3A_512] : memref<6x4096xf32, #tpu.memory_space<vmem>> -> memref<6x8xf32, #tpu.memory_space<vmem>>
    %dma_wait3A_520 = arith.constant 0 : i32
    %dma_wait3A_521 = arith.constant 0 : i32
    %dma_wait3A_522 = tpu.memref_slice %arg3[%dma_wait3A_520, %dma_wait3A_521] : memref<6x1000000xf32, #tpu.memory_space<hbm>> -> memref<6x8xf32, #tpu.memory_space<hbm>>
    tpu.wait_dma2 semaphore(%arg14 : memref<!tpu.dma_semaphore, #tpu.memory_space<semaphore_mem>>) src(%dma_wait3A_522 : memref<6x8xf32, #tpu.memory_space<hbm>>) dst(%dma_wait3A_519 : memref<6x8xf32, #tpu.memory_space<vmem>>)
    %dma_wait3A_523 = arith.constant 0 : i32
    %dma_wait3A_524 = tpu.memref_slice %arg10[%dma_wait3A_523, %multiple_of3A_512] : memref<2x4096xf32, #tpu.memory_space<vmem>> -> memref<2x8xf32, #tpu.memory_space<vmem>>
    %dma_wait3A_525 = arith.constant 0 : i32
    %dma_wait3A_526 = arith.constant 0 : i32
    %dma_wait3A_527 = tpu.memref_slice %arg4[%dma_wait3A_525, %dma_wait3A_526] : memref<2x1000000xf32, #tpu.memory_space<hbm>> -> memref<2x8xf32, #tpu.memory_space<hbm>>
    %dma_wait3A_528 = arith.constant 0 : i32
    %dma_wait3A_529 = tpu.memref_slice %arg10[%dma_wait3A_528, %multiple_of3A_512] : memref<2x4096xf32, #tpu.memory_space<vmem>> -> memref<2x8xf32, #tpu.memory_space<vmem>>
    %dma_wait3A_530 = arith.constant 0 : i32
    %dma_wait3A_531 = arith.constant 0 : i32
    %dma_wait3A_532 = tpu.memref_slice %arg4[%dma_wait3A_530, %dma_wait3A_531] : memref<2x1000000xf32, #tpu.memory_space<hbm>> -> memref<2x8xf32, #tpu.memory_space<hbm>>
    tpu.wait_dma2 semaphore(%arg14 : memref<!tpu.dma_semaphore, #tpu.memory_space<semaphore_mem>>) src(%dma_wait3A_532 : memref<2x8xf32, #tpu.memory_space<hbm>>) dst(%dma_wait3A_529 : memref<2x8xf32, #tpu.memory_space<vmem>>)
    %multiple_of3A_533 = arith.constant 3896 : i32
    %multiple_of3A_534 = tpu.assume_multiple %multiple_of3A_533, 8 : i32
    %dma_wait3A_535 = arith.constant 0 : i32
    %dma_wait3A_536 = tpu.memref_slice %arg9[%dma_wait3A_535, %multiple_of3A_534] : memref<6x4096xf32, #tpu.memory_space<vmem>> -> memref<6x8xf32, #tpu.memory_space<vmem>>
    %dma_wait3A_537 = arith.constant 0 : i32
    %dma_wait3A_538 = arith.constant 0 : i32
    %dma_wait3A_539 = tpu.memref_slice %arg3[%dma_wait3A_537, %dma_wait3A_538] : memref<6x1000000xf32, #tpu.memory_space<hbm>> -> memref<6x8xf32, #tpu.memory_space<hbm>>
    %dma_wait3A_540 = arith.constant 0 : i32
    %dma_wait3A_541 = tpu.memref_slice %arg9[%dma_wait3A_540, %multiple_of3A_534] : memref<6x4096xf32, #tpu.memory_space<vmem>> -> memref<6x8xf32, #tpu.memory_space<vmem>>
    %dma_wait3A_542 = arith.constant 0 : i32
    %dma_wait3A_543 = arith.constant 0 : i32
    %dma_wait3A_544 = tpu.memref_slice %arg3[%dma_wait3A_542, %dma_wait3A_543] : memref<6x1000000xf32, #tpu.memory_space<hbm>> -> memref<6x8xf32, #tpu.memory_space<hbm>>
    tpu.wait_dma2 semaphore(%arg14 : memref<!tpu.dma_semaphore, #tpu.memory_space<semaphore_mem>>) src(%dma_wait3A_544 : memref<6x8xf32, #tpu.memory_space<hbm>>) dst(%dma_wait3A_541 : memref<6x8xf32, #tpu.memory_space<vmem>>)
    %dma_wait3A_545 = arith.constant 0 : i32
    %dma_wait3A_546 = tpu.memref_slice %arg10[%dma_wait3A_545, %multiple_of3A_534] : memref<2x4096xf32, #tpu.memory_space<vmem>> -> memref<2x8xf32, #tpu.memory_space<vmem>>
    %dma_wait3A_547 = arith.constant 0 : i32
    %dma_wait3A_548 = arith.constant 0 : i32
    %dma_wait3A_549 = tpu.memref_slice %arg4[%dma_wait3A_547, %dma_wait3A_548] : memref<2x1000000xf32, #tpu.memory_space<hbm>> -> memref<2x8xf32, #tpu.memory_space<hbm>>
    %dma_wait3A_550 = arith.constant 0 : i32
    %dma_wait3A_551 = tpu.memref_slice %arg10[%dma_wait3A_550, %multiple_of3A_534] : memref<2x4096xf32, #tpu.memory_space<vmem>> -> memref<2x8xf32, #tpu.memory_space<vmem>>
    %dma_wait3A_552 = arith.constant 0 : i32
    %dma_wait3A_553 = arith.constant 0 : i32
    %dma_wait3A_554 = tpu.memref_slice %arg4[%dma_wait3A_552, %dma_wait3A_553] : memref<2x1000000xf32, #tpu.memory_space<hbm>> -> memref<2x8xf32, #tpu.memory_space<hbm>>
    tpu.wait_dma2 semaphore(%arg14 : memref<!tpu.dma_semaphore, #tpu.memory_space<semaphore_mem>>) src(%dma_wait3A_554 : memref<2x8xf32, #tpu.memory_space<hbm>>) dst(%dma_wait3A_551 : memref<2x8xf32, #tpu.memory_space<vmem>>)
    %multiple_of3A_555 = arith.constant 3904 : i32
    %multiple_of3A_556 = tpu.assume_multiple %multiple_of3A_555, 8 : i32
    %dma_wait3A_557 = arith.constant 0 : i32
    %dma_wait3A_558 = tpu.memref_slice %arg9[%dma_wait3A_557, %multiple_of3A_556] : memref<6x4096xf32, #tpu.memory_space<vmem>> -> memref<6x8xf32, #tpu.memory_space<vmem>>
    %dma_wait3A_559 = arith.constant 0 : i32
    %dma_wait3A_560 = arith.constant 0 : i32
    %dma_wait3A_561 = tpu.memref_slice %arg3[%dma_wait3A_559, %dma_wait3A_560] : memref<6x1000000xf32, #tpu.memory_space<hbm>> -> memref<6x8xf32, #tpu.memory_space<hbm>>
    %dma_wait3A_562 = arith.constant 0 : i32
    %dma_wait3A_563 = tpu.memref_slice %arg9[%dma_wait3A_562, %multiple_of3A_556] : memref<6x4096xf32, #tpu.memory_space<vmem>> -> memref<6x8xf32, #tpu.memory_space<vmem>>
    %dma_wait3A_564 = arith.constant 0 : i32
    %dma_wait3A_565 = arith.constant 0 : i32
    %dma_wait3A_566 = tpu.memref_slice %arg3[%dma_wait3A_564, %dma_wait3A_565] : memref<6x1000000xf32, #tpu.memory_space<hbm>> -> memref<6x8xf32, #tpu.memory_space<hbm>>
    tpu.wait_dma2 semaphore(%arg14 : memref<!tpu.dma_semaphore, #tpu.memory_space<semaphore_mem>>) src(%dma_wait3A_566 : memref<6x8xf32, #tpu.memory_space<hbm>>) dst(%dma_wait3A_563 : memref<6x8xf32, #tpu.memory_space<vmem>>)
    %dma_wait3A_567 = arith.constant 0 : i32
    %dma_wait3A_568 = tpu.memref_slice %arg10[%dma_wait3A_567, %multiple_of3A_556] : memref<2x4096xf32, #tpu.memory_space<vmem>> -> memref<2x8xf32, #tpu.memory_space<vmem>>
    %dma_wait3A_569 = arith.constant 0 : i32
    %dma_wait3A_570 = arith.constant 0 : i32
    %dma_wait3A_571 = tpu.memref_slice %arg4[%dma_wait3A_569, %dma_wait3A_570] : memref<2x1000000xf32, #tpu.memory_space<hbm>> -> memref<2x8xf32, #tpu.memory_space<hbm>>
    %dma_wait3A_572 = arith.constant 0 : i32
    %dma_wait3A_573 = tpu.memref_slice %arg10[%dma_wait3A_572, %multiple_of3A_556] : memref<2x4096xf32, #tpu.memory_space<vmem>> -> memref<2x8xf32, #tpu.memory_space<vmem>>
    %dma_wait3A_574 = arith.constant 0 : i32
    %dma_wait3A_575 = arith.constant 0 : i32
    %dma_wait3A_576 = tpu.memref_slice %arg4[%dma_wait3A_574, %dma_wait3A_575] : memref<2x1000000xf32, #tpu.memory_space<hbm>> -> memref<2x8xf32, #tpu.memory_space<hbm>>
    tpu.wait_dma2 semaphore(%arg14 : memref<!tpu.dma_semaphore, #tpu.memory_space<semaphore_mem>>) src(%dma_wait3A_576 : memref<2x8xf32, #tpu.memory_space<hbm>>) dst(%dma_wait3A_573 : memref<2x8xf32, #tpu.memory_space<vmem>>)
    %multiple_of3A_577 = arith.constant 3912 : i32
    %multiple_of3A_578 = tpu.assume_multiple %multiple_of3A_577, 8 : i32
    %dma_wait3A_579 = arith.constant 0 : i32
    %dma_wait3A_580 = tpu.memref_slice %arg9[%dma_wait3A_579, %multiple_of3A_578] : memref<6x4096xf32, #tpu.memory_space<vmem>> -> memref<6x8xf32, #tpu.memory_space<vmem>>
    %dma_wait3A_581 = arith.constant 0 : i32
    %dma_wait3A_582 = arith.constant 0 : i32
    %dma_wait3A_583 = tpu.memref_slice %arg3[%dma_wait3A_581, %dma_wait3A_582] : memref<6x1000000xf32, #tpu.memory_space<hbm>> -> memref<6x8xf32, #tpu.memory_space<hbm>>
    %dma_wait3A_584 = arith.constant 0 : i32
    %dma_wait3A_585 = tpu.memref_slice %arg9[%dma_wait3A_584, %multiple_of3A_578] : memref<6x4096xf32, #tpu.memory_space<vmem>> -> memref<6x8xf32, #tpu.memory_space<vmem>>
    %dma_wait3A_586 = arith.constant 0 : i32
    %dma_wait3A_587 = arith.constant 0 : i32
    %dma_wait3A_588 = tpu.memref_slice %arg3[%dma_wait3A_586, %dma_wait3A_587] : memref<6x1000000xf32, #tpu.memory_space<hbm>> -> memref<6x8xf32, #tpu.memory_space<hbm>>
    tpu.wait_dma2 semaphore(%arg14 : memref<!tpu.dma_semaphore, #tpu.memory_space<semaphore_mem>>) src(%dma_wait3A_588 : memref<6x8xf32, #tpu.memory_space<hbm>>) dst(%dma_wait3A_585 : memref<6x8xf32, #tpu.memory_space<vmem>>)
    %dma_wait3A_589 = arith.constant 0 : i32
    %dma_wait3A_590 = tpu.memref_slice %arg10[%dma_wait3A_589, %multiple_of3A_578] : memref<2x4096xf32, #tpu.memory_space<vmem>> -> memref<2x8xf32, #tpu.memory_space<vmem>>
    %dma_wait3A_591 = arith.constant 0 : i32
    %dma_wait3A_592 = arith.constant 0 : i32
    %dma_wait3A_593 = tpu.memref_slice %arg4[%dma_wait3A_591, %dma_wait3A_592] : memref<2x1000000xf32, #tpu.memory_space<hbm>> -> memref<2x8xf32, #tpu.memory_space<hbm>>
    %dma_wait3A_594 = arith.constant 0 : i32
    %dma_wait3A_595 = tpu.memref_slice %arg10[%dma_wait3A_594, %multiple_of3A_578] : memref<2x4096xf32, #tpu.memory_space<vmem>> -> memref<2x8xf32, #tpu.memory_space<vmem>>
    %dma_wait3A_596 = arith.constant 0 : i32
    %dma_wait3A_597 = arith.constant 0 : i32
    %dma_wait3A_598 = tpu.memref_slice %arg4[%dma_wait3A_596, %dma_wait3A_597] : memref<2x1000000xf32, #tpu.memory_space<hbm>> -> memref<2x8xf32, #tpu.memory_space<hbm>>
    tpu.wait_dma2 semaphore(%arg14 : memref<!tpu.dma_semaphore, #tpu.memory_space<semaphore_mem>>) src(%dma_wait3A_598 : memref<2x8xf32, #tpu.memory_space<hbm>>) dst(%dma_wait3A_595 : memref<2x8xf32, #tpu.memory_space<vmem>>)
    %multiple_of3A_599 = arith.constant 3920 : i32
    %multiple_of3A_600 = tpu.assume_multiple %multiple_of3A_599, 8 : i32
    %dma_wait3A_601 = arith.constant 0 : i32
    %dma_wait3A_602 = tpu.memref_slice %arg9[%dma_wait3A_601, %multiple_of3A_600] : memref<6x4096xf32, #tpu.memory_space<vmem>> -> memref<6x8xf32, #tpu.memory_space<vmem>>
    %dma_wait3A_603 = arith.constant 0 : i32
    %dma_wait3A_604 = arith.constant 0 : i32
    %dma_wait3A_605 = tpu.memref_slice %arg3[%dma_wait3A_603, %dma_wait3A_604] : memref<6x1000000xf32, #tpu.memory_space<hbm>> -> memref<6x8xf32, #tpu.memory_space<hbm>>
    %dma_wait3A_606 = arith.constant 0 : i32
    %dma_wait3A_607 = tpu.memref_slice %arg9[%dma_wait3A_606, %multiple_of3A_600] : memref<6x4096xf32, #tpu.memory_space<vmem>> -> memref<6x8xf32, #tpu.memory_space<vmem>>
    %dma_wait3A_608 = arith.constant 0 : i32
    %dma_wait3A_609 = arith.constant 0 : i32
    %dma_wait3A_610 = tpu.memref_slice %arg3[%dma_wait3A_608, %dma_wait3A_609] : memref<6x1000000xf32, #tpu.memory_space<hbm>> -> memref<6x8xf32, #tpu.memory_space<hbm>>
    tpu.wait_dma2 semaphore(%arg14 : memref<!tpu.dma_semaphore, #tpu.memory_space<semaphore_mem>>) src(%dma_wait3A_610 : memref<6x8xf32, #tpu.memory_space<hbm>>) dst(%dma_wait3A_607 : memref<6x8xf32, #tpu.memory_space<vmem>>)
    %dma_wait3A_611 = arith.constant 0 : i32
    %dma_wait3A_612 = tpu.memref_slice %arg10[%dma_wait3A_611, %multiple_of3A_600] : memref<2x4096xf32, #tpu.memory_space<vmem>> -> memref<2x8xf32, #tpu.memory_space<vmem>>
    %dma_wait3A_613 = arith.constant 0 : i32
    %dma_wait3A_614 = arith.constant 0 : i32
    %dma_wait3A_615 = tpu.memref_slice %arg4[%dma_wait3A_613, %dma_wait3A_614] : memref<2x1000000xf32, #tpu.memory_space<hbm>> -> memref<2x8xf32, #tpu.memory_space<hbm>>
    %dma_wait3A_616 = arith.constant 0 : i32
    %dma_wait3A_617 = tpu.memref_slice %arg10[%dma_wait3A_616, %multiple_of3A_600] : memref<2x4096xf32, #tpu.memory_space<vmem>> -> memref<2x8xf32, #tpu.memory_space<vmem>>
    %dma_wait3A_618 = arith.constant 0 : i32
    %dma_wait3A_619 = arith.constant 0 : i32
    %dma_wait3A_620 = tpu.memref_slice %arg4[%dma_wait3A_618, %dma_wait3A_619] : memref<2x1000000xf32, #tpu.memory_space<hbm>> -> memref<2x8xf32, #tpu.memory_space<hbm>>
    tpu.wait_dma2 semaphore(%arg14 : memref<!tpu.dma_semaphore, #tpu.memory_space<semaphore_mem>>) src(%dma_wait3A_620 : memref<2x8xf32, #tpu.memory_space<hbm>>) dst(%dma_wait3A_617 : memref<2x8xf32, #tpu.memory_space<vmem>>)
    %multiple_of3A_621 = arith.constant 3928 : i32
    %multiple_of3A_622 = tpu.assume_multiple %multiple_of3A_621, 8 : i32
    %dma_wait3A_623 = arith.constant 0 : i32
    %dma_wait3A_624 = tpu.memref_slice %arg9[%dma_wait3A_623, %multiple_of3A_622] : memref<6x4096xf32, #tpu.memory_space<vmem>> -> memref<6x8xf32, #tpu.memory_space<vmem>>
    %dma_wait3A_625 = arith.constant 0 : i32
    %dma_wait3A_626 = arith.constant 0 : i32
    %dma_wait3A_627 = tpu.memref_slice %arg3[%dma_wait3A_625, %dma_wait3A_626] : memref<6x1000000xf32, #tpu.memory_space<hbm>> -> memref<6x8xf32, #tpu.memory_space<hbm>>
    %dma_wait3A_628 = arith.constant 0 : i32
    %dma_wait3A_629 = tpu.memref_slice %arg9[%dma_wait3A_628, %multiple_of3A_622] : memref<6x4096xf32, #tpu.memory_space<vmem>> -> memref<6x8xf32, #tpu.memory_space<vmem>>
    %dma_wait3A_630 = arith.constant 0 : i32
    %dma_wait3A_631 = arith.constant 0 : i32
    %dma_wait3A_632 = tpu.memref_slice %arg3[%dma_wait3A_630, %dma_wait3A_631] : memref<6x1000000xf32, #tpu.memory_space<hbm>> -> memref<6x8xf32, #tpu.memory_space<hbm>>
    tpu.wait_dma2 semaphore(%arg14 : memref<!tpu.dma_semaphore, #tpu.memory_space<semaphore_mem>>) src(%dma_wait3A_632 : memref<6x8xf32, #tpu.memory_space<hbm>>) dst(%dma_wait3A_629 : memref<6x8xf32, #tpu.memory_space<vmem>>)
    %dma_wait3A_633 = arith.constant 0 : i32
    %dma_wait3A_634 = tpu.memref_slice %arg10[%dma_wait3A_633, %multiple_of3A_622] : memref<2x4096xf32, #tpu.memory_space<vmem>> -> memref<2x8xf32, #tpu.memory_space<vmem>>
    %dma_wait3A_635 = arith.constant 0 : i32
    %dma_wait3A_636 = arith.constant 0 : i32
    %dma_wait3A_637 = tpu.memref_slice %arg4[%dma_wait3A_635, %dma_wait3A_636] : memref<2x1000000xf32, #tpu.memory_space<hbm>> -> memref<2x8xf32, #tpu.memory_space<hbm>>
    %dma_wait3A_638 = arith.constant 0 : i32
    %dma_wait3A_639 = tpu.memref_slice %arg10[%dma_wait3A_638, %multiple_of3A_622] : memref<2x4096xf32, #tpu.memory_space<vmem>> -> memref<2x8xf32, #tpu.memory_space<vmem>>
    %dma_wait3A_640 = arith.constant 0 : i32
    %dma_wait3A_641 = arith.constant 0 : i32
    %dma_wait3A_642 = tpu.memref_slice %arg4[%dma_wait3A_640, %dma_wait3A_641] : memref<2x1000000xf32, #tpu.memory_space<hbm>> -> memref<2x8xf32, #tpu.memory_space<hbm>>
    tpu.wait_dma2 semaphore(%arg14 : memref<!tpu.dma_semaphore, #tpu.memory_space<semaphore_mem>>) src(%dma_wait3A_642 : memref<2x8xf32, #tpu.memory_space<hbm>>) dst(%dma_wait3A_639 : memref<2x8xf32, #tpu.memory_space<vmem>>)
    %multiple_of3A_643 = arith.constant 3936 : i32
    %multiple_of3A_644 = tpu.assume_multiple %multiple_of3A_643, 8 : i32
    %dma_wait3A_645 = arith.constant 0 : i32
    %dma_wait3A_646 = tpu.memref_slice %arg9[%dma_wait3A_645, %multiple_of3A_644] : memref<6x4096xf32, #tpu.memory_space<vmem>> -> memref<6x8xf32, #tpu.memory_space<vmem>>
    %dma_wait3A_647 = arith.constant 0 : i32
    %dma_wait3A_648 = arith.constant 0 : i32
    %dma_wait3A_649 = tpu.memref_slice %arg3[%dma_wait3A_647, %dma_wait3A_648] : memref<6x1000000xf32, #tpu.memory_space<hbm>> -> memref<6x8xf32, #tpu.memory_space<hbm>>
    %dma_wait3A_650 = arith.constant 0 : i32
    %dma_wait3A_651 = tpu.memref_slice %arg9[%dma_wait3A_650, %multiple_of3A_644] : memref<6x4096xf32, #tpu.memory_space<vmem>> -> memref<6x8xf32, #tpu.memory_space<vmem>>
    %dma_wait3A_652 = arith.constant 0 : i32
    %dma_wait3A_653 = arith.constant 0 : i32
    %dma_wait3A_654 = tpu.memref_slice %arg3[%dma_wait3A_652, %dma_wait3A_653] : memref<6x1000000xf32, #tpu.memory_space<hbm>> -> memref<6x8xf32, #tpu.memory_space<hbm>>
    tpu.wait_dma2 semaphore(%arg14 : memref<!tpu.dma_semaphore, #tpu.memory_space<semaphore_mem>>) src(%dma_wait3A_654 : memref<6x8xf32, #tpu.memory_space<hbm>>) dst(%dma_wait3A_651 : memref<6x8xf32, #tpu.memory_space<vmem>>)
    %dma_wait3A_655 = arith.constant 0 : i32
    %dma_wait3A_656 = tpu.memref_slice %arg10[%dma_wait3A_655, %multiple_of3A_644] : memref<2x4096xf32, #tpu.memory_space<vmem>> -> memref<2x8xf32, #tpu.memory_space<vmem>>
    %dma_wait3A_657 = arith.constant 0 : i32
    %dma_wait3A_658 = arith.constant 0 : i32
    %dma_wait3A_659 = tpu.memref_slice %arg4[%dma_wait3A_657, %dma_wait3A_658] : memref<2x1000000xf32, #tpu.memory_space<hbm>> -> memref<2x8xf32, #tpu.memory_space<hbm>>
    %dma_wait3A_660 = arith.constant 0 : i32
    %dma_wait3A_661 = tpu.memref_slice %arg10[%dma_wait3A_660, %multiple_of3A_644] : memref<2x4096xf32, #tpu.memory_space<vmem>> -> memref<2x8xf32, #tpu.memory_space<vmem>>
    %dma_wait3A_662 = arith.constant 0 : i32
    %dma_wait3A_663 = arith.constant 0 : i32
    %dma_wait3A_664 = tpu.memref_slice %arg4[%dma_wait3A_662, %dma_wait3A_663] : memref<2x1000000xf32, #tpu.memory_space<hbm>> -> memref<2x8xf32, #tpu.memory_space<hbm>>
    tpu.wait_dma2 semaphore(%arg14 : memref<!tpu.dma_semaphore, #tpu.memory_space<semaphore_mem>>) src(%dma_wait3A_664 : memref<2x8xf32, #tpu.memory_space<hbm>>) dst(%dma_wait3A_661 : memref<2x8xf32, #tpu.memory_space<vmem>>)
    %multiple_of3A_665 = arith.constant 3944 : i32
    %multiple_of3A_666 = tpu.assume_multiple %multiple_of3A_665, 8 : i32
    %dma_wait3A_667 = arith.constant 0 : i32
    %dma_wait3A_668 = tpu.memref_slice %arg9[%dma_wait3A_667, %multiple_of3A_666] : memref<6x4096xf32, #tpu.memory_space<vmem>> -> memref<6x8xf32, #tpu.memory_space<vmem>>
    %dma_wait3A_669 = arith.constant 0 : i32
    %dma_wait3A_670 = arith.constant 0 : i32
    %dma_wait3A_671 = tpu.memref_slice %arg3[%dma_wait3A_669, %dma_wait3A_670] : memref<6x1000000xf32, #tpu.memory_space<hbm>> -> memref<6x8xf32, #tpu.memory_space<hbm>>
    %dma_wait3A_672 = arith.constant 0 : i32
    %dma_wait3A_673 = tpu.memref_slice %arg9[%dma_wait3A_672, %multiple_of3A_666] : memref<6x4096xf32, #tpu.memory_space<vmem>> -> memref<6x8xf32, #tpu.memory_space<vmem>>
    %dma_wait3A_674 = arith.constant 0 : i32
    %dma_wait3A_675 = arith.constant 0 : i32
    %dma_wait3A_676 = tpu.memref_slice %arg3[%dma_wait3A_674, %dma_wait3A_675] : memref<6x1000000xf32, #tpu.memory_space<hbm>> -> memref<6x8xf32, #tpu.memory_space<hbm>>
    tpu.wait_dma2 semaphore(%arg14 : memref<!tpu.dma_semaphore, #tpu.memory_space<semaphore_mem>>) src(%dma_wait3A_676 : memref<6x8xf32, #tpu.memory_space<hbm>>) dst(%dma_wait3A_673 : memref<6x8xf32, #tpu.memory_space<vmem>>)
    %dma_wait3A_677 = arith.constant 0 : i32
    %dma_wait3A_678 = tpu.memref_slice %arg10[%dma_wait3A_677, %multiple_of3A_666] : memref<2x4096xf32, #tpu.memory_space<vmem>> -> memref<2x8xf32, #tpu.memory_space<vmem>>
    %dma_wait3A_679 = arith.constant 0 : i32
    %dma_wait3A_680 = arith.constant 0 : i32
    %dma_wait3A_681 = tpu.memref_slice %arg4[%dma_wait3A_679, %dma_wait3A_680] : memref<2x1000000xf32, #tpu.memory_space<hbm>> -> memref<2x8xf32, #tpu.memory_space<hbm>>
    %dma_wait3A_682 = arith.constant 0 : i32
    %dma_wait3A_683 = tpu.memref_slice %arg10[%dma_wait3A_682, %multiple_of3A_666] : memref<2x4096xf32, #tpu.memory_space<vmem>> -> memref<2x8xf32, #tpu.memory_space<vmem>>
    %dma_wait3A_684 = arith.constant 0 : i32
    %dma_wait3A_685 = arith.constant 0 : i32
    %dma_wait3A_686 = tpu.memref_slice %arg4[%dma_wait3A_684, %dma_wait3A_685] : memref<2x1000000xf32, #tpu.memory_space<hbm>> -> memref<2x8xf32, #tpu.memory_space<hbm>>
    tpu.wait_dma2 semaphore(%arg14 : memref<!tpu.dma_semaphore, #tpu.memory_space<semaphore_mem>>) src(%dma_wait3A_686 : memref<2x8xf32, #tpu.memory_space<hbm>>) dst(%dma_wait3A_683 : memref<2x8xf32, #tpu.memory_space<vmem>>)
    %multiple_of3A_687 = arith.constant 3952 : i32
    %multiple_of3A_688 = tpu.assume_multiple %multiple_of3A_687, 8 : i32
    %dma_wait3A_689 = arith.constant 0 : i32
    %dma_wait3A_690 = tpu.memref_slice %arg9[%dma_wait3A_689, %multiple_of3A_688] : memref<6x4096xf32, #tpu.memory_space<vmem>> -> memref<6x8xf32, #tpu.memory_space<vmem>>
    %dma_wait3A_691 = arith.constant 0 : i32
    %dma_wait3A_692 = arith.constant 0 : i32
    %dma_wait3A_693 = tpu.memref_slice %arg3[%dma_wait3A_691, %dma_wait3A_692] : memref<6x1000000xf32, #tpu.memory_space<hbm>> -> memref<6x8xf32, #tpu.memory_space<hbm>>
    %dma_wait3A_694 = arith.constant 0 : i32
    %dma_wait3A_695 = tpu.memref_slice %arg9[%dma_wait3A_694, %multiple_of3A_688] : memref<6x4096xf32, #tpu.memory_space<vmem>> -> memref<6x8xf32, #tpu.memory_space<vmem>>
    %dma_wait3A_696 = arith.constant 0 : i32
    %dma_wait3A_697 = arith.constant 0 : i32
    %dma_wait3A_698 = tpu.memref_slice %arg3[%dma_wait3A_696, %dma_wait3A_697] : memref<6x1000000xf32, #tpu.memory_space<hbm>> -> memref<6x8xf32, #tpu.memory_space<hbm>>
    tpu.wait_dma2 semaphore(%arg14 : memref<!tpu.dma_semaphore, #tpu.memory_space<semaphore_mem>>) src(%dma_wait3A_698 : memref<6x8xf32, #tpu.memory_space<hbm>>) dst(%dma_wait3A_695 : memref<6x8xf32, #tpu.memory_space<vmem>>)
    %dma_wait3A_699 = arith.constant 0 : i32
    %dma_wait3A_700 = tpu.memref_slice %arg10[%dma_wait3A_699, %multiple_of3A_688] : memref<2x4096xf32, #tpu.memory_space<vmem>> -> memref<2x8xf32, #tpu.memory_space<vmem>>
    %dma_wait3A_701 = arith.constant 0 : i32
    %dma_wait3A_702 = arith.constant 0 : i32
    %dma_wait3A_703 = tpu.memref_slice %arg4[%dma_wait3A_701, %dma_wait3A_702] : memref<2x1000000xf32, #tpu.memory_space<hbm>> -> memref<2x8xf32, #tpu.memory_space<hbm>>
    %dma_wait3A_704 = arith.constant 0 : i32
    %dma_wait3A_705 = tpu.memref_slice %arg10[%dma_wait3A_704, %multiple_of3A_688] : memref<2x4096xf32, #tpu.memory_space<vmem>> -> memref<2x8xf32, #tpu.memory_space<vmem>>
    %dma_wait3A_706 = arith.constant 0 : i32
    %dma_wait3A_707 = arith.constant 0 : i32
    %dma_wait3A_708 = tpu.memref_slice %arg4[%dma_wait3A_706, %dma_wait3A_707] : memref<2x1000000xf32, #tpu.memory_space<hbm>> -> memref<2x8xf32, #tpu.memory_space<hbm>>
    tpu.wait_dma2 semaphore(%arg14 : memref<!tpu.dma_semaphore, #tpu.memory_space<semaphore_mem>>) src(%dma_wait3A_708 : memref<2x8xf32, #tpu.memory_space<hbm>>) dst(%dma_wait3A_705 : memref<2x8xf32, #tpu.memory_space<vmem>>)
    %multiple_of3A_709 = arith.constant 3960 : i32
    %multiple_of3A_710 = tpu.assume_multiple %multiple_of3A_709, 8 : i32
    %dma_wait3A_711 = arith.constant 0 : i32
    %dma_wait3A_712 = tpu.memref_slice %arg9[%dma_wait3A_711, %multiple_of3A_710] : memref<6x4096xf32, #tpu.memory_space<vmem>> -> memref<6x8xf32, #tpu.memory_space<vmem>>
    %dma_wait3A_713 = arith.constant 0 : i32
    %dma_wait3A_714 = arith.constant 0 : i32
    %dma_wait3A_715 = tpu.memref_slice %arg3[%dma_wait3A_713, %dma_wait3A_714] : memref<6x1000000xf32, #tpu.memory_space<hbm>> -> memref<6x8xf32, #tpu.memory_space<hbm>>
    %dma_wait3A_716 = arith.constant 0 : i32
    %dma_wait3A_717 = tpu.memref_slice %arg9[%dma_wait3A_716, %multiple_of3A_710] : memref<6x4096xf32, #tpu.memory_space<vmem>> -> memref<6x8xf32, #tpu.memory_space<vmem>>
    %dma_wait3A_718 = arith.constant 0 : i32
    %dma_wait3A_719 = arith.constant 0 : i32
    %dma_wait3A_720 = tpu.memref_slice %arg3[%dma_wait3A_718, %dma_wait3A_719] : memref<6x1000000xf32, #tpu.memory_space<hbm>> -> memref<6x8xf32, #tpu.memory_space<hbm>>
    tpu.wait_dma2 semaphore(%arg14 : memref<!tpu.dma_semaphore, #tpu.memory_space<semaphore_mem>>) src(%dma_wait3A_720 : memref<6x8xf32, #tpu.memory_space<hbm>>) dst(%dma_wait3A_717 : memref<6x8xf32, #tpu.memory_space<vmem>>)
    %dma_wait3A_721 = arith.constant 0 : i32
    %dma_wait3A_722 = tpu.memref_slice %arg10[%dma_wait3A_721, %multiple_of3A_710] : memref<2x4096xf32, #tpu.memory_space<vmem>> -> memref<2x8xf32, #tpu.memory_space<vmem>>
    %dma_wait3A_723 = arith.constant 0 : i32
    %dma_wait3A_724 = arith.constant 0 : i32
    %dma_wait3A_725 = tpu.memref_slice %arg4[%dma_wait3A_723, %dma_wait3A_724] : memref<2x1000000xf32, #tpu.memory_space<hbm>> -> memref<2x8xf32, #tpu.memory_space<hbm>>
    %dma_wait3A_726 = arith.constant 0 : i32
    %dma_wait3A_727 = tpu.memref_slice %arg10[%dma_wait3A_726, %multiple_of3A_710] : memref<2x4096xf32, #tpu.memory_space<vmem>> -> memref<2x8xf32, #tpu.memory_space<vmem>>
    %dma_wait3A_728 = arith.constant 0 : i32
    %dma_wait3A_729 = arith.constant 0 : i32
    %dma_wait3A_730 = tpu.memref_slice %arg4[%dma_wait3A_728, %dma_wait3A_729] : memref<2x1000000xf32, #tpu.memory_space<hbm>> -> memref<2x8xf32, #tpu.memory_space<hbm>>
    tpu.wait_dma2 semaphore(%arg14 : memref<!tpu.dma_semaphore, #tpu.memory_space<semaphore_mem>>) src(%dma_wait3A_730 : memref<2x8xf32, #tpu.memory_space<hbm>>) dst(%dma_wait3A_727 : memref<2x8xf32, #tpu.memory_space<vmem>>)
    %get3A_731 = arith.constant 480 : index
    %get3A_732 = tpu.vector_load %arg8[%get3A_731] {strides = array<i32>} : memref<512xi32, #tpu.memory_space<vmem>>, vector<16xi32>,
    %broadcast_in_dim3A = arith.constant 0 : i32
    %broadcast_in_dim3A_733 = vector.broadcast %broadcast_in_dim3A : i32 to vector<16xi32>
    %gather3A = tpu.vector_load_idx %arg9[%broadcast_in_dim3A_733, %get3A_732] : memref<6x4096xf32, #tpu.memory_space<vmem>>[vector<16xi32>, vector<16xi32>], vector<16xf32>,
    %broadcast_in_dim3A_734 = arith.constant 1 : i32
    %broadcast_in_dim3A_735 = vector.broadcast %broadcast_in_dim3A_734 : i32 to vector<16xi32>
    %gather3A_736 = tpu.vector_load_idx %arg9[%broadcast_in_dim3A_735, %get3A_732] : memref<6x4096xf32, #tpu.memory_space<vmem>>[vector<16xi32>, vector<16xi32>], vector<16xf32>,
    %broadcast_in_dim3A_737 = arith.constant 2 : i32
    %broadcast_in_dim3A_738 = vector.broadcast %broadcast_in_dim3A_737 : i32 to vector<16xi32>
    %gather3A_739 = tpu.vector_load_idx %arg9[%broadcast_in_dim3A_738, %get3A_732] : memref<6x4096xf32, #tpu.memory_space<vmem>>[vector<16xi32>, vector<16xi32>], vector<16xf32>,
    %broadcast_in_dim3A_740 = arith.constant 3 : i32
    %broadcast_in_dim3A_741 = vector.broadcast %broadcast_in_dim3A_740 : i32 to vector<16xi32>
    %gather3A_742 = tpu.vector_load_idx %arg9[%broadcast_in_dim3A_741, %get3A_732] : memref<6x4096xf32, #tpu.memory_space<vmem>>[vector<16xi32>, vector<16xi32>], vector<16xf32>,
    %broadcast_in_dim3A_743 = arith.constant 4 : i32
    %broadcast_in_dim3A_744 = vector.broadcast %broadcast_in_dim3A_743 : i32 to vector<16xi32>
    %gather3A_745 = tpu.vector_load_idx %arg9[%broadcast_in_dim3A_744, %get3A_732] : memref<6x4096xf32, #tpu.memory_space<vmem>>[vector<16xi32>, vector<16xi32>], vector<16xf32>,
    %broadcast_in_dim3A_746 = arith.constant 5 : i32
    %broadcast_in_dim3A_747 = vector.broadcast %broadcast_in_dim3A_746 : i32 to vector<16xi32>
    %gather3A_748 = tpu.vector_load_idx %arg9[%broadcast_in_dim3A_747, %get3A_732] : memref<6x4096xf32, #tpu.memory_space<vmem>>[vector<16xi32>, vector<16xi32>], vector<16xf32>,
    %mul3A_749 = arith.mulf %gather3A, %gather3A : vector<16xf32>
    %mul3A_750 = arith.mulf %gather3A_736, %gather3A_736 : vector<16xf32>
    %add3A_751 = arith.addf %mul3A_749, %mul3A_750 : vector<16xf32>
    %mul3A_752 = arith.mulf %gather3A_739, %gather3A_739 : vector<16xf32>
    %add3A_753 = arith.addf %add3A_751, %mul3A_752 : vector<16xf32>
    %bitcast3A = vector.bitcast %add3A_753 : vector<16xf32> to vector<16xi32>
    %shift_right_logical3A = arith.constant 1 : i32
    %shift_right_logical3A_754 = vector.broadcast %shift_right_logical3A : i32 to vector<16xi32>
    %shift_right_logical3A_755 = arith.shrui %bitcast3A, %shift_right_logical3A_754 : vector<16xi32>
    %sub3A = arith.constant 1597463007 : i32
    %sub3A_756 = vector.broadcast %sub3A : i32 to vector<16xi32>
    %sub3A_757 = arith.subi %sub3A_756, %shift_right_logical3A_755 : vector<16xi32>
    %bitcast3A_758 = vector.bitcast %sub3A_757 : vector<16xi32> to vector<16xf32>
    %mul3A_759 = arith.constant 5.000000e-01 : f32
    %mul3A_760 = vector.broadcast %mul3A_759 : f32 to vector<16xf32>
    %mul3A_761 = arith.mulf %mul3A_760, %add3A_753 : vector<16xf32>
    %mul3A_762 = arith.mulf %mul3A_761, %bitcast3A_758 : vector<16xf32>
    %mul3A_763 = arith.mulf %mul3A_762, %bitcast3A_758 : vector<16xf32>
    %sub3A_764 = arith.constant 1.500000e+00 : f32
    %sub3A_765 = vector.broadcast %sub3A_764 : f32 to vector<16xf32>
    %sub3A_766 = arith.subf %sub3A_765, %mul3A_763 : vector<16xf32>
    %mul3A_767 = arith.mulf %bitcast3A_758, %sub3A_766 : vector<16xf32>
    %mul3A_768 = arith.constant 5.000000e-01 : f32
    %mul3A_769 = vector.broadcast %mul3A_768 : f32 to vector<16xf32>
    %mul3A_770 = arith.mulf %mul3A_769, %add3A_753 : vector<16xf32>
    %mul3A_771 = arith.mulf %mul3A_770, %mul3A_767 : vector<16xf32>
    %mul3A_772 = arith.mulf %mul3A_771, %mul3A_767 : vector<16xf32>
    %sub3A_773 = arith.constant 1.500000e+00 : f32
    %sub3A_774 = vector.broadcast %sub3A_773 : f32 to vector<16xf32>
    %sub3A_775 = arith.subf %sub3A_774, %mul3A_772 : vector<16xf32>
    %mul3A_776 = arith.mulf %mul3A_767, %sub3A_775 : vector<16xf32>
    %mul3A_777 = arith.constant 5.000000e-01 : f32
    %mul3A_778 = vector.broadcast %mul3A_777 : f32 to vector<16xf32>
    %mul3A_779 = arith.mulf %mul3A_778, %add3A_753 : vector<16xf32>
    %mul3A_780 = arith.mulf %mul3A_779, %mul3A_776 : vector<16xf32>
    %mul3A_781 = arith.mulf %mul3A_780, %mul3A_776 : vector<16xf32>
    %sub3A_782 = arith.constant 1.500000e+00 : f32
    %sub3A_783 = vector.broadcast %sub3A_782 : f32 to vector<16xf32>
    %sub3A_784 = arith.subf %sub3A_783, %mul3A_781 : vector<16xf32>
    %mul3A_785 = arith.mulf %mul3A_776, %sub3A_784 : vector<16xf32>
    %mul3A_786 = arith.mulf %gather3A, %mul3A_785 : vector<16xf32>
    %mul3A_787 = arith.mulf %gather3A_736, %mul3A_785 : vector<16xf32>
    %mul3A_788 = arith.mulf %gather3A_739, %mul3A_785 : vector<16xf32>
    %mul3A_789 = arith.mulf %mul3A_786, %gather3A_742 : vector<16xf32>
    %mul3A_790 = arith.mulf %mul3A_787, %gather3A_745 : vector<16xf32>
    %add3A_791 = arith.addf %mul3A_789, %mul3A_790 : vector<16xf32>
    %mul3A_792 = arith.mulf %mul3A_788, %gather3A_748 : vector<16xf32>
    %add3A_793 = arith.addf %add3A_791, %mul3A_792 : vector<16xf32>
    %mul3A_794 = arith.mulf %add3A_793, %mul3A_786 : vector<16xf32>
    %sub3A_795 = arith.subf %gather3A_742, %mul3A_794 : vector<16xf32>
    %mul3A_796 = arith.mulf %add3A_793, %mul3A_787 : vector<16xf32>
    %sub3A_797 = arith.subf %gather3A_745, %mul3A_796 : vector<16xf32>
    %mul3A_798 = arith.mulf %add3A_793, %mul3A_788 : vector<16xf32>
    %sub3A_799 = arith.subf %gather3A_748, %mul3A_798 : vector<16xf32>
    %mul3A_800 = arith.mulf %sub3A_795, %sub3A_795 : vector<16xf32>
    %mul3A_801 = arith.mulf %sub3A_797, %sub3A_797 : vector<16xf32>
    %add3A_802 = arith.addf %mul3A_800, %mul3A_801 : vector<16xf32>
    %mul3A_803 = arith.mulf %sub3A_799, %sub3A_799 : vector<16xf32>
    %add3A_804 = arith.addf %add3A_802, %mul3A_803 : vector<16xf32>
    %bitcast3A_805 = vector.bitcast %add3A_804 : vector<16xf32> to vector<16xi32>
    %shift_right_logical3A_806 = arith.constant 1 : i32
    %shift_right_logical3A_807 = vector.broadcast %shift_right_logical3A_806 : i32 to vector<16xi32>
    %shift_right_logical3A_808 = arith.shrui %bitcast3A_805, %shift_right_logical3A_807 : vector<16xi32>
    %sub3A_809 = arith.constant 1597463007 : i32
    %sub3A_810 = vector.broadcast %sub3A_809 : i32 to vector<16xi32>
    %sub3A_811 = arith.subi %sub3A_810, %shift_right_logical3A_808 : vector<16xi32>
    %bitcast3A_812 = vector.bitcast %sub3A_811 : vector<16xi32> to vector<16xf32>
    %mul3A_813 = arith.constant 5.000000e-01 : f32
    %mul3A_814 = vector.broadcast %mul3A_813 : f32 to vector<16xf32>
    %mul3A_815 = arith.mulf %mul3A_814, %add3A_804 : vector<16xf32>
    %mul3A_816 = arith.mulf %mul3A_815, %bitcast3A_812 : vector<16xf32>
    %mul3A_817 = arith.mulf %mul3A_816, %bitcast3A_812 : vector<16xf32>
    %sub3A_818 = arith.constant 1.500000e+00 : f32
    %sub3A_819 = vector.broadcast %sub3A_818 : f32 to vector<16xf32>
    %sub3A_820 = arith.subf %sub3A_819, %mul3A_817 : vector<16xf32>
    %mul3A_821 = arith.mulf %bitcast3A_812, %sub3A_820 : vector<16xf32>
    %mul3A_822 = arith.constant 5.000000e-01 : f32
    %mul3A_823 = vector.broadcast %mul3A_822 : f32 to vector<16xf32>
    %mul3A_824 = arith.mulf %mul3A_823, %add3A_804 : vector<16xf32>
    %mul3A_825 = arith.mulf %mul3A_824, %mul3A_821 : vector<16xf32>
    %mul3A_826 = arith.mulf %mul3A_825, %mul3A_821 : vector<16xf32>
    %sub3A_827 = arith.constant 1.500000e+00 : f32
    %sub3A_828 = vector.broadcast %sub3A_827 : f32 to vector<16xf32>
    %sub3A_829 = arith.subf %sub3A_828, %mul3A_826 : vector<16xf32>
    %mul3A_830 = arith.mulf %mul3A_821, %sub3A_829 : vector<16xf32>
    %mul3A_831 = arith.constant 5.000000e-01 : f32
    %mul3A_832 = vector.broadcast %mul3A_831 : f32 to vector<16xf32>
    %mul3A_833 = arith.mulf %mul3A_832, %add3A_804 : vector<16xf32>
    %mul3A_834 = arith.mulf %mul3A_833, %mul3A_830 : vector<16xf32>
    %mul3A_835 = arith.mulf %mul3A_834, %mul3A_830 : vector<16xf32>
    %sub3A_836 = arith.constant 1.500000e+00 : f32
    %sub3A_837 = vector.broadcast %sub3A_836 : f32 to vector<16xf32>
    %sub3A_838 = arith.subf %sub3A_837, %mul3A_835 : vector<16xf32>
    %mul3A_839 = arith.mulf %mul3A_830, %sub3A_838 : vector<16xf32>
    %mul3A_840 = arith.mulf %sub3A_795, %mul3A_839 : vector<16xf32>
    %mul3A_841 = arith.mulf %sub3A_797, %mul3A_839 : vector<16xf32>
    %mul3A_842 = arith.mulf %sub3A_799, %mul3A_839 : vector<16xf32>
    %mul3A_843 = arith.mulf %mul3A_787, %mul3A_842 : vector<16xf32>
    %mul3A_844 = arith.mulf %mul3A_788, %mul3A_841 : vector<16xf32>
    %sub3A_845 = arith.subf %mul3A_843, %mul3A_844 : vector<16xf32>
    %mul3A_846 = arith.mulf %mul3A_788, %mul3A_840 : vector<16xf32>
    %mul3A_847 = arith.mulf %mul3A_786, %mul3A_842 : vector<16xf32>
    %sub3A_848 = arith.subf %mul3A_846, %mul3A_847 : vector<16xf32>
    %mul3A_849 = arith.mulf %mul3A_786, %mul3A_841 : vector<16xf32>
    %mul3A_850 = arith.mulf %mul3A_787, %mul3A_840 : vector<16xf32>
    %sub3A_851 = arith.subf %mul3A_849, %mul3A_850 : vector<16xf32>
    %swap3A = arith.constant 0 : i32
    %swap3A_852 = arith.index_cast %swap3A : i32 to index
    %swap3A_853 = arith.constant 480 : index
    %swap3A_854 = tpu.vector_load %arg11[%swap3A_852, %swap3A_853] {strides = array<i32>} : memref<9x512xf32, #tpu.memory_space<vmem>>, vector<16xf32>,
    tpu.vector_store %arg11[%swap3A_852, %swap3A_853], %mul3A_786 {strides = array<i32>} : memref<9x512xf32, #tpu.memory_space<vmem>>, vector<16xf32>,
    %swap3A_855 = arith.constant 1 : i32
    %swap3A_856 = arith.index_cast %swap3A_855 : i32 to index
    %swap3A_857 = arith.constant 480 : index
    %swap3A_858 = tpu.vector_load %arg11[%swap3A_856, %swap3A_857] {strides = array<i32>} : memref<9x512xf32, #tpu.memory_space<vmem>>, vector<16xf32>,
    tpu.vector_store %arg11[%swap3A_856, %swap3A_857], %mul3A_787 {strides = array<i32>} : memref<9x512xf32, #tpu.memory_space<vmem>>, vector<16xf32>,
    %swap3A_859 = arith.constant 2 : i32
    %swap3A_860 = arith.index_cast %swap3A_859 : i32 to index
    %swap3A_861 = arith.constant 480 : index
    %swap3A_862 = tpu.vector_load %arg11[%swap3A_860, %swap3A_861] {strides = array<i32>} : memref<9x512xf32, #tpu.memory_space<vmem>>, vector<16xf32>,
    tpu.vector_store %arg11[%swap3A_860, %swap3A_861], %mul3A_788 {strides = array<i32>} : memref<9x512xf32, #tpu.memory_space<vmem>>, vector<16xf32>,
    %swap3A_863 = arith.constant 3 : i32
    %swap3A_864 = arith.index_cast %swap3A_863 : i32 to index
    %swap3A_865 = arith.constant 480 : index
    %swap3A_866 = tpu.vector_load %arg11[%swap3A_864, %swap3A_865] {strides = array<i32>} : memref<9x512xf32, #tpu.memory_space<vmem>>, vector<16xf32>,
    tpu.vector_store %arg11[%swap3A_864, %swap3A_865], %mul3A_840 {strides = array<i32>} : memref<9x512xf32, #tpu.memory_space<vmem>>, vector<16xf32>,
    %swap3A_867 = arith.constant 4 : i32
    %swap3A_868 = arith.index_cast %swap3A_867 : i32 to index
    %swap3A_869 = arith.constant 480 : index
    %swap3A_870 = tpu.vector_load %arg11[%swap3A_868, %swap3A_869] {strides = array<i32>} : memref<9x512xf32, #tpu.memory_space<vmem>>, vector<16xf32>,
    tpu.vector_store %arg11[%swap3A_868, %swap3A_869], %mul3A_841 {strides = array<i32>} : memref<9x512xf32, #tpu.memory_space<vmem>>, vector<16xf32>,
    %swap3A_871 = arith.constant 5 : i32
    %swap3A_872 = arith.index_cast %swap3A_871 : i32 to index
    %swap3A_873 = arith.constant 480 : index
    %swap3A_874 = tpu.vector_load %arg11[%swap3A_872, %swap3A_873] {strides = array<i32>} : memref<9x512xf32, #tpu.memory_space<vmem>>, vector<16xf32>,
    tpu.vector_store %arg11[%swap3A_872, %swap3A_873], %mul3A_842 {strides = array<i32>} : memref<9x512xf32, #tpu.memory_space<vmem>>, vector<16xf32>,
    %swap3A_875 = arith.constant 6 : i32
    %swap3A_876 = arith.index_cast %swap3A_875 : i32 to index
    %swap3A_877 = arith.constant 480 : index
    %swap3A_878 = tpu.vector_load %arg11[%swap3A_876, %swap3A_877] {strides = array<i32>} : memref<9x512xf32, #tpu.memory_space<vmem>>, vector<16xf32>,
    tpu.vector_store %arg11[%swap3A_876, %swap3A_877], %sub3A_845 {strides = array<i32>} : memref<9x512xf32, #tpu.memory_space<vmem>>, vector<16xf32>,
    %swap3A_879 = arith.constant 7 : i32
    %swap3A_880 = arith.index_cast %swap3A_879 : i32 to index
    %swap3A_881 = arith.constant 480 : index
    %swap3A_882 = tpu.vector_load %arg11[%swap3A_880, %swap3A_881] {strides = array<i32>} : memref<9x512xf32, #tpu.memory_space<vmem>>, vector<16xf32>,
    tpu.vector_store %arg11[%swap3A_880, %swap3A_881], %sub3A_848 {strides = array<i32>} : memref<9x512xf32, #tpu.memory_space<vmem>>, vector<16xf32>,
    %swap3A_883 = arith.constant 8 : i32
    %swap3A_884 = arith.index_cast %swap3A_883 : i32 to index
    %swap3A_885 = arith.constant 480 : index
    %swap3A_886 = tpu.vector_load %arg11[%swap3A_884, %swap3A_885] {strides = array<i32>} : memref<9x512xf32, #tpu.memory_space<vmem>>, vector<16xf32>,
    tpu.vector_store %arg11[%swap3A_884, %swap3A_885], %sub3A_851 {strides = array<i32>} : memref<9x512xf32, #tpu.memory_space<vmem>>, vector<16xf32>,
    %broadcast_in_dim3A_887 = arith.constant 0 : i32
    %broadcast_in_dim3A_888 = vector.broadcast %broadcast_in_dim3A_887 : i32 to vector<16xi32>
    %gather3A_889 = tpu.vector_load_idx %arg10[%broadcast_in_dim3A_888, %get3A_732] : memref<2x4096xf32, #tpu.memory_space<vmem>>[vector<16xi32>, vector<16xi32>], vector<16xf32>,
    %swap3A_890 = arith.constant 0 : i32
    %swap3A_891 = arith.index_cast %swap3A_890 : i32 to index
    %swap3A_892 = arith.constant 480 : index
    %swap3A_893 = tpu.vector_load %arg12[%swap3A_891, %swap3A_892] {strides = array<i32>} : memref<2x512xf32, #tpu.memory_space<vmem>>, vector<16xf32>,
    tpu.vector_store %arg12[%swap3A_891, %swap3A_892], %gather3A_889 {strides = array<i32>} : memref<2x512xf32, #tpu.memory_space<vmem>>, vector<16xf32>,
    %broadcast_in_dim3A_894 = arith.constant 1 : i32
    %broadcast_in_dim3A_895 = vector.broadcast %broadcast_in_dim3A_894 : i32 to vector<16xi32>
    %gather3A_896 = tpu.vector_load_idx %arg10[%broadcast_in_dim3A_895, %get3A_732] : memref<2x4096xf32, #tpu.memory_space<vmem>>[vector<16xi32>, vector<16xi32>], vector<16xf32>,
    %swap3A_897 = arith.constant 1 : i32
    %swap3A_898 = arith.index_cast %swap3A_897 : i32 to index
    %swap3A_899 = arith.constant 480 : index
    %swap3A_900 = tpu.vector_load %arg12[%swap3A_898, %swap3A_899] {strides = array<i32>} : memref<2x512xf32, #tpu.memory_space<vmem>>, vector<16xf32>,
    tpu.vector_store %arg12[%swap3A_898, %swap3A_899], %gather3A_896 {strides = array<i32>} : memref<2x512xf32, #tpu.memory_space<vmem>>, vector<16xf32>,
    %multiple_of3A_901 = arith.constant 3968 : i32
    %multiple_of3A_902 = tpu.assume_multiple %multiple_of3A_901, 8 : i32
    %dma_wait3A_903 = arith.constant 0 : i32
    %dma_wait3A_904 = tpu.memref_slice %arg9[%dma_wait3A_903, %multiple_of3A_902] : memref<6x4096xf32, #tpu.memory_space<vmem>> -> memref<6x8xf32, #tpu.memory_space<vmem>>
    %dma_wait3A_905 = arith.constant 0 : i32
    %dma_wait3A_906 = arith.constant 0 : i32
    %dma_wait3A_907 = tpu.memref_slice %arg3[%dma_wait3A_905, %dma_wait3A_906] : memref<6x1000000xf32, #tpu.memory_space<hbm>> -> memref<6x8xf32, #tpu.memory_space<hbm>>
    %dma_wait3A_908 = arith.constant 0 : i32
    %dma_wait3A_909 = tpu.memref_slice %arg9[%dma_wait3A_908, %multiple_of3A_902] : memref<6x4096xf32, #tpu.memory_space<vmem>> -> memref<6x8xf32, #tpu.memory_space<vmem>>
    %dma_wait3A_910 = arith.constant 0 : i32
    %dma_wait3A_911 = arith.constant 0 : i32
    %dma_wait3A_912 = tpu.memref_slice %arg3[%dma_wait3A_910, %dma_wait3A_911] : memref<6x1000000xf32, #tpu.memory_space<hbm>> -> memref<6x8xf32, #tpu.memory_space<hbm>>
    tpu.wait_dma2 semaphore(%arg14 : memref<!tpu.dma_semaphore, #tpu.memory_space<semaphore_mem>>) src(%dma_wait3A_912 : memref<6x8xf32, #tpu.memory_space<hbm>>) dst(%dma_wait3A_909 : memref<6x8xf32, #tpu.memory_space<vmem>>)
    %dma_wait3A_913 = arith.constant 0 : i32
    %dma_wait3A_914 = tpu.memref_slice %arg10[%dma_wait3A_913, %multiple_of3A_902] : memref<2x4096xf32, #tpu.memory_space<vmem>> -> memref<2x8xf32, #tpu.memory_space<vmem>>
    %dma_wait3A_915 = arith.constant 0 : i32
    %dma_wait3A_916 = arith.constant 0 : i32
    %dma_wait3A_917 = tpu.memref_slice %arg4[%dma_wait3A_915, %dma_wait3A_916] : memref<2x1000000xf32, #tpu.memory_space<hbm>> -> memref<2x8xf32, #tpu.memory_space<hbm>>
    %dma_wait3A_918 = arith.constant 0 : i32
    %dma_wait3A_919 = tpu.memref_slice %arg10[%dma_wait3A_918, %multiple_of3A_902] : memref<2x4096xf32, #tpu.memory_space<vmem>> -> memref<2x8xf32, #tpu.memory_space<vmem>>
    %dma_wait3A_920 = arith.constant 0 : i32
    %dma_wait3A_921 = arith.constant 0 : i32
    %dma_wait3A_922 = tpu.memref_slice %arg4[%dma_wait3A_920, %dma_wait3A_921] : memref<2x1000000xf32, #tpu.memory_space<hbm>> -> memref<2x8xf32, #tpu.memory_space<hbm>>
    tpu.wait_dma2 semaphore(%arg14 : memref<!tpu.dma_semaphore, #tpu.memory_space<semaphore_mem>>) src(%dma_wait3A_922 : memref<2x8xf32, #tpu.memory_space<hbm>>) dst(%dma_wait3A_919 : memref<2x8xf32, #tpu.memory_space<vmem>>)
    %multiple_of3A_923 = arith.constant 3976 : i32
    %multiple_of3A_924 = tpu.assume_multiple %multiple_of3A_923, 8 : i32
    %dma_wait3A_925 = arith.constant 0 : i32
    %dma_wait3A_926 = tpu.memref_slice %arg9[%dma_wait3A_925, %multiple_of3A_924] : memref<6x4096xf32, #tpu.memory_space<vmem>> -> memref<6x8xf32, #tpu.memory_space<vmem>>
    %dma_wait3A_927 = arith.constant 0 : i32
    %dma_wait3A_928 = arith.constant 0 : i32
    %dma_wait3A_929 = tpu.memref_slice %arg3[%dma_wait3A_927, %dma_wait3A_928] : memref<6x1000000xf32, #tpu.memory_space<hbm>> -> memref<6x8xf32, #tpu.memory_space<hbm>>
    %dma_wait3A_930 = arith.constant 0 : i32
    %dma_wait3A_931 = tpu.memref_slice %arg9[%dma_wait3A_930, %multiple_of3A_924] : memref<6x4096xf32, #tpu.memory_space<vmem>> -> memref<6x8xf32, #tpu.memory_space<vmem>>
    %dma_wait3A_932 = arith.constant 0 : i32
    %dma_wait3A_933 = arith.constant 0 : i32
    %dma_wait3A_934 = tpu.memref_slice %arg3[%dma_wait3A_932, %dma_wait3A_933] : memref<6x1000000xf32, #tpu.memory_space<hbm>> -> memref<6x8xf32, #tpu.memory_space<hbm>>
    tpu.wait_dma2 semaphore(%arg14 : memref<!tpu.dma_semaphore, #tpu.memory_space<semaphore_mem>>) src(%dma_wait3A_934 : memref<6x8xf32, #tpu.memory_space<hbm>>) dst(%dma_wait3A_931 : memref<6x8xf32, #tpu.memory_space<vmem>>)
    %dma_wait3A_935 = arith.constant 0 : i32
    %dma_wait3A_936 = tpu.memref_slice %arg10[%dma_wait3A_935, %multiple_of3A_924] : memref<2x4096xf32, #tpu.memory_space<vmem>> -> memref<2x8xf32, #tpu.memory_space<vmem>>
    %dma_wait3A_937 = arith.constant 0 : i32
    %dma_wait3A_938 = arith.constant 0 : i32
    %dma_wait3A_939 = tpu.memref_slice %arg4[%dma_wait3A_937, %dma_wait3A_938] : memref<2x1000000xf32, #tpu.memory_space<hbm>> -> memref<2x8xf32, #tpu.memory_space<hbm>>
    %dma_wait3A_940 = arith.constant 0 : i32
    %dma_wait3A_941 = tpu.memref_slice %arg10[%dma_wait3A_940, %multiple_of3A_924] : memref<2x4096xf32, #tpu.memory_space<vmem>> -> memref<2x8xf32, #tpu.memory_space<vmem>>
    %dma_wait3A_942 = arith.constant 0 : i32
    %dma_wait3A_943 = arith.constant 0 : i32
    %dma_wait3A_944 = tpu.memref_slice %arg4[%dma_wait3A_942, %dma_wait3A_943] : memref<2x1000000xf32, #tpu.memory_space<hbm>> -> memref<2x8xf32, #tpu.memory_space<hbm>>
    tpu.wait_dma2 semaphore(%arg14 : memref<!tpu.dma_semaphore, #tpu.memory_space<semaphore_mem>>) src(%dma_wait3A_944 : memref<2x8xf32, #tpu.memory_space<hbm>>) dst(%dma_wait3A_941 : memref<2x8xf32, #tpu.memory_space<vmem>>)
    %multiple_of3A_945 = arith.constant 3984 : i32
    %multiple_of3A_946 = tpu.assume_multiple %multiple_of3A_945, 8 : i32
    %dma_wait3A_947 = arith.constant 0 : i32
    %dma_wait3A_948 = tpu.memref_slice %arg9[%dma_wait3A_947, %multiple_of3A_946] : memref<6x4096xf32, #tpu.memory_space<vmem>> -> memref<6x8xf32, #tpu.memory_space<vmem>>
    %dma_wait3A_949 = arith.constant 0 : i32
    %dma_wait3A_950 = arith.constant 0 : i32
    %dma_wait3A_951 = tpu.memref_slice %arg3[%dma_wait3A_949, %dma_wait3A_950] : memref<6x1000000xf32, #tpu.memory_space<hbm>> -> memref<6x8xf32, #tpu.memory_space<hbm>>
    %dma_wait3A_952 = arith.constant 0 : i32
    %dma_wait3A_953 = tpu.memref_slice %arg9[%dma_wait3A_952, %multiple_of3A_946] : memref<6x4096xf32, #tpu.memory_space<vmem>> -> memref<6x8xf32, #tpu.memory_space<vmem>>
    %dma_wait3A_954 = arith.constant 0 : i32
    %dma_wait3A_955 = arith.constant 0 : i32
    %dma_wait3A_956 = tpu.memref_slice %arg3[%dma_wait3A_954, %dma_wait3A_955] : memref<6x1000000xf32, #tpu.memory_space<hbm>> -> memref<6x8xf32, #tpu.memory_space<hbm>>
    tpu.wait_dma2 semaphore(%arg14 : memref<!tpu.dma_semaphore, #tpu.memory_space<semaphore_mem>>) src(%dma_wait3A_956 : memref<6x8xf32, #tpu.memory_space<hbm>>) dst(%dma_wait3A_953 : memref<6x8xf32, #tpu.memory_space<vmem>>)
    %dma_wait3A_957 = arith.constant 0 : i32
    %dma_wait3A_958 = tpu.memref_slice %arg10[%dma_wait3A_957, %multiple_of3A_946] : memref<2x4096xf32, #tpu.memory_space<vmem>> -> memref<2x8xf32, #tpu.memory_space<vmem>>
    %dma_wait3A_959 = arith.constant 0 : i32
    %dma_wait3A_960 = arith.constant 0 : i32
    %dma_wait3A_961 = tpu.memref_slice %arg4[%dma_wait3A_959, %dma_wait3A_960] : memref<2x1000000xf32, #tpu.memory_space<hbm>> -> memref<2x8xf32, #tpu.memory_space<hbm>>
    %dma_wait3A_962 = arith.constant 0 : i32
    %dma_wait3A_963 = tpu.memref_slice %arg10[%dma_wait3A_962, %multiple_of3A_946] : memref<2x4096xf32, #tpu.memory_space<vmem>> -> memref<2x8xf32, #tpu.memory_space<vmem>>
    %dma_wait3A_964 = arith.constant 0 : i32
    %dma_wait3A_965 = arith.constant 0 : i32
    %dma_wait3A_966 = tpu.memref_slice %arg4[%dma_wait3A_964, %dma_wait3A_965] : memref<2x1000000xf32, #tpu.memory_space<hbm>> -> memref<2x8xf32, #tpu.memory_space<hbm>>
    tpu.wait_dma2 semaphore(%arg14 : memref<!tpu.dma_semaphore, #tpu.memory_space<semaphore_mem>>) src(%dma_wait3A_966 : memref<2x8xf32, #tpu.memory_space<hbm>>) dst(%dma_wait3A_963 : memref<2x8xf32, #tpu.memory_space<vmem>>)
    %multiple_of3A_967 = arith.constant 3992 : i32
    %multiple_of3A_968 = tpu.assume_multiple %multiple_of3A_967, 8 : i32
    %dma_wait3A_969 = arith.constant 0 : i32
    %dma_wait3A_970 = tpu.memref_slice %arg9[%dma_wait3A_969, %multiple_of3A_968] : memref<6x4096xf32, #tpu.memory_space<vmem>> -> memref<6x8xf32, #tpu.memory_space<vmem>>
    %dma_wait3A_971 = arith.constant 0 : i32
    %dma_wait3A_972 = arith.constant 0 : i32
    %dma_wait3A_973 = tpu.memref_slice %arg3[%dma_wait3A_971, %dma_wait3A_972] : memref<6x1000000xf32, #tpu.memory_space<hbm>> -> memref<6x8xf32, #tpu.memory_space<hbm>>
    %dma_wait3A_974 = arith.constant 0 : i32
    %dma_wait3A_975 = tpu.memref_slice %arg9[%dma_wait3A_974, %multiple_of3A_968] : memref<6x4096xf32, #tpu.memory_space<vmem>> -> memref<6x8xf32, #tpu.memory_space<vmem>>
    %dma_wait3A_976 = arith.constant 0 : i32
    %dma_wait3A_977 = arith.constant 0 : i32
    %dma_wait3A_978 = tpu.memref_slice %arg3[%dma_wait3A_976, %dma_wait3A_977] : memref<6x1000000xf32, #tpu.memory_space<hbm>> -> memref<6x8xf32, #tpu.memory_space<hbm>>
    tpu.wait_dma2 semaphore(%arg14 : memref<!tpu.dma_semaphore, #tpu.memory_space<semaphore_mem>>) src(%dma_wait3A_978 : memref<6x8xf32, #tpu.memory_space<hbm>>) dst(%dma_wait3A_975 : memref<6x8xf32, #tpu.memory_space<vmem>>)
    %dma_wait3A_979 = arith.constant 0 : i32
    %dma_wait3A_980 = tpu.memref_slice %arg10[%dma_wait3A_979, %multiple_of3A_968] : memref<2x4096xf32, #tpu.memory_space<vmem>> -> memref<2x8xf32, #tpu.memory_space<vmem>>
    %dma_wait3A_981 = arith.constant 0 : i32
    %dma_wait3A_982 = arith.constant 0 : i32
    %dma_wait3A_983 = tpu.memref_slice %arg4[%dma_wait3A_981, %dma_wait3A_982] : memref<2x1000000xf32, #tpu.memory_space<hbm>> -> memref<2x8xf32, #tpu.memory_space<hbm>>
    %dma_wait3A_984 = arith.constant 0 : i32
    %dma_wait3A_985 = tpu.memref_slice %arg10[%dma_wait3A_984, %multiple_of3A_968] : memref<2x4096xf32, #tpu.memory_space<vmem>> -> memref<2x8xf32, #tpu.memory_space<vmem>>
    %dma_wait3A_986 = arith.constant 0 : i32
    %dma_wait3A_987 = arith.constant 0 : i32
    %dma_wait3A_988 = tpu.memref_slice %arg4[%dma_wait3A_986, %dma_wait3A_987] : memref<2x1000000xf32, #tpu.memory_space<hbm>> -> memref<2x8xf32, #tpu.memory_space<hbm>>
    tpu.wait_dma2 semaphore(%arg14 : memref<!tpu.dma_semaphore, #tpu.memory_space<semaphore_mem>>) src(%dma_wait3A_988 : memref<2x8xf32, #tpu.memory_space<hbm>>) dst(%dma_wait3A_985 : memref<2x8xf32, #tpu.memory_space<vmem>>)
    %multiple_of3A_989 = arith.constant 4000 : i32
    %multiple_of3A_990 = tpu.assume_multiple %multiple_of3A_989, 8 : i32
    %dma_wait3A_991 = arith.constant 0 : i32
    %dma_wait3A_992 = tpu.memref_slice %arg9[%dma_wait3A_991, %multiple_of3A_990] : memref<6x4096xf32, #tpu.memory_space<vmem>> -> memref<6x8xf32, #tpu.memory_space<vmem>>
    %dma_wait3A_993 = arith.constant 0 : i32
    %dma_wait3A_994 = arith.constant 0 : i32
    %dma_wait3A_995 = tpu.memref_slice %arg3[%dma_wait3A_993, %dma_wait3A_994] : memref<6x1000000xf32, #tpu.memory_space<hbm>> -> memref<6x8xf32, #tpu.memory_space<hbm>>
    %dma_wait3A_996 = arith.constant 0 : i32
    %dma_wait3A_997 = tpu.memref_slice %arg9[%dma_wait3A_996, %multiple_of3A_990] : memref<6x4096xf32, #tpu.memory_space<vmem>> -> memref<6x8xf32, #tpu.memory_space<vmem>>
    %dma_wait3A_998 = arith.constant 0 : i32
    %dma_wait3A_999 = arith.constant 0 : i32
    %dma_wait3A_1000 = tpu.memref_slice %arg3[%dma_wait3A_998, %dma_wait3A_999] : memref<6x1000000xf32, #tpu.memory_space<hbm>> -> memref<6x8xf32, #tpu.memory_space<hbm>>
    tpu.wait_dma2 semaphore(%arg14 : memref<!tpu.dma_semaphore, #tpu.memory_space<semaphore_mem>>) src(%dma_wait3A_1000 : memref<6x8xf32, #tpu.memory_space<hbm>>) dst(%dma_wait3A_997 : memref<6x8xf32, #tpu.memory_space<vmem>>)
    %dma_wait3A_1001 = arith.constant 0 : i32
    %dma_wait3A_1002 = tpu.memref_slice %arg10[%dma_wait3A_1001, %multiple_of3A_990] : memref<2x4096xf32, #tpu.memory_space<vmem>> -> memref<2x8xf32, #tpu.memory_space<vmem>>
    %dma_wait3A_1003 = arith.constant 0 : i32
    %dma_wait3A_1004 = arith.constant 0 : i32
    %dma_wait3A_1005 = tpu.memref_slice %arg4[%dma_wait3A_1003, %dma_wait3A_1004] : memref<2x1000000xf32, #tpu.memory_space<hbm>> -> memref<2x8xf32, #tpu.memory_space<hbm>>
    %dma_wait3A_1006 = arith.constant 0 : i32
    %dma_wait3A_1007 = tpu.memref_slice %arg10[%dma_wait3A_1006, %multiple_of3A_990] : memref<2x4096xf32, #tpu.memory_space<vmem>> -> memref<2x8xf32, #tpu.memory_space<vmem>>
    %dma_wait3A_1008 = arith.constant 0 : i32
    %dma_wait3A_1009 = arith.constant 0 : i32
    %dma_wait3A_1010 = tpu.memref_slice %arg4[%dma_wait3A_1008, %dma_wait3A_1009] : memref<2x1000000xf32, #tpu.memory_space<hbm>> -> memref<2x8xf32, #tpu.memory_space<hbm>>
    tpu.wait_dma2 semaphore(%arg14 : memref<!tpu.dma_semaphore, #tpu.memory_space<semaphore_mem>>) src(%dma_wait3A_1010 : memref<2x8xf32, #tpu.memory_space<hbm>>) dst(%dma_wait3A_1007 : memref<2x8xf32, #tpu.memory_space<vmem>>)
    %multiple_of3A_1011 = arith.constant 4008 : i32
    %multiple_of3A_1012 = tpu.assume_multiple %multiple_of3A_1011, 8 : i32
    %dma_wait3A_1013 = arith.constant 0 : i32
    %dma_wait3A_1014 = tpu.memref_slice %arg9[%dma_wait3A_1013, %multiple_of3A_1012] : memref<6x4096xf32, #tpu.memory_space<vmem>> -> memref<6x8xf32, #tpu.memory_space<vmem>>
    %dma_wait3A_1015 = arith.constant 0 : i32
    %dma_wait3A_1016 = arith.constant 0 : i32
    %dma_wait3A_1017 = tpu.memref_slice %arg3[%dma_wait3A_1015, %dma_wait3A_1016] : memref<6x1000000xf32, #tpu.memory_space<hbm>> -> memref<6x8xf32, #tpu.memory_space<hbm>>
    %dma_wait3A_1018 = arith.constant 0 : i32
    %dma_wait3A_1019 = tpu.memref_slice %arg9[%dma_wait3A_1018, %multiple_of3A_1012] : memref<6x4096xf32, #tpu.memory_space<vmem>> -> memref<6x8xf32, #tpu.memory_space<vmem>>
    %dma_wait3A_1020 = arith.constant 0 : i32
    %dma_wait3A_1021 = arith.constant 0 : i32
    %dma_wait3A_1022 = tpu.memref_slice %arg3[%dma_wait3A_1020, %dma_wait3A_1021] : memref<6x1000000xf32, #tpu.memory_space<hbm>> -> memref<6x8xf32, #tpu.memory_space<hbm>>
    tpu.wait_dma2 semaphore(%arg14 : memref<!tpu.dma_semaphore, #tpu.memory_space<semaphore_mem>>) src(%dma_wait3A_1022 : memref<6x8xf32, #tpu.memory_space<hbm>>) dst(%dma_wait3A_1019 : memref<6x8xf32, #tpu.memory_space<vmem>>)
    %dma_wait3A_1023 = arith.constant 0 : i32
    %dma_wait3A_1024 = tpu.memref_slice %arg10[%dma_wait3A_1023, %multiple_of3A_1012] : memref<2x4096xf32, #tpu.memory_space<vmem>> -> memref<2x8xf32, #tpu.memory_space<vmem>>
    %dma_wait3A_1025 = arith.constant 0 : i32
    %dma_wait3A_1026 = arith.constant 0 : i32
    %dma_wait3A_1027 = tpu.memref_slice %arg4[%dma_wait3A_1025, %dma_wait3A_1026] : memref<2x1000000xf32, #tpu.memory_space<hbm>> -> memref<2x8xf32, #tpu.memory_space<hbm>>
    %dma_wait3A_1028 = arith.constant 0 : i32
    %dma_wait3A_1029 = tpu.memref_slice %arg10[%dma_wait3A_1028, %multiple_of3A_1012] : memref<2x4096xf32, #tpu.memory_space<vmem>> -> memref<2x8xf32, #tpu.memory_space<vmem>>
    %dma_wait3A_1030 = arith.constant 0 : i32
    %dma_wait3A_1031 = arith.constant 0 : i32
    %dma_wait3A_1032 = tpu.memref_slice %arg4[%dma_wait3A_1030, %dma_wait3A_1031] : memref<2x1000000xf32, #tpu.memory_space<hbm>> -> memref<2x8xf32, #tpu.memory_space<hbm>>
    tpu.wait_dma2 semaphore(%arg14 : memref<!tpu.dma_semaphore, #tpu.memory_space<semaphore_mem>>) src(%dma_wait3A_1032 : memref<2x8xf32, #tpu.memory_space<hbm>>) dst(%dma_wait3A_1029 : memref<2x8xf32, #tpu.memory_space<vmem>>)
    %multiple_of3A_1033 = arith.constant 4016 : i32
    %multiple_of3A_1034 = tpu.assume_multiple %multiple_of3A_1033, 8 : i32
    %dma_wait3A_1035 = arith.constant 0 : i32
    %dma_wait3A_1036 = tpu.memref_slice %arg9[%dma_wait3A_1035, %multiple_of3A_1034] : memref<6x4096xf32, #tpu.memory_space<vmem>> -> memref<6x8xf32, #tpu.memory_space<vmem>>
    %dma_wait3A_1037 = arith.constant 0 : i32
    %dma_wait3A_1038 = arith.constant 0 : i32
    %dma_wait3A_1039 = tpu.memref_slice %arg3[%dma_wait3A_1037, %dma_wait3A_1038] : memref<6x1000000xf32, #tpu.memory_space<hbm>> -> memref<6x8xf32, #tpu.memory_space<hbm>>
    %dma_wait3A_1040 = arith.constant 0 : i32
    %dma_wait3A_1041 = tpu.memref_slice %arg9[%dma_wait3A_1040, %multiple_of3A_1034] : memref<6x4096xf32, #tpu.memory_space<vmem>> -> memref<6x8xf32, #tpu.memory_space<vmem>>
    %dma_wait3A_1042 = arith.constant 0 : i32
    %dma_wait3A_1043 = arith.constant 0 : i32
    %dma_wait3A_1044 = tpu.memref_slice %arg3[%dma_wait3A_1042, %dma_wait3A_1043] : memref<6x1000000xf32, #tpu.memory_space<hbm>> -> memref<6x8xf32, #tpu.memory_space<hbm>>
    tpu.wait_dma2 semaphore(%arg14 : memref<!tpu.dma_semaphore, #tpu.memory_space<semaphore_mem>>) src(%dma_wait3A_1044 : memref<6x8xf32, #tpu.memory_space<hbm>>) dst(%dma_wait3A_1041 : memref<6x8xf32, #tpu.memory_space<vmem>>)
    %dma_wait3A_1045 = arith.constant 0 : i32
    %dma_wait3A_1046 = tpu.memref_slice %arg10[%dma_wait3A_1045, %multiple_of3A_1034] : memref<2x4096xf32, #tpu.memory_space<vmem>> -> memref<2x8xf32, #tpu.memory_space<vmem>>
    %dma_wait3A_1047 = arith.constant 0 : i32
    %dma_wait3A_1048 = arith.constant 0 : i32
    %dma_wait3A_1049 = tpu.memref_slice %arg4[%dma_wait3A_1047, %dma_wait3A_1048] : memref<2x1000000xf32, #tpu.memory_space<hbm>> -> memref<2x8xf32, #tpu.memory_space<hbm>>
    %dma_wait3A_1050 = arith.constant 0 : i32
    %dma_wait3A_1051 = tpu.memref_slice %arg10[%dma_wait3A_1050, %multiple_of3A_1034] : memref<2x4096xf32, #tpu.memory_space<vmem>> -> memref<2x8xf32, #tpu.memory_space<vmem>>
    %dma_wait3A_1052 = arith.constant 0 : i32
    %dma_wait3A_1053 = arith.constant 0 : i32
    %dma_wait3A_1054 = tpu.memref_slice %arg4[%dma_wait3A_1052, %dma_wait3A_1053] : memref<2x1000000xf32, #tpu.memory_space<hbm>> -> memref<2x8xf32, #tpu.memory_space<hbm>>
    tpu.wait_dma2 semaphore(%arg14 : memref<!tpu.dma_semaphore, #tpu.memory_space<semaphore_mem>>) src(%dma_wait3A_1054 : memref<2x8xf32, #tpu.memory_space<hbm>>) dst(%dma_wait3A_1051 : memref<2x8xf32, #tpu.memory_space<vmem>>)
    %multiple_of3A_1055 = arith.constant 4024 : i32
    %multiple_of3A_1056 = tpu.assume_multiple %multiple_of3A_1055, 8 : i32
    %dma_wait3A_1057 = arith.constant 0 : i32
    %dma_wait3A_1058 = tpu.memref_slice %arg9[%dma_wait3A_1057, %multiple_of3A_1056] : memref<6x4096xf32, #tpu.memory_space<vmem>> -> memref<6x8xf32, #tpu.memory_space<vmem>>
    %dma_wait3A_1059 = arith.constant 0 : i32
    %dma_wait3A_1060 = arith.constant 0 : i32
    %dma_wait3A_1061 = tpu.memref_slice %arg3[%dma_wait3A_1059, %dma_wait3A_1060] : memref<6x1000000xf32, #tpu.memory_space<hbm>> -> memref<6x8xf32, #tpu.memory_space<hbm>>
    %dma_wait3A_1062 = arith.constant 0 : i32
    %dma_wait3A_1063 = tpu.memref_slice %arg9[%dma_wait3A_1062, %multiple_of3A_1056] : memref<6x4096xf32, #tpu.memory_space<vmem>> -> memref<6x8xf32, #tpu.memory_space<vmem>>
    %dma_wait3A_1064 = arith.constant 0 : i32
    %dma_wait3A_1065 = arith.constant 0 : i32
    %dma_wait3A_1066 = tpu.memref_slice %arg3[%dma_wait3A_1064, %dma_wait3A_1065] : memref<6x1000000xf32, #tpu.memory_space<hbm>> -> memref<6x8xf32, #tpu.memory_space<hbm>>
    tpu.wait_dma2 semaphore(%arg14 : memref<!tpu.dma_semaphore, #tpu.memory_space<semaphore_mem>>) src(%dma_wait3A_1066 : memref<6x8xf32, #tpu.memory_space<hbm>>) dst(%dma_wait3A_1063 : memref<6x8xf32, #tpu.memory_space<vmem>>)
    %dma_wait3A_1067 = arith.constant 0 : i32
    %dma_wait3A_1068 = tpu.memref_slice %arg10[%dma_wait3A_1067, %multiple_of3A_1056] : memref<2x4096xf32, #tpu.memory_space<vmem>> -> memref<2x8xf32, #tpu.memory_space<vmem>>
    %dma_wait3A_1069 = arith.constant 0 : i32
    %dma_wait3A_1070 = arith.constant 0 : i32
    %dma_wait3A_1071 = tpu.memref_slice %arg4[%dma_wait3A_1069, %dma_wait3A_1070] : memref<2x1000000xf32, #tpu.memory_space<hbm>> -> memref<2x8xf32, #tpu.memory_space<hbm>>
    %dma_wait3A_1072 = arith.constant 0 : i32
    %dma_wait3A_1073 = tpu.memref_slice %arg10[%dma_wait3A_1072, %multiple_of3A_1056] : memref<2x4096xf32, #tpu.memory_space<vmem>> -> memref<2x8xf32, #tpu.memory_space<vmem>>
    %dma_wait3A_1074 = arith.constant 0 : i32
    %dma_wait3A_1075 = arith.constant 0 : i32
    %dma_wait3A_1076 = tpu.memref_slice %arg4[%dma_wait3A_1074, %dma_wait3A_1075] : memref<2x1000000xf32, #tpu.memory_space<hbm>> -> memref<2x8xf32, #tpu.memory_space<hbm>>
    tpu.wait_dma2 semaphore(%arg14 : memref<!tpu.dma_semaphore, #tpu.memory_space<semaphore_mem>>) src(%dma_wait3A_1076 : memref<2x8xf32, #tpu.memory_space<hbm>>) dst(%dma_wait3A_1073 : memref<2x8xf32, #tpu.memory_space<vmem>>)
    %multiple_of3A_1077 = arith.constant 4032 : i32
    %multiple_of3A_1078 = tpu.assume_multiple %multiple_of3A_1077, 8 : i32
    %dma_wait3A_1079 = arith.constant 0 : i32
    %dma_wait3A_1080 = tpu.memref_slice %arg9[%dma_wait3A_1079, %multiple_of3A_1078] : memref<6x4096xf32, #tpu.memory_space<vmem>> -> memref<6x8xf32, #tpu.memory_space<vmem>>
    %dma_wait3A_1081 = arith.constant 0 : i32
    %dma_wait3A_1082 = arith.constant 0 : i32
    %dma_wait3A_1083 = tpu.memref_slice %arg3[%dma_wait3A_1081, %dma_wait3A_1082] : memref<6x1000000xf32, #tpu.memory_space<hbm>> -> memref<6x8xf32, #tpu.memory_space<hbm>>
    %dma_wait3A_1084 = arith.constant 0 : i32
    %dma_wait3A_1085 = tpu.memref_slice %arg9[%dma_wait3A_1084, %multiple_of3A_1078] : memref<6x4096xf32, #tpu.memory_space<vmem>> -> memref<6x8xf32, #tpu.memory_space<vmem>>
    %dma_wait3A_1086 = arith.constant 0 : i32
    %dma_wait3A_1087 = arith.constant 0 : i32
    %dma_wait3A_1088 = tpu.memref_slice %arg3[%dma_wait3A_1086, %dma_wait3A_1087] : memref<6x1000000xf32, #tpu.memory_space<hbm>> -> memref<6x8xf32, #tpu.memory_space<hbm>>
    tpu.wait_dma2 semaphore(%arg14 : memref<!tpu.dma_semaphore, #tpu.memory_space<semaphore_mem>>) src(%dma_wait3A_1088 : memref<6x8xf32, #tpu.memory_space<hbm>>) dst(%dma_wait3A_1085 : memref<6x8xf32, #tpu.memory_space<vmem>>)
    %dma_wait3A_1089 = arith.constant 0 : i32
    %dma_wait3A_1090 = tpu.memref_slice %arg10[%dma_wait3A_1089, %multiple_of3A_1078] : memref<2x4096xf32, #tpu.memory_space<vmem>> -> memref<2x8xf32, #tpu.memory_space<vmem>>
    %dma_wait3A_1091 = arith.constant 0 : i32
    %dma_wait3A_1092 = arith.constant 0 : i32
    %dma_wait3A_1093 = tpu.memref_slice %arg4[%dma_wait3A_1091, %dma_wait3A_1092] : memref<2x1000000xf32, #tpu.memory_space<hbm>> -> memref<2x8xf32, #tpu.memory_space<hbm>>
    %dma_wait3A_1094 = arith.constant 0 : i32
    %dma_wait3A_1095 = tpu.memref_slice %arg10[%dma_wait3A_1094, %multiple_of3A_1078] : memref<2x4096xf32, #tpu.memory_space<vmem>> -> memref<2x8xf32, #tpu.memory_space<vmem>>
    %dma_wait3A_1096 = arith.constant 0 : i32
    %dma_wait3A_1097 = arith.constant 0 : i32
    %dma_wait3A_1098 = tpu.memref_slice %arg4[%dma_wait3A_1096, %dma_wait3A_1097] : memref<2x1000000xf32, #tpu.memory_space<hbm>> -> memref<2x8xf32, #tpu.memory_space<hbm>>
    tpu.wait_dma2 semaphore(%arg14 : memref<!tpu.dma_semaphore, #tpu.memory_space<semaphore_mem>>) src(%dma_wait3A_1098 : memref<2x8xf32, #tpu.memory_space<hbm>>) dst(%dma_wait3A_1095 : memref<2x8xf32, #tpu.memory_space<vmem>>)
    %multiple_of3A_1099 = arith.constant 4040 : i32
    %multiple_of3A_1100 = tpu.assume_multiple %multiple_of3A_1099, 8 : i32
    %dma_wait3A_1101 = arith.constant 0 : i32
    %dma_wait3A_1102 = tpu.memref_slice %arg9[%dma_wait3A_1101, %multiple_of3A_1100] : memref<6x4096xf32, #tpu.memory_space<vmem>> -> memref<6x8xf32, #tpu.memory_space<vmem>>
    %dma_wait3A_1103 = arith.constant 0 : i32
    %dma_wait3A_1104 = arith.constant 0 : i32
    %dma_wait3A_1105 = tpu.memref_slice %arg3[%dma_wait3A_1103, %dma_wait3A_1104] : memref<6x1000000xf32, #tpu.memory_space<hbm>> -> memref<6x8xf32, #tpu.memory_space<hbm>>
    %dma_wait3A_1106 = arith.constant 0 : i32
    %dma_wait3A_1107 = tpu.memref_slice %arg9[%dma_wait3A_1106, %multiple_of3A_1100] : memref<6x4096xf32, #tpu.memory_space<vmem>> -> memref<6x8xf32, #tpu.memory_space<vmem>>
    %dma_wait3A_1108 = arith.constant 0 : i32
    %dma_wait3A_1109 = arith.constant 0 : i32
    %dma_wait3A_1110 = tpu.memref_slice %arg3[%dma_wait3A_1108, %dma_wait3A_1109] : memref<6x1000000xf32, #tpu.memory_space<hbm>> -> memref<6x8xf32, #tpu.memory_space<hbm>>
    tpu.wait_dma2 semaphore(%arg14 : memref<!tpu.dma_semaphore, #tpu.memory_space<semaphore_mem>>) src(%dma_wait3A_1110 : memref<6x8xf32, #tpu.memory_space<hbm>>) dst(%dma_wait3A_1107 : memref<6x8xf32, #tpu.memory_space<vmem>>)
    %dma_wait3A_1111 = arith.constant 0 : i32
    %dma_wait3A_1112 = tpu.memref_slice %arg10[%dma_wait3A_1111, %multiple_of3A_1100] : memref<2x4096xf32, #tpu.memory_space<vmem>> -> memref<2x8xf32, #tpu.memory_space<vmem>>
    %dma_wait3A_1113 = arith.constant 0 : i32
    %dma_wait3A_1114 = arith.constant 0 : i32
    %dma_wait3A_1115 = tpu.memref_slice %arg4[%dma_wait3A_1113, %dma_wait3A_1114] : memref<2x1000000xf32, #tpu.memory_space<hbm>> -> memref<2x8xf32, #tpu.memory_space<hbm>>
    %dma_wait3A_1116 = arith.constant 0 : i32
    %dma_wait3A_1117 = tpu.memref_slice %arg10[%dma_wait3A_1116, %multiple_of3A_1100] : memref<2x4096xf32, #tpu.memory_space<vmem>> -> memref<2x8xf32, #tpu.memory_space<vmem>>
    %dma_wait3A_1118 = arith.constant 0 : i32
    %dma_wait3A_1119 = arith.constant 0 : i32
    %dma_wait3A_1120 = tpu.memref_slice %arg4[%dma_wait3A_1118, %dma_wait3A_1119] : memref<2x1000000xf32, #tpu.memory_space<hbm>> -> memref<2x8xf32, #tpu.memory_space<hbm>>
    tpu.wait_dma2 semaphore(%arg14 : memref<!tpu.dma_semaphore, #tpu.memory_space<semaphore_mem>>) src(%dma_wait3A_1120 : memref<2x8xf32, #tpu.memory_space<hbm>>) dst(%dma_wait3A_1117 : memref<2x8xf32, #tpu.memory_space<vmem>>)
    %multiple_of3A_1121 = arith.constant 4048 : i32
    %multiple_of3A_1122 = tpu.assume_multiple %multiple_of3A_1121, 8 : i32
    %dma_wait3A_1123 = arith.constant 0 : i32
    %dma_wait3A_1124 = tpu.memref_slice %arg9[%dma_wait3A_1123, %multiple_of3A_1122] : memref<6x4096xf32, #tpu.memory_space<vmem>> -> memref<6x8xf32, #tpu.memory_space<vmem>>
    %dma_wait3A_1125 = arith.constant 0 : i32
    %dma_wait3A_1126 = arith.constant 0 : i32
    %dma_wait3A_1127 = tpu.memref_slice %arg3[%dma_wait3A_1125, %dma_wait3A_1126] : memref<6x1000000xf32, #tpu.memory_space<hbm>> -> memref<6x8xf32, #tpu.memory_space<hbm>>
    %dma_wait3A_1128 = arith.constant 0 : i32
    %dma_wait3A_1129 = tpu.memref_slice %arg9[%dma_wait3A_1128, %multiple_of3A_1122] : memref<6x4096xf32, #tpu.memory_space<vmem>> -> memref<6x8xf32, #tpu.memory_space<vmem>>
    %dma_wait3A_1130 = arith.constant 0 : i32
    %dma_wait3A_1131 = arith.constant 0 : i32
    %dma_wait3A_1132 = tpu.memref_slice %arg3[%dma_wait3A_1130, %dma_wait3A_1131] : memref<6x1000000xf32, #tpu.memory_space<hbm>> -> memref<6x8xf32, #tpu.memory_space<hbm>>
    tpu.wait_dma2 semaphore(%arg14 : memref<!tpu.dma_semaphore, #tpu.memory_space<semaphore_mem>>) src(%dma_wait3A_1132 : memref<6x8xf32, #tpu.memory_space<hbm>>) dst(%dma_wait3A_1129 : memref<6x8xf32, #tpu.memory_space<vmem>>)
    %dma_wait3A_1133 = arith.constant 0 : i32
    %dma_wait3A_1134 = tpu.memref_slice %arg10[%dma_wait3A_1133, %multiple_of3A_1122] : memref<2x4096xf32, #tpu.memory_space<vmem>> -> memref<2x8xf32, #tpu.memory_space<vmem>>
    %dma_wait3A_1135 = arith.constant 0 : i32
    %dma_wait3A_1136 = arith.constant 0 : i32
    %dma_wait3A_1137 = tpu.memref_slice %arg4[%dma_wait3A_1135, %dma_wait3A_1136] : memref<2x1000000xf32, #tpu.memory_space<hbm>> -> memref<2x8xf32, #tpu.memory_space<hbm>>
    %dma_wait3A_1138 = arith.constant 0 : i32
    %dma_wait3A_1139 = tpu.memref_slice %arg10[%dma_wait3A_1138, %multiple_of3A_1122] : memref<2x4096xf32, #tpu.memory_space<vmem>> -> memref<2x8xf32, #tpu.memory_space<vmem>>
    %dma_wait3A_1140 = arith.constant 0 : i32
    %dma_wait3A_1141 = arith.constant 0 : i32
    %dma_wait3A_1142 = tpu.memref_slice %arg4[%dma_wait3A_1140, %dma_wait3A_1141] : memref<2x1000000xf32, #tpu.memory_space<hbm>> -> memref<2x8xf32, #tpu.memory_space<hbm>>
    tpu.wait_dma2 semaphore(%arg14 : memref<!tpu.dma_semaphore, #tpu.memory_space<semaphore_mem>>) src(%dma_wait3A_1142 : memref<2x8xf32, #tpu.memory_space<hbm>>) dst(%dma_wait3A_1139 : memref<2x8xf32, #tpu.memory_space<vmem>>)
    %multiple_of3A_1143 = arith.constant 4056 : i32
    %multiple_of3A_1144 = tpu.assume_multiple %multiple_of3A_1143, 8 : i32
    %dma_wait3A_1145 = arith.constant 0 : i32
    %dma_wait3A_1146 = tpu.memref_slice %arg9[%dma_wait3A_1145, %multiple_of3A_1144] : memref<6x4096xf32, #tpu.memory_space<vmem>> -> memref<6x8xf32, #tpu.memory_space<vmem>>
    %dma_wait3A_1147 = arith.constant 0 : i32
    %dma_wait3A_1148 = arith.constant 0 : i32
    %dma_wait3A_1149 = tpu.memref_slice %arg3[%dma_wait3A_1147, %dma_wait3A_1148] : memref<6x1000000xf32, #tpu.memory_space<hbm>> -> memref<6x8xf32, #tpu.memory_space<hbm>>
    %dma_wait3A_1150 = arith.constant 0 : i32
    %dma_wait3A_1151 = tpu.memref_slice %arg9[%dma_wait3A_1150, %multiple_of3A_1144] : memref<6x4096xf32, #tpu.memory_space<vmem>> -> memref<6x8xf32, #tpu.memory_space<vmem>>
    %dma_wait3A_1152 = arith.constant 0 : i32
    %dma_wait3A_1153 = arith.constant 0 : i32
    %dma_wait3A_1154 = tpu.memref_slice %arg3[%dma_wait3A_1152, %dma_wait3A_1153] : memref<6x1000000xf32, #tpu.memory_space<hbm>> -> memref<6x8xf32, #tpu.memory_space<hbm>>
    tpu.wait_dma2 semaphore(%arg14 : memref<!tpu.dma_semaphore, #tpu.memory_space<semaphore_mem>>) src(%dma_wait3A_1154 : memref<6x8xf32, #tpu.memory_space<hbm>>) dst(%dma_wait3A_1151 : memref<6x8xf32, #tpu.memory_space<vmem>>)
    %dma_wait3A_1155 = arith.constant 0 : i32
    %dma_wait3A_1156 = tpu.memref_slice %arg10[%dma_wait3A_1155, %multiple_of3A_1144] : memref<2x4096xf32, #tpu.memory_space<vmem>> -> memref<2x8xf32, #tpu.memory_space<vmem>>
    %dma_wait3A_1157 = arith.constant 0 : i32
    %dma_wait3A_1158 = arith.constant 0 : i32
    %dma_wait3A_1159 = tpu.memref_slice %arg4[%dma_wait3A_1157, %dma_wait3A_1158] : memref<2x1000000xf32, #tpu.memory_space<hbm>> -> memref<2x8xf32, #tpu.memory_space<hbm>>
    %dma_wait3A_1160 = arith.constant 0 : i32
    %dma_wait3A_1161 = tpu.memref_slice %arg10[%dma_wait3A_1160, %multiple_of3A_1144] : memref<2x4096xf32, #tpu.memory_space<vmem>> -> memref<2x8xf32, #tpu.memory_space<vmem>>
    %dma_wait3A_1162 = arith.constant 0 : i32
    %dma_wait3A_1163 = arith.constant 0 : i32
    %dma_wait3A_1164 = tpu.memref_slice %arg4[%dma_wait3A_1162, %dma_wait3A_1163] : memref<2x1000000xf32, #tpu.memory_space<hbm>> -> memref<2x8xf32, #tpu.memory_space<hbm>>
    tpu.wait_dma2 semaphore(%arg14 : memref<!tpu.dma_semaphore, #tpu.memory_space<semaphore_mem>>) src(%dma_wait3A_1164 : memref<2x8xf32, #tpu.memory_space<hbm>>) dst(%dma_wait3A_1161 : memref<2x8xf32, #tpu.memory_space<vmem>>)
    %multiple_of3A_1165 = arith.constant 4064 : i32
    %multiple_of3A_1166 = tpu.assume_multiple %multiple_of3A_1165, 8 : i32
    %dma_wait3A_1167 = arith.constant 0 : i32
    %dma_wait3A_1168 = tpu.memref_slice %arg9[%dma_wait3A_1167, %multiple_of3A_1166] : memref<6x4096xf32, #tpu.memory_space<vmem>> -> memref<6x8xf32, #tpu.memory_space<vmem>>
    %dma_wait3A_1169 = arith.constant 0 : i32
    %dma_wait3A_1170 = arith.constant 0 : i32
    %dma_wait3A_1171 = tpu.memref_slice %arg3[%dma_wait3A_1169, %dma_wait3A_1170] : memref<6x1000000xf32, #tpu.memory_space<hbm>> -> memref<6x8xf32, #tpu.memory_space<hbm>>
    %dma_wait3A_1172 = arith.constant 0 : i32
    %dma_wait3A_1173 = tpu.memref_slice %arg9[%dma_wait3A_1172, %multiple_of3A_1166] : memref<6x4096xf32, #tpu.memory_space<vmem>> -> memref<6x8xf32, #tpu.memory_space<vmem>>
    %dma_wait3A_1174 = arith.constant 0 : i32
    %dma_wait3A_1175 = arith.constant 0 : i32
    %dma_wait3A_1176 = tpu.memref_slice %arg3[%dma_wait3A_1174, %dma_wait3A_1175] : memref<6x1000000xf32, #tpu.memory_space<hbm>> -> memref<6x8xf32, #tpu.memory_space<hbm>>
    tpu.wait_dma2 semaphore(%arg14 : memref<!tpu.dma_semaphore, #tpu.memory_space<semaphore_mem>>) src(%dma_wait3A_1176 : memref<6x8xf32, #tpu.memory_space<hbm>>) dst(%dma_wait3A_1173 : memref<6x8xf32, #tpu.memory_space<vmem>>)
    %dma_wait3A_1177 = arith.constant 0 : i32
    %dma_wait3A_1178 = tpu.memref_slice %arg10[%dma_wait3A_1177, %multiple_of3A_1166] : memref<2x4096xf32, #tpu.memory_space<vmem>> -> memref<2x8xf32, #tpu.memory_space<vmem>>
    %dma_wait3A_1179 = arith.constant 0 : i32
    %dma_wait3A_1180 = arith.constant 0 : i32
    %dma_wait3A_1181 = tpu.memref_slice %arg4[%dma_wait3A_1179, %dma_wait3A_1180] : memref<2x1000000xf32, #tpu.memory_space<hbm>> -> memref<2x8xf32, #tpu.memory_space<hbm>>
    %dma_wait3A_1182 = arith.constant 0 : i32
    %dma_wait3A_1183 = tpu.memref_slice %arg10[%dma_wait3A_1182, %multiple_of3A_1166] : memref<2x4096xf32, #tpu.memory_space<vmem>> -> memref<2x8xf32, #tpu.memory_space<vmem>>
    %dma_wait3A_1184 = arith.constant 0 : i32
    %dma_wait3A_1185 = arith.constant 0 : i32
    %dma_wait3A_1186 = tpu.memref_slice %arg4[%dma_wait3A_1184, %dma_wait3A_1185] : memref<2x1000000xf32, #tpu.memory_space<hbm>> -> memref<2x8xf32, #tpu.memory_space<hbm>>
    tpu.wait_dma2 semaphore(%arg14 : memref<!tpu.dma_semaphore, #tpu.memory_space<semaphore_mem>>) src(%dma_wait3A_1186 : memref<2x8xf32, #tpu.memory_space<hbm>>) dst(%dma_wait3A_1183 : memref<2x8xf32, #tpu.memory_space<vmem>>)
    %multiple_of3A_1187 = arith.constant 4072 : i32
    %multiple_of3A_1188 = tpu.assume_multiple %multiple_of3A_1187, 8 : i32
    %dma_wait3A_1189 = arith.constant 0 : i32
    %dma_wait3A_1190 = tpu.memref_slice %arg9[%dma_wait3A_1189, %multiple_of3A_1188] : memref<6x4096xf32, #tpu.memory_space<vmem>> -> memref<6x8xf32, #tpu.memory_space<vmem>>
    %dma_wait3A_1191 = arith.constant 0 : i32
    %dma_wait3A_1192 = arith.constant 0 : i32
    %dma_wait3A_1193 = tpu.memref_slice %arg3[%dma_wait3A_1191, %dma_wait3A_1192] : memref<6x1000000xf32, #tpu.memory_space<hbm>> -> memref<6x8xf32, #tpu.memory_space<hbm>>
    %dma_wait3A_1194 = arith.constant 0 : i32
    %dma_wait3A_1195 = tpu.memref_slice %arg9[%dma_wait3A_1194, %multiple_of3A_1188] : memref<6x4096xf32, #tpu.memory_space<vmem>> -> memref<6x8xf32, #tpu.memory_space<vmem>>
    %dma_wait3A_1196 = arith.constant 0 : i32
    %dma_wait3A_1197 = arith.constant 0 : i32
    %dma_wait3A_1198 = tpu.memref_slice %arg3[%dma_wait3A_1196, %dma_wait3A_1197] : memref<6x1000000xf32, #tpu.memory_space<hbm>> -> memref<6x8xf32, #tpu.memory_space<hbm>>
    tpu.wait_dma2 semaphore(%arg14 : memref<!tpu.dma_semaphore, #tpu.memory_space<semaphore_mem>>) src(%dma_wait3A_1198 : memref<6x8xf32, #tpu.memory_space<hbm>>) dst(%dma_wait3A_1195 : memref<6x8xf32, #tpu.memory_space<vmem>>)
    %dma_wait3A_1199 = arith.constant 0 : i32
    %dma_wait3A_1200 = tpu.memref_slice %arg10[%dma_wait3A_1199, %multiple_of3A_1188] : memref<2x4096xf32, #tpu.memory_space<vmem>> -> memref<2x8xf32, #tpu.memory_space<vmem>>
    %dma_wait3A_1201 = arith.constant 0 : i32
    %dma_wait3A_1202 = arith.constant 0 : i32
    %dma_wait3A_1203 = tpu.memref_slice %arg4[%dma_wait3A_1201, %dma_wait3A_1202] : memref<2x1000000xf32, #tpu.memory_space<hbm>> -> memref<2x8xf32, #tpu.memory_space<hbm>>
    %dma_wait3A_1204 = arith.constant 0 : i32
    %dma_wait3A_1205 = tpu.memref_slice %arg10[%dma_wait3A_1204, %multiple_of3A_1188] : memref<2x4096xf32, #tpu.memory_space<vmem>> -> memref<2x8xf32, #tpu.memory_space<vmem>>
    %dma_wait3A_1206 = arith.constant 0 : i32
    %dma_wait3A_1207 = arith.constant 0 : i32
    %dma_wait3A_1208 = tpu.memref_slice %arg4[%dma_wait3A_1206, %dma_wait3A_1207] : memref<2x1000000xf32, #tpu.memory_space<hbm>> -> memref<2x8xf32, #tpu.memory_space<hbm>>
    tpu.wait_dma2 semaphore(%arg14 : memref<!tpu.dma_semaphore, #tpu.memory_space<semaphore_mem>>) src(%dma_wait3A_1208 : memref<2x8xf32, #tpu.memory_space<hbm>>) dst(%dma_wait3A_1205 : memref<2x8xf32, #tpu.memory_space<vmem>>)
    %multiple_of3A_1209 = arith.constant 4080 : i32
    %multiple_of3A_1210 = tpu.assume_multiple %multiple_of3A_1209, 8 : i32
    %dma_wait3A_1211 = arith.constant 0 : i32
    %dma_wait3A_1212 = tpu.memref_slice %arg9[%dma_wait3A_1211, %multiple_of3A_1210] : memref<6x4096xf32, #tpu.memory_space<vmem>> -> memref<6x8xf32, #tpu.memory_space<vmem>>
    %dma_wait3A_1213 = arith.constant 0 : i32
    %dma_wait3A_1214 = arith.constant 0 : i32
    %dma_wait3A_1215 = tpu.memref_slice %arg3[%dma_wait3A_1213, %dma_wait3A_1214] : memref<6x1000000xf32, #tpu.memory_space<hbm>> -> memref<6x8xf32, #tpu.memory_space<hbm>>
    %dma_wait3A_1216 = arith.constant 0 : i32
    %dma_wait3A_1217 = tpu.memref_slice %arg9[%dma_wait3A_1216, %multiple_of3A_1210] : memref<6x4096xf32, #tpu.memory_space<vmem>> -> memref<6x8xf32, #tpu.memory_space<vmem>>
    %dma_wait3A_1218 = arith.constant 0 : i32
    %dma_wait3A_1219 = arith.constant 0 : i32
    %dma_wait3A_1220 = tpu.memref_slice %arg3[%dma_wait3A_1218, %dma_wait3A_1219] : memref<6x1000000xf32, #tpu.memory_space<hbm>> -> memref<6x8xf32, #tpu.memory_space<hbm>>
    tpu.wait_dma2 semaphore(%arg14 : memref<!tpu.dma_semaphore, #tpu.memory_space<semaphore_mem>>) src(%dma_wait3A_1220 : memref<6x8xf32, #tpu.memory_space<hbm>>) dst(%dma_wait3A_1217 : memref<6x8xf32, #tpu.memory_space<vmem>>)
    %dma_wait3A_1221 = arith.constant 0 : i32
    %dma_wait3A_1222 = tpu.memref_slice %arg10[%dma_wait3A_1221, %multiple_of3A_1210] : memref<2x4096xf32, #tpu.memory_space<vmem>> -> memref<2x8xf32, #tpu.memory_space<vmem>>
    %dma_wait3A_1223 = arith.constant 0 : i32
    %dma_wait3A_1224 = arith.constant 0 : i32
    %dma_wait3A_1225 = tpu.memref_slice %arg4[%dma_wait3A_1223, %dma_wait3A_1224] : memref<2x1000000xf32, #tpu.memory_space<hbm>> -> memref<2x8xf32, #tpu.memory_space<hbm>>
    %dma_wait3A_1226 = arith.constant 0 : i32
    %dma_wait3A_1227 = tpu.memref_slice %arg10[%dma_wait3A_1226, %multiple_of3A_1210] : memref<2x4096xf32, #tpu.memory_space<vmem>> -> memref<2x8xf32, #tpu.memory_space<vmem>>
    %dma_wait3A_1228 = arith.constant 0 : i32
    %dma_wait3A_1229 = arith.constant 0 : i32
    %dma_wait3A_1230 = tpu.memref_slice %arg4[%dma_wait3A_1228, %dma_wait3A_1229] : memref<2x1000000xf32, #tpu.memory_space<hbm>> -> memref<2x8xf32, #tpu.memory_space<hbm>>
    tpu.wait_dma2 semaphore(%arg14 : memref<!tpu.dma_semaphore, #tpu.memory_space<semaphore_mem>>) src(%dma_wait3A_1230 : memref<2x8xf32, #tpu.memory_space<hbm>>) dst(%dma_wait3A_1227 : memref<2x8xf32, #tpu.memory_space<vmem>>)
    %multiple_of3A_1231 = arith.constant 4088 : i32
    %multiple_of3A_1232 = tpu.assume_multiple %multiple_of3A_1231, 8 : i32
    %dma_wait3A_1233 = arith.constant 0 : i32
    %dma_wait3A_1234 = tpu.memref_slice %arg9[%dma_wait3A_1233, %multiple_of3A_1232] : memref<6x4096xf32, #tpu.memory_space<vmem>> -> memref<6x8xf32, #tpu.memory_space<vmem>>
    %dma_wait3A_1235 = arith.constant 0 : i32
    %dma_wait3A_1236 = arith.constant 0 : i32
    %dma_wait3A_1237 = tpu.memref_slice %arg3[%dma_wait3A_1235, %dma_wait3A_1236] : memref<6x1000000xf32, #tpu.memory_space<hbm>> -> memref<6x8xf32, #tpu.memory_space<hbm>>
    %dma_wait3A_1238 = arith.constant 0 : i32
    %dma_wait3A_1239 = tpu.memref_slice %arg9[%dma_wait3A_1238, %multiple_of3A_1232] : memref<6x4096xf32, #tpu.memory_space<vmem>> -> memref<6x8xf32, #tpu.memory_space<vmem>>
    %dma_wait3A_1240 = arith.constant 0 : i32
    %dma_wait3A_1241 = arith.constant 0 : i32
    %dma_wait3A_1242 = tpu.memref_slice %arg3[%dma_wait3A_1240, %dma_wait3A_1241] : memref<6x1000000xf32, #tpu.memory_space<hbm>> -> memref<6x8xf32, #tpu.memory_space<hbm>>
    tpu.wait_dma2 semaphore(%arg14 : memref<!tpu.dma_semaphore, #tpu.memory_space<semaphore_mem>>) src(%dma_wait3A_1242 : memref<6x8xf32, #tpu.memory_space<hbm>>) dst(%dma_wait3A_1239 : memref<6x8xf32, #tpu.memory_space<vmem>>)
    %dma_wait3A_1243 = arith.constant 0 : i32
    %dma_wait3A_1244 = tpu.memref_slice %arg10[%dma_wait3A_1243, %multiple_of3A_1232] : memref<2x4096xf32, #tpu.memory_space<vmem>> -> memref<2x8xf32, #tpu.memory_space<vmem>>
    %dma_wait3A_1245 = arith.constant 0 : i32
    %dma_wait3A_1246 = arith.constant 0 : i32
    %dma_wait3A_1247 = tpu.memref_slice %arg4[%dma_wait3A_1245, %dma_wait3A_1246] : memref<2x1000000xf32, #tpu.memory_space<hbm>> -> memref<2x8xf32, #tpu.memory_space<hbm>>
    %dma_wait3A_1248 = arith.constant 0 : i32
    %dma_wait3A_1249 = tpu.memref_slice %arg10[%dma_wait3A_1248, %multiple_of3A_1232] : memref<2x4096xf32, #tpu.memory_space<vmem>> -> memref<2x8xf32, #tpu.memory_space<vmem>>
    %dma_wait3A_1250 = arith.constant 0 : i32
    %dma_wait3A_1251 = arith.constant 0 : i32
    %dma_wait3A_1252 = tpu.memref_slice %arg4[%dma_wait3A_1250, %dma_wait3A_1251] : memref<2x1000000xf32, #tpu.memory_space<hbm>> -> memref<2x8xf32, #tpu.memory_space<hbm>>
    tpu.wait_dma2 semaphore(%arg14 : memref<!tpu.dma_semaphore, #tpu.memory_space<semaphore_mem>>) src(%dma_wait3A_1252 : memref<2x8xf32, #tpu.memory_space<hbm>>) dst(%dma_wait3A_1249 : memref<2x8xf32, #tpu.memory_space<vmem>>)
    %get3A_1253 = arith.constant 496 : index
    %get3A_1254 = tpu.vector_load %arg8[%get3A_1253] {strides = array<i32>} : memref<512xi32, #tpu.memory_space<vmem>>, vector<16xi32>,
    %broadcast_in_dim3A_1255 = arith.constant 0 : i32
    %broadcast_in_dim3A_1256 = vector.broadcast %broadcast_in_dim3A_1255 : i32 to vector<16xi32>
    %gather3A_1257 = tpu.vector_load_idx %arg9[%broadcast_in_dim3A_1256, %get3A_1254] : memref<6x4096xf32, #tpu.memory_space<vmem>>[vector<16xi32>, vector<16xi32>], vector<16xf32>,
    %broadcast_in_dim3A_1258 = arith.constant 1 : i32
    %broadcast_in_dim3A_1259 = vector.broadcast %broadcast_in_dim3A_1258 : i32 to vector<16xi32>
    %gather3A_1260 = tpu.vector_load_idx %arg9[%broadcast_in_dim3A_1259, %get3A_1254] : memref<6x4096xf32, #tpu.memory_space<vmem>>[vector<16xi32>, vector<16xi32>], vector<16xf32>,
    %broadcast_in_dim3A_1261 = arith.constant 2 : i32
    %broadcast_in_dim3A_1262 = vector.broadcast %broadcast_in_dim3A_1261 : i32 to vector<16xi32>
    %gather3A_1263 = tpu.vector_load_idx %arg9[%broadcast_in_dim3A_1262, %get3A_1254] : memref<6x4096xf32, #tpu.memory_space<vmem>>[vector<16xi32>, vector<16xi32>], vector<16xf32>,
    %broadcast_in_dim3A_1264 = arith.constant 3 : i32
    %broadcast_in_dim3A_1265 = vector.broadcast %broadcast_in_dim3A_1264 : i32 to vector<16xi32>
    %gather3A_1266 = tpu.vector_load_idx %arg9[%broadcast_in_dim3A_1265, %get3A_1254] : memref<6x4096xf32, #tpu.memory_space<vmem>>[vector<16xi32>, vector<16xi32>], vector<16xf32>,
    %broadcast_in_dim3A_1267 = arith.constant 4 : i32
    %broadcast_in_dim3A_1268 = vector.broadcast %broadcast_in_dim3A_1267 : i32 to vector<16xi32>
    %gather3A_1269 = tpu.vector_load_idx %arg9[%broadcast_in_dim3A_1268, %get3A_1254] : memref<6x4096xf32, #tpu.memory_space<vmem>>[vector<16xi32>, vector<16xi32>], vector<16xf32>,
    %broadcast_in_dim3A_1270 = arith.constant 5 : i32
    %broadcast_in_dim3A_1271 = vector.broadcast %broadcast_in_dim3A_1270 : i32 to vector<16xi32>
    %gather3A_1272 = tpu.vector_load_idx %arg9[%broadcast_in_dim3A_1271, %get3A_1254] : memref<6x4096xf32, #tpu.memory_space<vmem>>[vector<16xi32>, vector<16xi32>], vector<16xf32>,
    %mul3A_1273 = arith.mulf %gather3A_1257, %gather3A_1257 : vector<16xf32>
    %mul3A_1274 = arith.mulf %gather3A_1260, %gather3A_1260 : vector<16xf32>
    %add3A_1275 = arith.addf %mul3A_1273, %mul3A_1274 : vector<16xf32>
    %mul3A_1276 = arith.mulf %gather3A_1263, %gather3A_1263 : vector<16xf32>
    %add3A_1277 = arith.addf %add3A_1275, %mul3A_1276 : vector<16xf32>
    %bitcast3A_1278 = vector.bitcast %add3A_1277 : vector<16xf32> to vector<16xi32>
    %shift_right_logical3A_1279 = arith.constant 1 : i32
    %shift_right_logical3A_1280 = vector.broadcast %shift_right_logical3A_1279 : i32 to vector<16xi32>
    %shift_right_logical3A_1281 = arith.shrui %bitcast3A_1278, %shift_right_logical3A_1280 : vector<16xi32>
    %sub3A_1282 = arith.constant 1597463007 : i32
    %sub3A_1283 = vector.broadcast %sub3A_1282 : i32 to vector<16xi32>
    %sub3A_1284 = arith.subi %sub3A_1283, %shift_right_logical3A_1281 : vector<16xi32>
    %bitcast3A_1285 = vector.bitcast %sub3A_1284 : vector<16xi32> to vector<16xf32>
    %mul3A_1286 = arith.constant 5.000000e-01 : f32
    %mul3A_1287 = vector.broadcast %mul3A_1286 : f32 to vector<16xf32>
    %mul3A_1288 = arith.mulf %mul3A_1287, %add3A_1277 : vector<16xf32>
    %mul3A_1289 = arith.mulf %mul3A_1288, %bitcast3A_1285 : vector<16xf32>
    %mul3A_1290 = arith.mulf %mul3A_1289, %bitcast3A_1285 : vector<16xf32>
    %sub3A_1291 = arith.constant 1.500000e+00 : f32
    %sub3A_1292 = vector.broadcast %sub3A_1291 : f32 to vector<16xf32>
    %sub3A_1293 = arith.subf %sub3A_1292, %mul3A_1290 : vector<16xf32>
    %mul3A_1294 = arith.mulf %bitcast3A_1285, %sub3A_1293 : vector<16xf32>
    %mul3A_1295 = arith.constant 5.000000e-01 : f32
    %mul3A_1296 = vector.broadcast %mul3A_1295 : f32 to vector<16xf32>
    %mul3A_1297 = arith.mulf %mul3A_1296, %add3A_1277 : vector<16xf32>
    %mul3A_1298 = arith.mulf %mul3A_1297, %mul3A_1294 : vector<16xf32>
    %mul3A_1299 = arith.mulf %mul3A_1298, %mul3A_1294 : vector<16xf32>
    %sub3A_1300 = arith.constant 1.500000e+00 : f32
    %sub3A_1301 = vector.broadcast %sub3A_1300 : f32 to vector<16xf32>
    %sub3A_1302 = arith.subf %sub3A_1301, %mul3A_1299 : vector<16xf32>
    %mul3A_1303 = arith.mulf %mul3A_1294, %sub3A_1302 : vector<16xf32>
    %mul3A_1304 = arith.constant 5.000000e-01 : f32
    %mul3A_1305 = vector.broadcast %mul3A_1304 : f32 to vector<16xf32>
    %mul3A_1306 = arith.mulf %mul3A_1305, %add3A_1277 : vector<16xf32>
    %mul3A_1307 = arith.mulf %mul3A_1306, %mul3A_1303 : vector<16xf32>
    %mul3A_1308 = arith.mulf %mul3A_1307, %mul3A_1303 : vector<16xf32>
    %sub3A_1309 = arith.constant 1.500000e+00 : f32
    %sub3A_1310 = vector.broadcast %sub3A_1309 : f32 to vector<16xf32>
    %sub3A_1311 = arith.subf %sub3A_1310, %mul3A_1308 : vector<16xf32>
    %mul3A_1312 = arith.mulf %mul3A_1303, %sub3A_1311 : vector<16xf32>
    %mul3A_1313 = arith.mulf %gather3A_1257, %mul3A_1312 : vector<16xf32>
    %mul3A_1314 = arith.mulf %gather3A_1260, %mul3A_1312 : vector<16xf32>
    %mul3A_1315 = arith.mulf %gather3A_1263, %mul3A_1312 : vector<16xf32>
    %mul3A_1316 = arith.mulf %mul3A_1313, %gather3A_1266 : vector<16xf32>
    %mul3A_1317 = arith.mulf %mul3A_1314, %gather3A_1269 : vector<16xf32>
    %add3A_1318 = arith.addf %mul3A_1316, %mul3A_1317 : vector<16xf32>
    %mul3A_1319 = arith.mulf %mul3A_1315, %gather3A_1272 : vector<16xf32>
    %add3A_1320 = arith.addf %add3A_1318, %mul3A_1319 : vector<16xf32>
    %mul3A_1321 = arith.mulf %add3A_1320, %mul3A_1313 : vector<16xf32>
    %sub3A_1322 = arith.subf %gather3A_1266, %mul3A_1321 : vector<16xf32>
    %mul3A_1323 = arith.mulf %add3A_1320, %mul3A_1314 : vector<16xf32>
    %sub3A_1324 = arith.subf %gather3A_1269, %mul3A_1323 : vector<16xf32>
    %mul3A_1325 = arith.mulf %add3A_1320, %mul3A_1315 : vector<16xf32>
    %sub3A_1326 = arith.subf %gather3A_1272, %mul3A_1325 : vector<16xf32>
    %mul3A_1327 = arith.mulf %sub3A_1322, %sub3A_1322 : vector<16xf32>
    %mul3A_1328 = arith.mulf %sub3A_1324, %sub3A_1324 : vector<16xf32>
    %add3A_1329 = arith.addf %mul3A_1327, %mul3A_1328 : vector<16xf32>
    %mul3A_1330 = arith.mulf %sub3A_1326, %sub3A_1326 : vector<16xf32>
    %add3A_1331 = arith.addf %add3A_1329, %mul3A_1330 : vector<16xf32>
    %bitcast3A_1332 = vector.bitcast %add3A_1331 : vector<16xf32> to vector<16xi32>
    %shift_right_logical3A_1333 = arith.constant 1 : i32
    %shift_right_logical3A_1334 = vector.broadcast %shift_right_logical3A_1333 : i32 to vector<16xi32>
    %shift_right_logical3A_1335 = arith.shrui %bitcast3A_1332, %shift_right_logical3A_1334 : vector<16xi32>
    %sub3A_1336 = arith.constant 1597463007 : i32
    %sub3A_1337 = vector.broadcast %sub3A_1336 : i32 to vector<16xi32>
    %sub3A_1338 = arith.subi %sub3A_1337, %shift_right_logical3A_1335 : vector<16xi32>
    %bitcast3A_1339 = vector.bitcast %sub3A_1338 : vector<16xi32> to vector<16xf32>
    %mul3A_1340 = arith.constant 5.000000e-01 : f32
    %mul3A_1341 = vector.broadcast %mul3A_1340 : f32 to vector<16xf32>
    %mul3A_1342 = arith.mulf %mul3A_1341, %add3A_1331 : vector<16xf32>
    %mul3A_1343 = arith.mulf %mul3A_1342, %bitcast3A_1339 : vector<16xf32>
    %mul3A_1344 = arith.mulf %mul3A_1343, %bitcast3A_1339 : vector<16xf32>
    %sub3A_1345 = arith.constant 1.500000e+00 : f32
    %sub3A_1346 = vector.broadcast %sub3A_1345 : f32 to vector<16xf32>
    %sub3A_1347 = arith.subf %sub3A_1346, %mul3A_1344 : vector<16xf32>
    %mul3A_1348 = arith.mulf %bitcast3A_1339, %sub3A_1347 : vector<16xf32>
    %mul3A_1349 = arith.constant 5.000000e-01 : f32
    %mul3A_1350 = vector.broadcast %mul3A_1349 : f32 to vector<16xf32>
    %mul3A_1351 = arith.mulf %mul3A_1350, %add3A_1331 : vector<16xf32>
    %mul3A_1352 = arith.mulf %mul3A_1351, %mul3A_1348 : vector<16xf32>
    %mul3A_1353 = arith.mulf %mul3A_1352, %mul3A_1348 : vector<16xf32>
    %sub3A_1354 = arith.constant 1.500000e+00 : f32
    %sub3A_1355 = vector.broadcast %sub3A_1354 : f32 to vector<16xf32>
    %sub3A_1356 = arith.subf %sub3A_1355, %mul3A_1353 : vector<16xf32>
    %mul3A_1357 = arith.mulf %mul3A_1348, %sub3A_1356 : vector<16xf32>
    %mul3A_1358 = arith.constant 5.000000e-01 : f32
    %mul3A_1359 = vector.broadcast %mul3A_1358 : f32 to vector<16xf32>
    %mul3A_1360 = arith.mulf %mul3A_1359, %add3A_1331 : vector<16xf32>
    %mul3A_1361 = arith.mulf %mul3A_1360, %mul3A_1357 : vector<16xf32>
    %mul3A_1362 = arith.mulf %mul3A_1361, %mul3A_1357 : vector<16xf32>
    %sub3A_1363 = arith.constant 1.500000e+00 : f32
    %sub3A_1364 = vector.broadcast %sub3A_1363 : f32 to vector<16xf32>
    %sub3A_1365 = arith.subf %sub3A_1364, %mul3A_1362 : vector<16xf32>
    %mul3A_1366 = arith.mulf %mul3A_1357, %sub3A_1365 : vector<16xf32>
    %mul3A_1367 = arith.mulf %sub3A_1322, %mul3A_1366 : vector<16xf32>
    %mul3A_1368 = arith.mulf %sub3A_1324, %mul3A_1366 : vector<16xf32>
    %mul3A_1369 = arith.mulf %sub3A_1326, %mul3A_1366 : vector<16xf32>
    %mul3A_1370 = arith.mulf %mul3A_1314, %mul3A_1369 : vector<16xf32>
    %mul3A_1371 = arith.mulf %mul3A_1315, %mul3A_1368 : vector<16xf32>
    %sub3A_1372 = arith.subf %mul3A_1370, %mul3A_1371 : vector<16xf32>
    %mul3A_1373 = arith.mulf %mul3A_1315, %mul3A_1367 : vector<16xf32>
    %mul3A_1374 = arith.mulf %mul3A_1313, %mul3A_1369 : vector<16xf32>
    %sub3A_1375 = arith.subf %mul3A_1373, %mul3A_1374 : vector<16xf32>
    %mul3A_1376 = arith.mulf %mul3A_1313, %mul3A_1368 : vector<16xf32>
    %mul3A_1377 = arith.mulf %mul3A_1314, %mul3A_1367 : vector<16xf32>
    %sub3A_1378 = arith.subf %mul3A_1376, %mul3A_1377 : vector<16xf32>
    %swap3A_1379 = arith.constant 0 : i32
    %swap3A_1380 = arith.index_cast %swap3A_1379 : i32 to index
    %swap3A_1381 = arith.constant 496 : index
    %swap3A_1382 = tpu.vector_load %arg11[%swap3A_1380, %swap3A_1381] {strides = array<i32>} : memref<9x512xf32, #tpu.memory_space<vmem>>, vector<16xf32>,
    tpu.vector_store %arg11[%swap3A_1380, %swap3A_1381], %mul3A_1313 {strides = array<i32>} : memref<9x512xf32, #tpu.memory_space<vmem>>, vector<16xf32>,
    %swap3A_1383 = arith.constant 1 : i32
    %swap3A_1384 = arith.index_cast %swap3A_1383 : i32 to index
    %swap3A_1385 = arith.constant 496 : index
    %swap3A_1386 = tpu.vector_load %arg11[%swap3A_1384, %swap3A_1385] {strides = array<i32>} : memref<9x512xf32, #tpu.memory_space<vmem>>, vector<16xf32>,
    tpu.vector_store %arg11[%swap3A_1384, %swap3A_1385], %mul3A_1314 {strides = array<i32>} : memref<9x512xf32, #tpu.memory_space<vmem>>, vector<16xf32>,
    %swap3A_1387 = arith.constant 2 : i32
    %swap3A_1388 = arith.index_cast %swap3A_1387 : i32 to index
    %swap3A_1389 = arith.constant 496 : index
    %swap3A_1390 = tpu.vector_load %arg11[%swap3A_1388, %swap3A_1389] {strides = array<i32>} : memref<9x512xf32, #tpu.memory_space<vmem>>, vector<16xf32>,
    tpu.vector_store %arg11[%swap3A_1388, %swap3A_1389], %mul3A_1315 {strides = array<i32>} : memref<9x512xf32, #tpu.memory_space<vmem>>, vector<16xf32>,
    %swap3A_1391 = arith.constant 3 : i32
    %swap3A_1392 = arith.index_cast %swap3A_1391 : i32 to index
    %swap3A_1393 = arith.constant 496 : index
    %swap3A_1394 = tpu.vector_load %arg11[%swap3A_1392, %swap3A_1393] {strides = array<i32>} : memref<9x512xf32, #tpu.memory_space<vmem>>, vector<16xf32>,
    tpu.vector_store %arg11[%swap3A_1392, %swap3A_1393], %mul3A_1367 {strides = array<i32>} : memref<9x512xf32, #tpu.memory_space<vmem>>, vector<16xf32>,
    %swap3A_1395 = arith.constant 4 : i32
    %swap3A_1396 = arith.index_cast %swap3A_1395 : i32 to index
    %swap3A_1397 = arith.constant 496 : index
    %swap3A_1398 = tpu.vector_load %arg11[%swap3A_1396, %swap3A_1397] {strides = array<i32>} : memref<9x512xf32, #tpu.memory_space<vmem>>, vector<16xf32>,
    tpu.vector_store %arg11[%swap3A_1396, %swap3A_1397], %mul3A_1368 {strides = array<i32>} : memref<9x512xf32, #tpu.memory_space<vmem>>, vector<16xf32>,
    %swap3A_1399 = arith.constant 5 : i32
    %swap3A_1400 = arith.index_cast %swap3A_1399 : i32 to index
    %swap3A_1401 = arith.constant 496 : index
    %swap3A_1402 = tpu.vector_load %arg11[%swap3A_1400, %swap3A_1401] {strides = array<i32>} : memref<9x512xf32, #tpu.memory_space<vmem>>, vector<16xf32>,
    tpu.vector_store %arg11[%swap3A_1400, %swap3A_1401], %mul3A_1369 {strides = array<i32>} : memref<9x512xf32, #tpu.memory_space<vmem>>, vector<16xf32>,
    %swap3A_1403 = arith.constant 6 : i32
    %swap3A_1404 = arith.index_cast %swap3A_1403 : i32 to index
    %swap3A_1405 = arith.constant 496 : index
    %swap3A_1406 = tpu.vector_load %arg11[%swap3A_1404, %swap3A_1405] {strides = array<i32>} : memref<9x512xf32, #tpu.memory_space<vmem>>, vector<16xf32>,
    tpu.vector_store %arg11[%swap3A_1404, %swap3A_1405], %sub3A_1372 {strides = array<i32>} : memref<9x512xf32, #tpu.memory_space<vmem>>, vector<16xf32>,
    %swap3A_1407 = arith.constant 7 : i32
    %swap3A_1408 = arith.index_cast %swap3A_1407 : i32 to index
    %swap3A_1409 = arith.constant 496 : index
    %swap3A_1410 = tpu.vector_load %arg11[%swap3A_1408, %swap3A_1409] {strides = array<i32>} : memref<9x512xf32, #tpu.memory_space<vmem>>, vector<16xf32>,
    tpu.vector_store %arg11[%swap3A_1408, %swap3A_1409], %sub3A_1375 {strides = array<i32>} : memref<9x512xf32, #tpu.memory_space<vmem>>, vector<16xf32>,
    %swap3A_1411 = arith.constant 8 : i32
    %swap3A_1412 = arith.index_cast %swap3A_1411 : i32 to index
    %swap3A_1413 = arith.constant 496 : index
    %swap3A_1414 = tpu.vector_load %arg11[%swap3A_1412, %swap3A_1413] {strides = array<i32>} : memref<9x512xf32, #tpu.memory_space<vmem>>, vector<16xf32>,
    tpu.vector_store %arg11[%swap3A_1412, %swap3A_1413], %sub3A_1378 {strides = array<i32>} : memref<9x512xf32, #tpu.memory_space<vmem>>, vector<16xf32>,
    %broadcast_in_dim3A_1415 = arith.constant 0 : i32
    %broadcast_in_dim3A_1416 = vector.broadcast %broadcast_in_dim3A_1415 : i32 to vector<16xi32>
    %gather3A_1417 = tpu.vector_load_idx %arg10[%broadcast_in_dim3A_1416, %get3A_1254] : memref<2x4096xf32, #tpu.memory_space<vmem>>[vector<16xi32>, vector<16xi32>], vector<16xf32>,
    %swap3A_1418 = arith.constant 0 : i32
    %swap3A_1419 = arith.index_cast %swap3A_1418 : i32 to index
    %swap3A_1420 = arith.constant 496 : index
    %swap3A_1421 = tpu.vector_load %arg12[%swap3A_1419, %swap3A_1420] {strides = array<i32>} : memref<2x512xf32, #tpu.memory_space<vmem>>, vector<16xf32>,
    tpu.vector_store %arg12[%swap3A_1419, %swap3A_1420], %gather3A_1417 {strides = array<i32>} : memref<2x512xf32, #tpu.memory_space<vmem>>, vector<16xf32>,
    %broadcast_in_dim3A_1422 = arith.constant 1 : i32
    %broadcast_in_dim3A_1423 = vector.broadcast %broadcast_in_dim3A_1422 : i32 to vector<16xi32>
    %gather3A_1424 = tpu.vector_load_idx %arg10[%broadcast_in_dim3A_1423, %get3A_1254] : memref<2x4096xf32, #tpu.memory_space<vmem>>[vector<16xi32>, vector<16xi32>], vector<16xf32>,
    %swap3A_1425 = arith.constant 1 : i32
    %swap3A_1426 = arith.index_cast %swap3A_1425 : i32 to index
    %swap3A_1427 = arith.constant 496 : index
    %swap3A_1428 = tpu.vector_load %arg12[%swap3A_1426, %swap3A_1427] {strides = array<i32>} : memref<2x512xf32, #tpu.memory_space<vmem>>, vector<16xf32>,
    tpu.vector_store %arg12[%swap3A_1426, %swap3A_1427], %gather3A_1424 {strides = array<i32>} : memref<2x512xf32, #tpu.memory_space<vmem>>, vector<16xf32>,
    "tpu.region"() ({
      %run_scoped3A = tpu.sem_alloc : memref<!tpu.dma_semaphore, #tpu.memory_space<semaphore_mem>>
      %dma_start3A_1429 = arith.constant 0 : i32
      %dma_start3A_1430 = tpu.memref_slice %arg5[%dma_start3A_1429, %mul3A_2] : memref<9x16384xf32, #tpu.memory_space<hbm>> -> memref<9x512xf32, #tpu.memory_space<hbm>>
      %dma_start3A_1431 = arith.constant 0 : i32
      %dma_start3A_1432 = tpu.memref_slice %arg5[%dma_start3A_1431, %mul3A_2] : memref<9x16384xf32, #tpu.memory_space<hbm>> -> memref<9x512xf32, #tpu.memory_space<hbm>>
      tpu.enqueue_dma source(%arg11 : memref<9x512xf32, #tpu.memory_space<vmem>>) target(%dma_start3A_1432 : memref<9x512xf32, #tpu.memory_space<hbm>>) target_semaphore(%run_scoped3A : memref<!tpu.dma_semaphore, #tpu.memory_space<semaphore_mem>>)
      %dma_wait3A_1433 = arith.constant 0 : i32
      %dma_wait3A_1434 = tpu.memref_slice %arg5[%dma_wait3A_1433, %mul3A_2] : memref<9x16384xf32, #tpu.memory_space<hbm>> -> memref<9x512xf32, #tpu.memory_space<hbm>>
      %dma_wait3A_1435 = arith.constant 0 : i32
      %dma_wait3A_1436 = tpu.memref_slice %arg5[%dma_wait3A_1435, %mul3A_2] : memref<9x16384xf32, #tpu.memory_space<hbm>> -> memref<9x512xf32, #tpu.memory_space<hbm>>
      tpu.wait_dma2 semaphore(%run_scoped3A : memref<!tpu.dma_semaphore, #tpu.memory_space<semaphore_mem>>) src(%arg11 : memref<9x512xf32, #tpu.memory_space<vmem>>) dst(%dma_wait3A_1436 : memref<9x512xf32, #tpu.memory_space<hbm>>)
      tpu.yield
    }) : () -> ()
    "tpu.region"() ({
      %run_scoped3A = tpu.sem_alloc : memref<!tpu.dma_semaphore, #tpu.memory_space<semaphore_mem>>
      %dma_start3A_1429 = arith.constant 0 : i32
      %dma_start3A_1430 = tpu.memref_slice %arg6[%dma_start3A_1429, %mul3A_2] : memref<2x16384xf32, #tpu.memory_space<hbm>> -> memref<2x512xf32, #tpu.memory_space<hbm>>
      %dma_start3A_1431 = arith.constant 0 : i32
      %dma_start3A_1432 = tpu.memref_slice %arg6[%dma_start3A_1431, %mul3A_2] : memref<2x16384xf32, #tpu.memory_space<hbm>> -> memref<2x512xf32, #tpu.memory_space<hbm>>
      tpu.enqueue_dma source(%arg12 : memref<2x512xf32, #tpu.memory_space<vmem>>) target(%dma_start3A_1432 : memref<2x512xf32, #tpu.memory_space<hbm>>) target_semaphore(%run_scoped3A : memref<!tpu.dma_semaphore, #tpu.memory_space<semaphore_mem>>)
      %dma_wait3A_1433 = arith.constant 0 : i32
      %dma_wait3A_1434 = tpu.memref_slice %arg6[%dma_wait3A_1433, %mul3A_2] : memref<2x16384xf32, #tpu.memory_space<hbm>> -> memref<2x512xf32, #tpu.memory_space<hbm>>
      %dma_wait3A_1435 = arith.constant 0 : i32
      %dma_wait3A_1436 = tpu.memref_slice %arg6[%dma_wait3A_1435, %mul3A_2] : memref<2x16384xf32, #tpu.memory_space<hbm>> -> memref<2x512xf32, #tpu.memory_space<hbm>>
      tpu.wait_dma2 semaphore(%run_scoped3A : memref<!tpu.dma_semaphore, #tpu.memory_space<semaphore_mem>>) src(%arg12 : memref<2x512xf32, #tpu.memory_space<vmem>>) dst(%dma_wait3A_1436 : memref<2x512xf32, #tpu.memory_space<hbm>>)
      tpu.yield
    }) : () -> ()
    return
  }
}

</mosaic_0001>

<sc_bundles>
// kernel: kernel.3.cloned.1.call-start
scs
__scs_entry_jumppad:
0x0: {  	(pc) =	sbr.rel $0x88, $3  }
0x1: {  	(tag) =	ssettag $0x0;
	lr =	simm.s32 $0x1  }
0x2: {  	[smem:$0x3F9E] =	sst lr;
	_ =	strace $0xD0000000  }
0x3: {  	_ = 	snop  }
0x4: {  	_ = 	snop  }
0x5: {  	_ = 	snop  }
0x6: {  	_ = 	snop  }
0x7: {  	_ = 	snop  }
__scs_overlays_trampoline_lowered:
0x8: {  	[smem:$0x3FAD] =	sst s0  }
0x9: {  	[smem:$0x3FAE] =	sst s1  }
0xa: {  	[smem:$0x3FAF] =	sst s2  }
0xb: {  	[smem:$0x3FB0] =	sst s3  }
0xc: {  	[smem:$0x3FB1] =	sst s4  }
0xd: {  	[smem:$0x3FB2] =	sst s5  }
0xe: {  	[smem:$0x3FB3] =	sst s6  }
0xf: {  	[smem:$0x3FB4] =	sst s7  }
0x10: {  	[smem:$0x3FB5] =	sst s8  }
0x11: {  	[smem:$0x3FB6] =	sst s9;
	s0 =	simm.s32 @!p0 $0x0  }
0x12: {  	s1 =	sld [smem:$0x3F9C];
	s0 =	simm.s32 @p0 $0x1  }
0x13: {  	[smem:$0x3FB7] =	sst s0;
	s0 =	simm.s32 @!p1 $0x0  }
0x14: {  	s2 =	sld [smem:$0x3F9B];
	s0 =	simm.s32 @p1 $0x1  }
0x15: {  	[smem:$0x3FB8] =	sst s0;
	s0 =	simm.s32 @!p2 $0x0  }
0x16: {  	s3 =	sld [smem:$0x3FDB];
	s0 =	simm.s32 @p2 $0x1  }
0x17: {  	s4 =	simm.s32 $0x1BF5;
	[smem:$0x3FBA] =	sst s0  }
0x18: {  	s0 =	sld [smem:$0x3F9D];
	_ =	swait.ge [sflag:s4], $0x0  }
0x19: {  	s7 =	sld [smem:$0x3F9E]  }
0x1a: {  	s8 =	sadd.s32 $0xFFFFE003, lr  }
0x1b: {  	s9 =	sadd.s32 $0xFFFFFEF7, lr;
	s5 =	simm.s32 $0xFFFFFFFF;
	p2 =	slt.u32 s8, $0xFFFFF086  }
0x1c: {  	p1 =	slt.u32 s9, $0xF7A;
	s5 =	simm.s32 @!p2 $0x0  }
0x1d: {  	s5 =	simm.s32 @p1 $0x1;
	p0 =	seq.s32 s7, s2  }
0x1e: {  	s7 =	smul.u32 @!p0 $0xF7A, s2;
	p2 =	seq.s32 @!p0 s5, $0x0  }
0x1f: {  	s9 =	smul.u32 $0xF7A, s1;
	s8 =	simm.s32 @!p0 $0x1BF5;
	p2 =	por !p2, p0  }
0x20: {  	[sflag:s8] =	ssyncset.s32 @!p0 $0xFFFFF086;
	s6 =	sadd.s32 @!p0 s3, s7;
	s7 =	simm.s32 @!p0 $0x108  }
0x21: {  	s3 =	sadd.s32 s3, s9;
	s6 =	sadd.s32 @!p0 $0x88, s6;
	s7 =	simm.s32 @p2 $0x1082  }
0x22: {  	[simem:s7], [sflag:s8] =	dma.local @!p0 [hbm:s6], $0xF7A  }
0x23: {  	s9 =	sor.u32 $0xD0000000, s2;
	s6 =	simm.s32 $0x108;
	_ =	swait.ge @!p0 [sflag:s8], $0x0  }
0x24: {  	s3 =	sadd.s32 $0x88, s3;
	s6 =	simm.s32 @!p1 $0x1082;
	[sflag:s4] =	ssyncset.s32 $0xFFFFF086  }
0x25: {  	[simem:s6], [sflag:s4] =	dma.local [hbm:s3], $0xF7A  }
0x26: {  	[smem:$0x3F9E] =	sst s1;
	(tag) =	ssettag s2;
	_ =	strace s9  }
0x27: {  	s1 =	sld [smem:$0x3FAE]  }
0x28: {  	s2 =	sld [smem:$0x3FAF]  }
0x29: {  	s4 =	sld [smem:$0x3FB1]  }
0x2a: {  	p0 =	seq.s32 s5, $0x0;
	s5 =	sld [smem:$0x3FB2]  }
0x2b: {  	s6 =	sld [smem:$0x3FB3]  }
0x2c: {  	s7 =	sld [smem:$0x3FB4]  }
0x2d: {  	s3 =	simm.s32 $0x108;
	s8 =	sld [smem:$0x3FB5]  }
0x2e: {  	s3 =	simm.s32 @!p0 $0x1082;
	s9 =	sld [smem:$0x3FB6]  }
0x2f: {  	lr =	sadd.s32 s0, s3;
	s0 =	sld [smem:$0x3FAD]  }
0x30: {  	s3 =	sld [smem:$0x3FB0]  }
0x31: {  	[smem:$0x3FB9] =	sst s10  }
0x32: {  	s10 =	sld [smem:$0x3FB7];
	_ =	sdelay $0x3  }
0x33: {  	p0 =	seq.s32 s10, $0x1;
	s10 =	sld [smem:$0x3FB9];
	_ =	sdelay $0x3  }
0x34: {  	[smem:$0x3FB9] =	sst s10  }
0x35: {  	s10 =	sld [smem:$0x3FB8];
	_ =	sdelay $0x3  }
0x36: {  	p1 =	seq.s32 s10, $0x1;
	s10 =	sld [smem:$0x3FB9];
	_ =	sdelay $0x3  }
0x37: {  	[smem:$0x3FB9] =	sst s10  }
0x38: {  	s10 =	sld [smem:$0x3FBA]  }
0x39: {  	_ = 	snop;
	(pc) =	sbr.ind lr, $3  }
0x3a: {  	_ = 	snop  }
0x3b: {  	_ = 	snop  }
0x3c: {  	p2 =	seq.s32 s10, $0x1;
	s10 =	sld [smem:$0x3FB9]  }
0x3d: {  	_ =	shalt  }
0x3e: {  	_ =	shalt  }
0x3f: {  	_ =	shalt  }
0x40: {  	_ =	shalt  }
0x41: {  	_ =	shalt  }
0x42: {  	_ =	shalt  }
0x43: {  	_ =	shalt  }
0x44: {  	_ =	shalt  }
0x45: {  	_ =	shalt  }
0x46: {  	_ =	shalt  }
0x47: {  	_ =	shalt  }
0x48: {  	_ =	shalt  }
0x49: {  	_ =	shalt  }
0x4a: {  	_ =	shalt  }
0x4b: {  	_ =	shalt  }
0x4c: {  	_ =	shalt  }
0x4d: {  	_ =	shalt  }
0x4e: {  	_ =	shalt  }
0x4f: {  	_ =	shalt  }
0x50: {  	_ =	shalt  }
0x51: {  	_ =	shalt  }
0x52: {  	_ =	shalt  }
0x53: {  	_ =	shalt  }
0x54: {  	_ =	shalt  }
0x55: {  	_ =	shalt  }
0x56: {  	_ =	shalt  }
0x57: {  	_ =	shalt  }
0x58: {  	_ =	shalt  }
0x59: {  	_ =	shalt  }
0x5a: {  	_ =	shalt  }
0x5b: {  	_ =	shalt  }
0x5c: {  	_ =	shalt  }
0x5d: {  	_ =	shalt  }
0x5e: {  	_ =	shalt  }
0x5f: {  	_ =	shalt  }
0x60: {  	_ =	shalt  }
0x61: {  	_ =	shalt  }
0x62: {  	_ =	shalt  }
0x63: {  	_ =	shalt  }
0x64: {  	_ =	shalt  }
0x65: {  	_ =	shalt  }
0x66: {  	_ =	shalt  }
0x67: {  	_ =	shalt  }
0x68: {  	_ =	shalt  }
0x69: {  	_ =	shalt  }
0x6a: {  	_ =	shalt  }
0x6b: {  	_ =	shalt  }
0x6c: {  	_ =	shalt  }
0x6d: {  	_ =	shalt  }
0x6e: {  	_ =	shalt  }
0x6f: {  	_ =	shalt  }
0x70: {  	_ =	shalt  }
0x71: {  	_ =	shalt  }
0x72: {  	_ =	shalt  }
0x73: {  	_ =	shalt  }
0x74: {  	_ =	shalt  }
0x75: {  	_ =	shalt  }
0x76: {  	_ =	shalt  }
0x77: {  	_ =	shalt  }
0x78: {  	_ =	shalt  }
0x79: {  	_ =	shalt  }
0x7a: {  	_ =	shalt  }
0x7b: {  	_ =	shalt  }
0x7c: {  	_ =	shalt  }
0x7d: {  	_ =	shalt  }
0x7e: {  	_ =	shalt  }
0x7f: {  	_ =	shalt  }
0x80: {  	_ =	shalt  }
0x81: {  	_ =	shalt  }
0x82: {  	_ =	shalt  }
0x83: {  	_ =	shalt  }
0x84: {  	_ =	shalt  }
0x85: {  	_ =	shalt  }
0x86: {  	_ =	shalt  }
0x87: {  	_ =	shalt  }
.Lfunc_end0:
.L_simem_size_0:
called_computation_lowered:
.L_overlay_start_0:
0x88: {  	s2 =	sld [smem:$0x3FD9]  }
0x89: {  	s3 =	sld [smem:$0x3FFE];
	_ =	sdelay $0x1  }
0x8a: {  	s1 =	srdreg.scid  }
0x8b: {  	s0 =	sand.u32 $0x1, s1  }
0x8c: {  	s14 =	sshll.u32 s0, $0xA;
	s2 =	sadd.s32 s3, s2  }
0x8d: {  	s2 =	sadd.s32 s2, s14  }
0x8e: {  	[smem:$0x3FC5] =	sst s2  }
0x8f: {  	_ = 	snop  }
0x90: {  	s2 =	sld [smem:$0x3FD0]  }
0x91: {  	s15 =	sld [smem:$0x3FC9]  }
0x92: {  	s4 =	sld [smem:$0x3FC8]  }
0x93: {  	s6 =	simm.s32 $0xA;
	s7 =	simm.s32 $0x10;
	s5 =	sld [smem:$0x3FC7]  }
0x94: {  	[smem:s7], [sflag:s6] =	dma.local [hbm:s2], $0x1  }
0x95: {  	_ =	swait.eq [sflag:s6], $0x1  }
0x96: {  	[sflag:s6] =	ssyncset.done $0x0  }
0x97: {  	[sflag:s6] =	ssyncadd.s32 $0xFFFFFFFF  }
0x98: {  	s16 =	sld [smem:$0x11];
	(tm) =	ssettm $0x1  }
0x99: {  	s17 =	sld [smem:$0x3FFB];
	_ =	sdelay $0x3  }
0x9a: {  	_ =	strace s17  }
0x9b: {  	s6 =	sld [smem:$0x3FFC];
	_ =	sdelay $0x3  }
0x9c: {  	_ =	strace s6  }
0x9d: {  	s6 =	sld [smem:$0x3FFD];
	_ =	sdelay $0x3  }
0x9e: {  	_ =	strace s6  }
0x9f: {  	_ =	strace $0x8FFFFFFF  }
0xa0: {  	s18 =	sld [smem:$0x3FDB];
	_ =	sdelay $0x1  }
0xa1: {  	s19 =	simm.s32 $_scs_section_size  }
0xa2: {  	s8 =	simm.s32 $_size__tile_overlayer_lowered;
	s9 =	simm.s32 $_tile_overlayer_lowered  }
0xa3: {  	s22 =	simm.s32 $0x1BFF;
	s21 =	sshll.u32 s9, $0x1;
	s6 =	sadd.s32 s19, s18  }
0xa4: {  	s10 =	simm.s32 $0x0;
	s20 =	sshll.u32 s8, $0x1;
	s8 =	sadd.s32 s21, s6  }
0xa5: {  	[timem:s10], [sflag:s22] =	dma.local [hbm:s8], s20  }
0xa6: {  	_ =	swait.ge [sflag:s22], s20  }
0xa7: {  	s7 =	ssub.s32 $0x0, s20;
	[sflag:s22] =	ssyncset.done $0x0  }
0xa8: {  	[sflag:s22] =	ssyncadd.s32 s7;
	_ =	sdelay $0x1  }
0xa9: {  	s23 =	simm.s32 $0x1B8B  }
0xaa: {  	_ =	swait.ge [sflag:s23], $0x1  }
0xab: {  	[sflag:s23] =	ssyncset.done $0x0  }
0xac: {  	s25 =	simm.s32 $0x1B8E;
	s24 =	sld [smem:$0x3FFE];
	[sflag:s23] =	ssyncadd.s32 $0xFFFFFFFF  }
0xad: {  	s26 =	simm.s32 $execute0_lowered;
	[smem:$0x3FD2] =	sst s25  }
0xae: {  	s8 =	sshll.u32 s26, $0x1;
	_ =	strace $0x80000046;
	[dreg:$0x1] =	wrdreg $0xFFFFFFFF  }
0xaf: {  	s28 =	simm.s32 $_size_execute0_lowered;
	s6 =	sadd.s32 s6, s8;
	[dreg:$0x0] =	wrdreg $0x0  }
0xb0: {  	s8 =	sshll.u32 s28, $0x1;
	[dreg:$0x2] =	wrdreg s6  }
0xb1: {  	[dreg:$0x3] =	wrdreg s8  }
0xb2: {  	[dreg:$0x4] =	wrdreg $0xC0  }
0xb3: {  	_ =	task [dreg:s10], $0x5FFFF  }
0xb4: {  	[dreg:$0x1] =	wrdreg $0xFFFFFFFF  }
0xb5: {  	[dreg:$0x0] =	wrdreg $0x60  }
0xb6: {  	[dreg:$0x2] =	wrdreg s15  }
0xb7: {  	[dreg:$0x3] =	wrdreg s4  }
0xb8: {  	[dreg:$0x4] =	wrdreg s5  }
0xb9: {  	[dreg:$0x5] =	wrdreg s24  }
0xba: {  	[dreg:$0x6] =	wrdreg s16  }
0xbb: {  	[dreg:$0x7] =	wrdreg $0x9  }
0xbc: {  	_ =	task.clear_ibuf [dreg:s10], $0x8FFFF;
	_ =	strace $0x90000046  }
0xbd: {  	s29 =	simm.s32 $0x9;
	_ =	strace $0x80000048  }
0xbe: {  	_ =	swait.ge [sflag:s29], $0x1  }
0xbf: {  	[sflag:s29] =	ssyncadd.s32 $0xFFFFFFFF  }
0xc0: {  	_ =	strace $0x90000048  }
0xc1: {  	_ =	sfence  }
0xc2: {  	s30 =	sld [smem:$0x0];
	_ =	sdelay $0x2  }
0xc3: {  	s31 =	sshll.u32 s1, $0xD;
	s1 =	sshrl.u32 s1, $0x2  }
0xc4: {  	s3 =	sand.u32 $0x4000, s31;
	s1 =	sadd.s32 s1, s30  }
0xc5: {  	s0 =	sor.u32 s3, s0;
	s1 =	sshll.u32 s1, $0x11  }
0xc6: {  	s0 =	sor.u32 s1, s0  }
0xc7: {  	s0 =	sadd.s32 $0x8F2B, s0  }
0xc8: {  	[sflag:s0] =	ssyncadd.remote.s32 $0x1  }
0xc9: {  	_ =	sfence.sel $0xFFFF  }
0xca: {  	[dreg:$0x0] =	wrdreg $0xFFFFFFFF;
	(pc) =	sbr.abs _section_cstart, $3  }
0xcb: {  	[dreg:$0x1] =	wrdreg $0xFFFFFFFF  }
0xcc: {  	_ =	task.clear_ibuf [dreg:s10], $0x2FFFF;
	_ =	strace $0x9FFFFFFF  }
0xcd: {  	(tm) =	ssettm $0x7FFFFFFF  }
tec
execute0_lowered:
.L_overlay_start_1:
0x0: {  	(tag) =	ssettag $0x1  }
0x1: {  	s0 =	rddreg [dreg:$0x0]  }
0x2: {  	s1 =	rddreg [dreg:$0x1]  }
0x3: {  	s2 =	rddreg [dreg:$0x2]  }
0x4: {  	s3 =	rddreg [dreg:$0x3]  }
0x5: {  	s7 =	rddreg [dreg:$0x4]  }
0x6: {  	s4 =	simm.s32 $0x0;
	s5 =	srdreg.scid;
	s6 =	stileid.u32  }
0x7: {  	s10 =	simm.s32 $0x400;
	s16 =	simm.s32 $0x8400;
	s31 =	simm.s32 $0x6F8  }
0x8: {  	s11 =	simm.s32 $0x2;
	s12 =	simm.s32 $0x1000;
	s13 =	simm.s32 $0x20000  }
0x9: {  	s14 =	simm.s32 $0xA400;
	s15 =	simm.s32 $0x3;
	s17 =	simm.s32 $0xC400  }
0xa: {  	s18 =	simm.s32 $0x0;
	[smem:$0x7FF] =	sst s4;
	s5 =	sand.u32 $0x1, s5  }
0xb: {  	s6 =	sshll.u32 s6, $0xA;
	s8 =	sshll.u32 s5, $0x9;
	s5 =	ssub.s32 $0x2, s5  }
.Ltmp0:
0xc: {  	_ =	strace $0x80000047;
	s8 =	sor.u32 s8, s6;
	(pc) =	sbr.rel .LBB2_1-.Ltmp0, $4  }
0xd: {  	s28 =	sshrl.u32 s5, $0x1;
	s3 =	sadd.s32 s8, s3;
	s29 =	sshrl.u32 s8, $0x3  }
0xe: {  	s9 =	ssub.s32 s5, s28;
	s30 =	sshrl.u32 s8, $0x2;
	s5 =	sadd.s32 s0, s29  }
0xf: {  	v0 =	vlaneseq.u32;
	s6 =	sadd.s32 $0x800, s3;
	s7 =	sadd.s32 s7, s30;
	s8 =	smax.u32 s9, $0x1  }
0x10: {  	v0 =	vmul.u32 $0x8, v0;
	s9 =	simm.s32 $0x1;
	s0 =	simm.s32 $0x8478;
	s3 =	simm.s32 $0x84F8  }
.LBB2_7:
0x11: {  	_ =	swait.ge [sflag:s11], $0x30  }
0x12: {  	[sflag:s11] =	ssyncset.done $0x0  }
0x13: {  	[sflag:s11] =	ssyncadd.s32 $0xFFFFFFD0  }
0x14: {  	_ =	swait.ge [sflag:s11], $0x10  }
0x15: {  	[sflag:s11] =	ssyncset.done $0x0  }
0x16: {  	[sflag:s11] =	ssyncadd.s32 $0xFFFFFFF0  }
0x17: {  	_ =	swait.ge [sflag:s11], $0x30  }
0x18: {  	[sflag:s11] =	ssyncset.done $0x0  }
0x19: {  	[sflag:s11] =	ssyncadd.s32 $0xFFFFFFD0  }
0x1a: {  	_ =	swait.ge [sflag:s11], $0x10  }
0x1b: {  	[sflag:s11] =	ssyncset.done $0x0  }
0x1c: {  	[sflag:s11] =	ssyncadd.s32 $0xFFFFFFF0  }
0x1d: {  	_ =	swait.ge [sflag:s11], $0x30  }
0x1e: {  	[sflag:s11] =	ssyncset.done $0x0  }
0x1f: {  	[sflag:s11] =	ssyncadd.s32 $0xFFFFFFD0  }
0x20: {  	_ =	swait.ge [sflag:s11], $0x10  }
0x21: {  	[sflag:s11] =	ssyncset.done $0x0  }
0x22: {  	[sflag:s11] =	ssyncadd.s32 $0xFFFFFFF0  }
0x23: {  	_ =	swait.ge [sflag:s11], $0x30  }
0x24: {  	[sflag:s11] =	ssyncset.done $0x0  }
0x25: {  	[sflag:s11] =	ssyncadd.s32 $0xFFFFFFD0  }
0x26: {  	_ =	swait.ge [sflag:s11], $0x10  }
0x27: {  	[sflag:s11] =	ssyncset.done $0x0  }
0x28: {  	[sflag:s11] =	ssyncadd.s32 $0xFFFFFFF0  }
0x29: {  	_ =	swait.ge [sflag:s11], $0x30  }
0x2a: {  	[sflag:s11] =	ssyncset.done $0x0  }
0x2b: {  	[sflag:s11] =	ssyncadd.s32 $0xFFFFFFD0  }
0x2c: {  	_ =	swait.ge [sflag:s11], $0x10  }
0x2d: {  	[sflag:s11] =	ssyncset.done $0x0  }
0x2e: {  	[sflag:s11] =	ssyncadd.s32 $0xFFFFFFF0  }
0x2f: {  	_ =	swait.ge [sflag:s11], $0x30  }
0x30: {  	[sflag:s11] =	ssyncset.done $0x0  }
0x31: {  	[sflag:s11] =	ssyncadd.s32 $0xFFFFFFD0  }
0x32: {  	_ =	swait.ge [sflag:s11], $0x10  }
0x33: {  	[sflag:s11] =	ssyncset.done $0x0  }
0x34: {  	[sflag:s11] =	ssyncadd.s32 $0xFFFFFFF0  }
0x35: {  	_ =	swait.ge [sflag:s11], $0x30  }
0x36: {  	[sflag:s11] =	ssyncset.done $0x0  }
0x37: {  	[sflag:s11] =	ssyncadd.s32 $0xFFFFFFD0  }
0x38: {  	_ =	swait.ge [sflag:s11], $0x10  }
0x39: {  	[sflag:s11] =	ssyncset.done $0x0  }
0x3a: {  	[sflag:s11] =	ssyncadd.s32 $0xFFFFFFF0  }
0x3b: {  	_ =	swait.ge [sflag:s11], $0x30  }
0x3c: {  	[sflag:s11] =	ssyncset.done $0x0  }
0x3d: {  	[sflag:s11] =	ssyncadd.s32 $0xFFFFFFD0  }
0x3e: {  	_ =	swait.ge [sflag:s11], $0x10  }
0x3f: {  	[sflag:s11] =	ssyncset.done $0x0  }
0x40: {  	[sflag:s11] =	ssyncadd.s32 $0xFFFFFFF0  }
0x41: {  	_ =	swait.ge [sflag:s11], $0x30  }
0x42: {  	[sflag:s11] =	ssyncset.done $0x0  }
0x43: {  	[sflag:s11] =	ssyncadd.s32 $0xFFFFFFD0  }
0x44: {  	_ =	swait.ge [sflag:s11], $0x10  }
0x45: {  	[sflag:s11] =	ssyncset.done $0x0  }
0x46: {  	[sflag:s11] =	ssyncadd.s32 $0xFFFFFFF0  }
0x47: {  	_ =	swait.ge [sflag:s11], $0x30  }
0x48: {  	[sflag:s11] =	ssyncset.done $0x0  }
0x49: {  	[sflag:s11] =	ssyncadd.s32 $0xFFFFFFD0  }
0x4a: {  	_ =	swait.ge [sflag:s11], $0x10  }
0x4b: {  	[sflag:s11] =	ssyncset.done $0x0  }
0x4c: {  	[sflag:s11] =	ssyncadd.s32 $0xFFFFFFF0  }
0x4d: {  	_ =	swait.ge [sflag:s11], $0x30  }
0x4e: {  	[sflag:s11] =	ssyncset.done $0x0  }
0x4f: {  	[sflag:s11] =	ssyncadd.s32 $0xFFFFFFD0  }
0x50: {  	_ =	swait.ge [sflag:s11], $0x10  }
0x51: {  	[sflag:s11] =	ssyncset.done $0x0  }
0x52: {  	[sflag:s11] =	ssyncadd.s32 $0xFFFFFFF0  }
0x53: {  	_ =	swait.ge [sflag:s11], $0x30  }
0x54: {  	[sflag:s11] =	ssyncset.done $0x0  }
0x55: {  	[sflag:s11] =	ssyncadd.s32 $0xFFFFFFD0  }
0x56: {  	_ =	swait.ge [sflag:s11], $0x10  }
0x57: {  	[sflag:s11] =	ssyncset.done $0x0  }
0x58: {  	[sflag:s11] =	ssyncadd.s32 $0xFFFFFFF0  }
0x59: {  	_ =	swait.ge [sflag:s11], $0x30  }
0x5a: {  	[sflag:s11] =	ssyncset.done $0x0  }
0x5b: {  	[sflag:s11] =	ssyncadd.s32 $0xFFFFFFD0  }
0x5c: {  	_ =	swait.ge [sflag:s11], $0x10  }
0x5d: {  	[sflag:s11] =	ssyncset.done $0x0  }
0x5e: {  	[sflag:s11] =	ssyncadd.s32 $0xFFFFFFF0  }
0x5f: {  	_ =	swait.ge [sflag:s11], $0x30  }
0x60: {  	[sflag:s11] =	ssyncset.done $0x0  }
0x61: {  	[sflag:s11] =	ssyncadd.s32 $0xFFFFFFD0  }
0x62: {  	_ =	swait.ge [sflag:s11], $0x10  }
0x63: {  	[sflag:s11] =	ssyncset.done $0x0  }
0x64: {  	[sflag:s11] =	ssyncadd.s32 $0xFFFFFFF0  }
0x65: {  	_ =	swait.ge [sflag:s11], $0x30  }
0x66: {  	[sflag:s11] =	ssyncset.done $0x0  }
0x67: {  	[sflag:s11] =	ssyncadd.s32 $0xFFFFFFD0  }
0x68: {  	_ =	swait.ge [sflag:s11], $0x10  }
0x69: {  	[sflag:s11] =	ssyncset.done $0x0  }
0x6a: {  	[sflag:s11] =	ssyncadd.s32 $0xFFFFFFF0  }
0x6b: {  	_ =	swait.ge [sflag:s11], $0x30  }
0x6c: {  	[sflag:s11] =	ssyncset.done $0x0  }
0x6d: {  	[sflag:s11] =	ssyncadd.s32 $0xFFFFFFD0  }
0x6e: {  	_ =	swait.ge [sflag:s11], $0x10  }
0x6f: {  	[sflag:s11] =	ssyncset.done $0x0  }
0x70: {  	[sflag:s11] =	ssyncadd.s32 $0xFFFFFFF0  }
0x71: {  	v1 =	vld [tilespmem:$0x3E0];
	_ =	sdelay $0x4  }
0x72: {  	v2 =	vshrl.u32 v1, $0x7  }
0x73: {  	v1 =	vand.u32 $0x7F, v1;
	v3 =	vshll.u32 v2, $0xA  }
0x74: {  	v3 =	vor.u32 v1, v3  }
0x75: {  	v4 =	vor.u32 $0x80, v3;
	_ =	sdelay $0x1  }
0x76: {  	v5 =	vor.u32 $0x100, v3;
	_ =	sdelay $0x1  }
0x77: {  	v6 =	vld.idx.msk [tilespmem:v3+s10+$0x0], $0xffff  }
0x78: {  	v4 =	vld.idx.msk [tilespmem:v4+s10+$0x0], $0xffff;
	_ =	sdelay $0x1  }
0x79: {  	v5 =	vld.idx.msk [tilespmem:v5+s10+$0x0], $0xffff;
	_ =	sdelay $0x2  }
0x7a: {  	v7 =	vmul.f32 v6, v6;
	v8 =	vmul.f32 v4, v4;
	_ =	sdelay $0x1  }
0x7b: {  	v30 =	vmul.f32 v5, v5;
	v7 =	vadd.f32 v8, v7;
	_ =	sdelay $0x1  }
0x7c: {  	v7 =	vadd.f32 v30, v7;
	_ =	sdelay $0x1  }
0x7d: {  	v8 =	vshrl.u32 v7, $0x1;
	v7 =	vmul.f32 $5.000000000e-01, v7  }
0x7e: {  	v8 =	vsub.s32 $0x5F3759DF, v8  }
0x7f: {  	v9 =	vmul.f32 v8, v7;
	_ =	sdelay $0x1  }
0x80: {  	v9 =	vmul.f32 v8, v9;
	_ =	sdelay $0x1  }
0x81: {  	v9 =	vsub.f32 $1.500000000e+00, v9;
	_ =	sdelay $0x1  }
0x82: {  	v8 =	vmul.f32 v8, v9;
	_ =	sdelay $0x1  }
0x83: {  	v9 =	vmul.f32 v8, v7;
	_ =	sdelay $0x1  }
0x84: {  	v9 =	vmul.f32 v9, v8;
	_ =	sdelay $0x1  }
0x85: {  	v9 =	vsub.f32 $1.500000000e+00, v9;
	_ =	sdelay $0x1  }
0x86: {  	v8 =	vmul.f32 v9, v8  }
0x87: {  	v10 =	vor.u32 $0x200, v3  }
0x88: {  	v31 =	vor.u32 $0x180, v3;
	v7 =	vmul.f32 v8, v7;
	_ =	sdelay $0x1  }
0x89: {  	v3 =	vor.u32 $0x280, v3;
	v7 =	vmul.f32 v7, v8;
	_ =	sdelay $0x1  }
0x8a: {  	v10 =	vld.idx.msk [tilespmem:v10+s10+$0x0], $0xffff;
	v7 =	vsub.f32 $1.500000000e+00, v7  }
0x8b: {  	v9 =	vld.idx.msk [tilespmem:v31+s10+$0x0], $0xffff  }
0x8c: {  	v7 =	vmul.f32 v7, v8  }
0x8d: {  	v3 =	vld.idx.msk [tilespmem:v3+s10+$0x0], $0xffff  }
0x8e: {  	v6 =	vmul.f32 v7, v6;
	v4 =	vmul.f32 v7, v4  }
0x8f: {  	v5 =	vmul.f32 v7, v5  }
0x90: {  	v32 =	vmul.f32 v6, v9;
	v33 =	vmul.f32 v4, v10;
	_ =	sdelay $0x1  }
0x91: {  	v34 =	vmul.f32 v5, v3;
	v7 =	vadd.f32 v33, v32;
	_ =	sdelay $0x1  }
0x92: {  	v7 =	vadd.f32 v7, v34;
	_ =	sdelay $0x1  }
0x93: {  	v8 =	vmul.f32 v7, v6;
	v11 =	vmul.f32 v7, v4;
	_ =	sdelay $0x1  }
0x94: {  	v7 =	vmul.f32 v7, v5;
	v8 =	vsub.f32 v9, v8;
	v35 =	vsub.f32 v10, v11;
	_ =	sdelay $0x1  }
0x95: {  	v3 =	vsub.f32 v3, v7;
	v36 =	vmul.f32 v8, v8;
	v10 =	vmul.f32 v35, v35;
	_ =	sdelay $0x1  }
0x96: {  	v37 =	vmul.f32 v3, v3;
	v7 =	vadd.f32 v10, v36;
	_ =	sdelay $0x1  }
0x97: {  	v7 =	vadd.f32 v7, v37;
	_ =	sdelay $0x1  }
0x98: {  	v10 =	vshrl.u32 v7, $0x1;
	v7 =	vmul.f32 $5.000000000e-01, v7  }
0x99: {  	v10 =	vsub.s32 $0x5F3759DF, v10  }
0x9a: {  	v38 =	vmul.f32 v10, v7;
	_ =	sdelay $0x1  }
0x9b: {  	v11 =	vmul.f32 v10, v38;
	_ =	sdelay $0x1  }
0x9c: {  	v11 =	vsub.f32 $1.500000000e+00, v11;
	_ =	sdelay $0x1  }
0x9d: {  	v10 =	vmul.f32 v10, v11;
	_ =	sdelay $0x1  }
0x9e: {  	v11 =	vmul.f32 v10, v7;
	_ =	sdelay $0x1  }
0x9f: {  	v11 =	vmul.f32 v11, v10;
	_ =	sdelay $0x1  }
0xa0: {  	v11 =	vsub.f32 $1.500000000e+00, v11;
	_ =	sdelay $0x1  }
0xa1: {  	v10 =	vmul.f32 v11, v10;
	_ =	sdelay $0x1  }
0xa2: {  	v7 =	vmul.f32 v10, v7;
	_ =	sdelay $0x1  }
0xa3: {  	v7 =	vmul.f32 v7, v10;
	_ =	sdelay $0x1  }
0xa4: {  	v7 =	vsub.f32 $1.500000000e+00, v7;
	_ =	sdelay $0x1  }
0xa5: {  	v7 =	vmul.f32 v7, v10;
	_ =	sdelay $0x1  }
0xa6: {  	[tilespmem:$0xB060] =	vst v6;
	v9 =	vmul.f32 v7, v35;
	v3 =	vmul.f32 v7, v3  }
0xa7: {  	[tilespmem:$0xB0E0] =	vst v4;
	v7 =	vmul.f32 v7, v8  }
0xa8: {  	v2 =	vshll.u32 v2, $0x8;
	[tilespmem:$0xB160] =	vst v5;
	v39 =	vmul.f32 v3, v4;
	v40 =	vmul.f32 v9, v5  }
0xa9: {  	v1 =	vor.u32 v1, v2;
	v5 =	vmul.f32 v7, v5;
	v42 =	vmul.f32 v3, v6;
	[tilespmem:$0xB1E0] =	vst v7  }
0xaa: {  	v6 =	vmul.f32 v9, v6;
	v4 =	vmul.f32 v7, v4;
	[tilespmem:$0xB260] =	vst v9;
	v41 =	vsub.f32 v39, v40  }
0xab: {  	[tilespmem:$0xB2E0] =	vst v3;
	v2 =	vsub.f32 v5, v42  }
0xac: {  	v3 =	vsub.f32 v6, v4;
	[tilespmem:$0xB360] =	vst v41  }
0xad: {  	[tilespmem:$0xB3E0] =	vst v2  }
0xae: {  	[tilespmem:$0xC060] =	vst v3  }
0xaf: {  	v2 =	vld.idx.msk [tilespmem:v1+s16+$0x0], $0xffff  }
0xb0: {  	v1 =	vor.u32 $0x80, v1;
	_ =	sdelay $0x3  }
0xb1: {  	[tilespmem:$0xC760] =	vst v2  }
0xb2: {  	v1 =	vld.idx.msk [tilespmem:v1+s16+$0x0], $0xffff;
	_ =	sdelay $0x4  }
0xb3: {  	[tilespmem:$0xC7E0] =	vst v1  }
0xb4: {  	_ =	swait.ge [sflag:s11], $0x30  }
0xb5: {  	[sflag:s11] =	ssyncset.done $0x0  }
0xb6: {  	[sflag:s11] =	ssyncadd.s32 $0xFFFFFFD0  }
0xb7: {  	_ =	swait.ge [sflag:s11], $0x10  }
0xb8: {  	[sflag:s11] =	ssyncset.done $0x0  }
0xb9: {  	[sflag:s11] =	ssyncadd.s32 $0xFFFFFFF0  }
0xba: {  	_ =	swait.ge [sflag:s11], $0x30  }
0xbb: {  	[sflag:s11] =	ssyncset.done $0x0  }
0xbc: {  	[sflag:s11] =	ssyncadd.s32 $0xFFFFFFD0  }
0xbd: {  	_ =	swait.ge [sflag:s11], $0x10  }
0xbe: {  	[sflag:s11] =	ssyncset.done $0x0  }
0xbf: {  	[sflag:s11] =	ssyncadd.s32 $0xFFFFFFF0  }
0xc0: {  	_ =	swait.ge [sflag:s11], $0x30  }
0xc1: {  	[sflag:s11] =	ssyncset.done $0x0  }
0xc2: {  	[sflag:s11] =	ssyncadd.s32 $0xFFFFFFD0  }
0xc3: {  	_ =	swait.ge [sflag:s11], $0x10  }
0xc4: {  	[sflag:s11] =	ssyncset.done $0x0  }
0xc5: {  	[sflag:s11] =	ssyncadd.s32 $0xFFFFFFF0  }
0xc6: {  	_ =	swait.ge [sflag:s11], $0x30  }
0xc7: {  	[sflag:s11] =	ssyncset.done $0x0  }
0xc8: {  	[sflag:s11] =	ssyncadd.s32 $0xFFFFFFD0  }
0xc9: {  	_ =	swait.ge [sflag:s11], $0x10  }
0xca: {  	[sflag:s11] =	ssyncset.done $0x0  }
0xcb: {  	[sflag:s11] =	ssyncadd.s32 $0xFFFFFFF0  }
0xcc: {  	_ =	swait.ge [sflag:s11], $0x30  }
0xcd: {  	[sflag:s11] =	ssyncset.done $0x0  }
0xce: {  	[sflag:s11] =	ssyncadd.s32 $0xFFFFFFD0  }
0xcf: {  	_ =	swait.ge [sflag:s11], $0x10  }
0xd0: {  	[sflag:s11] =	ssyncset.done $0x0  }
0xd1: {  	[sflag:s11] =	ssyncadd.s32 $0xFFFFFFF0  }
0xd2: {  	_ =	swait.ge [sflag:s11], $0x30  }
0xd3: {  	[sflag:s11] =	ssyncset.done $0x0  }
0xd4: {  	[sflag:s11] =	ssyncadd.s32 $0xFFFFFFD0  }
0xd5: {  	_ =	swait.ge [sflag:s11], $0x10  }
0xd6: {  	[sflag:s11] =	ssyncset.done $0x0  }
0xd7: {  	[sflag:s11] =	ssyncadd.s32 $0xFFFFFFF0  }
0xd8: {  	_ =	swait.ge [sflag:s11], $0x30  }
0xd9: {  	[sflag:s11] =	ssyncset.done $0x0  }
0xda: {  	[sflag:s11] =	ssyncadd.s32 $0xFFFFFFD0  }
0xdb: {  	_ =	swait.ge [sflag:s11], $0x10  }
0xdc: {  	[sflag:s11] =	ssyncset.done $0x0  }
0xdd: {  	[sflag:s11] =	ssyncadd.s32 $0xFFFFFFF0  }
0xde: {  	_ =	swait.ge [sflag:s11], $0x30  }
0xdf: {  	[sflag:s11] =	ssyncset.done $0x0  }
0xe0: {  	[sflag:s11] =	ssyncadd.s32 $0xFFFFFFD0  }
0xe1: {  	_ =	swait.ge [sflag:s11], $0x10  }
0xe2: {  	[sflag:s11] =	ssyncset.done $0x0  }
0xe3: {  	[sflag:s11] =	ssyncadd.s32 $0xFFFFFFF0  }
0xe4: {  	_ =	swait.ge [sflag:s11], $0x30  }
0xe5: {  	[sflag:s11] =	ssyncset.done $0x0  }
0xe6: {  	[sflag:s11] =	ssyncadd.s32 $0xFFFFFFD0  }
0xe7: {  	_ =	swait.ge [sflag:s11], $0x10  }
0xe8: {  	[sflag:s11] =	ssyncset.done $0x0  }
0xe9: {  	[sflag:s11] =	ssyncadd.s32 $0xFFFFFFF0  }
0xea: {  	_ =	swait.ge [sflag:s11], $0x30  }
0xeb: {  	[sflag:s11] =	ssyncset.done $0x0  }
0xec: {  	[sflag:s11] =	ssyncadd.s32 $0xFFFFFFD0  }
0xed: {  	_ =	swait.ge [sflag:s11], $0x10  }
0xee: {  	[sflag:s11] =	ssyncset.done $0x0  }
0xef: {  	[sflag:s11] =	ssyncadd.s32 $0xFFFFFFF0  }
0xf0: {  	_ =	swait.ge [sflag:s11], $0x30  }
0xf1: {  	[sflag:s11] =	ssyncset.done $0x0  }
0xf2: {  	[sflag:s11] =	ssyncadd.s32 $0xFFFFFFD0  }
0xf3: {  	_ =	swait.ge [sflag:s11], $0x10  }
0xf4: {  	[sflag:s11] =	ssyncset.done $0x0  }
0xf5: {  	[sflag:s11] =	ssyncadd.s32 $0xFFFFFFF0  }
0xf6: {  	_ =	swait.ge [sflag:s11], $0x30  }
0xf7: {  	[sflag:s11] =	ssyncset.done $0x0  }
0xf8: {  	[sflag:s11] =	ssyncadd.s32 $0xFFFFFFD0  }
0xf9: {  	_ =	swait.ge [sflag:s11], $0x10  }
0xfa: {  	[sflag:s11] =	ssyncset.done $0x0  }
0xfb: {  	[sflag:s11] =	ssyncadd.s32 $0xFFFFFFF0  }
0xfc: {  	_ =	swait.ge [sflag:s11], $0x30  }
0xfd: {  	[sflag:s11] =	ssyncset.done $0x0  }
0xfe: {  	[sflag:s11] =	ssyncadd.s32 $0xFFFFFFD0  }
0xff: {  	_ =	swait.ge [sflag:s11], $0x10  }
0x100: {  	[sflag:s11] =	ssyncset.done $0x0  }
0x101: {  	[sflag:s11] =	ssyncadd.s32 $0xFFFFFFF0  }
0x102: {  	_ =	swait.ge [sflag:s11], $0x30  }
0x103: {  	[sflag:s11] =	ssyncset.done $0x0  }
0x104: {  	[sflag:s11] =	ssyncadd.s32 $0xFFFFFFD0  }
0x105: {  	_ =	swait.ge [sflag:s11], $0x10  }
0x106: {  	[sflag:s11] =	ssyncset.done $0x0  }
0x107: {  	[sflag:s11] =	ssyncadd.s32 $0xFFFFFFF0  }
0x108: {  	_ =	swait.ge [sflag:s11], $0x30  }
0x109: {  	[sflag:s11] =	ssyncset.done $0x0  }
0x10a: {  	[sflag:s11] =	ssyncadd.s32 $0xFFFFFFD0  }
0x10b: {  	_ =	swait.ge [sflag:s11], $0x10  }
0x10c: {  	[sflag:s11] =	ssyncset.done $0x0  }
0x10d: {  	[sflag:s11] =	ssyncadd.s32 $0xFFFFFFF0  }
0x10e: {  	_ =	swait.ge [sflag:s11], $0x30  }
0x10f: {  	[sflag:s11] =	ssyncset.done $0x0  }
0x110: {  	[sflag:s11] =	ssyncadd.s32 $0xFFFFFFD0  }
0x111: {  	_ =	swait.ge [sflag:s11], $0x10  }
0x112: {  	[sflag:s11] =	ssyncset.done $0x0  }
0x113: {  	[sflag:s11] =	ssyncadd.s32 $0xFFFFFFF0  }
0x114: {  	v1 =	vld [tilespmem:$0x3F0];
	_ =	sdelay $0x4  }
0x115: {  	v2 =	vshrl.u32 v1, $0x7  }
0x116: {  	v1 =	vand.u32 $0x7F, v1;
	v3 =	vshll.u32 v2, $0xA  }
0x117: {  	v3 =	vor.u32 v1, v3  }
0x118: {  	v43 =	vor.u32 $0x80, v3;
	_ =	sdelay $0x1  }
0x119: {  	v44 =	vor.u32 $0x100, v3;
	_ =	sdelay $0x1  }
0x11a: {  	v45 =	vld.idx.msk [tilespmem:v3+s10+$0x0], $0xffff  }
0x11b: {  	v4 =	vld.idx.msk [tilespmem:v43+s10+$0x0], $0xffff;
	_ =	sdelay $0x1  }
0x11c: {  	v5 =	vld.idx.msk [tilespmem:v44+s10+$0x0], $0xffff;
	_ =	sdelay $0x2  }
0x11d: {  	v46 =	vmul.f32 v45, v45;
	v47 =	vmul.f32 v4, v4;
	_ =	sdelay $0x1  }
0x11e: {  	v48 =	vmul.f32 v5, v5;
	v7 =	vadd.f32 v47, v46;
	_ =	sdelay $0x1  }
0x11f: {  	v7 =	vadd.f32 v48, v7;
	_ =	sdelay $0x1  }
0x120: {  	v8 =	vshrl.u32 v7, $0x1;
	v7 =	vmul.f32 $5.000000000e-01, v7  }
0x121: {  	v8 =	vsub.s32 $0x5F3759DF, v8  }
0x122: {  	v49 =	vmul.f32 v8, v7;
	_ =	sdelay $0x1  }
0x123: {  	v9 =	vmul.f32 v8, v49;
	_ =	sdelay $0x1  }
0x124: {  	v9 =	vsub.f32 $1.500000000e+00, v9;
	_ =	sdelay $0x1  }
0x125: {  	v8 =	vmul.f32 v8, v9;
	_ =	sdelay $0x1  }
0x126: {  	v9 =	vmul.f32 v8, v7;
	_ =	sdelay $0x1  }
0x127: {  	v9 =	vmul.f32 v9, v8;
	_ =	sdelay $0x1  }
0x128: {  	v9 =	vsub.f32 $1.500000000e+00, v9;
	_ =	sdelay $0x1  }
0x129: {  	v8 =	vmul.f32 v9, v8  }
0x12a: {  	v51 =	vor.u32 $0x200, v3  }
0x12b: {  	v50 =	vor.u32 $0x180, v3;
	v7 =	vmul.f32 v8, v7;
	_ =	sdelay $0x1  }
0x12c: {  	v3 =	vor.u32 $0x280, v3;
	v7 =	vmul.f32 v7, v8;
	_ =	sdelay $0x1  }
0x12d: {  	v10 =	vld.idx.msk [tilespmem:v51+s10+$0x0], $0xffff;
	v7 =	vsub.f32 $1.500000000e+00, v7  }
0x12e: {  	v9 =	vld.idx.msk [tilespmem:v50+s10+$0x0], $0xffff  }
0x12f: {  	v7 =	vmul.f32 v7, v8  }
0x130: {  	v3 =	vld.idx.msk [tilespmem:v3+s10+$0x0], $0xffff  }
0x131: {  	v6 =	vmul.f32 v7, v45;
	v4 =	vmul.f32 v7, v4  }
0x132: {  	v5 =	vmul.f32 v7, v5  }
0x133: {  	v52 =	vmul.f32 v6, v9;
	v53 =	vmul.f32 v4, v10;
	_ =	sdelay $0x1  }
0x134: {  	v54 =	vmul.f32 v5, v3;
	v7 =	vadd.f32 v53, v52;
	_ =	sdelay $0x1  }
0x135: {  	v7 =	vadd.f32 v7, v54;
	_ =	sdelay $0x1  }
0x136: {  	v8 =	vmul.f32 v7, v6;
	v55 =	vmul.f32 v7, v4;
	_ =	sdelay $0x1  }
0x137: {  	v7 =	vmul.f32 v7, v5;
	v8 =	vsub.f32 v9, v8;
	v56 =	vsub.f32 v10, v55;
	_ =	sdelay $0x1  }
0x138: {  	v3 =	vsub.f32 v3, v7;
	v57 =	vmul.f32 v8, v8;
	v10 =	vmul.f32 v56, v56;
	_ =	sdelay $0x1  }
0x139: {  	v58 =	vmul.f32 v3, v3;
	v7 =	vadd.f32 v10, v57;
	_ =	sdelay $0x1  }
0x13a: {  	v7 =	vadd.f32 v7, v58;
	_ =	sdelay $0x1  }
0x13b: {  	v10 =	vshrl.u32 v7, $0x1;
	v7 =	vmul.f32 $5.000000000e-01, v7  }
0x13c: {  	v10 =	vsub.s32 $0x5F3759DF, v10  }
0x13d: {  	v59 =	vmul.f32 v10, v7;
	_ =	sdelay $0x1  }
0x13e: {  	v11 =	vmul.f32 v10, v59;
	_ =	sdelay $0x1  }
0x13f: {  	v11 =	vsub.f32 $1.500000000e+00, v11;
	_ =	sdelay $0x1  }
0x140: {  	v10 =	vmul.f32 v10, v11;
	_ =	sdelay $0x1  }
0x141: {  	v11 =	vmul.f32 v10, v7;
	_ =	sdelay $0x1  }
0x142: {  	v11 =	vmul.f32 v11, v10;
	_ =	sdelay $0x1  }
0x143: {  	v11 =	vsub.f32 $1.500000000e+00, v11;
	_ =	sdelay $0x1  }
0x144: {  	v10 =	vmul.f32 v11, v10;
	_ =	sdelay $0x1  }
0x145: {  	v7 =	vmul.f32 v10, v7;
	_ =	sdelay $0x1  }
0x146: {  	v7 =	vmul.f32 v7, v10;
	_ =	sdelay $0x1  }
0x147: {  	v7 =	vsub.f32 $1.500000000e+00, v7;
	_ =	sdelay $0x1  }
0x148: {  	v7 =	vmul.f32 v7, v10;
	_ =	sdelay $0x1  }
0x149: {  	[tilespmem:$0xB070] =	vst v6;
	v9 =	vmul.f32 v7, v56;
	v3 =	vmul.f32 v7, v3  }
0x14a: {  	[tilespmem:$0xB0F0] =	vst v4;
	v7 =	vmul.f32 v7, v8  }
0x14b: {  	v2 =	vshll.u32 v2, $0x8;
	[tilespmem:$0xB170] =	vst v5;
	v60 =	vmul.f32 v3, v4;
	v61 =	vmul.f32 v9, v5  }
0x14c: {  	v1 =	vor.u32 v1, v2;
	v5 =	vmul.f32 v7, v5;
	v63 =	vmul.f32 v3, v6;
	[tilespmem:$0xB1F0] =	vst v7  }
0x14d: {  	v6 =	vmul.f32 v9, v6;
	v4 =	vmul.f32 v7, v4;
	[tilespmem:$0xB270] =	vst v9;
	v62 =	vsub.f32 v60, v61  }
0x14e: {  	[tilespmem:$0xB2F0] =	vst v3;
	v2 =	vsub.f32 v5, v63  }
0x14f: {  	v3 =	vsub.f32 v6, v4;
	[tilespmem:$0xB370] =	vst v62  }
0x150: {  	[tilespmem:$0xB3F0] =	vst v2  }
0x151: {  	[tilespmem:$0xC070] =	vst v3  }
0x152: {  	v2 =	vld.idx.msk [tilespmem:v1+s16+$0x0], $0xffff  }
0x153: {  	v1 =	vor.u32 $0x80, v1;
	_ =	sdelay $0x3  }
0x154: {  	[tilespmem:$0xC770] =	vst v2  }
0x155: {  	v1 =	vld.idx.msk [tilespmem:v1+s16+$0x0], $0xffff;
	_ =	sdelay $0x4  }
0x156: {  	[tilespmem:$0xC7F0] =	vst v1  }
0x157: {  	[hbm4b:s6+s12] =	stream.strided.scatter [tilespmem:s14], [sflag:$0x3], $0x2000, s13, s12, $0x38;
	[tilespmem:$0xC800] =	vst v63  }
0x158: {  	s18 =	sadd.s32 $0x1, s18;
	_ =	swait.ge [sflag:s15], $0x2000  }
0x159: {  	p0 =	sne.s32 s18, s8;
	[sflag:s15] =	ssyncset.done $0x0  }
.Ltmp1:
0x15a: {  	[sflag:s15] =	ssyncadd.s32 $0xFFFFE000;
	(pc) =	sbr.rel @!p0 .LBB2_8-.Ltmp1, $4  }
0x15b: {  	[hbm4b:s7+s4] =	stream.linear.scatter [tilespmem:s17], [sflag:$0x3], $0x400, $0x38;
	[tilespmem:$0xC800] =	vst v63  }
0x15c: {  	_ =	swait.ge [sflag:s15], $0x400  }
0x15d: {  	[sflag:s15] =	ssyncset.done $0x0  }
0x15e: {  	[sflag:s15] =	ssyncadd.s32 $0xFFFFFC00  }
.LBB2_1:
0x15f: {  	[tilespmem:s4], [sflag:$0x1] =	stream.linear.gather [hbm4b:s5+s4], $0x200, $0x38;
	[tilespmem:$0xC800] =	vst v63  }
0x160: {  	_ =	swait.ge [sflag:s9], $0x200  }
0x161: {  	[sflag:s9] =	ssyncset.done $0x0  }
0x162: {  	[sflag:s9] =	ssyncadd.s32 $0xFFFFFE00  }
0x163: {  	v1 =	vld [tilespmem:s4+$0x0];
	_ =	sdelay $0x4  }
0x164: {  	v1 =	vand.u32 $0x7, v1  }
0x165: {  	v1 =	vor.u32 s4, v1  }
0x166: {  	s19 =	simm.s32 $0x200;
	v1 =	vor.u32 v0, v1  }
0x167: {  	s21 =	simm.s32 $0x10;
	[tilespmem:s19+$0x0] =	vst v1  }
0x168: {  	s20 =	simm.s32 $0x80;
	s22 =	simm.s32 $0x100;
	v1 =	vld [tilespmem:s21+$0x0]  }
.LBB2_2:
0x169: {  	p0 =	sne.s32 s22, $0xF80;
	_ =	sdelay $0x3  }
.Ltmp2:
0x16a: {  	v1 =	vand.u32 $0x7, v1;
	(pc) =	sbr.rel @p0 .LBB2_2-.Ltmp2, $4  }
0x16b: {  	v1 =	vor.u32 s20, v1;
	s20 =	smov.u32 s22  }
0x16c: {  	s19 =	sadd.s32 $0x10, s19;
	v1 =	vor.u32 v0, v1  }
0x16d: {  	s21 =	sadd.s32 $0x10, s21;
	[tilespmem:s19+$0x0] =	vst v1  }
0x16e: {  	s22 =	sadd.s32 $0x80, s22;
	v1 =	vld [tilespmem:s21+$0x0]  }
0x16f: {  	_ =	sdelay $0x3  }
0x170: {  	v1 =	vand.u32 $0x7, v1  }
0x171: {  	v1 =	vor.u32 s20, v1  }
0x172: {  	s19 =	sadd.s32 $0x10, s19;
	v1 =	vor.u32 v0, v1  }
0x173: {  	[tilespmem:s19+$0x0] =	vst v1  }
0x174: {  	v1 =	vld [tilespmem:$0x0];
	_ =	sdelay $0x4  }
0x175: {  	(v2sf) =	vpush v1, $0x0;
	_ =	sdelay $0xe  }
0x176: {  	s26 =	spop (v2sf)  }
0x177: {  	s20 =	sshrl.u32 s26, $0x7  }
0x178: {  	(v2sf) =	vpush v1, $0x1;
	s21 =	sand.u32 $0x78, s26;
	s28 =	sshll.u32 s20, $0xA  }
0x179: {  	s19 =	sor.u32 s21, s28  }
0x17a: {  	s19 =	sshrl.u32 s19, $0x3  }
0x17b: {  	s22 =	sadd.s32 s1, s19;
	s19 =	simm.s32 $0x0  }
0x17c: {  	[tilespmem:s10], [sflag:$0x2] =	stream.linear.gather [hbm4b:s22+s19], $0x8, $0x38;
	[tilespmem:$0xC800] =	vst v63  }
0x17d: {  	s24 =	simm.s32 $0x480;
	s23 =	sadd.s32 $0x10, s22  }
0x17e: {  	[tilespmem:s24], [sflag:$0x2] =	stream.linear.gather [hbm4b:s23+s19], $0x8, $0x38;
	[tilespmem:$0xC800] =	vst v63  }
0x17f: {  	s30 =	simm.s32 $0x500;
	s29 =	sadd.s32 $0x20, s22  }
0x180: {  	[tilespmem:s30], [sflag:$0x2] =	stream.linear.gather [hbm4b:s29+s19], $0x8, $0x38;
	[tilespmem:$0xC800] =	vst v63  }
0x181: {  	s26 =	simm.s32 $0x580;
	s20 =	sshll.u32 s20, $0x8;
	s25 =	sadd.s32 $0x30, s22  }
0x182: {  	[tilespmem:s26], [sflag:$0x2] =	stream.linear.gather [hbm4b:s25+s19], $0x8, $0x38;
	[tilespmem:$0xC800] =	vst v63  }
0x183: {  	s20 =	sor.u32 s21, s20;
	s28 =	sadd.s32 $0x40, s22;
	s29 =	simm.s32 $0x600  }
0x184: {  	[tilespmem:s29], [sflag:$0x2] =	stream.linear.gather [hbm4b:s28+s19], $0x8, $0x38;
	[tilespmem:$0xC800] =	vst v63  }
0x185: {  	s20 =	sshrl.u32 s20, $0x3;
	s22 =	sadd.s32 $0x50, s22;
	s30 =	simm.s32 $0x680  }
0x186: {  	[tilespmem:s30], [sflag:$0x2] =	stream.linear.gather [hbm4b:s22+s19], $0x8, $0x38;
	[tilespmem:$0xC800] =	vst v63  }
0x187: {  	s20 =	sadd.s32 s2, s20;
	s23 =	spop (v2sf)  }
0x188: {  	[tilespmem:s16], [sflag:$0x2] =	stream.linear.gather [hbm4b:s20+s19], $0x8, $0x38;
	[tilespmem:$0xC800] =	vst v63  }
0x189: {  	s22 =	simm.s32 $0x8480;
	s21 =	sshrl.u32 s23, $0x7;
	s20 =	sadd.s32 $0x10, s20  }
0x18a: {  	[tilespmem:s22], [sflag:$0x2] =	stream.linear.gather [hbm4b:s20+s19], $0x8, $0x38;
	[tilespmem:$0xC800] =	vst v63  }
0x18b: {  	(v2sf) =	vpush v1, $0x2;
	s24 =	sshll.u32 s21, $0xA;
	s20 =	sand.u32 $0x78, s23  }
0x18c: {  	s22 =	sor.u32 s20, s24  }
0x18d: {  	s22 =	sshrl.u32 s22, $0x3  }
0x18e: {  	s25 =	simm.s32 $0x408;
	s22 =	sadd.s32 s1, s22  }
0x18f: {  	[tilespmem:s25], [sflag:$0x2] =	stream.linear.gather [hbm4b:s22+s19], $0x8, $0x38;
	[tilespmem:$0xC800] =	vst v63  }
0x190: {  	s28 =	simm.s32 $0x488;
	s26 =	sadd.s32 $0x10, s22  }
0x191: {  	[tilespmem:s28], [sflag:$0x2] =	stream.linear.gather [hbm4b:s26+s19], $0x8, $0x38;
	[tilespmem:$0xC800] =	vst v63  }
0x192: {  	s30 =	simm.s32 $0x508;
	s29 =	sadd.s32 $0x20, s22  }
0x193: {  	[tilespmem:s30], [sflag:$0x2] =	stream.linear.gather [hbm4b:s29+s19], $0x8, $0x38;
	[tilespmem:$0xC800] =	vst v63  }
0x194: {  	s21 =	sshll.u32 s21, $0x8;
	s24 =	sadd.s32 $0x30, s22;
	s25 =	simm.s32 $0x588  }
0x195: {  	[tilespmem:s25], [sflag:$0x2] =	stream.linear.gather [hbm4b:s24+s19], $0x8, $0x38;
	[tilespmem:$0xC800] =	vst v63  }
0x196: {  	s20 =	sor.u32 s20, s21;
	s26 =	sadd.s32 $0x40, s22;
	s28 =	simm.s32 $0x608  }
0x197: {  	[tilespmem:s28], [sflag:$0x2] =	stream.linear.gather [hbm4b:s26+s19], $0x8, $0x38;
	[tilespmem:$0xC800] =	vst v63  }
0x198: {  	s20 =	sshrl.u32 s20, $0x3;
	s22 =	sadd.s32 $0x50, s22;
	s29 =	simm.s32 $0x688  }
0x199: {  	[tilespmem:s29], [sflag:$0x2] =	stream.linear.gather [hbm4b:s22+s19], $0x8, $0x38;
	[tilespmem:$0xC800] =	vst v63  }
0x19a: {  	s20 =	sadd.s32 s2, s20;
	s30 =	simm.s32 $0x8408;
	s23 =	spop (v2sf)  }
0x19b: {  	[tilespmem:s30], [sflag:$0x2] =	stream.linear.gather [hbm4b:s20+s19], $0x8, $0x38;
	[tilespmem:$0xC800] =	vst v63  }
0x19c: {  	s21 =	sshrl.u32 s23, $0x7;
	s22 =	simm.s32 $0x8488;
	s20 =	sadd.s32 $0x10, s20  }
0x19d: {  	[tilespmem:s22], [sflag:$0x2] =	stream.linear.gather [hbm4b:s20+s19], $0x8, $0x38;
	[tilespmem:$0xC800] =	vst v63  }
0x19e: {  	(v2sf) =	vpush v1, $0x3;
	s24 =	sshll.u32 s21, $0xA;
	s20 =	sand.u32 $0x78, s23  }
0x19f: {  	s22 =	sor.u32 s20, s24  }
0x1a0: {  	s22 =	sshrl.u32 s22, $0x3  }
0x1a1: {  	s25 =	simm.s32 $0x410;
	s22 =	sadd.s32 s1, s22  }
0x1a2: {  	[tilespmem:s25], [sflag:$0x2] =	stream.linear.gather [hbm4b:s22+s19], $0x8, $0x38;
	[tilespmem:$0xC800] =	vst v63  }
0x1a3: {  	s28 =	simm.s32 $0x490;
	s26 =	sadd.s32 $0x10, s22  }
0x1a4: {  	[tilespmem:s28], [sflag:$0x2] =	stream.linear.gather [hbm4b:s26+s19], $0x8, $0x38;
	[tilespmem:$0xC800] =	vst v63  }
0x1a5: {  	s30 =	simm.s32 $0x510;
	s29 =	sadd.s32 $0x20, s22  }
0x1a6: {  	[tilespmem:s30], [sflag:$0x2] =	stream.linear.gather [hbm4b:s29+s19], $0x8, $0x38;
	[tilespmem:$0xC800] =	vst v63  }
0x1a7: {  	s21 =	sshll.u32 s21, $0x8;
	s24 =	sadd.s32 $0x30, s22;
	s25 =	simm.s32 $0x590  }
0x1a8: {  	[tilespmem:s25], [sflag:$0x2] =	stream.linear.gather [hbm4b:s24+s19], $0x8, $0x38;
	[tilespmem:$0xC800] =	vst v63  }
0x1a9: {  	s20 =	sor.u32 s20, s21;
	s26 =	sadd.s32 $0x40, s22;
	s28 =	simm.s32 $0x610  }
0x1aa: {  	[tilespmem:s28], [sflag:$0x2] =	stream.linear.gather [hbm4b:s26+s19], $0x8, $0x38;
	[tilespmem:$0xC800] =	vst v63  }
0x1ab: {  	s20 =	sshrl.u32 s20, $0x3;
	s22 =	sadd.s32 $0x50, s22;
	s29 =	simm.s32 $0x690  }
0x1ac: {  	[tilespmem:s29], [sflag:$0x2] =	stream.linear.gather [hbm4b:s22+s19], $0x8, $0x38;
	[tilespmem:$0xC800] =	vst v63  }
0x1ad: {  	s20 =	sadd.s32 s2, s20;
	s23 =	spop (v2sf);
	s30 =	simm.s32 $0x8410  }
0x1ae: {  	[tilespmem:s30], [sflag:$0x2] =	stream.linear.gather [hbm4b:s20+s19], $0x8, $0x38;
	[tilespmem:$0xC800] =	vst v63  }
0x1af: {  	s21 =	sshrl.u32 s23, $0x7;
	s22 =	simm.s32 $0x8490;
	s20 =	sadd.s32 $0x10, s20  }
0x1b0: {  	[tilespmem:s22], [sflag:$0x2] =	stream.linear.gather [hbm4b:s20+s19], $0x8, $0x38;
	[tilespmem:$0xC800] =	vst v63  }
0x1b1: {  	(v2sf) =	vpush v1, $0x4;
	s24 =	sshll.u32 s21, $0xA;
	s20 =	sand.u32 $0x78, s23  }
0x1b2: {  	s22 =	sor.u32 s20, s24  }
0x1b3: {  	s22 =	sshrl.u32 s22, $0x3  }
0x1b4: {  	s25 =	simm.s32 $0x418;
	s22 =	sadd.s32 s1, s22  }
0x1b5: {  	[tilespmem:s25], [sflag:$0x2] =	stream.linear.gather [hbm4b:s22+s19], $0x8, $0x38;
	[tilespmem:$0xC800] =	vst v63  }
0x1b6: {  	s28 =	simm.s32 $0x498;
	s26 =	sadd.s32 $0x10, s22  }
0x1b7: {  	[tilespmem:s28], [sflag:$0x2] =	stream.linear.gather [hbm4b:s26+s19], $0x8, $0x38;
	[tilespmem:$0xC800] =	vst v63  }
0x1b8: {  	s30 =	simm.s32 $0x518;
	s29 =	sadd.s32 $0x20, s22  }
0x1b9: {  	[tilespmem:s30], [sflag:$0x2] =	stream.linear.gather [hbm4b:s29+s19], $0x8, $0x38;
	[tilespmem:$0xC800] =	vst v63  }
0x1ba: {  	s21 =	sshll.u32 s21, $0x8;
	s24 =	sadd.s32 $0x30, s22;
	s25 =	simm.s32 $0x598  }
0x1bb: {  	[tilespmem:s25], [sflag:$0x2] =	stream.linear.gather [hbm4b:s24+s19], $0x8, $0x38;
	[tilespmem:$0xC800] =	vst v63  }
0x1bc: {  	s20 =	sor.u32 s20, s21;
	s26 =	sadd.s32 $0x40, s22;
	s28 =	simm.s32 $0x618  }
0x1bd: {  	[tilespmem:s28], [sflag:$0x2] =	stream.linear.gather [hbm4b:s26+s19], $0x8, $0x38;
	[tilespmem:$0xC800] =	vst v63  }
0x1be: {  	s20 =	sshrl.u32 s20, $0x3;
	s22 =	sadd.s32 $0x50, s22;
	s29 =	simm.s32 $0x698  }
0x1bf: {  	[tilespmem:s29], [sflag:$0x2] =	stream.linear.gather [hbm4b:s22+s19], $0x8, $0x38;
	[tilespmem:$0xC800] =	vst v63  }
0x1c0: {  	s20 =	sadd.s32 s2, s20;
	s23 =	spop (v2sf);
	s30 =	simm.s32 $0x8418  }
0x1c1: {  	[tilespmem:s30], [sflag:$0x2] =	stream.linear.gather [hbm4b:s20+s19], $0x8, $0x38;
	[tilespmem:$0xC800] =	vst v63  }
0x1c2: {  	s21 =	sshrl.u32 s23, $0x7;
	s22 =	simm.s32 $0x8498;
	s20 =	sadd.s32 $0x10, s20  }
0x1c3: {  	[tilespmem:s22], [sflag:$0x2] =	stream.linear.gather [hbm4b:s20+s19], $0x8, $0x38;
	[tilespmem:$0xC800] =	vst v63  }
0x1c4: {  	(v2sf) =	vpush v1, $0x5;
	s24 =	sshll.u32 s21, $0xA;
	s20 =	sand.u32 $0x78, s23  }
0x1c5: {  	s22 =	sor.u32 s20, s24  }
0x1c6: {  	s22 =	sshrl.u32 s22, $0x3  }
0x1c7: {  	s25 =	simm.s32 $0x420;
	s22 =	sadd.s32 s1, s22  }
0x1c8: {  	[tilespmem:s25], [sflag:$0x2] =	stream.linear.gather [hbm4b:s22+s19], $0x8, $0x38;
	[tilespmem:$0xC800] =	vst v63  }
0x1c9: {  	s28 =	simm.s32 $0x4A0;
	s26 =	sadd.s32 $0x10, s22  }
0x1ca: {  	[tilespmem:s28], [sflag:$0x2] =	stream.linear.gather [hbm4b:s26+s19], $0x8, $0x38;
	[tilespmem:$0xC800] =	vst v63  }
0x1cb: {  	s30 =	simm.s32 $0x520;
	s29 =	sadd.s32 $0x20, s22  }
0x1cc: {  	[tilespmem:s30], [sflag:$0x2] =	stream.linear.gather [hbm4b:s29+s19], $0x8, $0x38;
	[tilespmem:$0xC800] =	vst v63  }
0x1cd: {  	s21 =	sshll.u32 s21, $0x8;
	s24 =	sadd.s32 $0x30, s22;
	s25 =	simm.s32 $0x5A0  }
0x1ce: {  	[tilespmem:s25], [sflag:$0x2] =	stream.linear.gather [hbm4b:s24+s19], $0x8, $0x38;
	[tilespmem:$0xC800] =	vst v63  }
0x1cf: {  	s20 =	sor.u32 s20, s21;
	s26 =	sadd.s32 $0x40, s22;
	s28 =	simm.s32 $0x620  }
0x1d0: {  	[tilespmem:s28], [sflag:$0x2] =	stream.linear.gather [hbm4b:s26+s19], $0x8, $0x38;
	[tilespmem:$0xC800] =	vst v63  }
0x1d1: {  	s20 =	sshrl.u32 s20, $0x3;
	s22 =	sadd.s32 $0x50, s22;
	s29 =	simm.s32 $0x6A0  }
0x1d2: {  	[tilespmem:s29], [sflag:$0x2] =	stream.linear.gather [hbm4b:s22+s19], $0x8, $0x38;
	[tilespmem:$0xC800] =	vst v63  }
0x1d3: {  	s23 =	spop (v2sf);
	s20 =	sadd.s32 s2, s20;
	s30 =	simm.s32 $0x8420  }
0x1d4: {  	[tilespmem:s30], [sflag:$0x2] =	stream.linear.gather [hbm4b:s20+s19], $0x8, $0x38;
	[tilespmem:$0xC800] =	vst v63  }
0x1d5: {  	s21 =	sshrl.u32 s23, $0x7;
	s22 =	simm.s32 $0x84A0;
	s20 =	sadd.s32 $0x10, s20  }
0x1d6: {  	[tilespmem:s22], [sflag:$0x2] =	stream.linear.gather [hbm4b:s20+s19], $0x8, $0x38;
	[tilespmem:$0xC800] =	vst v63  }
0x1d7: {  	(v2sf) =	vpush v1, $0x6;
	s24 =	sshll.u32 s21, $0xA;
	s20 =	sand.u32 $0x78, s23  }
0x1d8: {  	s22 =	sor.u32 s20, s24  }
0x1d9: {  	s22 =	sshrl.u32 s22, $0x3  }
0x1da: {  	s25 =	simm.s32 $0x428;
	s22 =	sadd.s32 s1, s22  }
0x1db: {  	[tilespmem:s25], [sflag:$0x2] =	stream.linear.gather [hbm4b:s22+s19], $0x8, $0x38;
	[tilespmem:$0xC800] =	vst v63  }
0x1dc: {  	s28 =	simm.s32 $0x4A8;
	s26 =	sadd.s32 $0x10, s22  }
0x1dd: {  	[tilespmem:s28], [sflag:$0x2] =	stream.linear.gather [hbm4b:s26+s19], $0x8, $0x38;
	[tilespmem:$0xC800] =	vst v63  }
0x1de: {  	s30 =	simm.s32 $0x528;
	s29 =	sadd.s32 $0x20, s22  }
0x1df: {  	[tilespmem:s30], [sflag:$0x2] =	stream.linear.gather [hbm4b:s29+s19], $0x8, $0x38;
	[tilespmem:$0xC800] =	vst v63  }
0x1e0: {  	s21 =	sshll.u32 s21, $0x8;
	s24 =	sadd.s32 $0x30, s22;
	s25 =	simm.s32 $0x5A8  }
0x1e1: {  	[tilespmem:s25], [sflag:$0x2] =	stream.linear.gather [hbm4b:s24+s19], $0x8, $0x38;
	[tilespmem:$0xC800] =	vst v63  }
0x1e2: {  	s20 =	sor.u32 s20, s21;
	s26 =	sadd.s32 $0x40, s22;
	s28 =	simm.s32 $0x628  }
0x1e3: {  	[tilespmem:s28], [sflag:$0x2] =	stream.linear.gather [hbm4b:s26+s19], $0x8, $0x38;
	[tilespmem:$0xC800] =	vst v63  }
0x1e4: {  	s20 =	sshrl.u32 s20, $0x3;
	s22 =	sadd.s32 $0x50, s22;
	s29 =	simm.s32 $0x6A8  }
0x1e5: {  	[tilespmem:s29], [sflag:$0x2] =	stream.linear.gather [hbm4b:s22+s19], $0x8, $0x38;
	[tilespmem:$0xC800] =	vst v63  }
0x1e6: {  	s23 =	spop (v2sf);
	s20 =	sadd.s32 s2, s20;
	s30 =	simm.s32 $0x8428  }
0x1e7: {  	[tilespmem:s30], [sflag:$0x2] =	stream.linear.gather [hbm4b:s20+s19], $0x8, $0x38;
	[tilespmem:$0xC800] =	vst v63  }
0x1e8: {  	s21 =	sshrl.u32 s23, $0x7;
	s22 =	simm.s32 $0x84A8;
	s20 =	sadd.s32 $0x10, s20  }
0x1e9: {  	[tilespmem:s22], [sflag:$0x2] =	stream.linear.gather [hbm4b:s20+s19], $0x8, $0x38;
	[tilespmem:$0xC800] =	vst v63  }
0x1ea: {  	(v2sf) =	vpush v1, $0x7;
	s24 =	sshll.u32 s21, $0xA;
	s20 =	sand.u32 $0x78, s23  }
0x1eb: {  	s22 =	sor.u32 s20, s24  }
0x1ec: {  	s22 =	sshrl.u32 s22, $0x3  }
0x1ed: {  	s25 =	simm.s32 $0x430;
	s22 =	sadd.s32 s1, s22  }
0x1ee: {  	[tilespmem:s25], [sflag:$0x2] =	stream.linear.gather [hbm4b:s22+s19], $0x8, $0x38;
	[tilespmem:$0xC800] =	vst v63  }
0x1ef: {  	s28 =	simm.s32 $0x4B0;
	s26 =	sadd.s32 $0x10, s22  }
0x1f0: {  	[tilespmem:s28], [sflag:$0x2] =	stream.linear.gather [hbm4b:s26+s19], $0x8, $0x38;
	[tilespmem:$0xC800] =	vst v63  }
0x1f1: {  	s30 =	simm.s32 $0x530;
	s29 =	sadd.s32 $0x20, s22  }
0x1f2: {  	[tilespmem:s30], [sflag:$0x2] =	stream.linear.gather [hbm4b:s29+s19], $0x8, $0x38;
	[tilespmem:$0xC800] =	vst v63  }
0x1f3: {  	s21 =	sshll.u32 s21, $0x8;
	s24 =	sadd.s32 $0x30, s22;
	s25 =	simm.s32 $0x5B0  }
0x1f4: {  	[tilespmem:s25], [sflag:$0x2] =	stream.linear.gather [hbm4b:s24+s19], $0x8, $0x38;
	[tilespmem:$0xC800] =	vst v63  }
0x1f5: {  	s20 =	sor.u32 s20, s21;
	s26 =	sadd.s32 $0x40, s22;
	s28 =	simm.s32 $0x630  }
0x1f6: {  	[tilespmem:s28], [sflag:$0x2] =	stream.linear.gather [hbm4b:s26+s19], $0x8, $0x38;
	[tilespmem:$0xC800] =	vst v63  }
0x1f7: {  	s20 =	sshrl.u32 s20, $0x3;
	s22 =	sadd.s32 $0x50, s22;
	s29 =	simm.s32 $0x6B0  }
0x1f8: {  	[tilespmem:s29], [sflag:$0x2] =	stream.linear.gather [hbm4b:s22+s19], $0x8, $0x38;
	[tilespmem:$0xC800] =	vst v63  }
0x1f9: {  	s23 =	spop (v2sf);
	s20 =	sadd.s32 s2, s20;
	s30 =	simm.s32 $0x8430  }
0x1fa: {  	[tilespmem:s30], [sflag:$0x2] =	stream.linear.gather [hbm4b:s20+s19], $0x8, $0x38;
	[tilespmem:$0xC800] =	vst v63  }
0x1fb: {  	s21 =	sshrl.u32 s23, $0x7;
	s22 =	simm.s32 $0x84B0;
	s20 =	sadd.s32 $0x10, s20  }
0x1fc: {  	[tilespmem:s22], [sflag:$0x2] =	stream.linear.gather [hbm4b:s20+s19], $0x8, $0x38;
	[tilespmem:$0xC800] =	vst v63  }
0x1fd: {  	(v2sf) =	vpush v1, $0x8;
	s24 =	sshll.u32 s21, $0xA;
	s20 =	sand.u32 $0x78, s23  }
0x1fe: {  	s22 =	sor.u32 s20, s24  }
0x1ff: {  	s22 =	sshrl.u32 s22, $0x3  }
0x200: {  	s25 =	simm.s32 $0x438;
	s22 =	sadd.s32 s1, s22  }
0x201: {  	[tilespmem:s25], [sflag:$0x2] =	stream.linear.gather [hbm4b:s22+s19], $0x8, $0x38;
	[tilespmem:$0xC800] =	vst v63  }
0x202: {  	s28 =	simm.s32 $0x4B8;
	s26 =	sadd.s32 $0x10, s22  }
0x203: {  	[tilespmem:s28], [sflag:$0x2] =	stream.linear.gather [hbm4b:s26+s19], $0x8, $0x38;
	[tilespmem:$0xC800] =	vst v63  }
0x204: {  	s30 =	simm.s32 $0x538;
	s29 =	sadd.s32 $0x20, s22  }
0x205: {  	[tilespmem:s30], [sflag:$0x2] =	stream.linear.gather [hbm4b:s29+s19], $0x8, $0x38;
	[tilespmem:$0xC800] =	vst v63  }
0x206: {  	s21 =	sshll.u32 s21, $0x8;
	s24 =	sadd.s32 $0x30, s22;
	s25 =	simm.s32 $0x5B8  }
0x207: {  	[tilespmem:s25], [sflag:$0x2] =	stream.linear.gather [hbm4b:s24+s19], $0x8, $0x38;
	[tilespmem:$0xC800] =	vst v63  }
0x208: {  	s20 =	sor.u32 s20, s21;
	s26 =	sadd.s32 $0x40, s22;
	s28 =	simm.s32 $0x638  }
0x209: {  	[tilespmem:s28], [sflag:$0x2] =	stream.linear.gather [hbm4b:s26+s19], $0x8, $0x38;
	[tilespmem:$0xC800] =	vst v63  }
0x20a: {  	s20 =	sshrl.u32 s20, $0x3;
	s22 =	sadd.s32 $0x50, s22;
	s29 =	simm.s32 $0x6B8  }
0x20b: {  	[tilespmem:s29], [sflag:$0x2] =	stream.linear.gather [hbm4b:s22+s19], $0x8, $0x38;
	[tilespmem:$0xC800] =	vst v63  }
0x20c: {  	s23 =	spop (v2sf);
	s20 =	sadd.s32 s2, s20;
	s30 =	simm.s32 $0x8438  }
0x20d: {  	[tilespmem:s30], [sflag:$0x2] =	stream.linear.gather [hbm4b:s20+s19], $0x8, $0x38;
	[tilespmem:$0xC800] =	vst v63  }
0x20e: {  	s21 =	sshrl.u32 s23, $0x7;
	s22 =	simm.s32 $0x84B8;
	s20 =	sadd.s32 $0x10, s20  }
0x20f: {  	[tilespmem:s22], [sflag:$0x2] =	stream.linear.gather [hbm4b:s20+s19], $0x8, $0x38;
	[tilespmem:$0xC800] =	vst v63  }
0x210: {  	(v2sf) =	vpush v1, $0x9;
	s24 =	sshll.u32 s21, $0xA;
	s20 =	sand.u32 $0x78, s23  }
0x211: {  	s22 =	sor.u32 s20, s24  }
0x212: {  	s22 =	sshrl.u32 s22, $0x3  }
0x213: {  	s25 =	simm.s32 $0x440;
	s22 =	sadd.s32 s1, s22  }
0x214: {  	[tilespmem:s25], [sflag:$0x2] =	stream.linear.gather [hbm4b:s22+s19], $0x8, $0x38;
	[tilespmem:$0xC800] =	vst v63  }
0x215: {  	s28 =	simm.s32 $0x4C0;
	s26 =	sadd.s32 $0x10, s22  }
0x216: {  	[tilespmem:s28], [sflag:$0x2] =	stream.linear.gather [hbm4b:s26+s19], $0x8, $0x38;
	[tilespmem:$0xC800] =	vst v63  }
0x217: {  	s30 =	simm.s32 $0x540;
	s29 =	sadd.s32 $0x20, s22  }
0x218: {  	[tilespmem:s30], [sflag:$0x2] =	stream.linear.gather [hbm4b:s29+s19], $0x8, $0x38;
	[tilespmem:$0xC800] =	vst v63  }
0x219: {  	s21 =	sshll.u32 s21, $0x8;
	s24 =	sadd.s32 $0x30, s22;
	s25 =	simm.s32 $0x5C0  }
0x21a: {  	[tilespmem:s25], [sflag:$0x2] =	stream.linear.gather [hbm4b:s24+s19], $0x8, $0x38;
	[tilespmem:$0xC800] =	vst v63  }
0x21b: {  	s20 =	sor.u32 s20, s21;
	s26 =	sadd.s32 $0x40, s22;
	s28 =	simm.s32 $0x640  }
0x21c: {  	[tilespmem:s28], [sflag:$0x2] =	stream.linear.gather [hbm4b:s26+s19], $0x8, $0x38;
	[tilespmem:$0xC800] =	vst v63  }
0x21d: {  	s20 =	sshrl.u32 s20, $0x3;
	s22 =	sadd.s32 $0x50, s22;
	s29 =	simm.s32 $0x6C0  }
0x21e: {  	[tilespmem:s29], [sflag:$0x2] =	stream.linear.gather [hbm4b:s22+s19], $0x8, $0x38;
	[tilespmem:$0xC800] =	vst v63  }
0x21f: {  	s23 =	spop (v2sf);
	s20 =	sadd.s32 s2, s20;
	s30 =	simm.s32 $0x8440  }
0x220: {  	[tilespmem:s30], [sflag:$0x2] =	stream.linear.gather [hbm4b:s20+s19], $0x8, $0x38;
	[tilespmem:$0xC800] =	vst v63  }
0x221: {  	s21 =	sshrl.u32 s23, $0x7;
	s22 =	simm.s32 $0x84C0;
	s20 =	sadd.s32 $0x10, s20  }
0x222: {  	[tilespmem:s22], [sflag:$0x2] =	stream.linear.gather [hbm4b:s20+s19], $0x8, $0x38;
	[tilespmem:$0xC800] =	vst v63  }
0x223: {  	(v2sf) =	vpush v1, $0xA;
	s24 =	sshll.u32 s21, $0xA;
	s20 =	sand.u32 $0x78, s23  }
0x224: {  	s22 =	sor.u32 s20, s24  }
0x225: {  	s22 =	sshrl.u32 s22, $0x3  }
0x226: {  	s25 =	simm.s32 $0x448;
	s22 =	sadd.s32 s1, s22  }
0x227: {  	[tilespmem:s25], [sflag:$0x2] =	stream.linear.gather [hbm4b:s22+s19], $0x8, $0x38;
	[tilespmem:$0xC800] =	vst v63  }
0x228: {  	s28 =	simm.s32 $0x4C8;
	s26 =	sadd.s32 $0x10, s22  }
0x229: {  	[tilespmem:s28], [sflag:$0x2] =	stream.linear.gather [hbm4b:s26+s19], $0x8, $0x38;
	[tilespmem:$0xC800] =	vst v63  }
0x22a: {  	s30 =	simm.s32 $0x548;
	s29 =	sadd.s32 $0x20, s22  }
0x22b: {  	[tilespmem:s30], [sflag:$0x2] =	stream.linear.gather [hbm4b:s29+s19], $0x8, $0x38;
	[tilespmem:$0xC800] =	vst v63  }
0x22c: {  	s21 =	sshll.u32 s21, $0x8;
	s24 =	sadd.s32 $0x30, s22;
	s25 =	simm.s32 $0x5C8  }
0x22d: {  	[tilespmem:s25], [sflag:$0x2] =	stream.linear.gather [hbm4b:s24+s19], $0x8, $0x38;
	[tilespmem:$0xC800] =	vst v63  }
0x22e: {  	s20 =	sor.u32 s20, s21;
	s26 =	sadd.s32 $0x40, s22;
	s28 =	simm.s32 $0x648  }
0x22f: {  	[tilespmem:s28], [sflag:$0x2] =	stream.linear.gather [hbm4b:s26+s19], $0x8, $0x38;
	[tilespmem:$0xC800] =	vst v63  }
0x230: {  	s20 =	sshrl.u32 s20, $0x3;
	s22 =	sadd.s32 $0x50, s22;
	s29 =	simm.s32 $0x6C8  }
0x231: {  	[tilespmem:s29], [sflag:$0x2] =	stream.linear.gather [hbm4b:s22+s19], $0x8, $0x38;
	[tilespmem:$0xC800] =	vst v63  }
0x232: {  	s23 =	spop (v2sf);
	s20 =	sadd.s32 s2, s20;
	s30 =	simm.s32 $0x8448  }
0x233: {  	[tilespmem:s30], [sflag:$0x2] =	stream.linear.gather [hbm4b:s20+s19], $0x8, $0x38;
	[tilespmem:$0xC800] =	vst v63  }
0x234: {  	s21 =	sshrl.u32 s23, $0x7;
	s22 =	simm.s32 $0x84C8;
	s20 =	sadd.s32 $0x10, s20  }
0x235: {  	[tilespmem:s22], [sflag:$0x2] =	stream.linear.gather [hbm4b:s20+s19], $0x8, $0x38;
	[tilespmem:$0xC800] =	vst v63  }
0x236: {  	(v2sf) =	vpush v1, $0xB;
	s24 =	sshll.u32 s21, $0xA;
	s20 =	sand.u32 $0x78, s23  }
0x237: {  	s22 =	sor.u32 s20, s24  }
0x238: {  	s22 =	sshrl.u32 s22, $0x3  }
0x239: {  	s25 =	simm.s32 $0x450;
	s22 =	sadd.s32 s1, s22  }
0x23a: {  	[tilespmem:s25], [sflag:$0x2] =	stream.linear.gather [hbm4b:s22+s19], $0x8, $0x38;
	[tilespmem:$0xC800] =	vst v63  }
0x23b: {  	s28 =	simm.s32 $0x4D0;
	s26 =	sadd.s32 $0x10, s22  }
0x23c: {  	[tilespmem:s28], [sflag:$0x2] =	stream.linear.gather [hbm4b:s26+s19], $0x8, $0x38;
	[tilespmem:$0xC800] =	vst v63  }
0x23d: {  	s30 =	simm.s32 $0x550;
	s29 =	sadd.s32 $0x20, s22  }
0x23e: {  	[tilespmem:s30], [sflag:$0x2] =	stream.linear.gather [hbm4b:s29+s19], $0x8, $0x38;
	[tilespmem:$0xC800] =	vst v63  }
0x23f: {  	s21 =	sshll.u32 s21, $0x8;
	s24 =	sadd.s32 $0x30, s22;
	s25 =	simm.s32 $0x5D0  }
0x240: {  	[tilespmem:s25], [sflag:$0x2] =	stream.linear.gather [hbm4b:s24+s19], $0x8, $0x38;
	[tilespmem:$0xC800] =	vst v63  }
0x241: {  	s20 =	sor.u32 s20, s21;
	s26 =	sadd.s32 $0x40, s22;
	s28 =	simm.s32 $0x650  }
0x242: {  	[tilespmem:s28], [sflag:$0x2] =	stream.linear.gather [hbm4b:s26+s19], $0x8, $0x38;
	[tilespmem:$0xC800] =	vst v63  }
0x243: {  	s20 =	sshrl.u32 s20, $0x3;
	s22 =	sadd.s32 $0x50, s22;
	s29 =	simm.s32 $0x6D0  }
0x244: {  	[tilespmem:s29], [sflag:$0x2] =	stream.linear.gather [hbm4b:s22+s19], $0x8, $0x38;
	[tilespmem:$0xC800] =	vst v63  }
0x245: {  	s23 =	spop (v2sf);
	s20 =	sadd.s32 s2, s20;
	s30 =	simm.s32 $0x8450  }
0x246: {  	[tilespmem:s30], [sflag:$0x2] =	stream.linear.gather [hbm4b:s20+s19], $0x8, $0x38;
	[tilespmem:$0xC800] =	vst v63  }
0x247: {  	s21 =	sshrl.u32 s23, $0x7;
	s22 =	simm.s32 $0x84D0;
	s20 =	sadd.s32 $0x10, s20  }
0x248: {  	[tilespmem:s22], [sflag:$0x2] =	stream.linear.gather [hbm4b:s20+s19], $0x8, $0x38;
	[tilespmem:$0xC800] =	vst v63  }
0x249: {  	(v2sf) =	vpush v1, $0xC;
	s24 =	sshll.u32 s21, $0xA;
	s20 =	sand.u32 $0x78, s23  }
0x24a: {  	s22 =	sor.u32 s20, s24  }
0x24b: {  	s22 =	sshrl.u32 s22, $0x3  }
0x24c: {  	s25 =	simm.s32 $0x458;
	s22 =	sadd.s32 s1, s22  }
0x24d: {  	[tilespmem:s25], [sflag:$0x2] =	stream.linear.gather [hbm4b:s22+s19], $0x8, $0x38;
	[tilespmem:$0xC800] =	vst v63  }
0x24e: {  	s28 =	simm.s32 $0x4D8;
	s26 =	sadd.s32 $0x10, s22  }
0x24f: {  	[tilespmem:s28], [sflag:$0x2] =	stream.linear.gather [hbm4b:s26+s19], $0x8, $0x38;
	[tilespmem:$0xC800] =	vst v63  }
0x250: {  	s30 =	simm.s32 $0x558;
	s29 =	sadd.s32 $0x20, s22  }
0x251: {  	[tilespmem:s30], [sflag:$0x2] =	stream.linear.gather [hbm4b:s29+s19], $0x8, $0x38;
	[tilespmem:$0xC800] =	vst v63  }
0x252: {  	s21 =	sshll.u32 s21, $0x8;
	s24 =	sadd.s32 $0x30, s22;
	s25 =	simm.s32 $0x5D8  }
0x253: {  	[tilespmem:s25], [sflag:$0x2] =	stream.linear.gather [hbm4b:s24+s19], $0x8, $0x38;
	[tilespmem:$0xC800] =	vst v63  }
0x254: {  	s20 =	sor.u32 s20, s21;
	s26 =	sadd.s32 $0x40, s22;
	s28 =	simm.s32 $0x658  }
0x255: {  	[tilespmem:s28], [sflag:$0x2] =	stream.linear.gather [hbm4b:s26+s19], $0x8, $0x38;
	[tilespmem:$0xC800] =	vst v63  }
0x256: {  	s20 =	sshrl.u32 s20, $0x3;
	s22 =	sadd.s32 $0x50, s22;
	s29 =	simm.s32 $0x6D8  }
0x257: {  	[tilespmem:s29], [sflag:$0x2] =	stream.linear.gather [hbm4b:s22+s19], $0x8, $0x38;
	[tilespmem:$0xC800] =	vst v63  }
0x258: {  	s23 =	spop (v2sf);
	s20 =	sadd.s32 s2, s20;
	s30 =	simm.s32 $0x8458  }
0x259: {  	[tilespmem:s30], [sflag:$0x2] =	stream.linear.gather [hbm4b:s20+s19], $0x8, $0x38;
	[tilespmem:$0xC800] =	vst v63  }
0x25a: {  	s21 =	sshrl.u32 s23, $0x7;
	s22 =	simm.s32 $0x84D8;
	s20 =	sadd.s32 $0x10, s20  }
0x25b: {  	[tilespmem:s22], [sflag:$0x2] =	stream.linear.gather [hbm4b:s20+s19], $0x8, $0x38;
	[tilespmem:$0xC800] =	vst v63  }
0x25c: {  	(v2sf) =	vpush v1, $0xD;
	s24 =	sshll.u32 s21, $0xA;
	s20 =	sand.u32 $0x78, s23  }
0x25d: {  	s22 =	sor.u32 s20, s24  }
0x25e: {  	s22 =	sshrl.u32 s22, $0x3  }
0x25f: {  	s25 =	simm.s32 $0x460;
	s22 =	sadd.s32 s1, s22  }
0x260: {  	[tilespmem:s25], [sflag:$0x2] =	stream.linear.gather [hbm4b:s22+s19], $0x8, $0x38;
	[tilespmem:$0xC800] =	vst v63  }
0x261: {  	s28 =	simm.s32 $0x4E0;
	s26 =	sadd.s32 $0x10, s22  }
0x262: {  	[tilespmem:s28], [sflag:$0x2] =	stream.linear.gather [hbm4b:s26+s19], $0x8, $0x38;
	[tilespmem:$0xC800] =	vst v63  }
0x263: {  	s30 =	simm.s32 $0x560;
	s29 =	sadd.s32 $0x20, s22  }
0x264: {  	[tilespmem:s30], [sflag:$0x2] =	stream.linear.gather [hbm4b:s29+s19], $0x8, $0x38;
	[tilespmem:$0xC800] =	vst v63  }
0x265: {  	s21 =	sshll.u32 s21, $0x8;
	s24 =	sadd.s32 $0x30, s22;
	s25 =	simm.s32 $0x5E0  }
0x266: {  	[tilespmem:s25], [sflag:$0x2] =	stream.linear.gather [hbm4b:s24+s19], $0x8, $0x38;
	[tilespmem:$0xC800] =	vst v63  }
0x267: {  	s20 =	sor.u32 s20, s21;
	s26 =	sadd.s32 $0x40, s22;
	s28 =	simm.s32 $0x660  }
0x268: {  	[tilespmem:s28], [sflag:$0x2] =	stream.linear.gather [hbm4b:s26+s19], $0x8, $0x38;
	[tilespmem:$0xC800] =	vst v63  }
0x269: {  	s20 =	sshrl.u32 s20, $0x3;
	s22 =	sadd.s32 $0x50, s22;
	s29 =	simm.s32 $0x6E0  }
0x26a: {  	[tilespmem:s29], [sflag:$0x2] =	stream.linear.gather [hbm4b:s22+s19], $0x8, $0x38;
	[tilespmem:$0xC800] =	vst v63  }
0x26b: {  	s23 =	spop (v2sf);
	s20 =	sadd.s32 s2, s20;
	s30 =	simm.s32 $0x8460  }
0x26c: {  	[tilespmem:s30], [sflag:$0x2] =	stream.linear.gather [hbm4b:s20+s19], $0x8, $0x38;
	[tilespmem:$0xC800] =	vst v63  }
0x26d: {  	s21 =	sshrl.u32 s23, $0x7;
	s22 =	simm.s32 $0x84E0;
	s20 =	sadd.s32 $0x10, s20  }
0x26e: {  	[tilespmem:s22], [sflag:$0x2] =	stream.linear.gather [hbm4b:s20+s19], $0x8, $0x38;
	[tilespmem:$0xC800] =	vst v63  }
0x26f: {  	(v2sf) =	vpush v1, $0xE;
	s24 =	sshll.u32 s21, $0xA;
	s20 =	sand.u32 $0x78, s23  }
0x270: {  	s22 =	sor.u32 s20, s24  }
0x271: {  	s22 =	sshrl.u32 s22, $0x3  }
0x272: {  	s25 =	simm.s32 $0x468;
	s22 =	sadd.s32 s1, s22  }
0x273: {  	[tilespmem:s25], [sflag:$0x2] =	stream.linear.gather [hbm4b:s22+s19], $0x8, $0x38;
	[tilespmem:$0xC800] =	vst v63  }
0x274: {  	s28 =	simm.s32 $0x4E8;
	s26 =	sadd.s32 $0x10, s22  }
0x275: {  	[tilespmem:s28], [sflag:$0x2] =	stream.linear.gather [hbm4b:s26+s19], $0x8, $0x38;
	[tilespmem:$0xC800] =	vst v63  }
0x276: {  	s30 =	simm.s32 $0x568;
	s29 =	sadd.s32 $0x20, s22  }
0x277: {  	[tilespmem:s30], [sflag:$0x2] =	stream.linear.gather [hbm4b:s29+s19], $0x8, $0x38;
	[tilespmem:$0xC800] =	vst v63  }
0x278: {  	s21 =	sshll.u32 s21, $0x8;
	s24 =	sadd.s32 $0x30, s22;
	s25 =	simm.s32 $0x5E8  }
0x279: {  	[tilespmem:s25], [sflag:$0x2] =	stream.linear.gather [hbm4b:s24+s19], $0x8, $0x38;
	[tilespmem:$0xC800] =	vst v63  }
0x27a: {  	s20 =	sor.u32 s20, s21;
	s26 =	sadd.s32 $0x40, s22;
	s28 =	simm.s32 $0x668  }
0x27b: {  	[tilespmem:s28], [sflag:$0x2] =	stream.linear.gather [hbm4b:s26+s19], $0x8, $0x38;
	[tilespmem:$0xC800] =	vst v63  }
0x27c: {  	s20 =	sshrl.u32 s20, $0x3;
	s22 =	sadd.s32 $0x50, s22;
	s29 =	simm.s32 $0x6E8  }
0x27d: {  	[tilespmem:s29], [sflag:$0x2] =	stream.linear.gather [hbm4b:s22+s19], $0x8, $0x38;
	[tilespmem:$0xC800] =	vst v63  }
0x27e: {  	s23 =	spop (v2sf);
	s20 =	sadd.s32 s2, s20;
	s30 =	simm.s32 $0x8468  }
0x27f: {  	[tilespmem:s30], [sflag:$0x2] =	stream.linear.gather [hbm4b:s20+s19], $0x8, $0x38;
	[tilespmem:$0xC800] =	vst v63  }
0x280: {  	s21 =	sshrl.u32 s23, $0x7;
	s22 =	simm.s32 $0x84E8;
	s20 =	sadd.s32 $0x10, s20  }
0x281: {  	[tilespmem:s22], [sflag:$0x2] =	stream.linear.gather [hbm4b:s20+s19], $0x8, $0x38;
	[tilespmem:$0xC800] =	vst v63  }
0x282: {  	(v2sf) =	vpush v1, $0xF;
	s24 =	sshll.u32 s21, $0xA;
	s20 =	sand.u32 $0x78, s23  }
0x283: {  	s22 =	sor.u32 s20, s24  }
0x284: {  	s22 =	sshrl.u32 s22, $0x3  }
0x285: {  	s25 =	simm.s32 $0x470;
	s22 =	sadd.s32 s1, s22  }
0x286: {  	[tilespmem:s25], [sflag:$0x2] =	stream.linear.gather [hbm4b:s22+s19], $0x8, $0x38;
	[tilespmem:$0xC800] =	vst v63  }
0x287: {  	s28 =	simm.s32 $0x4F0;
	s26 =	sadd.s32 $0x10, s22  }
0x288: {  	[tilespmem:s28], [sflag:$0x2] =	stream.linear.gather [hbm4b:s26+s19], $0x8, $0x38;
	[tilespmem:$0xC800] =	vst v63  }
0x289: {  	s30 =	simm.s32 $0x570;
	s29 =	sadd.s32 $0x20, s22  }
0x28a: {  	[tilespmem:s30], [sflag:$0x2] =	stream.linear.gather [hbm4b:s29+s19], $0x8, $0x38;
	[tilespmem:$0xC800] =	vst v63  }
0x28b: {  	s21 =	sshll.u32 s21, $0x8;
	s25 =	sadd.s32 $0x30, s22;
	s26 =	simm.s32 $0x5F0  }
0x28c: {  	[tilespmem:s26], [sflag:$0x2] =	stream.linear.gather [hbm4b:s25+s19], $0x8, $0x38;
	[tilespmem:$0xC800] =	vst v63  }
0x28d: {  	s20 =	sor.u32 s20, s21;
	s28 =	sadd.s32 $0x40, s22;
	s29 =	simm.s32 $0x670  }
0x28e: {  	[tilespmem:s29], [sflag:$0x2] =	stream.linear.gather [hbm4b:s28+s19], $0x8, $0x38;
	[tilespmem:$0xC800] =	vst v63  }
0x28f: {  	s20 =	sshrl.u32 s20, $0x3;
	s22 =	sadd.s32 $0x50, s22;
	s30 =	simm.s32 $0x6F0  }
0x290: {  	[tilespmem:s30], [sflag:$0x2] =	stream.linear.gather [hbm4b:s22+s19], $0x8, $0x38;
	[tilespmem:$0xC800] =	vst v63  }
0x291: {  	s23 =	simm.s32 $0x8470;
	s20 =	sadd.s32 s2, s20;
	s25 =	spop (v2sf)  }
0x292: {  	[tilespmem:s23], [sflag:$0x2] =	stream.linear.gather [hbm4b:s20+s19], $0x8, $0x38;
	[tilespmem:$0xC800] =	vst v63  }
0x293: {  	s24 =	simm.s32 $0x84F0;
	s21 =	sshrl.u32 s25, $0x7;
	s20 =	sadd.s32 $0x10, s20  }
0x294: {  	[tilespmem:s24], [sflag:$0x2] =	stream.linear.gather [hbm4b:s20+s19], $0x8, $0x38;
	[tilespmem:$0xC800] =	vst v63  }
0x295: {  	s26 =	sshll.u32 s21, $0xA;
	s20 =	sand.u32 $0x78, s25  }
0x296: {  	s22 =	sor.u32 s20, s26  }
0x297: {  	s22 =	sshrl.u32 s22, $0x3  }
0x298: {  	s28 =	simm.s32 $0x478;
	s22 =	sadd.s32 s1, s22  }
0x299: {  	[tilespmem:s28], [sflag:$0x2] =	stream.linear.gather [hbm4b:s22+s19], $0x8, $0x38;
	[tilespmem:$0xC800] =	vst v63  }
0x29a: {  	s30 =	simm.s32 $0x4F8;
	s29 =	sadd.s32 $0x10, s22  }
0x29b: {  	[tilespmem:s30], [sflag:$0x2] =	stream.linear.gather [hbm4b:s29+s19], $0x8, $0x38;
	[tilespmem:$0xC800] =	vst v63  }
0x29c: {  	s25 =	simm.s32 $0x578;
	s24 =	sadd.s32 $0x20, s22  }
0x29d: {  	[tilespmem:s25], [sflag:$0x2] =	stream.linear.gather [hbm4b:s24+s19], $0x8, $0x38;
	[tilespmem:$0xC800] =	vst v63  }
0x29e: {  	s21 =	sshll.u32 s21, $0x8;
	s26 =	sadd.s32 $0x30, s22;
	s28 =	simm.s32 $0x5F8  }
0x29f: {  	[tilespmem:s28], [sflag:$0x2] =	stream.linear.gather [hbm4b:s26+s19], $0x8, $0x38;
	[tilespmem:$0xC800] =	vst v63  }
0x2a0: {  	s20 =	sor.u32 s20, s21;
	s29 =	sadd.s32 $0x40, s22;
	s30 =	simm.s32 $0x678  }
0x2a1: {  	[tilespmem:s30], [sflag:$0x2] =	stream.linear.gather [hbm4b:s29+s19], $0x8, $0x38;
	[tilespmem:$0xC800] =	vst v63  }
0x2a2: {  	s20 =	sshrl.u32 s20, $0x3;
	s22 =	sadd.s32 $0x50, s22  }
0x2a3: {  	[tilespmem:s31], [sflag:$0x2] =	stream.linear.gather [hbm4b:s22+s19], $0x8, $0x38;
	[tilespmem:$0xC800] =	vst v63  }
.Ltmp3:
0x2a4: {  	s20 =	sadd.s32 s2, s20;
	(pc) =	sbr.rel .LBB2_4-.Ltmp3, $4  }
0x2a5: {  	[tilespmem:s0], [sflag:$0x2] =	stream.linear.gather [hbm4b:s20+s19], $0x8, $0x38;
	[tilespmem:$0xC800] =	vst v63  }
0x2a6: {  	s23 =	simm.s32 $0x85F8;
	s20 =	sadd.s32 $0x10, s20  }
0x2a7: {  	[tilespmem:s3], [sflag:$0x2] =	stream.linear.gather [hbm4b:s20+s19], $0x8, $0x38;
	[tilespmem:$0xC800] =	vst v63  }
0x2a8: {  	s21 =	simm.s32 $0xFFFFFFF0;
	s22 =	simm.s32 $0x10;
	s20 =	simm.s32 $0x1F0  }
.LBB2_6:
0x2a9: {  	s19 =	sadd.s32 $0x1000, s19  }
0x2aa: {  	p0 =	sne.s32 s19, $0x1F000  }
.Ltmp4:
0x2ab: {  	_ = 	snop;
	(pc) =	sbr.rel @!p0 .LBB2_7-.Ltmp4, $3  }
0x2ac: {  	_ =	sdelay $0x1  }
0x2ad: {  	s20 =	sadd.s32 $0x10, s20  }
0x2ae: {  	s21 =	sadd.s32 $0x10, s21;
	s22 =	sadd.s32 $0x10, s22;
	s23 =	sadd.s32 $0x100, s23  }
.LBB2_4:
0x2af: {  	v1 =	vld [tilespmem:s22+$0x0];
	_ =	sdelay $0x4  }
0x2b0: {  	(v2sf) =	vpush v1, $0x0;
	_ =	sdelay $0xe  }
0x2b1: {  	s24 =	spop (v2sf)  }
0x2b2: {  	s25 =	sshrl.u32 s24, $0x7  }
0x2b3: {  	(v2sf) =	vpush v1, $0x1;
	s26 =	sand.u32 $0x78, s24;
	s29 =	sshll.u32 s25, $0xA  }
0x2b4: {  	s28 =	sor.u32 s26, s29  }
0x2b5: {  	s24 =	sshra.s32 s19, $0x2;
	s28 =	sshrl.u32 s28, $0x3  }
0x2b6: {  	s29 =	sadd.s32 $0x800, s24;
	s28 =	sadd.s32 s1, s28  }
0x2b7: {  	[tilespmem:s29], [sflag:$0x2] =	stream.linear.gather [hbm4b:s28+s4], $0x8, $0x38;
	[tilespmem:$0xC800] =	vst v63  }
0x2b8: {  	s30 =	sadd.s32 $0x880, s24;
	s29 =	sadd.s32 $0x10, s28  }
0x2b9: {  	[tilespmem:s30], [sflag:$0x2] =	stream.linear.gather [hbm4b:s29+s4], $0x8, $0x38;
	[tilespmem:$0xC800] =	vst v63  }
0x2ba: {  	s29 =	sadd.s32 $0x20, s28;
	s30 =	sadd.s32 $0x900, s24  }
0x2bb: {  	[tilespmem:s30], [sflag:$0x2] =	stream.linear.gather [hbm4b:s29+s4], $0x8, $0x38;
	[tilespmem:$0xC800] =	vst v63  }
0x2bc: {  	s25 =	sshll.u32 s25, $0x8;
	s29 =	sadd.s32 $0x30, s28;
	s30 =	sadd.s32 $0x980, s24  }
0x2bd: {  	[tilespmem:s30], [sflag:$0x2] =	stream.linear.gather [hbm4b:s29+s4], $0x8, $0x38;
	[tilespmem:$0xC800] =	vst v63  }
0x2be: {  	s25 =	sor.u32 s26, s25;
	s29 =	sadd.s32 $0x40, s28;
	s30 =	sadd.s32 $0xA00, s24  }
0x2bf: {  	[tilespmem:s30], [sflag:$0x2] =	stream.linear.gather [hbm4b:s29+s4], $0x8, $0x38;
	[tilespmem:$0xC800] =	vst v63  }
0x2c0: {  	s25 =	sshrl.u32 s25, $0x3;
	s28 =	sadd.s32 $0x50, s28;
	s30 =	sadd.s32 $0xA80, s24  }
0x2c1: {  	[tilespmem:s30], [sflag:$0x2] =	stream.linear.gather [hbm4b:s28+s4], $0x8, $0x38;
	[tilespmem:$0xC800] =	vst v63  }
0x2c2: {  	s25 =	sadd.s32 s2, s25;
	s29 =	sadd.s32 $0xFFFFFF08, s23;
	s28 =	spop (v2sf)  }
0x2c3: {  	[tilespmem:s29], [sflag:$0x2] =	stream.linear.gather [hbm4b:s25+s4], $0x8, $0x38;
	[tilespmem:$0xC800] =	vst v63  }
0x2c4: {  	s30 =	sadd.s32 $0xFFFFFF88, s23;
	s26 =	sshrl.u32 s28, $0x7;
	s25 =	sadd.s32 $0x10, s25  }
0x2c5: {  	[tilespmem:s30], [sflag:$0x2] =	stream.linear.gather [hbm4b:s25+s4], $0x8, $0x38;
	[tilespmem:$0xC800] =	vst v63  }
0x2c6: {  	(v2sf) =	vpush v1, $0x2;
	s29 =	sshll.u32 s26, $0xA;
	s25 =	sand.u32 $0x78, s28  }
0x2c7: {  	s28 =	sor.u32 s25, s29  }
0x2c8: {  	s28 =	sshrl.u32 s28, $0x3  }
0x2c9: {  	s30 =	sadd.s32 $0x808, s24;
	s28 =	sadd.s32 s1, s28  }
0x2ca: {  	[tilespmem:s30], [sflag:$0x2] =	stream.linear.gather [hbm4b:s28+s4], $0x8, $0x38;
	[tilespmem:$0xC800] =	vst v63  }
0x2cb: {  	s29 =	sadd.s32 $0x10, s28;
	s30 =	sadd.s32 $0x888, s24  }
0x2cc: {  	[tilespmem:s30], [sflag:$0x2] =	stream.linear.gather [hbm4b:s29+s4], $0x8, $0x38;
	[tilespmem:$0xC800] =	vst v63  }
0x2cd: {  	s29 =	sadd.s32 $0x20, s28;
	s30 =	sadd.s32 $0x908, s24  }
0x2ce: {  	[tilespmem:s30], [sflag:$0x2] =	stream.linear.gather [hbm4b:s29+s4], $0x8, $0x38;
	[tilespmem:$0xC800] =	vst v63  }
0x2cf: {  	s26 =	sshll.u32 s26, $0x8;
	s29 =	sadd.s32 $0x30, s28;
	s30 =	sadd.s32 $0x988, s24  }
0x2d0: {  	[tilespmem:s30], [sflag:$0x2] =	stream.linear.gather [hbm4b:s29+s4], $0x8, $0x38;
	[tilespmem:$0xC800] =	vst v63  }
0x2d1: {  	s25 =	sor.u32 s25, s26;
	s29 =	sadd.s32 $0x40, s28;
	s30 =	sadd.s32 $0xA08, s24  }
0x2d2: {  	[tilespmem:s30], [sflag:$0x2] =	stream.linear.gather [hbm4b:s29+s4], $0x8, $0x38;
	[tilespmem:$0xC800] =	vst v63  }
0x2d3: {  	s25 =	sshrl.u32 s25, $0x3;
	s28 =	sadd.s32 $0x50, s28;
	s30 =	sadd.s32 $0xA88, s24  }
0x2d4: {  	[tilespmem:s30], [sflag:$0x2] =	stream.linear.gather [hbm4b:s28+s4], $0x8, $0x38;
	[tilespmem:$0xC800] =	vst v63  }
0x2d5: {  	s25 =	sadd.s32 s2, s25;
	s29 =	sadd.s32 $0xFFFFFF10, s23;
	s28 =	spop (v2sf)  }
0x2d6: {  	[tilespmem:s29], [sflag:$0x2] =	stream.linear.gather [hbm4b:s25+s4], $0x8, $0x38;
	[tilespmem:$0xC800] =	vst v63  }
0x2d7: {  	s30 =	sadd.s32 $0xFFFFFF90, s23;
	s26 =	sshrl.u32 s28, $0x7;
	s25 =	sadd.s32 $0x10, s25  }
0x2d8: {  	[tilespmem:s30], [sflag:$0x2] =	stream.linear.gather [hbm4b:s25+s4], $0x8, $0x38;
	[tilespmem:$0xC800] =	vst v63  }
0x2d9: {  	(v2sf) =	vpush v1, $0x3;
	s29 =	sshll.u32 s26, $0xA;
	s25 =	sand.u32 $0x78, s28  }
0x2da: {  	s28 =	sor.u32 s25, s29  }
0x2db: {  	s28 =	sshrl.u32 s28, $0x3  }
0x2dc: {  	s30 =	sadd.s32 $0x810, s24;
	s28 =	sadd.s32 s1, s28  }
0x2dd: {  	[tilespmem:s30], [sflag:$0x2] =	stream.linear.gather [hbm4b:s28+s4], $0x8, $0x38;
	[tilespmem:$0xC800] =	vst v63  }
0x2de: {  	s29 =	sadd.s32 $0x10, s28;
	s30 =	sadd.s32 $0x890, s24  }
0x2df: {  	[tilespmem:s30], [sflag:$0x2] =	stream.linear.gather [hbm4b:s29+s4], $0x8, $0x38;
	[tilespmem:$0xC800] =	vst v63  }
0x2e0: {  	s29 =	sadd.s32 $0x20, s28;
	s30 =	sadd.s32 $0x910, s24  }
0x2e1: {  	[tilespmem:s30], [sflag:$0x2] =	stream.linear.gather [hbm4b:s29+s4], $0x8, $0x38;
	[tilespmem:$0xC800] =	vst v63  }
0x2e2: {  	s26 =	sshll.u32 s26, $0x8;
	s29 =	sadd.s32 $0x30, s28;
	s30 =	sadd.s32 $0x990, s24  }
0x2e3: {  	[tilespmem:s30], [sflag:$0x2] =	stream.linear.gather [hbm4b:s29+s4], $0x8, $0x38;
	[tilespmem:$0xC800] =	vst v63  }
0x2e4: {  	s25 =	sor.u32 s25, s26;
	s29 =	sadd.s32 $0x40, s28;
	s30 =	sadd.s32 $0xA10, s24  }
0x2e5: {  	[tilespmem:s30], [sflag:$0x2] =	stream.linear.gather [hbm4b:s29+s4], $0x8, $0x38;
	[tilespmem:$0xC800] =	vst v63  }
0x2e6: {  	s25 =	sshrl.u32 s25, $0x3;
	s28 =	sadd.s32 $0x50, s28;
	s30 =	sadd.s32 $0xA90, s24  }
0x2e7: {  	[tilespmem:s30], [sflag:$0x2] =	stream.linear.gather [hbm4b:s28+s4], $0x8, $0x38;
	[tilespmem:$0xC800] =	vst v63  }
0x2e8: {  	s25 =	sadd.s32 s2, s25;
	s29 =	sadd.s32 $0xFFFFFF18, s23;
	s28 =	spop (v2sf)  }
0x2e9: {  	[tilespmem:s29], [sflag:$0x2] =	stream.linear.gather [hbm4b:s25+s4], $0x8, $0x38;
	[tilespmem:$0xC800] =	vst v63  }
0x2ea: {  	s30 =	sadd.s32 $0xFFFFFF98, s23;
	s26 =	sshrl.u32 s28, $0x7;
	s25 =	sadd.s32 $0x10, s25  }
0x2eb: {  	[tilespmem:s30], [sflag:$0x2] =	stream.linear.gather [hbm4b:s25+s4], $0x8, $0x38;
	[tilespmem:$0xC800] =	vst v63  }
0x2ec: {  	(v2sf) =	vpush v1, $0x4;
	s29 =	sshll.u32 s26, $0xA;
	s25 =	sand.u32 $0x78, s28  }
0x2ed: {  	s28 =	sor.u32 s25, s29  }
0x2ee: {  	s28 =	sshrl.u32 s28, $0x3  }
0x2ef: {  	s30 =	sadd.s32 $0x818, s24;
	s28 =	sadd.s32 s1, s28  }
0x2f0: {  	[tilespmem:s30], [sflag:$0x2] =	stream.linear.gather [hbm4b:s28+s4], $0x8, $0x38;
	[tilespmem:$0xC800] =	vst v63  }
0x2f1: {  	s29 =	sadd.s32 $0x10, s28;
	s30 =	sadd.s32 $0x898, s24  }
0x2f2: {  	[tilespmem:s30], [sflag:$0x2] =	stream.linear.gather [hbm4b:s29+s4], $0x8, $0x38;
	[tilespmem:$0xC800] =	vst v63  }
0x2f3: {  	s29 =	sadd.s32 $0x20, s28;
	s30 =	sadd.s32 $0x918, s24  }
0x2f4: {  	[tilespmem:s30], [sflag:$0x2] =	stream.linear.gather [hbm4b:s29+s4], $0x8, $0x38;
	[tilespmem:$0xC800] =	vst v63  }
0x2f5: {  	s26 =	sshll.u32 s26, $0x8;
	s29 =	sadd.s32 $0x30, s28;
	s30 =	sadd.s32 $0x998, s24  }
0x2f6: {  	[tilespmem:s30], [sflag:$0x2] =	stream.linear.gather [hbm4b:s29+s4], $0x8, $0x38;
	[tilespmem:$0xC800] =	vst v63  }
0x2f7: {  	s25 =	sor.u32 s25, s26;
	s29 =	sadd.s32 $0x40, s28;
	s30 =	sadd.s32 $0xA18, s24  }
0x2f8: {  	[tilespmem:s30], [sflag:$0x2] =	stream.linear.gather [hbm4b:s29+s4], $0x8, $0x38;
	[tilespmem:$0xC800] =	vst v63  }
0x2f9: {  	s25 =	sshrl.u32 s25, $0x3;
	s28 =	sadd.s32 $0x50, s28;
	s30 =	sadd.s32 $0xA98, s24  }
0x2fa: {  	[tilespmem:s30], [sflag:$0x2] =	stream.linear.gather [hbm4b:s28+s4], $0x8, $0x38;
	[tilespmem:$0xC800] =	vst v63  }
0x2fb: {  	s25 =	sadd.s32 s2, s25;
	s29 =	sadd.s32 $0xFFFFFF20, s23;
	s28 =	spop (v2sf)  }
0x2fc: {  	[tilespmem:s29], [sflag:$0x2] =	stream.linear.gather [hbm4b:s25+s4], $0x8, $0x38;
	[tilespmem:$0xC800] =	vst v63  }
0x2fd: {  	s30 =	sadd.s32 $0xFFFFFFA0, s23;
	s26 =	sshrl.u32 s28, $0x7;
	s25 =	sadd.s32 $0x10, s25  }
0x2fe: {  	[tilespmem:s30], [sflag:$0x2] =	stream.linear.gather [hbm4b:s25+s4], $0x8, $0x38;
	[tilespmem:$0xC800] =	vst v63  }
0x2ff: {  	(v2sf) =	vpush v1, $0x5;
	s29 =	sshll.u32 s26, $0xA;
	s25 =	sand.u32 $0x78, s28  }
0x300: {  	s28 =	sor.u32 s25, s29  }
0x301: {  	s28 =	sshrl.u32 s28, $0x3  }
0x302: {  	s30 =	sadd.s32 $0x820, s24;
	s28 =	sadd.s32 s1, s28  }
0x303: {  	[tilespmem:s30], [sflag:$0x2] =	stream.linear.gather [hbm4b:s28+s4], $0x8, $0x38;
	[tilespmem:$0xC800] =	vst v63  }
0x304: {  	s29 =	sadd.s32 $0x10, s28;
	s30 =	sadd.s32 $0x8A0, s24  }
0x305: {  	[tilespmem:s30], [sflag:$0x2] =	stream.linear.gather [hbm4b:s29+s4], $0x8, $0x38;
	[tilespmem:$0xC800] =	vst v63  }
0x306: {  	s29 =	sadd.s32 $0x20, s28;
	s30 =	sadd.s32 $0x920, s24  }
0x307: {  	[tilespmem:s30], [sflag:$0x2] =	stream.linear.gather [hbm4b:s29+s4], $0x8, $0x38;
	[tilespmem:$0xC800] =	vst v63  }
0x308: {  	s26 =	sshll.u32 s26, $0x8;
	s29 =	sadd.s32 $0x30, s28;
	s30 =	sadd.s32 $0x9A0, s24  }
0x309: {  	[tilespmem:s30], [sflag:$0x2] =	stream.linear.gather [hbm4b:s29+s4], $0x8, $0x38;
	[tilespmem:$0xC800] =	vst v63  }
0x30a: {  	s25 =	sor.u32 s25, s26;
	s29 =	sadd.s32 $0x40, s28;
	s30 =	sadd.s32 $0xA20, s24  }
0x30b: {  	[tilespmem:s30], [sflag:$0x2] =	stream.linear.gather [hbm4b:s29+s4], $0x8, $0x38;
	[tilespmem:$0xC800] =	vst v63  }
0x30c: {  	s25 =	sshrl.u32 s25, $0x3;
	s28 =	sadd.s32 $0x50, s28;
	s30 =	sadd.s32 $0xAA0, s24  }
0x30d: {  	[tilespmem:s30], [sflag:$0x2] =	stream.linear.gather [hbm4b:s28+s4], $0x8, $0x38;
	[tilespmem:$0xC800] =	vst v63  }
0x30e: {  	s25 =	sadd.s32 s2, s25;
	s29 =	sadd.s32 $0xFFFFFF28, s23;
	s28 =	spop (v2sf)  }
0x30f: {  	[tilespmem:s29], [sflag:$0x2] =	stream.linear.gather [hbm4b:s25+s4], $0x8, $0x38;
	[tilespmem:$0xC800] =	vst v63  }
0x310: {  	s30 =	sadd.s32 $0xFFFFFFA8, s23;
	s26 =	sshrl.u32 s28, $0x7;
	s25 =	sadd.s32 $0x10, s25  }
0x311: {  	[tilespmem:s30], [sflag:$0x2] =	stream.linear.gather [hbm4b:s25+s4], $0x8, $0x38;
	[tilespmem:$0xC800] =	vst v63  }
0x312: {  	(v2sf) =	vpush v1, $0x6;
	s29 =	sshll.u32 s26, $0xA;
	s25 =	sand.u32 $0x78, s28  }
0x313: {  	s28 =	sor.u32 s25, s29  }
0x314: {  	s28 =	sshrl.u32 s28, $0x3  }
0x315: {  	s30 =	sadd.s32 $0x828, s24;
	s28 =	sadd.s32 s1, s28  }
0x316: {  	[tilespmem:s30], [sflag:$0x2] =	stream.linear.gather [hbm4b:s28+s4], $0x8, $0x38;
	[tilespmem:$0xC800] =	vst v63  }
0x317: {  	s29 =	sadd.s32 $0x10, s28;
	s30 =	sadd.s32 $0x8A8, s24  }
0x318: {  	[tilespmem:s30], [sflag:$0x2] =	stream.linear.gather [hbm4b:s29+s4], $0x8, $0x38;
	[tilespmem:$0xC800] =	vst v63  }
0x319: {  	s29 =	sadd.s32 $0x20, s28;
	s30 =	sadd.s32 $0x928, s24  }
0x31a: {  	[tilespmem:s30], [sflag:$0x2] =	stream.linear.gather [hbm4b:s29+s4], $0x8, $0x38;
	[tilespmem:$0xC800] =	vst v63  }
0x31b: {  	s26 =	sshll.u32 s26, $0x8;
	s29 =	sadd.s32 $0x30, s28;
	s30 =	sadd.s32 $0x9A8, s24  }
0x31c: {  	[tilespmem:s30], [sflag:$0x2] =	stream.linear.gather [hbm4b:s29+s4], $0x8, $0x38;
	[tilespmem:$0xC800] =	vst v63  }
0x31d: {  	s25 =	sor.u32 s25, s26;
	s29 =	sadd.s32 $0x40, s28;
	s30 =	sadd.s32 $0xA28, s24  }
0x31e: {  	[tilespmem:s30], [sflag:$0x2] =	stream.linear.gather [hbm4b:s29+s4], $0x8, $0x38;
	[tilespmem:$0xC800] =	vst v63  }
0x31f: {  	s25 =	sshrl.u32 s25, $0x3;
	s28 =	sadd.s32 $0x50, s28;
	s30 =	sadd.s32 $0xAA8, s24  }
0x320: {  	[tilespmem:s30], [sflag:$0x2] =	stream.linear.gather [hbm4b:s28+s4], $0x8, $0x38;
	[tilespmem:$0xC800] =	vst v63  }
0x321: {  	s25 =	sadd.s32 s2, s25;
	s29 =	sadd.s32 $0xFFFFFF30, s23;
	s28 =	spop (v2sf)  }
0x322: {  	[tilespmem:s29], [sflag:$0x2] =	stream.linear.gather [hbm4b:s25+s4], $0x8, $0x38;
	[tilespmem:$0xC800] =	vst v63  }
0x323: {  	s30 =	sadd.s32 $0xFFFFFFB0, s23;
	s26 =	sshrl.u32 s28, $0x7;
	s25 =	sadd.s32 $0x10, s25  }
0x324: {  	[tilespmem:s30], [sflag:$0x2] =	stream.linear.gather [hbm4b:s25+s4], $0x8, $0x38;
	[tilespmem:$0xC800] =	vst v63  }
0x325: {  	(v2sf) =	vpush v1, $0x7;
	s29 =	sshll.u32 s26, $0xA;
	s25 =	sand.u32 $0x78, s28  }
0x326: {  	s28 =	sor.u32 s25, s29  }
0x327: {  	s28 =	sshrl.u32 s28, $0x3  }
0x328: {  	s30 =	sadd.s32 $0x830, s24;
	s28 =	sadd.s32 s1, s28  }
0x329: {  	[tilespmem:s30], [sflag:$0x2] =	stream.linear.gather [hbm4b:s28+s4], $0x8, $0x38;
	[tilespmem:$0xC800] =	vst v63  }
0x32a: {  	s29 =	sadd.s32 $0x10, s28;
	s30 =	sadd.s32 $0x8B0, s24  }
0x32b: {  	[tilespmem:s30], [sflag:$0x2] =	stream.linear.gather [hbm4b:s29+s4], $0x8, $0x38;
	[tilespmem:$0xC800] =	vst v63  }
0x32c: {  	s29 =	sadd.s32 $0x20, s28;
	s30 =	sadd.s32 $0x930, s24  }
0x32d: {  	[tilespmem:s30], [sflag:$0x2] =	stream.linear.gather [hbm4b:s29+s4], $0x8, $0x38;
	[tilespmem:$0xC800] =	vst v63  }
0x32e: {  	s26 =	sshll.u32 s26, $0x8;
	s29 =	sadd.s32 $0x30, s28;
	s30 =	sadd.s32 $0x9B0, s24  }
0x32f: {  	[tilespmem:s30], [sflag:$0x2] =	stream.linear.gather [hbm4b:s29+s4], $0x8, $0x38;
	[tilespmem:$0xC800] =	vst v63  }
0x330: {  	s25 =	sor.u32 s25, s26;
	s29 =	sadd.s32 $0x40, s28;
	s30 =	sadd.s32 $0xA30, s24  }
0x331: {  	[tilespmem:s30], [sflag:$0x2] =	stream.linear.gather [hbm4b:s29+s4], $0x8, $0x38;
	[tilespmem:$0xC800] =	vst v63  }
0x332: {  	s25 =	sshrl.u32 s25, $0x3;
	s28 =	sadd.s32 $0x50, s28;
	s30 =	sadd.s32 $0xAB0, s24  }
0x333: {  	[tilespmem:s30], [sflag:$0x2] =	stream.linear.gather [hbm4b:s28+s4], $0x8, $0x38;
	[tilespmem:$0xC800] =	vst v63  }
0x334: {  	s25 =	sadd.s32 s2, s25;
	s29 =	sadd.s32 $0xFFFFFF38, s23;
	s28 =	spop (v2sf)  }
0x335: {  	[tilespmem:s29], [sflag:$0x2] =	stream.linear.gather [hbm4b:s25+s4], $0x8, $0x38;
	[tilespmem:$0xC800] =	vst v63  }
0x336: {  	s30 =	sadd.s32 $0xFFFFFFB8, s23;
	s26 =	sshrl.u32 s28, $0x7;
	s25 =	sadd.s32 $0x10, s25  }
0x337: {  	[tilespmem:s30], [sflag:$0x2] =	stream.linear.gather [hbm4b:s25+s4], $0x8, $0x38;
	[tilespmem:$0xC800] =	vst v63  }
0x338: {  	(v2sf) =	vpush v1, $0x8;
	s29 =	sshll.u32 s26, $0xA;
	s25 =	sand.u32 $0x78, s28  }
0x339: {  	s28 =	sor.u32 s25, s29  }
0x33a: {  	s28 =	sshrl.u32 s28, $0x3  }
0x33b: {  	s30 =	sadd.s32 $0x838, s24;
	s28 =	sadd.s32 s1, s28  }
0x33c: {  	[tilespmem:s30], [sflag:$0x2] =	stream.linear.gather [hbm4b:s28+s4], $0x8, $0x38;
	[tilespmem:$0xC800] =	vst v63  }
0x33d: {  	s29 =	sadd.s32 $0x10, s28;
	s30 =	sadd.s32 $0x8B8, s24  }
0x33e: {  	[tilespmem:s30], [sflag:$0x2] =	stream.linear.gather [hbm4b:s29+s4], $0x8, $0x38;
	[tilespmem:$0xC800] =	vst v63  }
0x33f: {  	s29 =	sadd.s32 $0x20, s28;
	s30 =	sadd.s32 $0x938, s24  }
0x340: {  	[tilespmem:s30], [sflag:$0x2] =	stream.linear.gather [hbm4b:s29+s4], $0x8, $0x38;
	[tilespmem:$0xC800] =	vst v63  }
0x341: {  	s26 =	sshll.u32 s26, $0x8;
	s29 =	sadd.s32 $0x30, s28;
	s30 =	sadd.s32 $0x9B8, s24  }
0x342: {  	[tilespmem:s30], [sflag:$0x2] =	stream.linear.gather [hbm4b:s29+s4], $0x8, $0x38;
	[tilespmem:$0xC800] =	vst v63  }
0x343: {  	s25 =	sor.u32 s25, s26;
	s29 =	sadd.s32 $0x40, s28;
	s30 =	sadd.s32 $0xA38, s24  }
0x344: {  	[tilespmem:s30], [sflag:$0x2] =	stream.linear.gather [hbm4b:s29+s4], $0x8, $0x38;
	[tilespmem:$0xC800] =	vst v63  }
0x345: {  	s25 =	sshrl.u32 s25, $0x3;
	s28 =	sadd.s32 $0x50, s28;
	s30 =	sadd.s32 $0xAB8, s24  }
0x346: {  	[tilespmem:s30], [sflag:$0x2] =	stream.linear.gather [hbm4b:s28+s4], $0x8, $0x38;
	[tilespmem:$0xC800] =	vst v63  }
0x347: {  	s25 =	sadd.s32 s2, s25;
	s29 =	sadd.s32 $0xFFFFFF40, s23;
	s28 =	spop (v2sf)  }
0x348: {  	[tilespmem:s29], [sflag:$0x2] =	stream.linear.gather [hbm4b:s25+s4], $0x8, $0x38;
	[tilespmem:$0xC800] =	vst v63  }
0x349: {  	s30 =	sadd.s32 $0xFFFFFFC0, s23;
	s26 =	sshrl.u32 s28, $0x7;
	s25 =	sadd.s32 $0x10, s25  }
0x34a: {  	[tilespmem:s30], [sflag:$0x2] =	stream.linear.gather [hbm4b:s25+s4], $0x8, $0x38;
	[tilespmem:$0xC800] =	vst v63  }
0x34b: {  	(v2sf) =	vpush v1, $0x9;
	s29 =	sshll.u32 s26, $0xA;
	s25 =	sand.u32 $0x78, s28  }
0x34c: {  	s28 =	sor.u32 s25, s29  }
0x34d: {  	s28 =	sshrl.u32 s28, $0x3  }
0x34e: {  	s30 =	sadd.s32 $0x840, s24;
	s28 =	sadd.s32 s1, s28  }
0x34f: {  	[tilespmem:s30], [sflag:$0x2] =	stream.linear.gather [hbm4b:s28+s4], $0x8, $0x38;
	[tilespmem:$0xC800] =	vst v63  }
0x350: {  	s29 =	sadd.s32 $0x10, s28;
	s30 =	sadd.s32 $0x8C0, s24  }
0x351: {  	[tilespmem:s30], [sflag:$0x2] =	stream.linear.gather [hbm4b:s29+s4], $0x8, $0x38;
	[tilespmem:$0xC800] =	vst v63  }
0x352: {  	s29 =	sadd.s32 $0x20, s28;
	s30 =	sadd.s32 $0x940, s24  }
0x353: {  	[tilespmem:s30], [sflag:$0x2] =	stream.linear.gather [hbm4b:s29+s4], $0x8, $0x38;
	[tilespmem:$0xC800] =	vst v63  }
0x354: {  	s26 =	sshll.u32 s26, $0x8;
	s29 =	sadd.s32 $0x30, s28;
	s30 =	sadd.s32 $0x9C0, s24  }
0x355: {  	[tilespmem:s30], [sflag:$0x2] =	stream.linear.gather [hbm4b:s29+s4], $0x8, $0x38;
	[tilespmem:$0xC800] =	vst v63  }
0x356: {  	s25 =	sor.u32 s25, s26;
	s29 =	sadd.s32 $0x40, s28;
	s30 =	sadd.s32 $0xA40, s24  }
0x357: {  	[tilespmem:s30], [sflag:$0x2] =	stream.linear.gather [hbm4b:s29+s4], $0x8, $0x38;
	[tilespmem:$0xC800] =	vst v63  }
0x358: {  	s25 =	sshrl.u32 s25, $0x3;
	s28 =	sadd.s32 $0x50, s28;
	s30 =	sadd.s32 $0xAC0, s24  }
0x359: {  	[tilespmem:s30], [sflag:$0x2] =	stream.linear.gather [hbm4b:s28+s4], $0x8, $0x38;
	[tilespmem:$0xC800] =	vst v63  }
0x35a: {  	s25 =	sadd.s32 s2, s25;
	s29 =	sadd.s32 $0xFFFFFF48, s23;
	s28 =	spop (v2sf)  }
0x35b: {  	[tilespmem:s29], [sflag:$0x2] =	stream.linear.gather [hbm4b:s25+s4], $0x8, $0x38;
	[tilespmem:$0xC800] =	vst v63  }
0x35c: {  	s30 =	sadd.s32 $0xFFFFFFC8, s23;
	s26 =	sshrl.u32 s28, $0x7;
	s25 =	sadd.s32 $0x10, s25  }
0x35d: {  	[tilespmem:s30], [sflag:$0x2] =	stream.linear.gather [hbm4b:s25+s4], $0x8, $0x38;
	[tilespmem:$0xC800] =	vst v63  }
0x35e: {  	(v2sf) =	vpush v1, $0xA;
	s29 =	sshll.u32 s26, $0xA;
	s25 =	sand.u32 $0x78, s28  }
0x35f: {  	s28 =	sor.u32 s25, s29  }
0x360: {  	s28 =	sshrl.u32 s28, $0x3  }
0x361: {  	s30 =	sadd.s32 $0x848, s24;
	s28 =	sadd.s32 s1, s28  }
0x362: {  	[tilespmem:s30], [sflag:$0x2] =	stream.linear.gather [hbm4b:s28+s4], $0x8, $0x38;
	[tilespmem:$0xC800] =	vst v63  }
0x363: {  	s29 =	sadd.s32 $0x10, s28;
	s30 =	sadd.s32 $0x8C8, s24  }
0x364: {  	[tilespmem:s30], [sflag:$0x2] =	stream.linear.gather [hbm4b:s29+s4], $0x8, $0x38;
	[tilespmem:$0xC800] =	vst v63  }
0x365: {  	s29 =	sadd.s32 $0x20, s28;
	s30 =	sadd.s32 $0x948, s24  }
0x366: {  	[tilespmem:s30], [sflag:$0x2] =	stream.linear.gather [hbm4b:s29+s4], $0x8, $0x38;
	[tilespmem:$0xC800] =	vst v63  }
0x367: {  	s26 =	sshll.u32 s26, $0x8;
	s29 =	sadd.s32 $0x30, s28;
	s30 =	sadd.s32 $0x9C8, s24  }
0x368: {  	[tilespmem:s30], [sflag:$0x2] =	stream.linear.gather [hbm4b:s29+s4], $0x8, $0x38;
	[tilespmem:$0xC800] =	vst v63  }
0x369: {  	s25 =	sor.u32 s25, s26;
	s29 =	sadd.s32 $0x40, s28;
	s30 =	sadd.s32 $0xA48, s24  }
0x36a: {  	[tilespmem:s30], [sflag:$0x2] =	stream.linear.gather [hbm4b:s29+s4], $0x8, $0x38;
	[tilespmem:$0xC800] =	vst v63  }
0x36b: {  	s25 =	sshrl.u32 s25, $0x3;
	s28 =	sadd.s32 $0x50, s28;
	s30 =	sadd.s32 $0xAC8, s24  }
0x36c: {  	[tilespmem:s30], [sflag:$0x2] =	stream.linear.gather [hbm4b:s28+s4], $0x8, $0x38;
	[tilespmem:$0xC800] =	vst v63  }
0x36d: {  	s25 =	sadd.s32 s2, s25;
	s29 =	sadd.s32 $0xFFFFFF50, s23;
	s28 =	spop (v2sf)  }
0x36e: {  	[tilespmem:s29], [sflag:$0x2] =	stream.linear.gather [hbm4b:s25+s4], $0x8, $0x38;
	[tilespmem:$0xC800] =	vst v63  }
0x36f: {  	s30 =	sadd.s32 $0xFFFFFFD0, s23;
	s26 =	sshrl.u32 s28, $0x7;
	s25 =	sadd.s32 $0x10, s25  }
0x370: {  	[tilespmem:s30], [sflag:$0x2] =	stream.linear.gather [hbm4b:s25+s4], $0x8, $0x38;
	[tilespmem:$0xC800] =	vst v63  }
0x371: {  	(v2sf) =	vpush v1, $0xB;
	s29 =	sshll.u32 s26, $0xA;
	s25 =	sand.u32 $0x78, s28  }
0x372: {  	s28 =	sor.u32 s25, s29  }
0x373: {  	s28 =	sshrl.u32 s28, $0x3  }
0x374: {  	s30 =	sadd.s32 $0x850, s24;
	s28 =	sadd.s32 s1, s28  }
0x375: {  	[tilespmem:s30], [sflag:$0x2] =	stream.linear.gather [hbm4b:s28+s4], $0x8, $0x38;
	[tilespmem:$0xC800] =	vst v63  }
0x376: {  	s29 =	sadd.s32 $0x10, s28;
	s30 =	sadd.s32 $0x8D0, s24  }
0x377: {  	[tilespmem:s30], [sflag:$0x2] =	stream.linear.gather [hbm4b:s29+s4], $0x8, $0x38;
	[tilespmem:$0xC800] =	vst v63  }
0x378: {  	s29 =	sadd.s32 $0x20, s28;
	s30 =	sadd.s32 $0x950, s24  }
0x379: {  	[tilespmem:s30], [sflag:$0x2] =	stream.linear.gather [hbm4b:s29+s4], $0x8, $0x38;
	[tilespmem:$0xC800] =	vst v63  }
0x37a: {  	s26 =	sshll.u32 s26, $0x8;
	s29 =	sadd.s32 $0x30, s28;
	s30 =	sadd.s32 $0x9D0, s24  }
0x37b: {  	[tilespmem:s30], [sflag:$0x2] =	stream.linear.gather [hbm4b:s29+s4], $0x8, $0x38;
	[tilespmem:$0xC800] =	vst v63  }
0x37c: {  	s25 =	sor.u32 s25, s26;
	s29 =	sadd.s32 $0x40, s28;
	s30 =	sadd.s32 $0xA50, s24  }
0x37d: {  	[tilespmem:s30], [sflag:$0x2] =	stream.linear.gather [hbm4b:s29+s4], $0x8, $0x38;
	[tilespmem:$0xC800] =	vst v63  }
0x37e: {  	s25 =	sshrl.u32 s25, $0x3;
	s28 =	sadd.s32 $0x50, s28;
	s30 =	sadd.s32 $0xAD0, s24  }
0x37f: {  	[tilespmem:s30], [sflag:$0x2] =	stream.linear.gather [hbm4b:s28+s4], $0x8, $0x38;
	[tilespmem:$0xC800] =	vst v63  }
0x380: {  	s25 =	sadd.s32 s2, s25;
	s29 =	sadd.s32 $0xFFFFFF58, s23;
	s28 =	spop (v2sf)  }
0x381: {  	[tilespmem:s29], [sflag:$0x2] =	stream.linear.gather [hbm4b:s25+s4], $0x8, $0x38;
	[tilespmem:$0xC800] =	vst v63  }
0x382: {  	s30 =	sadd.s32 $0xFFFFFFD8, s23;
	s26 =	sshrl.u32 s28, $0x7;
	s25 =	sadd.s32 $0x10, s25  }
0x383: {  	[tilespmem:s30], [sflag:$0x2] =	stream.linear.gather [hbm4b:s25+s4], $0x8, $0x38;
	[tilespmem:$0xC800] =	vst v63  }
0x384: {  	(v2sf) =	vpush v1, $0xC;
	s29 =	sshll.u32 s26, $0xA;
	s25 =	sand.u32 $0x78, s28  }
0x385: {  	s28 =	sor.u32 s25, s29  }
0x386: {  	s28 =	sshrl.u32 s28, $0x3  }
0x387: {  	s30 =	sadd.s32 $0x858, s24;
	s28 =	sadd.s32 s1, s28  }
0x388: {  	[tilespmem:s30], [sflag:$0x2] =	stream.linear.gather [hbm4b:s28+s4], $0x8, $0x38;
	[tilespmem:$0xC800] =	vst v63  }
0x389: {  	s29 =	sadd.s32 $0x10, s28;
	s30 =	sadd.s32 $0x8D8, s24  }
0x38a: {  	[tilespmem:s30], [sflag:$0x2] =	stream.linear.gather [hbm4b:s29+s4], $0x8, $0x38;
	[tilespmem:$0xC800] =	vst v63  }
0x38b: {  	s29 =	sadd.s32 $0x20, s28;
	s30 =	sadd.s32 $0x958, s24  }
0x38c: {  	[tilespmem:s30], [sflag:$0x2] =	stream.linear.gather [hbm4b:s29+s4], $0x8, $0x38;
	[tilespmem:$0xC800] =	vst v63  }
0x38d: {  	s26 =	sshll.u32 s26, $0x8;
	s29 =	sadd.s32 $0x30, s28;
	s30 =	sadd.s32 $0x9D8, s24  }
0x38e: {  	[tilespmem:s30], [sflag:$0x2] =	stream.linear.gather [hbm4b:s29+s4], $0x8, $0x38;
	[tilespmem:$0xC800] =	vst v63  }
0x38f: {  	s25 =	sor.u32 s25, s26;
	s29 =	sadd.s32 $0x40, s28;
	s30 =	sadd.s32 $0xA58, s24  }
0x390: {  	[tilespmem:s30], [sflag:$0x2] =	stream.linear.gather [hbm4b:s29+s4], $0x8, $0x38;
	[tilespmem:$0xC800] =	vst v63  }
0x391: {  	s25 =	sshrl.u32 s25, $0x3;
	s28 =	sadd.s32 $0x50, s28;
	s30 =	sadd.s32 $0xAD8, s24  }
0x392: {  	[tilespmem:s30], [sflag:$0x2] =	stream.linear.gather [hbm4b:s28+s4], $0x8, $0x38;
	[tilespmem:$0xC800] =	vst v63  }
0x393: {  	s25 =	sadd.s32 s2, s25;
	s29 =	sadd.s32 $0xFFFFFF60, s23;
	s28 =	spop (v2sf)  }
0x394: {  	[tilespmem:s29], [sflag:$0x2] =	stream.linear.gather [hbm4b:s25+s4], $0x8, $0x38;
	[tilespmem:$0xC800] =	vst v63  }
0x395: {  	s30 =	sadd.s32 $0xFFFFFFE0, s23;
	s26 =	sshrl.u32 s28, $0x7;
	s25 =	sadd.s32 $0x10, s25  }
0x396: {  	[tilespmem:s30], [sflag:$0x2] =	stream.linear.gather [hbm4b:s25+s4], $0x8, $0x38;
	[tilespmem:$0xC800] =	vst v63  }
0x397: {  	(v2sf) =	vpush v1, $0xD;
	s29 =	sshll.u32 s26, $0xA;
	s25 =	sand.u32 $0x78, s28  }
0x398: {  	s28 =	sor.u32 s25, s29  }
0x399: {  	s28 =	sshrl.u32 s28, $0x3  }
0x39a: {  	s30 =	sadd.s32 $0x860, s24;
	s28 =	sadd.s32 s1, s28  }
0x39b: {  	[tilespmem:s30], [sflag:$0x2] =	stream.linear.gather [hbm4b:s28+s4], $0x8, $0x38;
	[tilespmem:$0xC800] =	vst v63  }
0x39c: {  	s29 =	sadd.s32 $0x10, s28;
	s30 =	sadd.s32 $0x8E0, s24  }
0x39d: {  	[tilespmem:s30], [sflag:$0x2] =	stream.linear.gather [hbm4b:s29+s4], $0x8, $0x38;
	[tilespmem:$0xC800] =	vst v63  }
0x39e: {  	s29 =	sadd.s32 $0x20, s28;
	s30 =	sadd.s32 $0x960, s24  }
0x39f: {  	[tilespmem:s30], [sflag:$0x2] =	stream.linear.gather [hbm4b:s29+s4], $0x8, $0x38;
	[tilespmem:$0xC800] =	vst v63  }
0x3a0: {  	s26 =	sshll.u32 s26, $0x8;
	s29 =	sadd.s32 $0x30, s28;
	s30 =	sadd.s32 $0x9E0, s24  }
0x3a1: {  	[tilespmem:s30], [sflag:$0x2] =	stream.linear.gather [hbm4b:s29+s4], $0x8, $0x38;
	[tilespmem:$0xC800] =	vst v63  }
0x3a2: {  	s25 =	sor.u32 s25, s26;
	s29 =	sadd.s32 $0x40, s28;
	s30 =	sadd.s32 $0xA60, s24  }
0x3a3: {  	[tilespmem:s30], [sflag:$0x2] =	stream.linear.gather [hbm4b:s29+s4], $0x8, $0x38;
	[tilespmem:$0xC800] =	vst v63  }
0x3a4: {  	s25 =	sshrl.u32 s25, $0x3;
	s28 =	sadd.s32 $0x50, s28;
	s30 =	sadd.s32 $0xAE0, s24  }
0x3a5: {  	[tilespmem:s30], [sflag:$0x2] =	stream.linear.gather [hbm4b:s28+s4], $0x8, $0x38;
	[tilespmem:$0xC800] =	vst v63  }
0x3a6: {  	s25 =	sadd.s32 s2, s25;
	s29 =	sadd.s32 $0xFFFFFF68, s23;
	s28 =	spop (v2sf)  }
0x3a7: {  	[tilespmem:s29], [sflag:$0x2] =	stream.linear.gather [hbm4b:s25+s4], $0x8, $0x38;
	[tilespmem:$0xC800] =	vst v63  }
0x3a8: {  	s30 =	sadd.s32 $0xFFFFFFE8, s23;
	s26 =	sshrl.u32 s28, $0x7;
	s25 =	sadd.s32 $0x10, s25  }
0x3a9: {  	[tilespmem:s30], [sflag:$0x2] =	stream.linear.gather [hbm4b:s25+s4], $0x8, $0x38;
	[tilespmem:$0xC800] =	vst v63  }
0x3aa: {  	(v2sf) =	vpush v1, $0xE;
	s29 =	sshll.u32 s26, $0xA;
	s25 =	sand.u32 $0x78, s28  }
0x3ab: {  	s28 =	sor.u32 s25, s29  }
0x3ac: {  	s28 =	sshrl.u32 s28, $0x3  }
0x3ad: {  	s30 =	sadd.s32 $0x868, s24;
	s28 =	sadd.s32 s1, s28  }
0x3ae: {  	[tilespmem:s30], [sflag:$0x2] =	stream.linear.gather [hbm4b:s28+s4], $0x8, $0x38;
	[tilespmem:$0xC800] =	vst v63  }
0x3af: {  	s29 =	sadd.s32 $0x10, s28;
	s30 =	sadd.s32 $0x8E8, s24  }
0x3b0: {  	[tilespmem:s30], [sflag:$0x2] =	stream.linear.gather [hbm4b:s29+s4], $0x8, $0x38;
	[tilespmem:$0xC800] =	vst v63  }
0x3b1: {  	s29 =	sadd.s32 $0x20, s28;
	s30 =	sadd.s32 $0x968, s24  }
0x3b2: {  	[tilespmem:s30], [sflag:$0x2] =	stream.linear.gather [hbm4b:s29+s4], $0x8, $0x38;
	[tilespmem:$0xC800] =	vst v63  }
0x3b3: {  	s26 =	sshll.u32 s26, $0x8;
	s29 =	sadd.s32 $0x30, s28;
	s30 =	sadd.s32 $0x9E8, s24  }
0x3b4: {  	[tilespmem:s30], [sflag:$0x2] =	stream.linear.gather [hbm4b:s29+s4], $0x8, $0x38;
	[tilespmem:$0xC800] =	vst v63  }
0x3b5: {  	s25 =	sor.u32 s25, s26;
	s29 =	sadd.s32 $0x40, s28;
	s30 =	sadd.s32 $0xA68, s24  }
0x3b6: {  	[tilespmem:s30], [sflag:$0x2] =	stream.linear.gather [hbm4b:s29+s4], $0x8, $0x38;
	[tilespmem:$0xC800] =	vst v63  }
0x3b7: {  	s25 =	sshrl.u32 s25, $0x3;
	s28 =	sadd.s32 $0x50, s28;
	s30 =	sadd.s32 $0xAE8, s24  }
0x3b8: {  	[tilespmem:s30], [sflag:$0x2] =	stream.linear.gather [hbm4b:s28+s4], $0x8, $0x38;
	[tilespmem:$0xC800] =	vst v63  }
0x3b9: {  	s25 =	sadd.s32 s2, s25;
	s29 =	sadd.s32 $0xFFFFFF70, s23;
	s28 =	spop (v2sf)  }
0x3ba: {  	[tilespmem:s29], [sflag:$0x2] =	stream.linear.gather [hbm4b:s25+s4], $0x8, $0x38;
	[tilespmem:$0xC800] =	vst v63  }
0x3bb: {  	s30 =	sadd.s32 $0xFFFFFFF0, s23;
	s26 =	sshrl.u32 s28, $0x7;
	s25 =	sadd.s32 $0x10, s25  }
0x3bc: {  	[tilespmem:s30], [sflag:$0x2] =	stream.linear.gather [hbm4b:s25+s4], $0x8, $0x38;
	[tilespmem:$0xC800] =	vst v63  }
0x3bd: {  	(v2sf) =	vpush v1, $0xF;
	s29 =	sshll.u32 s26, $0xA;
	s25 =	sand.u32 $0x78, s28  }
0x3be: {  	s28 =	sor.u32 s25, s29  }
0x3bf: {  	s28 =	sshrl.u32 s28, $0x3  }
0x3c0: {  	s30 =	sadd.s32 $0x870, s24;
	s28 =	sadd.s32 s1, s28  }
0x3c1: {  	[tilespmem:s30], [sflag:$0x2] =	stream.linear.gather [hbm4b:s28+s4], $0x8, $0x38;
	[tilespmem:$0xC800] =	vst v63  }
0x3c2: {  	s29 =	sadd.s32 $0x10, s28;
	s30 =	sadd.s32 $0x8F0, s24  }
0x3c3: {  	[tilespmem:s30], [sflag:$0x2] =	stream.linear.gather [hbm4b:s29+s4], $0x8, $0x38;
	[tilespmem:$0xC800] =	vst v63  }
0x3c4: {  	s29 =	sadd.s32 $0x20, s28;
	s30 =	sadd.s32 $0x970, s24  }
0x3c5: {  	[tilespmem:s30], [sflag:$0x2] =	stream.linear.gather [hbm4b:s29+s4], $0x8, $0x38;
	[tilespmem:$0xC800] =	vst v63  }
0x3c6: {  	s26 =	sshll.u32 s26, $0x8;
	s29 =	sadd.s32 $0x30, s28;
	s30 =	sadd.s32 $0x9F0, s24  }
0x3c7: {  	[tilespmem:s30], [sflag:$0x2] =	stream.linear.gather [hbm4b:s29+s4], $0x8, $0x38;
	[tilespmem:$0xC800] =	vst v63  }
0x3c8: {  	s25 =	sor.u32 s25, s26;
	s29 =	sadd.s32 $0x40, s28;
	s30 =	sadd.s32 $0xA70, s24  }
0x3c9: {  	[tilespmem:s30], [sflag:$0x2] =	stream.linear.gather [hbm4b:s29+s4], $0x8, $0x38;
	[tilespmem:$0xC800] =	vst v63  }
0x3ca: {  	s25 =	sshrl.u32 s25, $0x3;
	s28 =	sadd.s32 $0x50, s28;
	s30 =	sadd.s32 $0xAF0, s24  }
0x3cb: {  	[tilespmem:s30], [sflag:$0x2] =	stream.linear.gather [hbm4b:s28+s4], $0x8, $0x38;
	[tilespmem:$0xC800] =	vst v63  }
0x3cc: {  	s25 =	sadd.s32 s2, s25;
	s29 =	sadd.s32 $0xFFFFFF78, s23;
	s28 =	spop (v2sf)  }
0x3cd: {  	[tilespmem:s29], [sflag:$0x2] =	stream.linear.gather [hbm4b:s25+s4], $0x8, $0x38;
	[tilespmem:$0xC800] =	vst v63  }
0x3ce: {  	s30 =	sadd.s32 $0xFFFFFFF8, s23;
	s26 =	sshrl.u32 s28, $0x7;
	s25 =	sadd.s32 $0x10, s25  }
0x3cf: {  	[tilespmem:s30], [sflag:$0x2] =	stream.linear.gather [hbm4b:s25+s4], $0x8, $0x38;
	[tilespmem:$0xC800] =	vst v63  }
0x3d0: {  	s29 =	sshll.u32 s26, $0xA;
	s25 =	sand.u32 $0x78, s28  }
0x3d1: {  	s28 =	sor.u32 s25, s29  }
0x3d2: {  	s28 =	sshrl.u32 s28, $0x3  }
0x3d3: {  	s30 =	sadd.s32 $0x878, s24;
	s28 =	sadd.s32 s1, s28  }
0x3d4: {  	[tilespmem:s30], [sflag:$0x2] =	stream.linear.gather [hbm4b:s28+s4], $0x8, $0x38;
	[tilespmem:$0xC800] =	vst v63  }
0x3d5: {  	s29 =	sadd.s32 $0x10, s28;
	s30 =	sadd.s32 $0x8F8, s24  }
0x3d6: {  	[tilespmem:s30], [sflag:$0x2] =	stream.linear.gather [hbm4b:s29+s4], $0x8, $0x38;
	[tilespmem:$0xC800] =	vst v63  }
0x3d7: {  	s29 =	sadd.s32 $0x20, s28;
	s30 =	sadd.s32 $0x978, s24  }
0x3d8: {  	[tilespmem:s30], [sflag:$0x2] =	stream.linear.gather [hbm4b:s29+s4], $0x8, $0x38;
	[tilespmem:$0xC800] =	vst v63  }
0x3d9: {  	s29 =	sadd.s32 $0x30, s28;
	s30 =	sadd.s32 $0x9F8, s24  }
0x3da: {  	[tilespmem:s30], [sflag:$0x2] =	stream.linear.gather [hbm4b:s29+s4], $0x8, $0x38;
	[tilespmem:$0xC800] =	vst v63  }
0x3db: {  	s29 =	sadd.s32 $0x40, s28;
	s30 =	sadd.s32 $0xA78, s24  }
0x3dc: {  	[tilespmem:s30], [sflag:$0x2] =	stream.linear.gather [hbm4b:s29+s4], $0x8, $0x38;
	[tilespmem:$0xC800] =	vst v63  }
0x3dd: {  	s28 =	sadd.s32 $0x50, s28;
	s24 =	sadd.s32 $0xAF8, s24;
	s29 =	sshll.u32 s26, $0x8  }
0x3de: {  	[tilespmem:s24], [sflag:$0x2] =	stream.linear.gather [hbm4b:s28+s4], $0x8, $0x38;
	[tilespmem:$0xC800] =	vst v63  }
0x3df: {  	p0 =	seq.s32 s19, $0x0;
	s24 =	sor.u32 s25, s29  }
.Ltmp5:
0x3e0: {  	s24 =	sshrl.u32 s24, $0x3;
	(pc) =	sbr.rel @p0 .LBB2_6-.Ltmp5, $4  }
0x3e1: {  	s30 =	sadd.s32 $0xFFFFFF80, s23;
	s24 =	sadd.s32 s2, s24  }
0x3e2: {  	[tilespmem:s30], [sflag:$0x2] =	stream.linear.gather [hbm4b:s24+s4], $0x8, $0x38;
	[tilespmem:$0xC800] =	vst v63  }
0x3e3: {  	s24 =	sadd.s32 $0x10, s24  }
0x3e4: {  	[tilespmem:s23], [sflag:$0x2] =	stream.linear.gather [hbm4b:s24+s4], $0x8, $0x38;
	[tilespmem:$0xC800] =	vst v63  }
0x3e5: {  	_ =	swait.ge [sflag:s11], $0x30  }
0x3e6: {  	[sflag:s11] =	ssyncset.done $0x0  }
0x3e7: {  	[sflag:s11] =	ssyncadd.s32 $0xFFFFFFD0  }
0x3e8: {  	_ =	swait.ge [sflag:s11], $0x10  }
0x3e9: {  	[sflag:s11] =	ssyncset.done $0x0  }
0x3ea: {  	[sflag:s11] =	ssyncadd.s32 $0xFFFFFFF0  }
0x3eb: {  	_ =	swait.ge [sflag:s11], $0x30  }
0x3ec: {  	[sflag:s11] =	ssyncset.done $0x0  }
0x3ed: {  	[sflag:s11] =	ssyncadd.s32 $0xFFFFFFD0  }
0x3ee: {  	_ =	swait.ge [sflag:s11], $0x10  }
0x3ef: {  	[sflag:s11] =	ssyncset.done $0x0  }
0x3f0: {  	[sflag:s11] =	ssyncadd.s32 $0xFFFFFFF0  }
0x3f1: {  	_ =	swait.ge [sflag:s11], $0x30  }
0x3f2: {  	[sflag:s11] =	ssyncset.done $0x0  }
0x3f3: {  	[sflag:s11] =	ssyncadd.s32 $0xFFFFFFD0  }
0x3f4: {  	_ =	swait.ge [sflag:s11], $0x10  }
0x3f5: {  	[sflag:s11] =	ssyncset.done $0x0  }
0x3f6: {  	[sflag:s11] =	ssyncadd.s32 $0xFFFFFFF0  }
0x3f7: {  	_ =	swait.ge [sflag:s11], $0x30  }
0x3f8: {  	[sflag:s11] =	ssyncset.done $0x0  }
0x3f9: {  	[sflag:s11] =	ssyncadd.s32 $0xFFFFFFD0  }
0x3fa: {  	_ =	swait.ge [sflag:s11], $0x10  }
0x3fb: {  	[sflag:s11] =	ssyncset.done $0x0  }
0x3fc: {  	[sflag:s11] =	ssyncadd.s32 $0xFFFFFFF0  }
0x3fd: {  	_ =	swait.ge [sflag:s11], $0x30  }
0x3fe: {  	[sflag:s11] =	ssyncset.done $0x0  }
0x3ff: {  	[sflag:s11] =	ssyncadd.s32 $0xFFFFFFD0  }
0x400: {  	_ =	swait.ge [sflag:s11], $0x10  }
0x401: {  	[sflag:s11] =	ssyncset.done $0x0  }
0x402: {  	[sflag:s11] =	ssyncadd.s32 $0xFFFFFFF0  }
0x403: {  	_ =	swait.ge [sflag:s11], $0x30  }
0x404: {  	[sflag:s11] =	ssyncset.done $0x0  }
0x405: {  	[sflag:s11] =	ssyncadd.s32 $0xFFFFFFD0  }
0x406: {  	_ =	swait.ge [sflag:s11], $0x10  }
0x407: {  	[sflag:s11] =	ssyncset.done $0x0  }
0x408: {  	[sflag:s11] =	ssyncadd.s32 $0xFFFFFFF0  }
0x409: {  	_ =	swait.ge [sflag:s11], $0x30  }
0x40a: {  	[sflag:s11] =	ssyncset.done $0x0  }
0x40b: {  	[sflag:s11] =	ssyncadd.s32 $0xFFFFFFD0  }
0x40c: {  	_ =	swait.ge [sflag:s11], $0x10  }
0x40d: {  	[sflag:s11] =	ssyncset.done $0x0  }
0x40e: {  	[sflag:s11] =	ssyncadd.s32 $0xFFFFFFF0  }
0x40f: {  	_ =	swait.ge [sflag:s11], $0x30  }
0x410: {  	[sflag:s11] =	ssyncset.done $0x0  }
0x411: {  	[sflag:s11] =	ssyncadd.s32 $0xFFFFFFD0  }
0x412: {  	_ =	swait.ge [sflag:s11], $0x10  }
0x413: {  	[sflag:s11] =	ssyncset.done $0x0  }
0x414: {  	[sflag:s11] =	ssyncadd.s32 $0xFFFFFFF0  }
0x415: {  	_ =	swait.ge [sflag:s11], $0x30  }
0x416: {  	[sflag:s11] =	ssyncset.done $0x0  }
0x417: {  	[sflag:s11] =	ssyncadd.s32 $0xFFFFFFD0  }
0x418: {  	_ =	swait.ge [sflag:s11], $0x10  }
0x419: {  	[sflag:s11] =	ssyncset.done $0x0  }
0x41a: {  	[sflag:s11] =	ssyncadd.s32 $0xFFFFFFF0  }
0x41b: {  	_ =	swait.ge [sflag:s11], $0x30  }
0x41c: {  	[sflag:s11] =	ssyncset.done $0x0  }
0x41d: {  	[sflag:s11] =	ssyncadd.s32 $0xFFFFFFD0  }
0x41e: {  	_ =	swait.ge [sflag:s11], $0x10  }
0x41f: {  	[sflag:s11] =	ssyncset.done $0x0  }
0x420: {  	[sflag:s11] =	ssyncadd.s32 $0xFFFFFFF0  }
0x421: {  	_ =	swait.ge [sflag:s11], $0x30  }
0x422: {  	[sflag:s11] =	ssyncset.done $0x0  }
0x423: {  	[sflag:s11] =	ssyncadd.s32 $0xFFFFFFD0  }
0x424: {  	_ =	swait.ge [sflag:s11], $0x10  }
0x425: {  	[sflag:s11] =	ssyncset.done $0x0  }
0x426: {  	[sflag:s11] =	ssyncadd.s32 $0xFFFFFFF0  }
0x427: {  	_ =	swait.ge [sflag:s11], $0x30  }
0x428: {  	[sflag:s11] =	ssyncset.done $0x0  }
0x429: {  	[sflag:s11] =	ssyncadd.s32 $0xFFFFFFD0  }
0x42a: {  	_ =	swait.ge [sflag:s11], $0x10  }
0x42b: {  	[sflag:s11] =	ssyncset.done $0x0  }
0x42c: {  	[sflag:s11] =	ssyncadd.s32 $0xFFFFFFF0  }
0x42d: {  	_ =	swait.ge [sflag:s11], $0x30  }
0x42e: {  	[sflag:s11] =	ssyncset.done $0x0  }
0x42f: {  	[sflag:s11] =	ssyncadd.s32 $0xFFFFFFD0  }
0x430: {  	_ =	swait.ge [sflag:s11], $0x10  }
0x431: {  	[sflag:s11] =	ssyncset.done $0x0  }
0x432: {  	[sflag:s11] =	ssyncadd.s32 $0xFFFFFFF0  }
0x433: {  	_ =	swait.ge [sflag:s11], $0x30  }
0x434: {  	[sflag:s11] =	ssyncset.done $0x0  }
0x435: {  	[sflag:s11] =	ssyncadd.s32 $0xFFFFFFD0  }
0x436: {  	_ =	swait.ge [sflag:s11], $0x10  }
0x437: {  	[sflag:s11] =	ssyncset.done $0x0  }
0x438: {  	[sflag:s11] =	ssyncadd.s32 $0xFFFFFFF0  }
0x439: {  	_ =	swait.ge [sflag:s11], $0x30  }
0x43a: {  	[sflag:s11] =	ssyncset.done $0x0  }
0x43b: {  	[sflag:s11] =	ssyncadd.s32 $0xFFFFFFD0  }
0x43c: {  	_ =	swait.ge [sflag:s11], $0x10  }
0x43d: {  	[sflag:s11] =	ssyncset.done $0x0  }
0x43e: {  	[sflag:s11] =	ssyncadd.s32 $0xFFFFFFF0  }
0x43f: {  	_ =	swait.ge [sflag:s11], $0x30  }
0x440: {  	[sflag:s11] =	ssyncset.done $0x0  }
0x441: {  	[sflag:s11] =	ssyncadd.s32 $0xFFFFFFD0  }
0x442: {  	_ =	swait.ge [sflag:s11], $0x10  }
0x443: {  	[sflag:s11] =	ssyncset.done $0x0  }
0x444: {  	[sflag:s11] =	ssyncadd.s32 $0xFFFFFFF0  }
0x445: {  	v1 =	vld [tilespmem:s20+$0x0];
	_ =	sdelay $0x4  }
0x446: {  	v2 =	vshrl.u32 v1, $0x7  }
0x447: {  	v1 =	vand.u32 $0x7F, v1;
	v3 =	vshll.u32 v2, $0xA  }
0x448: {  	v3 =	vor.u32 v1, v3  }
0x449: {  	v4 =	vor.u32 $0x80, v3;
	_ =	sdelay $0x1  }
0x44a: {  	v5 =	vor.u32 $0x100, v3;
	_ =	sdelay $0x1  }
0x44b: {  	v6 =	vld.idx.msk [tilespmem:v3+s10+$0x0], $0xffff  }
0x44c: {  	v4 =	vld.idx.msk [tilespmem:v4+s10+$0x0], $0xffff;
	_ =	sdelay $0x1  }
0x44d: {  	v5 =	vld.idx.msk [tilespmem:v5+s10+$0x0], $0xffff;
	_ =	sdelay $0x2  }
0x44e: {  	v7 =	vmul.f32 v6, v6;
	v8 =	vmul.f32 v4, v4;
	_ =	sdelay $0x1  }
0x44f: {  	v51 =	vmul.f32 v5, v5;
	v7 =	vadd.f32 v8, v7;
	_ =	sdelay $0x1  }
0x450: {  	v7 =	vadd.f32 v51, v7;
	_ =	sdelay $0x1  }
0x451: {  	v8 =	vshrl.u32 v7, $0x1;
	v7 =	vmul.f32 $5.000000000e-01, v7  }
0x452: {  	v8 =	vsub.s32 $0x5F3759DF, v8  }
0x453: {  	v9 =	vmul.f32 v8, v7;
	_ =	sdelay $0x1  }
0x454: {  	v9 =	vmul.f32 v8, v9;
	_ =	sdelay $0x1  }
0x455: {  	v9 =	vsub.f32 $1.500000000e+00, v9;
	_ =	sdelay $0x1  }
0x456: {  	v8 =	vmul.f32 v8, v9;
	_ =	sdelay $0x1  }
0x457: {  	v9 =	vmul.f32 v8, v7;
	_ =	sdelay $0x1  }
0x458: {  	v9 =	vmul.f32 v9, v8;
	_ =	sdelay $0x1  }
0x459: {  	v9 =	vsub.f32 $1.500000000e+00, v9;
	_ =	sdelay $0x1  }
0x45a: {  	v8 =	vmul.f32 v9, v8  }
0x45b: {  	v10 =	vor.u32 $0x200, v3  }
0x45c: {  	v52 =	vor.u32 $0x180, v3;
	v7 =	vmul.f32 v8, v7;
	_ =	sdelay $0x1  }
0x45d: {  	v3 =	vor.u32 $0x280, v3;
	v7 =	vmul.f32 v7, v8;
	_ =	sdelay $0x1  }
0x45e: {  	v10 =	vld.idx.msk [tilespmem:v10+s10+$0x0], $0xffff;
	v7 =	vsub.f32 $1.500000000e+00, v7  }
0x45f: {  	v9 =	vld.idx.msk [tilespmem:v52+s10+$0x0], $0xffff  }
0x460: {  	v7 =	vmul.f32 v7, v8  }
0x461: {  	v3 =	vld.idx.msk [tilespmem:v3+s10+$0x0], $0xffff  }
0x462: {  	v6 =	vmul.f32 v7, v6;
	v4 =	vmul.f32 v7, v4  }
0x463: {  	v5 =	vmul.f32 v7, v5  }
0x464: {  	v53 =	vmul.f32 v6, v9;
	v54 =	vmul.f32 v4, v10;
	_ =	sdelay $0x1  }
0x465: {  	v55 =	vmul.f32 v5, v3;
	v7 =	vadd.f32 v54, v53;
	_ =	sdelay $0x1  }
0x466: {  	v7 =	vadd.f32 v7, v55;
	_ =	sdelay $0x1  }
0x467: {  	v8 =	vmul.f32 v7, v6;
	v11 =	vmul.f32 v7, v4;
	_ =	sdelay $0x1  }
0x468: {  	v7 =	vmul.f32 v7, v5;
	v8 =	vsub.f32 v9, v8;
	v56 =	vsub.f32 v10, v11;
	_ =	sdelay $0x1  }
0x469: {  	v3 =	vsub.f32 v3, v7;
	v57 =	vmul.f32 v8, v8;
	v10 =	vmul.f32 v56, v56;
	_ =	sdelay $0x1  }
0x46a: {  	v58 =	vmul.f32 v3, v3;
	v7 =	vadd.f32 v10, v57;
	_ =	sdelay $0x1  }
0x46b: {  	v7 =	vadd.f32 v7, v58;
	_ =	sdelay $0x1  }
0x46c: {  	v10 =	vshrl.u32 v7, $0x1;
	v7 =	vmul.f32 $5.000000000e-01, v7  }
0x46d: {  	v10 =	vsub.s32 $0x5F3759DF, v10  }
0x46e: {  	v59 =	vmul.f32 v10, v7;
	_ =	sdelay $0x1  }
0x46f: {  	v11 =	vmul.f32 v10, v59;
	_ =	sdelay $0x1  }
0x470: {  	v11 =	vsub.f32 $1.500000000e+00, v11;
	_ =	sdelay $0x1  }
0x471: {  	v10 =	vmul.f32 v10, v11;
	_ =	sdelay $0x1  }
0x472: {  	v11 =	vmul.f32 v10, v7;
	_ =	sdelay $0x1  }
0x473: {  	v11 =	vmul.f32 v11, v10;
	_ =	sdelay $0x1  }
0x474: {  	v11 =	vsub.f32 $1.500000000e+00, v11;
	_ =	sdelay $0x1  }
0x475: {  	v10 =	vmul.f32 v11, v10;
	_ =	sdelay $0x1  }
0x476: {  	v7 =	vmul.f32 v10, v7;
	_ =	sdelay $0x1  }
0x477: {  	v7 =	vmul.f32 v7, v10;
	_ =	sdelay $0x1  }
0x478: {  	s24 =	sshrl.u32 s21, $0x7;
	v7 =	vsub.f32 $1.500000000e+00, v7  }
0x479: {  	s25 =	sshll.u32 s24, $0xC  }
0x47a: {  	s26 =	sand.u32 $0x70, s21;
	s25 =	sshra.s32 s25, $0x2;
	v7 =	vmul.f32 v7, v10  }
0x47b: {  	s25 =	sor.u32 s26, s25  }
0x47c: {  	[tilespmem:s25+$0xA400] =	vst v6;
	v9 =	vmul.f32 v7, v56;
	v3 =	vmul.f32 v7, v3  }
0x47d: {  	[tilespmem:s25+$0xA480] =	vst v4;
	v7 =	vmul.f32 v7, v8  }
0x47e: {  	v2 =	vshll.u32 v2, $0x8;
	[tilespmem:s25+$0xA500] =	vst v5;
	v60 =	vmul.f32 v3, v4;
	v61 =	vmul.f32 v9, v5  }
0x47f: {  	v1 =	vor.u32 v1, v2;
	v5 =	vmul.f32 v7, v5;
	v63 =	vmul.f32 v3, v6;
	[tilespmem:s25+$0xA580] =	vst v7  }
0x480: {  	v6 =	vmul.f32 v9, v6;
	v4 =	vmul.f32 v7, v4;
	[tilespmem:s25+$0xA600] =	vst v9;
	v62 =	vsub.f32 v60, v61  }
0x481: {  	[tilespmem:s25+$0xA680] =	vst v3;
	v2 =	vsub.f32 v5, v63  }
0x482: {  	v3 =	vsub.f32 v6, v4;
	[tilespmem:s25+$0xA700] =	vst v62  }
0x483: {  	[tilespmem:s25+$0xA780] =	vst v2  }
0x484: {  	[tilespmem:s25+$0xB400] =	vst v3  }
0x485: {  	v2 =	vld.idx.msk [tilespmem:v1+s16+$0x0], $0xffff  }
0x486: {  	v1 =	vor.u32 $0x80, v1  }
0x487: {  	s24 =	sshll.u32 s24, $0xA  }
0x488: {  	s24 =	sshra.s32 s24, $0x2  }
0x489: {  	s24 =	sor.u32 s26, s24  }
0x48a: {  	[tilespmem:s24+$0xC400] =	vst v2  }
0x48b: {  	v1 =	vld.idx.msk [tilespmem:v1+s16+$0x0], $0xffff  }
.Ltmp6:
0x48c: {  	_ = 	snop;
	(pc) =	sbr.rel .LBB2_6-.Ltmp6, $2  }
0x48d: {  	_ =	sdelay $0x2  }
0x48e: {  	[tilespmem:s24+$0xC480] =	vst v1  }
.LBB2_8:
0x48f: {  	_ =	sfence.sel $0x180000  }
0x490: {  	[bflag:$0x0] =	sbarrier.arrive $0xFFFF  }
0x491: {  	_ =	strace $0x90000047  }
0x492: {  	s0 =	stileid.u32;
	[bflag:$0x2] =	sbarrier.arrive $0xFFFF  }
0x493: {  	p0 =	sne.s32 s0, $0x0;
	s0 =	rddreg [dreg:$0x5]  }
0x494: {  	s0 =	sadd.s32 @!p0 $0x100000, s0  }
0x495: {  	[sflag:s0] =	ssyncadd.tile.s32 @!p0 $0x1;
	_ =	shalt  }
.Lfunc_end2:
_tile_overlayer_lowered:
.L_overlay_start_2:
0x496: {  	(tag) =	ssettag $0x2  }
0x497: {  	s0 =	rddreg [dreg:$0x0];
	s2 =	stileid.u32  }
0x498: {  	s1 =	rddreg [dreg:$0x1];
	p0 =	sne.s32 s2, $0x0  }
0x499: {  	s3 =	rddreg [dreg:$0x2];
	[bflag:$0x3] =	sbarrier.arrive $0xFFFF;
	s2 =	simm.s32 @!p0 $0x1C03  }
0x49a: {  	[timem:s3], [sflag:s2] =	dma.local @!p0 [hbm:s0], s1  }
0x49b: {  	s0 =	simm.s32 @!p0 $0x3  }
0x49c: {  	_ =	swait.ge @!p0 [sflag:s0], s1  }
0x49d: {  	s1 =	ssub.s32 @!p0 $0x0, s1;
	[sflag:s0] =	ssyncset.done @!p0 $0x0  }
0x49e: {  	[sflag:s0] =	ssyncadd.s32 @!p0 s1  }
0x49f: {  	[bflag:$0x3] =	sbarrier.arrive $0xFFFF  }
0x4a0: {  	_ =	shalt  }

</sc_bundles>
